<compile_context>
chip_gen: v7x
topology: tpu7x:2x2x1
jax: 0.10.2.dev20260603
libtpu: 0.0.44.dev20260713+nightly
codegen_flags: <defaults>
</compile_context>

<pallas_src>
import functools

import jax
import jax.numpy as jnp
from jax import lax
from jax.experimental import pallas as pl
from jax.experimental.pallas import tpu as pltpu
from jax.experimental.pallas import tpu_sc as plsc

_N = 10000
_E = 320000
_D = 128
_PH = 512
_EPS_BN = 1e-5

_NC = 2
_NS = 16
_CH = 128
_EPT = _E // _NS
_IB = 8
_OB = 20
_CPT = _OB * _IB
_PAD = _CPT * _CH - _EPT
_ACC_N = _N + 8

_NB = 20
_RB = (2 * _N) // _NB
_NBV = _NB // 2

_SPLIT = 632


def _per_tile_copy(s, total_rows, copy_fn):
    start = s * _SPLIT

    @pl.when(s < _NS - 1)
    def _main():
        copy_fn(start, _SPLIT)

    @pl.when(s == _NS - 1)
    def _tail():
        copy_fn(start, total_rows - (_NS - 1) * _SPLIT)

_sc_mesh = plsc.VectorSubcoreMesh(core_axis_name="c", subcore_axis_name="s")



def _hist_body(dst_hbm, ones_hbm, out_hbm, acc, ones_v, dst_v):
    c = lax.axis_index("c")
    s = lax.axis_index("s")

    def init(start, n):
        pltpu.sync_copy(ones_hbm.at[pl.ds(0, n)], acc.at[pl.ds(start, n)])

    _per_tile_copy(s, _ACC_N, init)
    pltpu.sync_copy(ones_hbm.at[pl.ds(0, _CH)], ones_v)
    plsc.subcore_barrier()

    def outer(o, carry):
        pltpu.sync_copy(dst_hbm.at[c, s, pl.ds(o * _IB, _IB)], dst_v)

        def inner(k, cc):
            pltpu.sync_copy(ones_v, acc.at[dst_v.at[k]], add=True)
            return cc

        return lax.fori_loop(0, _IB, inner, carry)

    lax.fori_loop(0, _OB, outer, 0)
    plsc.subcore_barrier()

    def writeback(start, n):
        pltpu.sync_copy(acc.at[pl.ds(start, n)],
                        out_hbm.at[c].at[pl.ds(start, n)])

    _per_tile_copy(s, _N, writeback)


def _degree_hist(dsts, ones):
    return pl.kernel(
        _hist_body,
        out_type=jax.ShapeDtypeStruct((_NC, _N, 8), jnp.float32),
        mesh=_sc_mesh,
        scratch_types=[
            pltpu.VMEM_SHARED((_ACC_N, 8), jnp.float32),
            pltpu.VMEM((_CH, 8), jnp.float32),
            pltpu.VMEM((_IB, _CH), jnp.int32),
        ],
    )(dsts, ones)


_NBUF = 2


def _agg_body(hp_hbm, src_hbm, dst_hbm, zeros_hbm, out_hbm,
              acc, src_v, dst_v, rows_v, gsem, ssem, isem):
    c = lax.axis_index("c")
    s = lax.axis_index("s")

    def init(start, n):
        pltpu.sync_copy(zeros_hbm.at[pl.ds(0, n)], acc.at[pl.ds(start, n)])

    _per_tile_copy(s, _ACC_N, init)
    pltpu.sync_copy(src_hbm.at[c, s, pl.ds(0, _IB)], src_v.at[0])
    pltpu.sync_copy(dst_hbm.at[c, s, pl.ds(0, _IB)], dst_v.at[0])
    plsc.subcore_barrier()

    for b in range(_NBUF):
        pltpu.async_copy(hp_hbm.at[src_v.at[0, b]], rows_v.at[b], gsem.at[b])

    def gwait(rb):
        pltpu.make_async_copy(hp_hbm.at[pl.ds(0, _CH)], rows_v.at[rb],
                              gsem.at[rb]).wait()

    def outer(oo, carry):
        for ib in range(2):
            o = 2 * oo + ib
            nslot = 1 - ib
            has_next = (oo < (_OB // 2) - 1) if ib else True

            def prefetch():
                pltpu.async_copy(
                    src_hbm.at[c, s, pl.ds((o + 1) * _IB, _IB)],
                    src_v.at[nslot], isem.at[0])
                pltpu.async_copy(
                    dst_hbm.at[c, s, pl.ds((o + 1) * _IB, _IB)],
                    dst_v.at[nslot], isem.at[1])

            def iwait():
                pltpu.make_async_copy(
                    src_hbm.at[c, s, pl.ds(0, _IB)], src_v.at[nslot],
                    isem.at[0]).wait()
                pltpu.make_async_copy(
                    dst_hbm.at[c, s, pl.ds(0, _IB)], dst_v.at[nslot],
                    isem.at[1]).wait()

            if ib == 0:
                prefetch()
            else:
                pl.when(has_next)(prefetch)

            for k in range(_IB):
                rb = k % _NBUF
                gwait(rb)
                pltpu.async_copy(rows_v.at[rb], acc.at[dst_v.at[ib, k]],
                                 ssem.at[rb], add=True).wait()

                kn = k + _NBUF
                if kn < _IB:
                    pltpu.async_copy(hp_hbm.at[src_v.at[ib, kn]],
                                     rows_v.at[rb], gsem.at[rb])
                else:
                    if kn == _IB:
                        if ib == 0:
                            iwait()
                        else:
                            pl.when(has_next)(iwait)

                    def gnext(kk=kn - _IB, rr=rb):
                        pltpu.async_copy(hp_hbm.at[src_v.at[nslot, kk]],
                                         rows_v.at[rr], gsem.at[rr])

                    if ib == 0:
                        gnext()
                    else:
                        pl.when(has_next)(gnext)
        return carry

    lax.fori_loop(0, _OB // 2, outer, 0)
    plsc.subcore_barrier()

    def writeback(start, n):
        pltpu.sync_copy(acc.at[pl.ds(start, n)],
                        out_hbm.at[pl.ds(c * _N + start, n)])

    _per_tile_copy(s, _N, writeback)


def _aggregate(hp, srcs, dsts, zeros):
    return pl.kernel(
        _agg_body,
        out_type=jax.ShapeDtypeStruct((2 * _N, _D), jnp.float32),
        mesh=_sc_mesh,
        scratch_types=[
            pltpu.VMEM_SHARED((_ACC_N, _D), jnp.float32),
            pltpu.VMEM((2, _IB, _CH), jnp.int32),
            pltpu.VMEM((2, _IB, _CH), jnp.int32),
            pltpu.VMEM((_NBUF, _CH, _D), jnp.float32),
            pltpu.SemaphoreType.DMA((_NBUF,)),
            pltpu.SemaphoreType.DMA((_NBUF,)),
            pltpu.SemaphoreType.DMA((2,)),
        ],
    )(hp, srcs, dsts, zeros)



def _mm_scale_body(deg_ref, x_ref, w_ref, h_ref, hp_ref):
    dinv = lax.rsqrt(deg_ref[:, 0:1])
    h = jnp.dot(x_ref[...], w_ref[...], preferred_element_type=jnp.float32)
    h_ref[...] = h
    hp_ref[...] = h * dinv


def _mm_scale(deg, x, w):
    return pl.pallas_call(
        _mm_scale_body,
        grid=(_NB,),
        in_specs=[
            pl.BlockSpec((_RB, 8), lambda j: (j, 0)),
            pl.BlockSpec((_RB, _D), lambda j: (j, 0)),
            pl.BlockSpec((_D, _D), lambda j: (0, 0)),
        ],
        out_specs=[
            pl.BlockSpec((_RB, _D), lambda j: (j, 0)),
            pl.BlockSpec((_RB, _D), lambda j: (j, 0)),
        ],
        out_shape=[
            jax.ShapeDtypeStruct((2 * _N, _D), jnp.float32),
            jax.ShapeDtypeStruct((2 * _N, _D), jnp.float32),
        ],
    )(deg, x, w)


def _layer_mm_body(deg_ref, agg_ref, h_ref, b_ref, a_ref, w_ref,
                   h2_ref, hp2_ref):
    dinv = lax.rsqrt(deg_ref[:, 0:1])
    a = a_ref[0, 0]
    t = dinv * agg_ref[...] + (dinv * dinv) * h_ref[...] + b_ref[...]
    xn = jnp.where(t >= 0, t, a * t)
    h2 = jnp.dot(xn, w_ref[...], preferred_element_type=jnp.float32)
    h2_ref[...] = h2
    hp2_ref[...] = h2 * dinv


def _layer_mm(deg, agg, h, b, a, w):
    return pl.pallas_call(
        _layer_mm_body,
        grid=(_NB,),
        in_specs=[
            pl.BlockSpec((_RB, 8), lambda j: (j, 0)),
            pl.BlockSpec((_RB, _D), lambda j: (j, 0)),
            pl.BlockSpec((_RB, _D), lambda j: (j, 0)),
            pl.BlockSpec((1, _D), lambda j: (0, 0)),
            pl.BlockSpec((1, 1), lambda j: (0, 0)),
            pl.BlockSpec((_D, _D), lambda j: (0, 0)),
        ],
        out_specs=[
            pl.BlockSpec((_RB, _D), lambda j: (j, 0)),
            pl.BlockSpec((_RB, _D), lambda j: (j, 0)),
        ],
        out_shape=[
            jax.ShapeDtypeStruct((2 * _N, _D), jnp.float32),
            jax.ShapeDtypeStruct((2 * _N, _D), jnp.float32),
        ],
    )(deg, agg, h, b, a, w)


def _final_layer_body(deg_ref, agg_ref, h_ref, b_ref, a_ref,
                      vs_ref, s1_ref, s2_ref):
    dinv = lax.rsqrt(deg_ref[:, 0:1])
    a = a_ref[0, 0]
    t = dinv * agg_ref[...] + (dinv * dinv) * h_ref[...] + b_ref[...]
    v = jnp.where(t >= 0, t, a * t)
    vs_ref[...] = v
    cs = jnp.broadcast_to(jnp.sum(v, axis=0, keepdims=True), (8, _D))
    cq = jnp.broadcast_to(jnp.sum(v * v, axis=0, keepdims=True), (8, _D))
    j = pl.program_id(0)

    @pl.when(j % _NBV == 0)
    def _init():
        s1_ref[...] = cs
        s2_ref[...] = cq

    @pl.when(j % _NBV != 0)
    def _accum():
        s1_ref[...] = s1_ref[...] + cs
        s2_ref[...] = s2_ref[...] + cq


def _final_layer(deg, agg, h, b, a):
    return pl.pallas_call(
        _final_layer_body,
        grid=(_NB,),
        in_specs=[
            pl.BlockSpec((_RB, 8), lambda j: (j, 0)),
            pl.BlockSpec((_RB, _D), lambda j: (j, 0)),
            pl.BlockSpec((_RB, _D), lambda j: (j, 0)),
            pl.BlockSpec((1, _D), lambda j: (0, 0)),
            pl.BlockSpec((1, 1), lambda j: (0, 0)),
        ],
        out_specs=[
            pl.BlockSpec((_RB, _D), lambda j: (j, 0)),
            pl.BlockSpec((8, _D), lambda j: (j // _NBV, 0)),
            pl.BlockSpec((8, _D), lambda j: (j // _NBV, 0)),
        ],
        out_shape=[
            jax.ShapeDtypeStruct((2 * _N, _D), jnp.float32),
            jax.ShapeDtypeStruct((16, _D), jnp.float32),
            jax.ShapeDtypeStruct((16, _D), jnp.float32),
        ],
    )(deg, agg, h, b, a)


def _pred1_body(vs_ref, s1_ref, s2_ref, g_ref, bb_ref, w_ref, lb_ref, a_ref,
                z_ref, t1_ref, t2_ref):
    inv_n = 1.0 / _N
    mu = s1_ref[0:1, :] * inv_n
    var = s2_ref[0:1, :] * inv_n - mu * mu
    xn = (vs_ref[...] - mu) * lax.rsqrt(var + _EPS_BN) * g_ref[...] + bb_ref[...]
    z0 = jnp.dot(xn, w_ref[...], preferred_element_type=jnp.float32) + lb_ref[...]
    a = a_ref[0, 0]
    z = jnp.where(z0 >= 0, z0, a * z0)
    z_ref[...] = z
    cs = jnp.broadcast_to(jnp.sum(z, axis=0, keepdims=True), (8, _PH))
    cq = jnp.broadcast_to(jnp.sum(z * z, axis=0, keepdims=True), (8, _PH))
    j = pl.program_id(0)

    @pl.when(j % _NBV == 0)
    def _init():
        t1_ref[...] = cs
        t2_ref[...] = cq

    @pl.when(j % _NBV != 0)
    def _accum():
        t1_ref[...] = t1_ref[...] + cs
        t2_ref[...] = t2_ref[...] + cq


def _pred1(vs, s1, s2, g, bb, w, lb, a):
    return pl.pallas_call(
        _pred1_body,
        grid=(_NB,),
        in_specs=[
            pl.BlockSpec((_RB, _D), lambda j: (j, 0)),
            pl.BlockSpec((8, _D), lambda j: (j // _NBV, 0)),
            pl.BlockSpec((8, _D), lambda j: (j // _NBV, 0)),
            pl.BlockSpec((1, _D), lambda j: (0, 0)),
            pl.BlockSpec((1, _D), lambda j: (0, 0)),
            pl.BlockSpec((_D, _PH), lambda j: (0, 0)),
            pl.BlockSpec((1, _PH), lambda j: (0, 0)),
            pl.BlockSpec((1, 1), lambda j: (0, 0)),
        ],
        out_specs=[
            pl.BlockSpec((_RB, _PH), lambda j: (j, 0)),
            pl.BlockSpec((8, _PH), lambda j: (j // _NBV, 0)),
            pl.BlockSpec((8, _PH), lambda j: (j // _NBV, 0)),
        ],
        out_shape=[
            jax.ShapeDtypeStruct((2 * _N, _PH), jnp.float32),
            jax.ShapeDtypeStruct((16, _PH), jnp.float32),
            jax.ShapeDtypeStruct((16, _PH), jnp.float32),
        ],
    )(vs, s1, s2, g, bb, w, lb, a)


def _loss_body(z1_ref, z2_ref, t1_ref, t2_ref, g_ref, bb_ref, w_ref, lb_ref,
               vs1_ref, vs2_ref, loss_ref):
    inv_n = 1.0 / _N

    def bn(z, k):
        mu = t1_ref[8 * k:8 * k + 1, :] * inv_n
        var = t2_ref[8 * k:8 * k + 1, :] * inv_n - mu * mu
        return (z - mu) * lax.rsqrt(var + _EPS_BN) * g_ref[...] + bb_ref[...]

    p1 = jnp.dot(bn(z1_ref[...], 0), w_ref[...],
                 preferred_element_type=jnp.float32) + lb_ref[...]
    p2 = jnp.dot(bn(z2_ref[...], 1), w_ref[...],
                 preferred_element_type=jnp.float32) + lb_ref[...]

    def nrm(x):
        n = jnp.sqrt(jnp.sum(x * x, axis=1, keepdims=True))
        return x / jnp.maximum(n, 1e-12)

    c1 = jnp.sum(nrm(p1) * nrm(vs2_ref[...]), axis=1)
    c2 = jnp.sum(nrm(p2) * nrm(vs1_ref[...]), axis=1)
    part = jnp.reshape(jnp.sum(4.0 - 2.0 * c1 - 2.0 * c2) * inv_n, (1, 1))
    j = pl.program_id(0)

    @pl.when(j == 0)
    def _init():
        loss_ref[...] = part

    @pl.when(j != 0)
    def _accum():
        loss_ref[...] = loss_ref[...] + part


def _loss(z, t1, t2, g, bb, w, lb, vs):
    return pl.pallas_call(
        _loss_body,
        grid=(_NBV,),
        in_specs=[
            pl.BlockSpec((_RB, _PH), lambda j: (j, 0)),
            pl.BlockSpec((_RB, _PH), lambda j: (j + _NBV, 0)),
            pl.BlockSpec((16, _PH), lambda j: (0, 0)),
            pl.BlockSpec((16, _PH), lambda j: (0, 0)),
            pl.BlockSpec((1, _PH), lambda j: (0, 0)),
            pl.BlockSpec((1, _PH), lambda j: (0, 0)),
            pl.BlockSpec((_PH, _D), lambda j: (0, 0)),
            pl.BlockSpec((1, _D), lambda j: (0, 0)),
            pl.BlockSpec((_RB, _D), lambda j: (j, 0)),
            pl.BlockSpec((_RB, _D), lambda j: (j + _NBV, 0)),
        ],
        out_specs=pl.BlockSpec((1, 1), lambda j: (0, 0)),
        out_shape=jax.ShapeDtypeStruct((1, 1), jnp.float32),
    )(z, z, t1, t2, g, bb, w, lb, vs, vs)



def kernel(x1, x2, edge_index_v1, edge_index_v2, W1, b1, W2, b2, prelu_a,
           bn1_g, bn1_b, lin1_W, lin1_b, prelu2_a, bn2_g, bn2_b, lin2_W,
           lin2_b):
    f32 = jnp.float32

    def prep_idx(col, fill):
        a = col.astype(jnp.int32).reshape(_NS, _EPT)
        pad = jnp.full((_NS, _PAD), fill, jnp.int32)
        return jnp.concatenate([a, pad], axis=1).reshape(_NS, _CPT, _CH)

    src = jnp.stack([
        prep_idx(edge_index_v1[0], 0),
        prep_idx(edge_index_v2[0].astype(jnp.int32) + _N, 0),
    ])
    dst = jnp.stack([
        prep_idx(edge_index_v1[1], _N),
        prep_idx(edge_index_v2[1], _N),
    ])
    ones8 = jnp.ones((_SPLIT, 8), f32)
    zeros = jnp.zeros((_SPLIT, _D), f32)
    xcat = jnp.concatenate([x1, x2], axis=0)

    a1 = jnp.reshape(prelu_a.astype(f32), (1, 1))
    a2 = jnp.reshape(prelu2_a.astype(f32), (1, 1))
    b1r = jnp.reshape(b1, (1, _D))
    b2r = jnp.reshape(b2, (1, _D))
    g1r = jnp.reshape(bn1_g, (1, _D))
    bb1r = jnp.reshape(bn1_b, (1, _D))
    lb1r = jnp.reshape(lin1_b, (1, _PH))
    g2r = jnp.reshape(bn2_g, (1, _PH))
    bb2r = jnp.reshape(bn2_b, (1, _PH))
    lb2r = jnp.reshape(lin2_b, (1, _D))

    deg = _degree_hist(dst, ones8).reshape(2 * _N, 8)

    h1, hp1 = _mm_scale(deg, xcat, W1)
    agg1 = _aggregate(hp1, src, dst, zeros)
    h2, hp2 = _layer_mm(deg, agg1, h1, b1r, a1, W2)
    agg2 = _aggregate(hp2, src, dst, zeros)
    vs, s1, s2 = _final_layer(deg, agg2, h2, b2r, a1)

    z, t1, t2 = _pred1(vs, s1, s2, g1r, bb1r, lin1_W, lb1r, a2)
    lossm = _loss(z, t1, t2, g2r, bb2r, lin2_W, lb2r, vs)

    return vs[:_N], vs[_N:], lossm[0, 0]

# --- scband reference (transcript-rebuilt; emitter-appended) ---
"""Pipeline reference for scband-bgrl-39676907888549 (READ-ONLY COPY).

The authoritative reference and input builder live on the scoring server;
editing this copy changes nothing except your own understanding.
"""

import jax, jax.numpy as jnp
import numpy as np

N = 10000
E = 320000
D = 128
PH = 512
EPS_BN = 1e-5


def _prelu(x, a):
    return jnp.where(x >= 0, x, a * x)


def _gcn(x, src, dst, W, b):
    loop = jnp.arange(N, dtype=src.dtype)
    s = jnp.concatenate([src, loop])
    d = jnp.concatenate([dst, loop])
    w = jnp.ones(s.shape[0], dtype=x.dtype)
    deg = jax.ops.segment_sum(w, d, num_segments=N)
    dinv = jnp.where(deg > 0, 1.0 / jnp.sqrt(deg), 0.0)
    norm = dinv[s] * dinv[d]
    h = x @ W
    msg = h[s] * norm[:, None]
    return jax.ops.segment_sum(msg, d, num_segments=N) + b


def _encoder(x, ei, W1, b1, W2, b2, a):
    x = _prelu(_gcn(x, ei[0], ei[1], W1, b1), a)
    x = _prelu(_gcn(x, ei[0], ei[1], W2, b2), a)
    return x


def _bn(x, g, b):
    mu = jnp.mean(x, axis=0)
    var = jnp.mean((x - mu) ** 2, axis=0)
    return (x - mu) / jnp.sqrt(var + EPS_BN) * g + b


def _predictor(x, bn1_g, bn1_b, lin1_W, lin1_b, a2, bn2_g, bn2_b, lin2_W, lin2_b):
    x = _bn(x, bn1_g, bn1_b)
    x = x @ lin1_W + lin1_b
    x = _prelu(x, a2)
    x = _bn(x, bn2_g, bn2_b)
    return x @ lin2_W + lin2_b


def _normalize(x):
    n = jnp.sqrt(jnp.sum(x * x, axis=-1, keepdims=True))
    return x / jnp.maximum(n, 1e-12)


def _loss_fn(x, y):
    return 2 - 2 * jnp.sum(_normalize(x) * _normalize(y), axis=-1)


def setup_inputs(seed: int = 0) -> dict:
    key = jax.random.key(seed)
    ks = jax.random.split(key, 16)
    inp = {}
    inp["x1"] = jax.random.normal(ks[0], (N, D), jnp.float32)
    inp["x2"] = jax.random.normal(ks[1], (N, D), jnp.float32)
    inp["edge_index_v1"] = jax.random.randint(ks[2], (2, E), 0, N)
    inp["edge_index_v2"] = jax.random.randint(ks[3], (2, E), 0, N)
    sd = 1.0 / np.sqrt(D)
    inp["W1"] = jax.random.uniform(ks[4], (D, D), jnp.float32, -sd, sd)
    inp["b1"] = jnp.zeros((D,), jnp.float32)
    inp["W2"] = jax.random.uniform(ks[5], (D, D), jnp.float32, -sd, sd)
    inp["b2"] = jnp.zeros((D,), jnp.float32)
    inp["prelu_a"] = jnp.asarray(0.25, jnp.float32)
    inp["bn1_g"] = jnp.ones((D,), jnp.float32)
    inp["bn1_b"] = jnp.zeros((D,), jnp.float32)
    inp["lin1_W"] = jax.random.uniform(ks[6], (D, PH), jnp.float32, -sd, sd)
    inp["lin1_b"] = jnp.zeros((PH,), jnp.float32)
    inp["prelu2_a"] = jnp.asarray(0.25, jnp.float32)
    inp["bn2_g"] = jnp.ones((PH,), jnp.float32)
    inp["bn2_b"] = jnp.zeros((PH,), jnp.float32)
    sd2 = 1.0 / np.sqrt(PH)
    inp["lin2_W"] = jax.random.uniform(ks[7], (PH, D), jnp.float32, -sd2, sd2)
    inp["lin2_b"] = jnp.zeros((D,), jnp.float32)
    return inp


def reference(x1, x2, edge_index_v1, edge_index_v2, W1, b1, W2, b2, prelu_a, bn1_g, bn1_b, lin1_W, lin1_b, prelu2_a, bn2_g, bn2_b, lin2_W, lin2_b):
    v1s = _encoder(x1, edge_index_v1, W1, b1, W2, b2, prelu_a)
    v2s = _encoder(x2, edge_index_v2, W1, b1, W2, b2, prelu_a)
    v1p = _predictor(v1s, bn1_g, bn1_b, lin1_W, lin1_b, prelu2_a, bn2_g, bn2_b, lin2_W, lin2_b)
    v2p = _predictor(v2s, bn1_g, bn1_b, lin1_W, lin1_b, prelu2_a, bn2_g, bn2_b, lin2_W, lin2_b)
    # teacher is a deepcopy of the student at first call -> identical weights, no grad
    v1t = jax.lax.stop_gradient(_encoder(x1, edge_index_v1, W1, b1, W2, b2, prelu_a))
    v2t = jax.lax.stop_gradient(_encoder(x2, edge_index_v2, W1, b1, W2, b2, prelu_a))
    loss = (_loss_fn(v1p, v2t) + _loss_fn(v2p, v1t)).mean()
    return (v1s, v2s, loss)

if __name__ == "__main__":
    import jax
    _d = setup_inputs()
    print(jax.jit(kernel)(*tuple(_d.values())))

</pallas_src>

<mosaic_0001>
#map = affine_map<(d0, d1) -> (0, 0)>
#map1 = affine_map<(d0, d1) -> (0, 0, 0, 0)>
module attributes {stable_mosaic.version = 14 : i64} {
  func.func @_agg_body(%arg0: i32, %arg1: i32, %arg2: memref<20000x128xf32, #tpu.memory_space<hbm>>, %arg3: memref<2x16x160x128xi32, #tpu.memory_space<hbm>>, %arg4: memref<2x16x160x128xi32, #tpu.memory_space<hbm>>, %arg5: memref<632x128xf32, #tpu.memory_space<hbm>>, %arg6: memref<20000x128xf32, #tpu.memory_space<hbm>>, %arg7: memref<10008x128xf32, #tpu.memory_space<vmem_shared>>, %arg8: memref<2x8x128xi32, #tpu.memory_space<vmem>>, %arg9: memref<2x8x128xi32, #tpu.memory_space<vmem>>, %arg10: memref<2x128x128xf32, #tpu.memory_space<vmem>>, %arg11: memref<2x!tpu.dma_semaphore, #tpu.memory_space<semaphore_mem>>, %arg12: memref<2x!tpu.dma_semaphore, #tpu.memory_space<semaphore_mem>>, %arg13: memref<2x!tpu.dma_semaphore, #tpu.memory_space<semaphore_mem>>) attributes {dimension_semantics = [#tpu.dimension_semantics<core_parallel>, #tpu.dimension_semantics<subcore_parallel>], iteration_bounds = array<i64: 2, 16>, scalar_prefetch = 0 : i64, scratch_operands = 7 : i64, tpu.core_type = #tpu.core_type<sc_vector_subcore>, window_params = [{transform_indices = #map}, {transform_indices = #map1}, {transform_indices = #map1}, {transform_indices = #map}, {transform_indices = #map}]} {
    %mul3A = arith.constant 632 : i32
    %mul3A_0 = arith.muli %arg1, %mul3A : i32
    %lt3A = arith.constant 15 : i32
    %lt3A_1 = arith.cmpi slt, %arg1, %lt3A : i32
    %convert_element_type3A = arith.extui %lt3A_1 : i1 to i32
    %cond3A = arith.constant 0 : i32
    %cond3A_2 = arith.cmpi ne, %convert_element_type3A, %cond3A : i32
    scf.if %cond3A_2 {
      "tpu.region"() ({
        %run_scoped3A_57 = tpu.sem_alloc : memref<!tpu.dma_semaphore, #tpu.memory_space<semaphore_mem>>
        %dma_start3A_58 = arith.constant 0 : i32
        %dma_start3A_59 = tpu.memref_slice %arg7[%mul3A_0, %dma_start3A_58] : memref<10008x128xf32, #tpu.memory_space<vmem_shared>> -> memref<632x128xf32, #tpu.memory_space<vmem_shared>>
        %dma_start3A_60 = arith.constant 0 : i32
        %dma_start3A_61 = arith.constant 0 : i32
        %dma_start3A_62 = tpu.memref_slice %arg5[%dma_start3A_60, %dma_start3A_61] : memref<632x128xf32, #tpu.memory_space<hbm>> -> memref<632x128xf32, #tpu.memory_space<hbm>>
        tpu.enqueue_dma source(%dma_start3A_62 : memref<632x128xf32, #tpu.memory_space<hbm>>) target(%dma_start3A_59 : memref<632x128xf32, #tpu.memory_space<vmem_shared>>) target_semaphore(%run_scoped3A_57 : memref<!tpu.dma_semaphore, #tpu.memory_space<semaphore_mem>>)
        %dma_wait3A = arith.constant 0 : i32
        %dma_wait3A_63 = tpu.memref_slice %arg7[%mul3A_0, %dma_wait3A] : memref<10008x128xf32, #tpu.memory_space<vmem_shared>> -> memref<632x128xf32, #tpu.memory_space<vmem_shared>>
        %dma_wait3A_64 = arith.constant 0 : i32
        %dma_wait3A_65 = arith.constant 0 : i32
        %dma_wait3A_66 = tpu.memref_slice %arg5[%dma_wait3A_64, %dma_wait3A_65] : memref<632x128xf32, #tpu.memory_space<hbm>> -> memref<632x128xf32, #tpu.memory_space<hbm>>
        tpu.wait_dma2 semaphore(%run_scoped3A_57 : memref<!tpu.dma_semaphore, #tpu.memory_space<semaphore_mem>>) src(%dma_wait3A_66 : memref<632x128xf32, #tpu.memory_space<hbm>>) dst(%dma_wait3A_63 : memref<632x128xf32, #tpu.memory_space<vmem_shared>>)
        tpu.yield
      }) : () -> ()
    } else {
    }
    %eq3A = arith.constant 15 : i32
    %eq3A_3 = arith.cmpi eq, %arg1, %eq3A : i32
    %convert_element_type3A_4 = arith.extui %eq3A_3 : i1 to i32
    %cond3A_5 = arith.constant 0 : i32
    %cond3A_6 = arith.cmpi ne, %convert_element_type3A_4, %cond3A_5 : i32
    scf.if %cond3A_6 {
      "tpu.region"() ({
        %run_scoped3A_57 = tpu.sem_alloc : memref<!tpu.dma_semaphore, #tpu.memory_space<semaphore_mem>>
        %dma_start3A_58 = arith.constant 0 : i32
        %dma_start3A_59 = tpu.memref_slice %arg7[%mul3A_0, %dma_start3A_58] : memref<10008x128xf32, #tpu.memory_space<vmem_shared>> -> memref<528x128xf32, #tpu.memory_space<vmem_shared>>
        %dma_start3A_60 = arith.constant 0 : i32
        %dma_start3A_61 = arith.constant 0 : i32
        %dma_start3A_62 = tpu.memref_slice %arg5[%dma_start3A_60, %dma_start3A_61] : memref<632x128xf32, #tpu.memory_space<hbm>> -> memref<528x128xf32, #tpu.memory_space<hbm>>
        tpu.enqueue_dma source(%dma_start3A_62 : memref<528x128xf32, #tpu.memory_space<hbm>>) target(%dma_start3A_59 : memref<528x128xf32, #tpu.memory_space<vmem_shared>>) target_semaphore(%run_scoped3A_57 : memref<!tpu.dma_semaphore, #tpu.memory_space<semaphore_mem>>)
        %dma_wait3A = arith.constant 0 : i32
        %dma_wait3A_63 = tpu.memref_slice %arg7[%mul3A_0, %dma_wait3A] : memref<10008x128xf32, #tpu.memory_space<vmem_shared>> -> memref<528x128xf32, #tpu.memory_space<vmem_shared>>
        %dma_wait3A_64 = arith.constant 0 : i32
        %dma_wait3A_65 = arith.constant 0 : i32
        %dma_wait3A_66 = tpu.memref_slice %arg5[%dma_wait3A_64, %dma_wait3A_65] : memref<632x128xf32, #tpu.memory_space<hbm>> -> memref<528x128xf32, #tpu.memory_space<hbm>>
        tpu.wait_dma2 semaphore(%run_scoped3A_57 : memref<!tpu.dma_semaphore, #tpu.memory_space<semaphore_mem>>) src(%dma_wait3A_66 : memref<528x128xf32, #tpu.memory_space<hbm>>) dst(%dma_wait3A_63 : memref<528x128xf32, #tpu.memory_space<vmem_shared>>)
        tpu.yield
      }) : () -> ()
    } else {
    }
    %run_scoped3A = arith.constant 0 : i32
    "tpu.region"() ({
      %run_scoped3A_57 = tpu.sem_alloc : memref<!tpu.dma_semaphore, #tpu.memory_space<semaphore_mem>>
      %dma_start3A_58 = arith.constant 0 : i32
      %dma_start3A_59 = arith.constant 0 : i32
      %dma_start3A_60 = tpu.memref_slice %arg8[%run_scoped3A, %dma_start3A_58, %dma_start3A_59] : memref<2x8x128xi32, #tpu.memory_space<vmem>> -> memref<1x8x128xi32, #tpu.memory_space<vmem>>
      %dma_start3A_61 = tpu.memref_squeeze %dma_start3A_60 : memref<1x8x128xi32, #tpu.memory_space<vmem>> -> memref<8x128xi32, #tpu.memory_space<vmem>>
      %dma_start3A_62 = arith.constant 0 : i32
      %dma_start3A_63 = arith.constant 0 : i32
      %dma_start3A_64 = tpu.memref_slice %arg3[%arg0, %arg1, %dma_start3A_62, %dma_start3A_63] : memref<2x16x160x128xi32, #tpu.memory_space<hbm>> -> memref<1x1x8x128xi32, #tpu.memory_space<hbm>>
      %dma_start3A_65 = tpu.memref_squeeze %dma_start3A_64 : memref<1x1x8x128xi32, #tpu.memory_space<hbm>> -> memref<8x128xi32, #tpu.memory_space<hbm>>
      %dma_start3A_66 = arith.constant 0 : i32
      %dma_start3A_67 = arith.constant 0 : i32
      %dma_start3A_68 = tpu.memref_slice %arg8[%run_scoped3A, %dma_start3A_66, %dma_start3A_67] : memref<2x8x128xi32, #tpu.memory_space<vmem>> -> memref<1x8x128xi32, #tpu.memory_space<vmem>>
      %dma_start3A_69 = tpu.memref_squeeze %dma_start3A_68 : memref<1x8x128xi32, #tpu.memory_space<vmem>> -> memref<8x128xi32, #tpu.memory_space<vmem>>
      %dma_start3A_70 = arith.constant 0 : i32
      %dma_start3A_71 = arith.constant 0 : i32
      %dma_start3A_72 = tpu.memref_slice %arg3[%arg0, %arg1, %dma_start3A_70, %dma_start3A_71] : memref<2x16x160x128xi32, #tpu.memory_space<hbm>> -> memref<1x1x8x128xi32, #tpu.memory_space<hbm>>
      %dma_start3A_73 = tpu.memref_squeeze %dma_start3A_72 : memref<1x1x8x128xi32, #tpu.memory_space<hbm>> -> memref<8x128xi32, #tpu.memory_space<hbm>>
      tpu.enqueue_dma source(%dma_start3A_73 : memref<8x128xi32, #tpu.memory_space<hbm>>) target(%dma_start3A_69 : memref<8x128xi32, #tpu.memory_space<vmem>>) target_semaphore(%run_scoped3A_57 : memref<!tpu.dma_semaphore, #tpu.memory_space<semaphore_mem>>)
      %dma_wait3A = arith.constant 0 : i32
      %dma_wait3A_74 = arith.constant 0 : i32
      %dma_wait3A_75 = tpu.memref_slice %arg8[%run_scoped3A, %dma_wait3A, %dma_wait3A_74] : memref<2x8x128xi32, #tpu.memory_space<vmem>> -> memref<1x8x128xi32, #tpu.memory_space<vmem>>
      %dma_wait3A_76 = tpu.memref_squeeze %dma_wait3A_75 : memref<1x8x128xi32, #tpu.memory_space<vmem>> -> memref<8x128xi32, #tpu.memory_space<vmem>>
      %dma_wait3A_77 = arith.constant 0 : i32
      %dma_wait3A_78 = arith.constant 0 : i32
      %dma_wait3A_79 = tpu.memref_slice %arg3[%arg0, %arg1, %dma_wait3A_77, %dma_wait3A_78] : memref<2x16x160x128xi32, #tpu.memory_space<hbm>> -> memref<1x1x8x128xi32, #tpu.memory_space<hbm>>
      %dma_wait3A_80 = tpu.memref_squeeze %dma_wait3A_79 : memref<1x1x8x128xi32, #tpu.memory_space<hbm>> -> memref<8x128xi32, #tpu.memory_space<hbm>>
      %dma_wait3A_81 = arith.constant 0 : i32
      %dma_wait3A_82 = arith.constant 0 : i32
      %dma_wait3A_83 = tpu.memref_slice %arg8[%run_scoped3A, %dma_wait3A_81, %dma_wait3A_82] : memref<2x8x128xi32, #tpu.memory_space<vmem>> -> memref<1x8x128xi32, #tpu.memory_space<vmem>>
      %dma_wait3A_84 = tpu.memref_squeeze %dma_wait3A_83 : memref<1x8x128xi32, #tpu.memory_space<vmem>> -> memref<8x128xi32, #tpu.memory_space<vmem>>
      %dma_wait3A_85 = arith.constant 0 : i32
      %dma_wait3A_86 = arith.constant 0 : i32
      %dma_wait3A_87 = tpu.memref_slice %arg3[%arg0, %arg1, %dma_wait3A_85, %dma_wait3A_86] : memref<2x16x160x128xi32, #tpu.memory_space<hbm>> -> memref<1x1x8x128xi32, #tpu.memory_space<hbm>>
      %dma_wait3A_88 = tpu.memref_squeeze %dma_wait3A_87 : memref<1x1x8x128xi32, #tpu.memory_space<hbm>> -> memref<8x128xi32, #tpu.memory_space<hbm>>
      tpu.wait_dma2 semaphore(%run_scoped3A_57 : memref<!tpu.dma_semaphore, #tpu.memory_space<semaphore_mem>>) src(%dma_wait3A_88 : memref<8x128xi32, #tpu.memory_space<hbm>>) dst(%dma_wait3A_84 : memref<8x128xi32, #tpu.memory_space<vmem>>)
      tpu.yield
    }) : () -> ()
    %run_scoped3A_7 = arith.constant 0 : i32
    "tpu.region"() ({
      %run_scoped3A_57 = tpu.sem_alloc : memref<!tpu.dma_semaphore, #tpu.memory_space<semaphore_mem>>
      %dma_start3A_58 = arith.constant 0 : i32
      %dma_start3A_59 = arith.constant 0 : i32
      %dma_start3A_60 = tpu.memref_slice %arg9[%run_scoped3A_7, %dma_start3A_58, %dma_start3A_59] : memref<2x8x128xi32, #tpu.memory_space<vmem>> -> memref<1x8x128xi32, #tpu.memory_space<vmem>>
      %dma_start3A_61 = tpu.memref_squeeze %dma_start3A_60 : memref<1x8x128xi32, #tpu.memory_space<vmem>> -> memref<8x128xi32, #tpu.memory_space<vmem>>
      %dma_start3A_62 = arith.constant 0 : i32
      %dma_start3A_63 = arith.constant 0 : i32
      %dma_start3A_64 = tpu.memref_slice %arg4[%arg0, %arg1, %dma_start3A_62, %dma_start3A_63] : memref<2x16x160x128xi32, #tpu.memory_space<hbm>> -> memref<1x1x8x128xi32, #tpu.memory_space<hbm>>
      %dma_start3A_65 = tpu.memref_squeeze %dma_start3A_64 : memref<1x1x8x128xi32, #tpu.memory_space<hbm>> -> memref<8x128xi32, #tpu.memory_space<hbm>>
      %dma_start3A_66 = arith.constant 0 : i32
      %dma_start3A_67 = arith.constant 0 : i32
      %dma_start3A_68 = tpu.memref_slice %arg9[%run_scoped3A_7, %dma_start3A_66, %dma_start3A_67] : memref<2x8x128xi32, #tpu.memory_space<vmem>> -> memref<1x8x128xi32, #tpu.memory_space<vmem>>
      %dma_start3A_69 = tpu.memref_squeeze %dma_start3A_68 : memref<1x8x128xi32, #tpu.memory_space<vmem>> -> memref<8x128xi32, #tpu.memory_space<vmem>>
      %dma_start3A_70 = arith.constant 0 : i32
      %dma_start3A_71 = arith.constant 0 : i32
      %dma_start3A_72 = tpu.memref_slice %arg4[%arg0, %arg1, %dma_start3A_70, %dma_start3A_71] : memref<2x16x160x128xi32, #tpu.memory_space<hbm>> -> memref<1x1x8x128xi32, #tpu.memory_space<hbm>>
      %dma_start3A_73 = tpu.memref_squeeze %dma_start3A_72 : memref<1x1x8x128xi32, #tpu.memory_space<hbm>> -> memref<8x128xi32, #tpu.memory_space<hbm>>
      tpu.enqueue_dma source(%dma_start3A_73 : memref<8x128xi32, #tpu.memory_space<hbm>>) target(%dma_start3A_69 : memref<8x128xi32, #tpu.memory_space<vmem>>) target_semaphore(%run_scoped3A_57 : memref<!tpu.dma_semaphore, #tpu.memory_space<semaphore_mem>>)
      %dma_wait3A = arith.constant 0 : i32
      %dma_wait3A_74 = arith.constant 0 : i32
      %dma_wait3A_75 = tpu.memref_slice %arg9[%run_scoped3A_7, %dma_wait3A, %dma_wait3A_74] : memref<2x8x128xi32, #tpu.memory_space<vmem>> -> memref<1x8x128xi32, #tpu.memory_space<vmem>>
      %dma_wait3A_76 = tpu.memref_squeeze %dma_wait3A_75 : memref<1x8x128xi32, #tpu.memory_space<vmem>> -> memref<8x128xi32, #tpu.memory_space<vmem>>
      %dma_wait3A_77 = arith.constant 0 : i32
      %dma_wait3A_78 = arith.constant 0 : i32
      %dma_wait3A_79 = tpu.memref_slice %arg4[%arg0, %arg1, %dma_wait3A_77, %dma_wait3A_78] : memref<2x16x160x128xi32, #tpu.memory_space<hbm>> -> memref<1x1x8x128xi32, #tpu.memory_space<hbm>>
      %dma_wait3A_80 = tpu.memref_squeeze %dma_wait3A_79 : memref<1x1x8x128xi32, #tpu.memory_space<hbm>> -> memref<8x128xi32, #tpu.memory_space<hbm>>
      %dma_wait3A_81 = arith.constant 0 : i32
      %dma_wait3A_82 = arith.constant 0 : i32
      %dma_wait3A_83 = tpu.memref_slice %arg9[%run_scoped3A_7, %dma_wait3A_81, %dma_wait3A_82] : memref<2x8x128xi32, #tpu.memory_space<vmem>> -> memref<1x8x128xi32, #tpu.memory_space<vmem>>
      %dma_wait3A_84 = tpu.memref_squeeze %dma_wait3A_83 : memref<1x8x128xi32, #tpu.memory_space<vmem>> -> memref<8x128xi32, #tpu.memory_space<vmem>>
      %dma_wait3A_85 = arith.constant 0 : i32
      %dma_wait3A_86 = arith.constant 0 : i32
      %dma_wait3A_87 = tpu.memref_slice %arg4[%arg0, %arg1, %dma_wait3A_85, %dma_wait3A_86] : memref<2x16x160x128xi32, #tpu.memory_space<hbm>> -> memref<1x1x8x128xi32, #tpu.memory_space<hbm>>
      %dma_wait3A_88 = tpu.memref_squeeze %dma_wait3A_87 : memref<1x1x8x128xi32, #tpu.memory_space<hbm>> -> memref<8x128xi32, #tpu.memory_space<hbm>>
      tpu.wait_dma2 semaphore(%run_scoped3A_57 : memref<!tpu.dma_semaphore, #tpu.memory_space<semaphore_mem>>) src(%dma_wait3A_88 : memref<8x128xi32, #tpu.memory_space<hbm>>) dst(%dma_wait3A_84 : memref<8x128xi32, #tpu.memory_space<vmem>>)
      tpu.yield
    }) : () -> ()
    %barrier3A = arith.constant 0 : index
    tpu.barrier barrier_id(%barrier3A)
    %dma_start3A = arith.constant 0 : i32
    %dma_start3A_8 = arith.constant 0 : i32
    %dma_start3A_9 = arith.constant 0 : i32
    %dma_start3A_10 = arith.constant 0 : i32
    %dma_start3A_11 = arith.constant 0 : i32
    %dma_start3A_12 = arith.constant 0 : i32
    %dma_start3A_13 = tpu.memref_slice %arg10[%dma_start3A_9, %dma_start3A_11, %dma_start3A_12] : memref<2x128x128xf32, #tpu.memory_space<vmem>> -> memref<1x128x128xf32, #tpu.memory_space<vmem>>
    %dma_start3A_14 = tpu.memref_squeeze %dma_start3A_13 : memref<1x128x128xf32, #tpu.memory_space<vmem>> -> memref<128x128xf32, #tpu.memory_space<vmem>>
    %dma_start3A_15 = arith.constant 0 : i32
    %dma_start3A_16 = tpu.memref_slice %arg8[%dma_start3A, %dma_start3A_8, %dma_start3A_15] : memref<2x8x128xi32, #tpu.memory_space<vmem>> -> memref<1x1x128xi32, #tpu.memory_space<vmem>>
    %dma_start3A_17 = tpu.memref_squeeze %dma_start3A_16 : memref<1x1x128xi32, #tpu.memory_space<vmem>> -> memref<128xi32, #tpu.memory_space<vmem>>
    %dma_start3A_18 = arith.constant 0 : i32
    %dma_start3A_19 = arith.constant 0 : i32
    %dma_start3A_20 = tpu.memref_slice %arg2[%dma_start3A_18, %dma_start3A_19] : memref<20000x128xf32, #tpu.memory_space<hbm>> -> memref<20000x128xf32, #tpu.memory_space<hbm>>
    %dma_start3A_21 = tpu.memref_slice %arg11[%dma_start3A_10] : memref<2x!tpu.dma_semaphore, #tpu.memory_space<semaphore_mem>> -> memref<1x!tpu.dma_semaphore, #tpu.memory_space<semaphore_mem>>
    %dma_start3A_22 = tpu.memref_squeeze %dma_start3A_21 : memref<1x!tpu.dma_semaphore, #tpu.memory_space<semaphore_mem>> -> memref<!tpu.dma_semaphore, #tpu.memory_space<semaphore_mem>>
    tpu.enqueue_indirect_dma source(%dma_start3A_20 : memref<20000x128xf32, #tpu.memory_space<hbm>>) target(%dma_start3A_14 : memref<128x128xf32, #tpu.memory_space<vmem>>) offsets(%dma_start3A_17 : memref<128xi32, #tpu.memory_space<vmem>>) semaphore(%dma_start3A_22 : memref<!tpu.dma_semaphore, #tpu.memory_space<semaphore_mem>>)
    %dma_start3A_23 = arith.constant 0 : i32
    %dma_start3A_24 = arith.constant 1 : i32
    %dma_start3A_25 = arith.constant 1 : i32
    %dma_start3A_26 = arith.constant 1 : i32
    %dma_start3A_27 = arith.constant 0 : i32
    %dma_start3A_28 = arith.constant 0 : i32
    %dma_start3A_29 = tpu.memref_slice %arg10[%dma_start3A_25, %dma_start3A_27, %dma_start3A_28] : memref<2x128x128xf32, #tpu.memory_space<vmem>> -> memref<1x128x128xf32, #tpu.memory_space<vmem>>
    %dma_start3A_30 = tpu.memref_squeeze %dma_start3A_29 : memref<1x128x128xf32, #tpu.memory_space<vmem>> -> memref<128x128xf32, #tpu.memory_space<vmem>>
    %dma_start3A_31 = arith.constant 0 : i32
    %dma_start3A_32 = tpu.memref_slice %arg8[%dma_start3A_23, %dma_start3A_24, %dma_start3A_31] : memref<2x8x128xi32, #tpu.memory_space<vmem>> -> memref<1x1x128xi32, #tpu.memory_space<vmem>>
    %dma_start3A_33 = tpu.memref_squeeze %dma_start3A_32 : memref<1x1x128xi32, #tpu.memory_space<vmem>> -> memref<128xi32, #tpu.memory_space<vmem>>
    %dma_start3A_34 = arith.constant 0 : i32
    %dma_start3A_35 = arith.constant 0 : i32
    %dma_start3A_36 = tpu.memref_slice %arg2[%dma_start3A_34, %dma_start3A_35] : memref<20000x128xf32, #tpu.memory_space<hbm>> -> memref<20000x128xf32, #tpu.memory_space<hbm>>
    %dma_start3A_37 = tpu.memref_slice %arg11[%dma_start3A_26] : memref<2x!tpu.dma_semaphore, #tpu.memory_space<semaphore_mem>> -> memref<1x!tpu.dma_semaphore, #tpu.memory_space<semaphore_mem>>
    %dma_start3A_38 = tpu.memref_squeeze %dma_start3A_37 : memref<1x!tpu.dma_semaphore, #tpu.memory_space<semaphore_mem>> -> memref<!tpu.dma_semaphore, #tpu.memory_space<semaphore_mem>>
    tpu.enqueue_indirect_dma source(%dma_start3A_36 : memref<20000x128xf32, #tpu.memory_space<hbm>>) target(%dma_start3A_30 : memref<128x128xf32, #tpu.memory_space<vmem>>) offsets(%dma_start3A_33 : memref<128xi32, #tpu.memory_space<vmem>>) semaphore(%dma_start3A_38 : memref<!tpu.dma_semaphore, #tpu.memory_space<semaphore_mem>>)
    %scan3A = arith.constant 0 : i32
    %scan3A_39 = arith.constant 0 : i32
    %scan3A_40 = arith.constant 10 : i32
    %scan3A_41 = arith.addi %scan3A_39, %scan3A_40 : i32
    %scan3A_42 = arith.constant 1 : i32
    scf.for %scan3A_57 = %scan3A_39 to %scan3A_41 step %scan3A_42  : i32 {
      %mul3A_58 = arith.constant 2 : i32
      %mul3A_59 = arith.muli %mul3A_58, %scan3A_57 : i32
      %add3A = arith.constant 0 : i32
      %add3A_60 = arith.addi %mul3A_59, %add3A : i32
      %add3A_61 = arith.constant 1 : i32
      %add3A_62 = arith.addi %add3A_60, %add3A_61 : i32
      %mul3A_63 = arith.constant 8 : i32
      %mul3A_64 = arith.muli %add3A_62, %mul3A_63 : i32
      %dma_start3A_65 = arith.constant 1 : i32
      %dma_start3A_66 = arith.constant 0 : i32
      %dma_start3A_67 = arith.constant 0 : i32
      %dma_start3A_68 = arith.constant 0 : i32
      %dma_start3A_69 = tpu.memref_slice %arg8[%dma_start3A_65, %dma_start3A_67, %dma_start3A_68] : memref<2x8x128xi32, #tpu.memory_space<vmem>> -> memref<1x8x128xi32, #tpu.memory_space<vmem>>
      %dma_start3A_70 = tpu.memref_squeeze %dma_start3A_69 : memref<1x8x128xi32, #tpu.memory_space<vmem>> -> memref<8x128xi32, #tpu.memory_space<vmem>>
      %dma_start3A_71 = arith.constant 0 : i32
      %dma_start3A_72 = tpu.memref_slice %arg3[%arg0, %arg1, %mul3A_64, %dma_start3A_71] : memref<2x16x160x128xi32, #tpu.memory_space<hbm>> -> memref<1x1x8x128xi32, #tpu.memory_space<hbm>>
      %dma_start3A_73 = tpu.memref_squeeze %dma_start3A_72 : memref<1x1x8x128xi32, #tpu.memory_space<hbm>> -> memref<8x128xi32, #tpu.memory_space<hbm>>
      %dma_start3A_74 = tpu.memref_slice %arg13[%dma_start3A_66] : memref<2x!tpu.dma_semaphore, #tpu.memory_space<semaphore_mem>> -> memref<1x!tpu.dma_semaphore, #tpu.memory_space<semaphore_mem>>
      %dma_start3A_75 = tpu.memref_squeeze %dma_start3A_74 : memref<1x!tpu.dma_semaphore, #tpu.memory_space<semaphore_mem>> -> memref<!tpu.dma_semaphore, #tpu.memory_space<semaphore_mem>>
      %dma_start3A_76 = arith.constant 0 : i32
      %dma_start3A_77 = arith.constant 0 : i32
      %dma_start3A_78 = tpu.memref_slice %arg8[%dma_start3A_65, %dma_start3A_76, %dma_start3A_77] : memref<2x8x128xi32, #tpu.memory_space<vmem>> -> memref<1x8x128xi32, #tpu.memory_space<vmem>>
      %dma_start3A_79 = tpu.memref_squeeze %dma_start3A_78 : memref<1x8x128xi32, #tpu.memory_space<vmem>> -> memref<8x128xi32, #tpu.memory_space<vmem>>
      %dma_start3A_80 = arith.constant 0 : i32
      %dma_start3A_81 = tpu.memref_slice %arg3[%arg0, %arg1, %mul3A_64, %dma_start3A_80] : memref<2x16x160x128xi32, #tpu.memory_space<hbm>> -> memref<1x1x8x128xi32, #tpu.memory_space<hbm>>
      %dma_start3A_82 = tpu.memref_squeeze %dma_start3A_81 : memref<1x1x8x128xi32, #tpu.memory_space<hbm>> -> memref<8x128xi32, #tpu.memory_space<hbm>>
      tpu.enqueue_dma source(%dma_start3A_82 : memref<8x128xi32, #tpu.memory_space<hbm>>) target(%dma_start3A_79 : memref<8x128xi32, #tpu.memory_space<vmem>>) target_semaphore(%dma_start3A_75 : memref<!tpu.dma_semaphore, #tpu.memory_space<semaphore_mem>>)
      %add3A_83 = arith.constant 1 : i32
      %add3A_84 = arith.addi %add3A_60, %add3A_83 : i32
      %mul3A_85 = arith.constant 8 : i32
      %mul3A_86 = arith.muli %add3A_84, %mul3A_85 : i32
      %dma_start3A_87 = arith.constant 1 : i32
      %dma_start3A_88 = arith.constant 1 : i32
      %dma_start3A_89 = arith.constant 0 : i32
      %dma_start3A_90 = arith.constant 0 : i32
      %dma_start3A_91 = tpu.memref_slice %arg9[%dma_start3A_87, %dma_start3A_89, %dma_start3A_90] : memref<2x8x128xi32, #tpu.memory_space<vmem>> -> memref<1x8x128xi32, #tpu.memory_space<vmem>>
      %dma_start3A_92 = tpu.memref_squeeze %dma_start3A_91 : memref<1x8x128xi32, #tpu.memory_space<vmem>> -> memref<8x128xi32, #tpu.memory_space<vmem>>
      %dma_start3A_93 = arith.constant 0 : i32
      %dma_start3A_94 = tpu.memref_slice %arg4[%arg0, %arg1, %mul3A_86, %dma_start3A_93] : memref<2x16x160x128xi32, #tpu.memory_space<hbm>> -> memref<1x1x8x128xi32, #tpu.memory_space<hbm>>
      %dma_start3A_95 = tpu.memref_squeeze %dma_start3A_94 : memref<1x1x8x128xi32, #tpu.memory_space<hbm>> -> memref<8x128xi32, #tpu.memory_space<hbm>>
      %dma_start3A_96 = tpu.memref_slice %arg13[%dma_start3A_88] : memref<2x!tpu.dma_semaphore, #tpu.memory_space<semaphore_mem>> -> memref<1x!tpu.dma_semaphore, #tpu.memory_space<semaphore_mem>>
      %dma_start3A_97 = tpu.memref_squeeze %dma_start3A_96 : memref<1x!tpu.dma_semaphore, #tpu.memory_space<semaphore_mem>> -> memref<!tpu.dma_semaphore, #tpu.memory_space<semaphore_mem>>
      %dma_start3A_98 = arith.constant 0 : i32
      %dma_start3A_99 = arith.constant 0 : i32
      %dma_start3A_100 = tpu.memref_slice %arg9[%dma_start3A_87, %dma_start3A_98, %dma_start3A_99] : memref<2x8x128xi32, #tpu.memory_space<vmem>> -> memref<1x8x128xi32, #tpu.memory_space<vmem>>
      %dma_start3A_101 = tpu.memref_squeeze %dma_start3A_100 : memref<1x8x128xi32, #tpu.memory_space<vmem>> -> memref<8x128xi32, #tpu.memory_space<vmem>>
      %dma_start3A_102 = arith.constant 0 : i32
      %dma_start3A_103 = tpu.memref_slice %arg4[%arg0, %arg1, %mul3A_86, %dma_start3A_102] : memref<2x16x160x128xi32, #tpu.memory_space<hbm>> -> memref<1x1x8x128xi32, #tpu.memory_space<hbm>>
      %dma_start3A_104 = tpu.memref_squeeze %dma_start3A_103 : memref<1x1x8x128xi32, #tpu.memory_space<hbm>> -> memref<8x128xi32, #tpu.memory_space<hbm>>
      tpu.enqueue_dma source(%dma_start3A_104 : memref<8x128xi32, #tpu.memory_space<hbm>>) target(%dma_start3A_101 : memref<8x128xi32, #tpu.memory_space<vmem>>) target_semaphore(%dma_start3A_97 : memref<!tpu.dma_semaphore, #tpu.memory_space<semaphore_mem>>)
      %dma_wait3A = arith.constant 0 : i32
      %dma_wait3A_105 = arith.constant 0 : i32
      %dma_wait3A_106 = arith.constant 0 : i32
      %dma_wait3A_107 = arith.constant 0 : i32
      %dma_wait3A_108 = tpu.memref_slice %arg10[%dma_wait3A, %dma_wait3A_106, %dma_wait3A_107] : memref<2x128x128xf32, #tpu.memory_space<vmem>> -> memref<1x128x128xf32, #tpu.memory_space<vmem>>
      %dma_wait3A_109 = tpu.memref_squeeze %dma_wait3A_108 : memref<1x128x128xf32, #tpu.memory_space<vmem>> -> memref<128x128xf32, #tpu.memory_space<vmem>>
      %dma_wait3A_110 = arith.constant 0 : i32
      %dma_wait3A_111 = arith.constant 0 : i32
      %dma_wait3A_112 = tpu.memref_slice %arg2[%dma_wait3A_110, %dma_wait3A_111] : memref<20000x128xf32, #tpu.memory_space<hbm>> -> memref<128x128xf32, #tpu.memory_space<hbm>>
      %dma_wait3A_113 = tpu.memref_slice %arg11[%dma_wait3A_105] : memref<2x!tpu.dma_semaphore, #tpu.memory_space<semaphore_mem>> -> memref<1x!tpu.dma_semaphore, #tpu.memory_space<semaphore_mem>>
      %dma_wait3A_114 = tpu.memref_squeeze %dma_wait3A_113 : memref<1x!tpu.dma_semaphore, #tpu.memory_space<semaphore_mem>> -> memref<!tpu.dma_semaphore, #tpu.memory_space<semaphore_mem>>
      %dma_wait3A_115 = arith.constant 0 : i32
      %dma_wait3A_116 = arith.constant 0 : i32
      %dma_wait3A_117 = tpu.memref_slice %arg10[%dma_wait3A, %dma_wait3A_115, %dma_wait3A_116] : memref<2x128x128xf32, #tpu.memory_space<vmem>> -> memref<1x128x128xf32, #tpu.memory_space<vmem>>
      %dma_wait3A_118 = tpu.memref_squeeze %dma_wait3A_117 : memref<1x128x128xf32, #tpu.memory_space<vmem>> -> memref<128x128xf32, #tpu.memory_space<vmem>>
      %dma_wait3A_119 = arith.constant 0 : i32
      %dma_wait3A_120 = arith.constant 0 : i32
      %dma_wait3A_121 = tpu.memref_slice %arg2[%dma_wait3A_119, %dma_wait3A_120] : memref<20000x128xf32, #tpu.memory_space<hbm>> -> memref<128x128xf32, #tpu.memory_space<hbm>>
      tpu.wait_dma2 semaphore(%dma_wait3A_114 : memref<!tpu.dma_semaphore, #tpu.memory_space<semaphore_mem>>) src(%dma_wait3A_121 : memref<128x128xf32, #tpu.memory_space<hbm>>) dst(%dma_wait3A_118 : memref<128x128xf32, #tpu.memory_space<vmem>>)
      %dma_start3A_122 = arith.constant 0 : i32
      %dma_start3A_123 = arith.constant 0 : i32
      %dma_start3A_124 = arith.constant 0 : i32
      %dma_start3A_125 = arith.constant 0 : i32
      %dma_start3A_126 = arith.constant 0 : i32
      %dma_start3A_127 = arith.constant 0 : i32
      %dma_start3A_128 = tpu.memref_slice %arg10[%dma_start3A_122, %dma_start3A_126, %dma_start3A_127] : memref<2x128x128xf32, #tpu.memory_space<vmem>> -> memref<1x128x128xf32, #tpu.memory_space<vmem>>
      %dma_start3A_129 = tpu.memref_squeeze %dma_start3A_128 : memref<1x128x128xf32, #tpu.memory_space<vmem>> -> memref<128x128xf32, #tpu.memory_space<vmem>>
      %dma_start3A_130 = arith.constant 0 : i32
      %dma_start3A_131 = tpu.memref_slice %arg9[%dma_start3A_123, %dma_start3A_124, %dma_start3A_130] : memref<2x8x128xi32, #tpu.memory_space<vmem>> -> memref<1x1x128xi32, #tpu.memory_space<vmem>>
      %dma_start3A_132 = tpu.memref_squeeze %dma_start3A_131 : memref<1x1x128xi32, #tpu.memory_space<vmem>> -> memref<128xi32, #tpu.memory_space<vmem>>
      %dma_start3A_133 = arith.constant 0 : i32
      %dma_start3A_134 = arith.constant 0 : i32
      %dma_start3A_135 = tpu.memref_slice %arg7[%dma_start3A_133, %dma_start3A_134] : memref<10008x128xf32, #tpu.memory_space<vmem_shared>> -> memref<10008x128xf32, #tpu.memory_space<vmem_shared>>
      %dma_start3A_136 = tpu.memref_slice %arg12[%dma_start3A_125] : memref<2x!tpu.dma_semaphore, #tpu.memory_space<semaphore_mem>> -> memref<1x!tpu.dma_semaphore, #tpu.memory_space<semaphore_mem>>
      %dma_start3A_137 = tpu.memref_squeeze %dma_start3A_136 : memref<1x!tpu.dma_semaphore, #tpu.memory_space<semaphore_mem>> -> memref<!tpu.dma_semaphore, #tpu.memory_space<semaphore_mem>>
      tpu.enqueue_indirect_dma source(%dma_start3A_129 : memref<128x128xf32, #tpu.memory_space<vmem>>) target(%dma_start3A_135 : memref<10008x128xf32, #tpu.memory_space<vmem_shared>>) offsets(%dma_start3A_132 : memref<128xi32, #tpu.memory_space<vmem>>) semaphore(%dma_start3A_137 : memref<!tpu.dma_semaphore, #tpu.memory_space<semaphore_mem>>) {add = true}
      %dma_wait3A_138 = arith.constant 0 : i32
      %dma_wait3A_139 = arith.constant 0 : i32
      %dma_wait3A_140 = arith.constant 0 : i32
      %dma_wait3A_141 = arith.constant 0 : i32
      %dma_wait3A_142 = arith.constant 0 : i32
      %dma_wait3A_143 = arith.constant 0 : i32
      %dma_wait3A_144 = tpu.memref_slice %arg10[%dma_wait3A_138, %dma_wait3A_142, %dma_wait3A_143] : memref<2x128x128xf32, #tpu.memory_space<vmem>> -> memref<1x128x128xf32, #tpu.memory_space<vmem>>
      %dma_wait3A_145 = tpu.memref_squeeze %dma_wait3A_144 : memref<1x128x128xf32, #tpu.memory_space<vmem>> -> memref<128x128xf32, #tpu.memory_space<vmem>>
      %dma_wait3A_146 = arith.constant 0 : i32
      %dma_wait3A_147 = tpu.memref_slice %arg9[%dma_wait3A_139, %dma_wait3A_140, %dma_wait3A_146] : memref<2x8x128xi32, #tpu.memory_space<vmem>> -> memref<1x1x128xi32, #tpu.memory_space<vmem>>
      %dma_wait3A_148 = tpu.memref_squeeze %dma_wait3A_147 : memref<1x1x128xi32, #tpu.memory_space<vmem>> -> memref<128xi32, #tpu.memory_space<vmem>>
      %dma_wait3A_149 = arith.constant 0 : i32
      %dma_wait3A_150 = arith.constant 0 : i32
      %dma_wait3A_151 = tpu.memref_slice %arg7[%dma_wait3A_149, %dma_wait3A_150] : memref<10008x128xf32, #tpu.memory_space<vmem_shared>> -> memref<10008x128xf32, #tpu.memory_space<vmem_shared>>
      %dma_wait3A_152 = tpu.memref_slice %arg12[%dma_wait3A_141] : memref<2x!tpu.dma_semaphore, #tpu.memory_space<semaphore_mem>> -> memref<1x!tpu.dma_semaphore, #tpu.memory_space<semaphore_mem>>
      %dma_wait3A_153 = tpu.memref_squeeze %dma_wait3A_152 : memref<1x!tpu.dma_semaphore, #tpu.memory_space<semaphore_mem>> -> memref<!tpu.dma_semaphore, #tpu.memory_space<semaphore_mem>>
      tpu.wait_indirect_dma semaphore(%dma_wait3A_153 : memref<!tpu.dma_semaphore, #tpu.memory_space<semaphore_mem>>) src(%dma_wait3A_145 : memref<128x128xf32, #tpu.memory_space<vmem>>) dst(%dma_wait3A_151 : memref<10008x128xf32, #tpu.memory_space<vmem_shared>>)
      %dma_start3A_154 = arith.constant 0 : i32
      %dma_start3A_155 = arith.constant 2 : i32
      %dma_start3A_156 = arith.constant 0 : i32
      %dma_start3A_157 = arith.constant 0 : i32
      %dma_start3A_158 = arith.constant 0 : i32
      %dma_start3A_159 = arith.constant 0 : i32
      %dma_start3A_160 = tpu.memref_slice %arg10[%dma_start3A_156, %dma_start3A_158, %dma_start3A_159] : memref<2x128x128xf32, #tpu.memory_space<vmem>> -> memref<1x128x128xf32, #tpu.memory_space<vmem>>
      %dma_start3A_161 = tpu.memref_squeeze %dma_start3A_160 : memref<1x128x128xf32, #tpu.memory_space<vmem>> -> memref<128x128xf32, #tpu.memory_space<vmem>>
      %dma_start3A_162 = arith.constant 0 : i32
      %dma_start3A_163 = tpu.memref_slice %arg8[%dma_start3A_154, %dma_start3A_155, %dma_start3A_162] : memref<2x8x128xi32, #tpu.memory_space<vmem>> -> memref<1x1x128xi32, #tpu.memory_space<vmem>>
      %dma_start3A_164 = tpu.memref_squeeze %dma_start3A_163 : memref<1x1x128xi32, #tpu.memory_space<vmem>> -> memref<128xi32, #tpu.memory_space<vmem>>
      %dma_start3A_165 = arith.constant 0 : i32
      %dma_start3A_166 = arith.constant 0 : i32
      %dma_start3A_167 = tpu.memref_slice %arg2[%dma_start3A_165, %dma_start3A_166] : memref<20000x128xf32, #tpu.memory_space<hbm>> -> memref<20000x128xf32, #tpu.memory_space<hbm>>
      %dma_start3A_168 = tpu.memref_slice %arg11[%dma_start3A_157] : memref<2x!tpu.dma_semaphore, #tpu.memory_space<semaphore_mem>> -> memref<1x!tpu.dma_semaphore, #tpu.memory_space<semaphore_mem>>
      %dma_start3A_169 = tpu.memref_squeeze %dma_start3A_168 : memref<1x!tpu.dma_semaphore, #tpu.memory_space<semaphore_mem>> -> memref<!tpu.dma_semaphore, #tpu.memory_space<semaphore_mem>>
      tpu.enqueue_indirect_dma source(%dma_start3A_167 : memref<20000x128xf32, #tpu.memory_space<hbm>>) target(%dma_start3A_161 : memref<128x128xf32, #tpu.memory_space<vmem>>) offsets(%dma_start3A_164 : memref<128xi32, #tpu.memory_space<vmem>>) semaphore(%dma_start3A_169 : memref<!tpu.dma_semaphore, #tpu.memory_space<semaphore_mem>>)
      %dma_wait3A_170 = arith.constant 1 : i32
      %dma_wait3A_171 = arith.constant 1 : i32
      %dma_wait3A_172 = arith.constant 0 : i32
      %dma_wait3A_173 = arith.constant 0 : i32
      %dma_wait3A_174 = tpu.memref_slice %arg10[%dma_wait3A_170, %dma_wait3A_172, %dma_wait3A_173] : memref<2x128x128xf32, #tpu.memory_space<vmem>> -> memref<1x128x128xf32, #tpu.memory_space<vmem>>
      %dma_wait3A_175 = tpu.memref_squeeze %dma_wait3A_174 : memref<1x128x128xf32, #tpu.memory_space<vmem>> -> memref<128x128xf32, #tpu.memory_space<vmem>>
      %dma_wait3A_176 = arith.constant 0 : i32
      %dma_wait3A_177 = arith.constant 0 : i32
      %dma_wait3A_178 = tpu.memref_slice %arg2[%dma_wait3A_176, %dma_wait3A_177] : memref<20000x128xf32, #tpu.memory_space<hbm>> -> memref<128x128xf32, #tpu.memory_space<hbm>>
      %dma_wait3A_179 = tpu.memref_slice %arg11[%dma_wait3A_171] : memref<2x!tpu.dma_semaphore, #tpu.memory_space<semaphore_mem>> -> memref<1x!tpu.dma_semaphore, #tpu.memory_space<semaphore_mem>>
      %dma_wait3A_180 = tpu.memref_squeeze %dma_wait3A_179 : memref<1x!tpu.dma_semaphore, #tpu.memory_space<semaphore_mem>> -> memref<!tpu.dma_semaphore, #tpu.memory_space<semaphore_mem>>
      %dma_wait3A_181 = arith.constant 0 : i32
      %dma_wait3A_182 = arith.constant 0 : i32
      %dma_wait3A_183 = tpu.memref_slice %arg10[%dma_wait3A_170, %dma_wait3A_181, %dma_wait3A_182] : memref<2x128x128xf32, #tpu.memory_space<vmem>> -> memref<1x128x128xf32, #tpu.memory_space<vmem>>
      %dma_wait3A_184 = tpu.memref_squeeze %dma_wait3A_183 : memref<1x128x128xf32, #tpu.memory_space<vmem>> -> memref<128x128xf32, #tpu.memory_space<vmem>>
      %dma_wait3A_185 = arith.constant 0 : i32
      %dma_wait3A_186 = arith.constant 0 : i32
      %dma_wait3A_187 = tpu.memref_slice %arg2[%dma_wait3A_185, %dma_wait3A_186] : memref<20000x128xf32, #tpu.memory_space<hbm>> -> memref<128x128xf32, #tpu.memory_space<hbm>>
      tpu.wait_dma2 semaphore(%dma_wait3A_180 : memref<!tpu.dma_semaphore, #tpu.memory_space<semaphore_mem>>) src(%dma_wait3A_187 : memref<128x128xf32, #tpu.memory_space<hbm>>) dst(%dma_wait3A_184 : memref<128x128xf32, #tpu.memory_space<vmem>>)
      %dma_start3A_188 = arith.constant 1 : i32
      %dma_start3A_189 = arith.constant 0 : i32
      %dma_start3A_190 = arith.constant 1 : i32
      %dma_start3A_191 = arith.constant 1 : i32
      %dma_start3A_192 = arith.constant 0 : i32
      %dma_start3A_193 = arith.constant 0 : i32
      %dma_start3A_194 = tpu.memref_slice %arg10[%dma_start3A_188, %dma_start3A_192, %dma_start3A_193] : memref<2x128x128xf32, #tpu.memory_space<vmem>> -> memref<1x128x128xf32, #tpu.memory_space<vmem>>
      %dma_start3A_195 = tpu.memref_squeeze %dma_start3A_194 : memref<1x128x128xf32, #tpu.memory_space<vmem>> -> memref<128x128xf32, #tpu.memory_space<vmem>>
      %dma_start3A_196 = arith.constant 0 : i32
      %dma_start3A_197 = tpu.memref_slice %arg9[%dma_start3A_189, %dma_start3A_190, %dma_start3A_196] : memref<2x8x128xi32, #tpu.memory_space<vmem>> -> memref<1x1x128xi32, #tpu.memory_space<vmem>>
      %dma_start3A_198 = tpu.memref_squeeze %dma_start3A_197 : memref<1x1x128xi32, #tpu.memory_space<vmem>> -> memref<128xi32, #tpu.memory_space<vmem>>
      %dma_start3A_199 = arith.constant 0 : i32
      %dma_start3A_200 = arith.constant 0 : i32
      %dma_start3A_201 = tpu.memref_slice %arg7[%dma_start3A_199, %dma_start3A_200] : memref<10008x128xf32, #tpu.memory_space<vmem_shared>> -> memref<10008x128xf32, #tpu.memory_space<vmem_shared>>
      %dma_start3A_202 = tpu.memref_slice %arg12[%dma_start3A_191] : memref<2x!tpu.dma_semaphore, #tpu.memory_space<semaphore_mem>> -> memref<1x!tpu.dma_semaphore, #tpu.memory_space<semaphore_mem>>
      %dma_start3A_203 = tpu.memref_squeeze %dma_start3A_202 : memref<1x!tpu.dma_semaphore, #tpu.memory_space<semaphore_mem>> -> memref<!tpu.dma_semaphore, #tpu.memory_space<semaphore_mem>>
      tpu.enqueue_indirect_dma source(%dma_start3A_195 : memref<128x128xf32, #tpu.memory_space<vmem>>) target(%dma_start3A_201 : memref<10008x128xf32, #tpu.memory_space<vmem_shared>>) offsets(%dma_start3A_198 : memref<128xi32, #tpu.memory_space<vmem>>) semaphore(%dma_start3A_203 : memref<!tpu.dma_semaphore, #tpu.memory_space<semaphore_mem>>) {add = true}
      %dma_wait3A_204 = arith.constant 1 : i32
      %dma_wait3A_205 = arith.constant 0 : i32
      %dma_wait3A_206 = arith.constant 1 : i32
      %dma_wait3A_207 = arith.constant 1 : i32
      %dma_wait3A_208 = arith.constant 0 : i32
      %dma_wait3A_209 = arith.constant 0 : i32
      %dma_wait3A_210 = tpu.memref_slice %arg10[%dma_wait3A_204, %dma_wait3A_208, %dma_wait3A_209] : memref<2x128x128xf32, #tpu.memory_space<vmem>> -> memref<1x128x128xf32, #tpu.memory_space<vmem>>
      %dma_wait3A_211 = tpu.memref_squeeze %dma_wait3A_210 : memref<1x128x128xf32, #tpu.memory_space<vmem>> -> memref<128x128xf32, #tpu.memory_space<vmem>>
      %dma_wait3A_212 = arith.constant 0 : i32
      %dma_wait3A_213 = tpu.memref_slice %arg9[%dma_wait3A_205, %dma_wait3A_206, %dma_wait3A_212] : memref<2x8x128xi32, #tpu.memory_space<vmem>> -> memref<1x1x128xi32, #tpu.memory_space<vmem>>
      %dma_wait3A_214 = tpu.memref_squeeze %dma_wait3A_213 : memref<1x1x128xi32, #tpu.memory_space<vmem>> -> memref<128xi32, #tpu.memory_space<vmem>>
      %dma_wait3A_215 = arith.constant 0 : i32
      %dma_wait3A_216 = arith.constant 0 : i32
      %dma_wait3A_217 = tpu.memref_slice %arg7[%dma_wait3A_215, %dma_wait3A_216] : memref<10008x128xf32, #tpu.memory_space<vmem_shared>> -> memref<10008x128xf32, #tpu.memory_space<vmem_shared>>
      %dma_wait3A_218 = tpu.memref_slice %arg12[%dma_wait3A_207] : memref<2x!tpu.dma_semaphore, #tpu.memory_space<semaphore_mem>> -> memref<1x!tpu.dma_semaphore, #tpu.memory_space<semaphore_mem>>
      %dma_wait3A_219 = tpu.memref_squeeze %dma_wait3A_218 : memref<1x!tpu.dma_semaphore, #tpu.memory_space<semaphore_mem>> -> memref<!tpu.dma_semaphore, #tpu.memory_space<semaphore_mem>>
      tpu.wait_indirect_dma semaphore(%dma_wait3A_219 : memref<!tpu.dma_semaphore, #tpu.memory_space<semaphore_mem>>) src(%dma_wait3A_211 : memref<128x128xf32, #tpu.memory_space<vmem>>) dst(%dma_wait3A_217 : memref<10008x128xf32, #tpu.memory_space<vmem_shared>>)
      %dma_start3A_220 = arith.constant 0 : i32
      %dma_start3A_221 = arith.constant 3 : i32
      %dma_start3A_222 = arith.constant 1 : i32
      %dma_start3A_223 = arith.constant 1 : i32
      %dma_start3A_224 = arith.constant 0 : i32
      %dma_start3A_225 = arith.constant 0 : i32
      %dma_start3A_226 = tpu.memref_slice %arg10[%dma_start3A_222, %dma_start3A_224, %dma_start3A_225] : memref<2x128x128xf32, #tpu.memory_space<vmem>> -> memref<1x128x128xf32, #tpu.memory_space<vmem>>
      %dma_start3A_227 = tpu.memref_squeeze %dma_start3A_226 : memref<1x128x128xf32, #tpu.memory_space<vmem>> -> memref<128x128xf32, #tpu.memory_space<vmem>>
      %dma_start3A_228 = arith.constant 0 : i32
      %dma_start3A_229 = tpu.memref_slice %arg8[%dma_start3A_220, %dma_start3A_221, %dma_start3A_228] : memref<2x8x128xi32, #tpu.memory_space<vmem>> -> memref<1x1x128xi32, #tpu.memory_space<vmem>>
      %dma_start3A_230 = tpu.memref_squeeze %dma_start3A_229 : memref<1x1x128xi32, #tpu.memory_space<vmem>> -> memref<128xi32, #tpu.memory_space<vmem>>
      %dma_start3A_231 = arith.constant 0 : i32
      %dma_start3A_232 = arith.constant 0 : i32
      %dma_start3A_233 = tpu.memref_slice %arg2[%dma_start3A_231, %dma_start3A_232] : memref<20000x128xf32, #tpu.memory_space<hbm>> -> memref<20000x128xf32, #tpu.memory_space<hbm>>
      %dma_start3A_234 = tpu.memref_slice %arg11[%dma_start3A_223] : memref<2x!tpu.dma_semaphore, #tpu.memory_space<semaphore_mem>> -> memref<1x!tpu.dma_semaphore, #tpu.memory_space<semaphore_mem>>
      %dma_start3A_235 = tpu.memref_squeeze %dma_start3A_234 : memref<1x!tpu.dma_semaphore, #tpu.memory_space<semaphore_mem>> -> memref<!tpu.dma_semaphore, #tpu.memory_space<semaphore_mem>>
      tpu.enqueue_indirect_dma source(%dma_start3A_233 : memref<20000x128xf32, #tpu.memory_space<hbm>>) target(%dma_start3A_227 : memref<128x128xf32, #tpu.memory_space<vmem>>) offsets(%dma_start3A_230 : memref<128xi32, #tpu.memory_space<vmem>>) semaphore(%dma_start3A_235 : memref<!tpu.dma_semaphore, #tpu.memory_space<semaphore_mem>>)
      %dma_wait3A_236 = arith.constant 0 : i32
      %dma_wait3A_237 = arith.constant 0 : i32
      %dma_wait3A_238 = arith.constant 0 : i32
      %dma_wait3A_239 = arith.constant 0 : i32
      %dma_wait3A_240 = tpu.memref_slice %arg10[%dma_wait3A_236, %dma_wait3A_238, %dma_wait3A_239] : memref<2x128x128xf32, #tpu.memory_space<vmem>> -> memref<1x128x128xf32, #tpu.memory_space<vmem>>
      %dma_wait3A_241 = tpu.memref_squeeze %dma_wait3A_240 : memref<1x128x128xf32, #tpu.memory_space<vmem>> -> memref<128x128xf32, #tpu.memory_space<vmem>>
      %dma_wait3A_242 = arith.constant 0 : i32
      %dma_wait3A_243 = arith.constant 0 : i32
      %dma_wait3A_244 = tpu.memref_slice %arg2[%dma_wait3A_242, %dma_wait3A_243] : memref<20000x128xf32, #tpu.memory_space<hbm>> -> memref<128x128xf32, #tpu.memory_space<hbm>>
      %dma_wait3A_245 = tpu.memref_slice %arg11[%dma_wait3A_237] : memref<2x!tpu.dma_semaphore, #tpu.memory_space<semaphore_mem>> -> memref<1x!tpu.dma_semaphore, #tpu.memory_space<semaphore_mem>>
      %dma_wait3A_246 = tpu.memref_squeeze %dma_wait3A_245 : memref<1x!tpu.dma_semaphore, #tpu.memory_space<semaphore_mem>> -> memref<!tpu.dma_semaphore, #tpu.memory_space<semaphore_mem>>
      %dma_wait3A_247 = arith.constant 0 : i32
      %dma_wait3A_248 = arith.constant 0 : i32
      %dma_wait3A_249 = tpu.memref_slice %arg10[%dma_wait3A_236, %dma_wait3A_247, %dma_wait3A_248] : memref<2x128x128xf32, #tpu.memory_space<vmem>> -> memref<1x128x128xf32, #tpu.memory_space<vmem>>
      %dma_wait3A_250 = tpu.memref_squeeze %dma_wait3A_249 : memref<1x128x128xf32, #tpu.memory_space<vmem>> -> memref<128x128xf32, #tpu.memory_space<vmem>>
      %dma_wait3A_251 = arith.constant 0 : i32
      %dma_wait3A_252 = arith.constant 0 : i32
      %dma_wait3A_253 = tpu.memref_slice %arg2[%dma_wait3A_251, %dma_wait3A_252] : memref<20000x128xf32, #tpu.memory_space<hbm>> -> memref<128x128xf32, #tpu.memory_space<hbm>>
      tpu.wait_dma2 semaphore(%dma_wait3A_246 : memref<!tpu.dma_semaphore, #tpu.memory_space<semaphore_mem>>) src(%dma_wait3A_253 : memref<128x128xf32, #tpu.memory_space<hbm>>) dst(%dma_wait3A_250 : memref<128x128xf32, #tpu.memory_space<vmem>>)
      %dma_start3A_254 = arith.constant 0 : i32
      %dma_start3A_255 = arith.constant 0 : i32
      %dma_start3A_256 = arith.constant 2 : i32
      %dma_start3A_257 = arith.constant 0 : i32
      %dma_start3A_258 = arith.constant 0 : i32
      %dma_start3A_259 = arith.constant 0 : i32
      %dma_start3A_260 = tpu.memref_slice %arg10[%dma_start3A_254, %dma_start3A_258, %dma_start3A_259] : memref<2x128x128xf32, #tpu.memory_space<vmem>> -> memref<1x128x128xf32, #tpu.memory_space<vmem>>
      %dma_start3A_261 = tpu.memref_squeeze %dma_start3A_260 : memref<1x128x128xf32, #tpu.memory_space<vmem>> -> memref<128x128xf32, #tpu.memory_space<vmem>>
      %dma_start3A_262 = arith.constant 0 : i32
      %dma_start3A_263 = tpu.memref_slice %arg9[%dma_start3A_255, %dma_start3A_256, %dma_start3A_262] : memref<2x8x128xi32, #tpu.memory_space<vmem>> -> memref<1x1x128xi32, #tpu.memory_space<vmem>>
      %dma_start3A_264 = tpu.memref_squeeze %dma_start3A_263 : memref<1x1x128xi32, #tpu.memory_space<vmem>> -> memref<128xi32, #tpu.memory_space<vmem>>
      %dma_start3A_265 = arith.constant 0 : i32
      %dma_start3A_266 = arith.constant 0 : i32
      %dma_start3A_267 = tpu.memref_slice %arg7[%dma_start3A_265, %dma_start3A_266] : memref<10008x128xf32, #tpu.memory_space<vmem_shared>> -> memref<10008x128xf32, #tpu.memory_space<vmem_shared>>
      %dma_start3A_268 = tpu.memref_slice %arg12[%dma_start3A_257] : memref<2x!tpu.dma_semaphore, #tpu.memory_space<semaphore_mem>> -> memref<1x!tpu.dma_semaphore, #tpu.memory_space<semaphore_mem>>
      %dma_start3A_269 = tpu.memref_squeeze %dma_start3A_268 : memref<1x!tpu.dma_semaphore, #tpu.memory_space<semaphore_mem>> -> memref<!tpu.dma_semaphore, #tpu.memory_space<semaphore_mem>>
      tpu.enqueue_indirect_dma source(%dma_start3A_261 : memref<128x128xf32, #tpu.memory_space<vmem>>) target(%dma_start3A_267 : memref<10008x128xf32, #tpu.memory_space<vmem_shared>>) offsets(%dma_start3A_264 : memref<128xi32, #tpu.memory_space<vmem>>) semaphore(%dma_start3A_269 : memref<!tpu.dma_semaphore, #tpu.memory_space<semaphore_mem>>) {add = true}
      %dma_wait3A_270 = arith.constant 0 : i32
      %dma_wait3A_271 = arith.constant 0 : i32
      %dma_wait3A_272 = arith.constant 2 : i32
      %dma_wait3A_273 = arith.constant 0 : i32
      %dma_wait3A_274 = arith.constant 0 : i32
      %dma_wait3A_275 = arith.constant 0 : i32
      %dma_wait3A_276 = tpu.memref_slice %arg10[%dma_wait3A_270, %dma_wait3A_274, %dma_wait3A_275] : memref<2x128x128xf32, #tpu.memory_space<vmem>> -> memref<1x128x128xf32, #tpu.memory_space<vmem>>
      %dma_wait3A_277 = tpu.memref_squeeze %dma_wait3A_276 : memref<1x128x128xf32, #tpu.memory_space<vmem>> -> memref<128x128xf32, #tpu.memory_space<vmem>>
      %dma_wait3A_278 = arith.constant 0 : i32
      %dma_wait3A_279 = tpu.memref_slice %arg9[%dma_wait3A_271, %dma_wait3A_272, %dma_wait3A_278] : memref<2x8x128xi32, #tpu.memory_space<vmem>> -> memref<1x1x128xi32, #tpu.memory_space<vmem>>
      %dma_wait3A_280 = tpu.memref_squeeze %dma_wait3A_279 : memref<1x1x128xi32, #tpu.memory_space<vmem>> -> memref<128xi32, #tpu.memory_space<vmem>>
      %dma_wait3A_281 = arith.constant 0 : i32
      %dma_wait3A_282 = arith.constant 0 : i32
      %dma_wait3A_283 = tpu.memref_slice %arg7[%dma_wait3A_281, %dma_wait3A_282] : memref<10008x128xf32, #tpu.memory_space<vmem_shared>> -> memref<10008x128xf32, #tpu.memory_space<vmem_shared>>
      %dma_wait3A_284 = tpu.memref_slice %arg12[%dma_wait3A_273] : memref<2x!tpu.dma_semaphore, #tpu.memory_space<semaphore_mem>> -> memref<1x!tpu.dma_semaphore, #tpu.memory_space<semaphore_mem>>
      %dma_wait3A_285 = tpu.memref_squeeze %dma_wait3A_284 : memref<1x!tpu.dma_semaphore, #tpu.memory_space<semaphore_mem>> -> memref<!tpu.dma_semaphore, #tpu.memory_space<semaphore_mem>>
      tpu.wait_indirect_dma semaphore(%dma_wait3A_285 : memref<!tpu.dma_semaphore, #tpu.memory_space<semaphore_mem>>) src(%dma_wait3A_277 : memref<128x128xf32, #tpu.memory_space<vmem>>) dst(%dma_wait3A_283 : memref<10008x128xf32, #tpu.memory_space<vmem_shared>>)
      %dma_start3A_286 = arith.constant 0 : i32
      %dma_start3A_287 = arith.constant 4 : i32
      %dma_start3A_288 = arith.constant 0 : i32
      %dma_start3A_289 = arith.constant 0 : i32
      %dma_start3A_290 = arith.constant 0 : i32
      %dma_start3A_291 = arith.constant 0 : i32
      %dma_start3A_292 = tpu.memref_slice %arg10[%dma_start3A_288, %dma_start3A_290, %dma_start3A_291] : memref<2x128x128xf32, #tpu.memory_space<vmem>> -> memref<1x128x128xf32, #tpu.memory_space<vmem>>
      %dma_start3A_293 = tpu.memref_squeeze %dma_start3A_292 : memref<1x128x128xf32, #tpu.memory_space<vmem>> -> memref<128x128xf32, #tpu.memory_space<vmem>>
      %dma_start3A_294 = arith.constant 0 : i32
      %dma_start3A_295 = tpu.memref_slice %arg8[%dma_start3A_286, %dma_start3A_287, %dma_start3A_294] : memref<2x8x128xi32, #tpu.memory_space<vmem>> -> memref<1x1x128xi32, #tpu.memory_space<vmem>>
      %dma_start3A_296 = tpu.memref_squeeze %dma_start3A_295 : memref<1x1x128xi32, #tpu.memory_space<vmem>> -> memref<128xi32, #tpu.memory_space<vmem>>
      %dma_start3A_297 = arith.constant 0 : i32
      %dma_start3A_298 = arith.constant 0 : i32
      %dma_start3A_299 = tpu.memref_slice %arg2[%dma_start3A_297, %dma_start3A_298] : memref<20000x128xf32, #tpu.memory_space<hbm>> -> memref<20000x128xf32, #tpu.memory_space<hbm>>
      %dma_start3A_300 = tpu.memref_slice %arg11[%dma_start3A_289] : memref<2x!tpu.dma_semaphore, #tpu.memory_space<semaphore_mem>> -> memref<1x!tpu.dma_semaphore, #tpu.memory_space<semaphore_mem>>
      %dma_start3A_301 = tpu.memref_squeeze %dma_start3A_300 : memref<1x!tpu.dma_semaphore, #tpu.memory_space<semaphore_mem>> -> memref<!tpu.dma_semaphore, #tpu.memory_space<semaphore_mem>>
      tpu.enqueue_indirect_dma source(%dma_start3A_299 : memref<20000x128xf32, #tpu.memory_space<hbm>>) target(%dma_start3A_293 : memref<128x128xf32, #tpu.memory_space<vmem>>) offsets(%dma_start3A_296 : memref<128xi32, #tpu.memory_space<vmem>>) semaphore(%dma_start3A_301 : memref<!tpu.dma_semaphore, #tpu.memory_space<semaphore_mem>>)
      %dma_wait3A_302 = arith.constant 1 : i32
      %dma_wait3A_303 = arith.constant 1 : i32
      %dma_wait3A_304 = arith.constant 0 : i32
      %dma_wait3A_305 = arith.constant 0 : i32
      %dma_wait3A_306 = tpu.memref_slice %arg10[%dma_wait3A_302, %dma_wait3A_304, %dma_wait3A_305] : memref<2x128x128xf32, #tpu.memory_space<vmem>> -> memref<1x128x128xf32, #tpu.memory_space<vmem>>
      %dma_wait3A_307 = tpu.memref_squeeze %dma_wait3A_306 : memref<1x128x128xf32, #tpu.memory_space<vmem>> -> memref<128x128xf32, #tpu.memory_space<vmem>>
      %dma_wait3A_308 = arith.constant 0 : i32
      %dma_wait3A_309 = arith.constant 0 : i32
      %dma_wait3A_310 = tpu.memref_slice %arg2[%dma_wait3A_308, %dma_wait3A_309] : memref<20000x128xf32, #tpu.memory_space<hbm>> -> memref<128x128xf32, #tpu.memory_space<hbm>>
      %dma_wait3A_311 = tpu.memref_slice %arg11[%dma_wait3A_303] : memref<2x!tpu.dma_semaphore, #tpu.memory_space<semaphore_mem>> -> memref<1x!tpu.dma_semaphore, #tpu.memory_space<semaphore_mem>>
      %dma_wait3A_312 = tpu.memref_squeeze %dma_wait3A_311 : memref<1x!tpu.dma_semaphore, #tpu.memory_space<semaphore_mem>> -> memref<!tpu.dma_semaphore, #tpu.memory_space<semaphore_mem>>
      %dma_wait3A_313 = arith.constant 0 : i32
      %dma_wait3A_314 = arith.constant 0 : i32
      %dma_wait3A_315 = tpu.memref_slice %arg10[%dma_wait3A_302, %dma_wait3A_313, %dma_wait3A_314] : memref<2x128x128xf32, #tpu.memory_space<vmem>> -> memref<1x128x128xf32, #tpu.memory_space<vmem>>
      %dma_wait3A_316 = tpu.memref_squeeze %dma_wait3A_315 : memref<1x128x128xf32, #tpu.memory_space<vmem>> -> memref<128x128xf32, #tpu.memory_space<vmem>>
      %dma_wait3A_317 = arith.constant 0 : i32
      %dma_wait3A_318 = arith.constant 0 : i32
      %dma_wait3A_319 = tpu.memref_slice %arg2[%dma_wait3A_317, %dma_wait3A_318] : memref<20000x128xf32, #tpu.memory_space<hbm>> -> memref<128x128xf32, #tpu.memory_space<hbm>>
      tpu.wait_dma2 semaphore(%dma_wait3A_312 : memref<!tpu.dma_semaphore, #tpu.memory_space<semaphore_mem>>) src(%dma_wait3A_319 : memref<128x128xf32, #tpu.memory_space<hbm>>) dst(%dma_wait3A_316 : memref<128x128xf32, #tpu.memory_space<vmem>>)
      %dma_start3A_320 = arith.constant 1 : i32
      %dma_start3A_321 = arith.constant 0 : i32
      %dma_start3A_322 = arith.constant 3 : i32
      %dma_start3A_323 = arith.constant 1 : i32
      %dma_start3A_324 = arith.constant 0 : i32
      %dma_start3A_325 = arith.constant 0 : i32
      %dma_start3A_326 = tpu.memref_slice %arg10[%dma_start3A_320, %dma_start3A_324, %dma_start3A_325] : memref<2x128x128xf32, #tpu.memory_space<vmem>> -> memref<1x128x128xf32, #tpu.memory_space<vmem>>
      %dma_start3A_327 = tpu.memref_squeeze %dma_start3A_326 : memref<1x128x128xf32, #tpu.memory_space<vmem>> -> memref<128x128xf32, #tpu.memory_space<vmem>>
      %dma_start3A_328 = arith.constant 0 : i32
      %dma_start3A_329 = tpu.memref_slice %arg9[%dma_start3A_321, %dma_start3A_322, %dma_start3A_328] : memref<2x8x128xi32, #tpu.memory_space<vmem>> -> memref<1x1x128xi32, #tpu.memory_space<vmem>>
      %dma_start3A_330 = tpu.memref_squeeze %dma_start3A_329 : memref<1x1x128xi32, #tpu.memory_space<vmem>> -> memref<128xi32, #tpu.memory_space<vmem>>
      %dma_start3A_331 = arith.constant 0 : i32
      %dma_start3A_332 = arith.constant 0 : i32
      %dma_start3A_333 = tpu.memref_slice %arg7[%dma_start3A_331, %dma_start3A_332] : memref<10008x128xf32, #tpu.memory_space<vmem_shared>> -> memref<10008x128xf32, #tpu.memory_space<vmem_shared>>
      %dma_start3A_334 = tpu.memref_slice %arg12[%dma_start3A_323] : memref<2x!tpu.dma_semaphore, #tpu.memory_space<semaphore_mem>> -> memref<1x!tpu.dma_semaphore, #tpu.memory_space<semaphore_mem>>
      %dma_start3A_335 = tpu.memref_squeeze %dma_start3A_334 : memref<1x!tpu.dma_semaphore, #tpu.memory_space<semaphore_mem>> -> memref<!tpu.dma_semaphore, #tpu.memory_space<semaphore_mem>>
      tpu.enqueue_indirect_dma source(%dma_start3A_327 : memref<128x128xf32, #tpu.memory_space<vmem>>) target(%dma_start3A_333 : memref<10008x128xf32, #tpu.memory_space<vmem_shared>>) offsets(%dma_start3A_330 : memref<128xi32, #tpu.memory_space<vmem>>) semaphore(%dma_start3A_335 : memref<!tpu.dma_semaphore, #tpu.memory_space<semaphore_mem>>) {add = true}
      %dma_wait3A_336 = arith.constant 1 : i32
      %dma_wait3A_337 = arith.constant 0 : i32
      %dma_wait3A_338 = arith.constant 3 : i32
      %dma_wait3A_339 = arith.constant 1 : i32
      %dma_wait3A_340 = arith.constant 0 : i32
      %dma_wait3A_341 = arith.constant 0 : i32
      %dma_wait3A_342 = tpu.memref_slice %arg10[%dma_wait3A_336, %dma_wait3A_340, %dma_wait3A_341] : memref<2x128x128xf32, #tpu.memory_space<vmem>> -> memref<1x128x128xf32, #tpu.memory_space<vmem>>
      %dma_wait3A_343 = tpu.memref_squeeze %dma_wait3A_342 : memref<1x128x128xf32, #tpu.memory_space<vmem>> -> memref<128x128xf32, #tpu.memory_space<vmem>>
      %dma_wait3A_344 = arith.constant 0 : i32
      %dma_wait3A_345 = tpu.memref_slice %arg9[%dma_wait3A_337, %dma_wait3A_338, %dma_wait3A_344] : memref<2x8x128xi32, #tpu.memory_space<vmem>> -> memref<1x1x128xi32, #tpu.memory_space<vmem>>
      %dma_wait3A_346 = tpu.memref_squeeze %dma_wait3A_345 : memref<1x1x128xi32, #tpu.memory_space<vmem>> -> memref<128xi32, #tpu.memory_space<vmem>>
      %dma_wait3A_347 = arith.constant 0 : i32
      %dma_wait3A_348 = arith.constant 0 : i32
      %dma_wait3A_349 = tpu.memref_slice %arg7[%dma_wait3A_347, %dma_wait3A_348] : memref<10008x128xf32, #tpu.memory_space<vmem_shared>> -> memref<10008x128xf32, #tpu.memory_space<vmem_shared>>
      %dma_wait3A_350 = tpu.memref_slice %arg12[%dma_wait3A_339] : memref<2x!tpu.dma_semaphore, #tpu.memory_space<semaphore_mem>> -> memref<1x!tpu.dma_semaphore, #tpu.memory_space<semaphore_mem>>
      %dma_wait3A_351 = tpu.memref_squeeze %dma_wait3A_350 : memref<1x!tpu.dma_semaphore, #tpu.memory_space<semaphore_mem>> -> memref<!tpu.dma_semaphore, #tpu.memory_space<semaphore_mem>>
      tpu.wait_indirect_dma semaphore(%dma_wait3A_351 : memref<!tpu.dma_semaphore, #tpu.memory_space<semaphore_mem>>) src(%dma_wait3A_343 : memref<128x128xf32, #tpu.memory_space<vmem>>) dst(%dma_wait3A_349 : memref<10008x128xf32, #tpu.memory_space<vmem_shared>>)
      %dma_start3A_352 = arith.constant 0 : i32
      %dma_start3A_353 = arith.constant 5 : i32
      %dma_start3A_354 = arith.constant 1 : i32
      %dma_start3A_355 = arith.constant 1 : i32
      %dma_start3A_356 = arith.constant 0 : i32
      %dma_start3A_357 = arith.constant 0 : i32
      %dma_start3A_358 = tpu.memref_slice %arg10[%dma_start3A_354, %dma_start3A_356, %dma_start3A_357] : memref<2x128x128xf32, #tpu.memory_space<vmem>> -> memref<1x128x128xf32, #tpu.memory_space<vmem>>
      %dma_start3A_359 = tpu.memref_squeeze %dma_start3A_358 : memref<1x128x128xf32, #tpu.memory_space<vmem>> -> memref<128x128xf32, #tpu.memory_space<vmem>>
      %dma_start3A_360 = arith.constant 0 : i32
      %dma_start3A_361 = tpu.memref_slice %arg8[%dma_start3A_352, %dma_start3A_353, %dma_start3A_360] : memref<2x8x128xi32, #tpu.memory_space<vmem>> -> memref<1x1x128xi32, #tpu.memory_space<vmem>>
      %dma_start3A_362 = tpu.memref_squeeze %dma_start3A_361 : memref<1x1x128xi32, #tpu.memory_space<vmem>> -> memref<128xi32, #tpu.memory_space<vmem>>
      %dma_start3A_363 = arith.constant 0 : i32
      %dma_start3A_364 = arith.constant 0 : i32
      %dma_start3A_365 = tpu.memref_slice %arg2[%dma_start3A_363, %dma_start3A_364] : memref<20000x128xf32, #tpu.memory_space<hbm>> -> memref<20000x128xf32, #tpu.memory_space<hbm>>
      %dma_start3A_366 = tpu.memref_slice %arg11[%dma_start3A_355] : memref<2x!tpu.dma_semaphore, #tpu.memory_space<semaphore_mem>> -> memref<1x!tpu.dma_semaphore, #tpu.memory_space<semaphore_mem>>
      %dma_start3A_367 = tpu.memref_squeeze %dma_start3A_366 : memref<1x!tpu.dma_semaphore, #tpu.memory_space<semaphore_mem>> -> memref<!tpu.dma_semaphore, #tpu.memory_space<semaphore_mem>>
      tpu.enqueue_indirect_dma source(%dma_start3A_365 : memref<20000x128xf32, #tpu.memory_space<hbm>>) target(%dma_start3A_359 : memref<128x128xf32, #tpu.memory_space<vmem>>) offsets(%dma_start3A_362 : memref<128xi32, #tpu.memory_space<vmem>>) semaphore(%dma_start3A_367 : memref<!tpu.dma_semaphore, #tpu.memory_space<semaphore_mem>>)
      %dma_wait3A_368 = arith.constant 0 : i32
      %dma_wait3A_369 = arith.constant 0 : i32
      %dma_wait3A_370 = arith.constant 0 : i32
      %dma_wait3A_371 = arith.constant 0 : i32
      %dma_wait3A_372 = tpu.memref_slice %arg10[%dma_wait3A_368, %dma_wait3A_370, %dma_wait3A_371] : memref<2x128x128xf32, #tpu.memory_space<vmem>> -> memref<1x128x128xf32, #tpu.memory_space<vmem>>
      %dma_wait3A_373 = tpu.memref_squeeze %dma_wait3A_372 : memref<1x128x128xf32, #tpu.memory_space<vmem>> -> memref<128x128xf32, #tpu.memory_space<vmem>>
      %dma_wait3A_374 = arith.constant 0 : i32
      %dma_wait3A_375 = arith.constant 0 : i32
      %dma_wait3A_376 = tpu.memref_slice %arg2[%dma_wait3A_374, %dma_wait3A_375] : memref<20000x128xf32, #tpu.memory_space<hbm>> -> memref<128x128xf32, #tpu.memory_space<hbm>>
      %dma_wait3A_377 = tpu.memref_slice %arg11[%dma_wait3A_369] : memref<2x!tpu.dma_semaphore, #tpu.memory_space<semaphore_mem>> -> memref<1x!tpu.dma_semaphore, #tpu.memory_space<semaphore_mem>>
      %dma_wait3A_378 = tpu.memref_squeeze %dma_wait3A_377 : memref<1x!tpu.dma_semaphore, #tpu.memory_space<semaphore_mem>> -> memref<!tpu.dma_semaphore, #tpu.memory_space<semaphore_mem>>
      %dma_wait3A_379 = arith.constant 0 : i32
      %dma_wait3A_380 = arith.constant 0 : i32
      %dma_wait3A_381 = tpu.memref_slice %arg10[%dma_wait3A_368, %dma_wait3A_379, %dma_wait3A_380] : memref<2x128x128xf32, #tpu.memory_space<vmem>> -> memref<1x128x128xf32, #tpu.memory_space<vmem>>
      %dma_wait3A_382 = tpu.memref_squeeze %dma_wait3A_381 : memref<1x128x128xf32, #tpu.memory_space<vmem>> -> memref<128x128xf32, #tpu.memory_space<vmem>>
      %dma_wait3A_383 = arith.constant 0 : i32
      %dma_wait3A_384 = arith.constant 0 : i32
      %dma_wait3A_385 = tpu.memref_slice %arg2[%dma_wait3A_383, %dma_wait3A_384] : memref<20000x128xf32, #tpu.memory_space<hbm>> -> memref<128x128xf32, #tpu.memory_space<hbm>>
      tpu.wait_dma2 semaphore(%dma_wait3A_378 : memref<!tpu.dma_semaphore, #tpu.memory_space<semaphore_mem>>) src(%dma_wait3A_385 : memref<128x128xf32, #tpu.memory_space<hbm>>) dst(%dma_wait3A_382 : memref<128x128xf32, #tpu.memory_space<vmem>>)
      %dma_start3A_386 = arith.constant 0 : i32
      %dma_start3A_387 = arith.constant 0 : i32
      %dma_start3A_388 = arith.constant 4 : i32
      %dma_start3A_389 = arith.constant 0 : i32
      %dma_start3A_390 = arith.constant 0 : i32
      %dma_start3A_391 = arith.constant 0 : i32
      %dma_start3A_392 = tpu.memref_slice %arg10[%dma_start3A_386, %dma_start3A_390, %dma_start3A_391] : memref<2x128x128xf32, #tpu.memory_space<vmem>> -> memref<1x128x128xf32, #tpu.memory_space<vmem>>
      %dma_start3A_393 = tpu.memref_squeeze %dma_start3A_392 : memref<1x128x128xf32, #tpu.memory_space<vmem>> -> memref<128x128xf32, #tpu.memory_space<vmem>>
      %dma_start3A_394 = arith.constant 0 : i32
      %dma_start3A_395 = tpu.memref_slice %arg9[%dma_start3A_387, %dma_start3A_388, %dma_start3A_394] : memref<2x8x128xi32, #tpu.memory_space<vmem>> -> memref<1x1x128xi32, #tpu.memory_space<vmem>>
      %dma_start3A_396 = tpu.memref_squeeze %dma_start3A_395 : memref<1x1x128xi32, #tpu.memory_space<vmem>> -> memref<128xi32, #tpu.memory_space<vmem>>
      %dma_start3A_397 = arith.constant 0 : i32
      %dma_start3A_398 = arith.constant 0 : i32
      %dma_start3A_399 = tpu.memref_slice %arg7[%dma_start3A_397, %dma_start3A_398] : memref<10008x128xf32, #tpu.memory_space<vmem_shared>> -> memref<10008x128xf32, #tpu.memory_space<vmem_shared>>
      %dma_start3A_400 = tpu.memref_slice %arg12[%dma_start3A_389] : memref<2x!tpu.dma_semaphore, #tpu.memory_space<semaphore_mem>> -> memref<1x!tpu.dma_semaphore, #tpu.memory_space<semaphore_mem>>
      %dma_start3A_401 = tpu.memref_squeeze %dma_start3A_400 : memref<1x!tpu.dma_semaphore, #tpu.memory_space<semaphore_mem>> -> memref<!tpu.dma_semaphore, #tpu.memory_space<semaphore_mem>>
      tpu.enqueue_indirect_dma source(%dma_start3A_393 : memref<128x128xf32, #tpu.memory_space<vmem>>) target(%dma_start3A_399 : memref<10008x128xf32, #tpu.memory_space<vmem_shared>>) offsets(%dma_start3A_396 : memref<128xi32, #tpu.memory_space<vmem>>) semaphore(%dma_start3A_401 : memref<!tpu.dma_semaphore, #tpu.memory_space<semaphore_mem>>) {add = true}
      %dma_wait3A_402 = arith.constant 0 : i32
      %dma_wait3A_403 = arith.constant 0 : i32
      %dma_wait3A_404 = arith.constant 4 : i32
      %dma_wait3A_405 = arith.constant 0 : i32
      %dma_wait3A_406 = arith.constant 0 : i32
      %dma_wait3A_407 = arith.constant 0 : i32
      %dma_wait3A_408 = tpu.memref_slice %arg10[%dma_wait3A_402, %dma_wait3A_406, %dma_wait3A_407] : memref<2x128x128xf32, #tpu.memory_space<vmem>> -> memref<1x128x128xf32, #tpu.memory_space<vmem>>
      %dma_wait3A_409 = tpu.memref_squeeze %dma_wait3A_408 : memref<1x128x128xf32, #tpu.memory_space<vmem>> -> memref<128x128xf32, #tpu.memory_space<vmem>>
      %dma_wait3A_410 = arith.constant 0 : i32
      %dma_wait3A_411 = tpu.memref_slice %arg9[%dma_wait3A_403, %dma_wait3A_404, %dma_wait3A_410] : memref<2x8x128xi32, #tpu.memory_space<vmem>> -> memref<1x1x128xi32, #tpu.memory_space<vmem>>
      %dma_wait3A_412 = tpu.memref_squeeze %dma_wait3A_411 : memref<1x1x128xi32, #tpu.memory_space<vmem>> -> memref<128xi32, #tpu.memory_space<vmem>>
      %dma_wait3A_413 = arith.constant 0 : i32
      %dma_wait3A_414 = arith.constant 0 : i32
      %dma_wait3A_415 = tpu.memref_slice %arg7[%dma_wait3A_413, %dma_wait3A_414] : memref<10008x128xf32, #tpu.memory_space<vmem_shared>> -> memref<10008x128xf32, #tpu.memory_space<vmem_shared>>
      %dma_wait3A_416 = tpu.memref_slice %arg12[%dma_wait3A_405] : memref<2x!tpu.dma_semaphore, #tpu.memory_space<semaphore_mem>> -> memref<1x!tpu.dma_semaphore, #tpu.memory_space<semaphore_mem>>
      %dma_wait3A_417 = tpu.memref_squeeze %dma_wait3A_416 : memref<1x!tpu.dma_semaphore, #tpu.memory_space<semaphore_mem>> -> memref<!tpu.dma_semaphore, #tpu.memory_space<semaphore_mem>>
      tpu.wait_indirect_dma semaphore(%dma_wait3A_417 : memref<!tpu.dma_semaphore, #tpu.memory_space<semaphore_mem>>) src(%dma_wait3A_409 : memref<128x128xf32, #tpu.memory_space<vmem>>) dst(%dma_wait3A_415 : memref<10008x128xf32, #tpu.memory_space<vmem_shared>>)
      %dma_start3A_418 = arith.constant 0 : i32
      %dma_start3A_419 = arith.constant 6 : i32
      %dma_start3A_420 = arith.constant 0 : i32
      %dma_start3A_421 = arith.constant 0 : i32
      %dma_start3A_422 = arith.constant 0 : i32
      %dma_start3A_423 = arith.constant 0 : i32
      %dma_start3A_424 = tpu.memref_slice %arg10[%dma_start3A_420, %dma_start3A_422, %dma_start3A_423] : memref<2x128x128xf32, #tpu.memory_space<vmem>> -> memref<1x128x128xf32, #tpu.memory_space<vmem>>
      %dma_start3A_425 = tpu.memref_squeeze %dma_start3A_424 : memref<1x128x128xf32, #tpu.memory_space<vmem>> -> memref<128x128xf32, #tpu.memory_space<vmem>>
      %dma_start3A_426 = arith.constant 0 : i32
      %dma_start3A_427 = tpu.memref_slice %arg8[%dma_start3A_418, %dma_start3A_419, %dma_start3A_426] : memref<2x8x128xi32, #tpu.memory_space<vmem>> -> memref<1x1x128xi32, #tpu.memory_space<vmem>>
      %dma_start3A_428 = tpu.memref_squeeze %dma_start3A_427 : memref<1x1x128xi32, #tpu.memory_space<vmem>> -> memref<128xi32, #tpu.memory_space<vmem>>
      %dma_start3A_429 = arith.constant 0 : i32
      %dma_start3A_430 = arith.constant 0 : i32
      %dma_start3A_431 = tpu.memref_slice %arg2[%dma_start3A_429, %dma_start3A_430] : memref<20000x128xf32, #tpu.memory_space<hbm>> -> memref<20000x128xf32, #tpu.memory_space<hbm>>
      %dma_start3A_432 = tpu.memref_slice %arg11[%dma_start3A_421] : memref<2x!tpu.dma_semaphore, #tpu.memory_space<semaphore_mem>> -> memref<1x!tpu.dma_semaphore, #tpu.memory_space<semaphore_mem>>
      %dma_start3A_433 = tpu.memref_squeeze %dma_start3A_432 : memref<1x!tpu.dma_semaphore, #tpu.memory_space<semaphore_mem>> -> memref<!tpu.dma_semaphore, #tpu.memory_space<semaphore_mem>>
      tpu.enqueue_indirect_dma source(%dma_start3A_431 : memref<20000x128xf32, #tpu.memory_space<hbm>>) target(%dma_start3A_425 : memref<128x128xf32, #tpu.memory_space<vmem>>) offsets(%dma_start3A_428 : memref<128xi32, #tpu.memory_space<vmem>>) semaphore(%dma_start3A_433 : memref<!tpu.dma_semaphore, #tpu.memory_space<semaphore_mem>>)
      %dma_wait3A_434 = arith.constant 1 : i32
      %dma_wait3A_435 = arith.constant 1 : i32
      %dma_wait3A_436 = arith.constant 0 : i32
      %dma_wait3A_437 = arith.constant 0 : i32
      %dma_wait3A_438 = tpu.memref_slice %arg10[%dma_wait3A_434, %dma_wait3A_436, %dma_wait3A_437] : memref<2x128x128xf32, #tpu.memory_space<vmem>> -> memref<1x128x128xf32, #tpu.memory_space<vmem>>
      %dma_wait3A_439 = tpu.memref_squeeze %dma_wait3A_438 : memref<1x128x128xf32, #tpu.memory_space<vmem>> -> memref<128x128xf32, #tpu.memory_space<vmem>>
      %dma_wait3A_440 = arith.constant 0 : i32
      %dma_wait3A_441 = arith.constant 0 : i32
      %dma_wait3A_442 = tpu.memref_slice %arg2[%dma_wait3A_440, %dma_wait3A_441] : memref<20000x128xf32, #tpu.memory_space<hbm>> -> memref<128x128xf32, #tpu.memory_space<hbm>>
      %dma_wait3A_443 = tpu.memref_slice %arg11[%dma_wait3A_435] : memref<2x!tpu.dma_semaphore, #tpu.memory_space<semaphore_mem>> -> memref<1x!tpu.dma_semaphore, #tpu.memory_space<semaphore_mem>>
      %dma_wait3A_444 = tpu.memref_squeeze %dma_wait3A_443 : memref<1x!tpu.dma_semaphore, #tpu.memory_space<semaphore_mem>> -> memref<!tpu.dma_semaphore, #tpu.memory_space<semaphore_mem>>
      %dma_wait3A_445 = arith.constant 0 : i32
      %dma_wait3A_446 = arith.constant 0 : i32
      %dma_wait3A_447 = tpu.memref_slice %arg10[%dma_wait3A_434, %dma_wait3A_445, %dma_wait3A_446] : memref<2x128x128xf32, #tpu.memory_space<vmem>> -> memref<1x128x128xf32, #tpu.memory_space<vmem>>
      %dma_wait3A_448 = tpu.memref_squeeze %dma_wait3A_447 : memref<1x128x128xf32, #tpu.memory_space<vmem>> -> memref<128x128xf32, #tpu.memory_space<vmem>>
      %dma_wait3A_449 = arith.constant 0 : i32
      %dma_wait3A_450 = arith.constant 0 : i32
      %dma_wait3A_451 = tpu.memref_slice %arg2[%dma_wait3A_449, %dma_wait3A_450] : memref<20000x128xf32, #tpu.memory_space<hbm>> -> memref<128x128xf32, #tpu.memory_space<hbm>>
      tpu.wait_dma2 semaphore(%dma_wait3A_444 : memref<!tpu.dma_semaphore, #tpu.memory_space<semaphore_mem>>) src(%dma_wait3A_451 : memref<128x128xf32, #tpu.memory_space<hbm>>) dst(%dma_wait3A_448 : memref<128x128xf32, #tpu.memory_space<vmem>>)
      %dma_start3A_452 = arith.constant 1 : i32
      %dma_start3A_453 = arith.constant 0 : i32
      %dma_start3A_454 = arith.constant 5 : i32
      %dma_start3A_455 = arith.constant 1 : i32
      %dma_start3A_456 = arith.constant 0 : i32
      %dma_start3A_457 = arith.constant 0 : i32
      %dma_start3A_458 = tpu.memref_slice %arg10[%dma_start3A_452, %dma_start3A_456, %dma_start3A_457] : memref<2x128x128xf32, #tpu.memory_space<vmem>> -> memref<1x128x128xf32, #tpu.memory_space<vmem>>
      %dma_start3A_459 = tpu.memref_squeeze %dma_start3A_458 : memref<1x128x128xf32, #tpu.memory_space<vmem>> -> memref<128x128xf32, #tpu.memory_space<vmem>>
      %dma_start3A_460 = arith.constant 0 : i32
      %dma_start3A_461 = tpu.memref_slice %arg9[%dma_start3A_453, %dma_start3A_454, %dma_start3A_460] : memref<2x8x128xi32, #tpu.memory_space<vmem>> -> memref<1x1x128xi32, #tpu.memory_space<vmem>>
      %dma_start3A_462 = tpu.memref_squeeze %dma_start3A_461 : memref<1x1x128xi32, #tpu.memory_space<vmem>> -> memref<128xi32, #tpu.memory_space<vmem>>
      %dma_start3A_463 = arith.constant 0 : i32
      %dma_start3A_464 = arith.constant 0 : i32
      %dma_start3A_465 = tpu.memref_slice %arg7[%dma_start3A_463, %dma_start3A_464] : memref<10008x128xf32, #tpu.memory_space<vmem_shared>> -> memref<10008x128xf32, #tpu.memory_space<vmem_shared>>
      %dma_start3A_466 = tpu.memref_slice %arg12[%dma_start3A_455] : memref<2x!tpu.dma_semaphore, #tpu.memory_space<semaphore_mem>> -> memref<1x!tpu.dma_semaphore, #tpu.memory_space<semaphore_mem>>
      %dma_start3A_467 = tpu.memref_squeeze %dma_start3A_466 : memref<1x!tpu.dma_semaphore, #tpu.memory_space<semaphore_mem>> -> memref<!tpu.dma_semaphore, #tpu.memory_space<semaphore_mem>>
      tpu.enqueue_indirect_dma source(%dma_start3A_459 : memref<128x128xf32, #tpu.memory_space<vmem>>) target(%dma_start3A_465 : memref<10008x128xf32, #tpu.memory_space<vmem_shared>>) offsets(%dma_start3A_462 : memref<128xi32, #tpu.memory_space<vmem>>) semaphore(%dma_start3A_467 : memref<!tpu.dma_semaphore, #tpu.memory_space<semaphore_mem>>) {add = true}
      %dma_wait3A_468 = arith.constant 1 : i32
      %dma_wait3A_469 = arith.constant 0 : i32
      %dma_wait3A_470 = arith.constant 5 : i32
      %dma_wait3A_471 = arith.constant 1 : i32
      %dma_wait3A_472 = arith.constant 0 : i32
      %dma_wait3A_473 = arith.constant 0 : i32
      %dma_wait3A_474 = tpu.memref_slice %arg10[%dma_wait3A_468, %dma_wait3A_472, %dma_wait3A_473] : memref<2x128x128xf32, #tpu.memory_space<vmem>> -> memref<1x128x128xf32, #tpu.memory_space<vmem>>
      %dma_wait3A_475 = tpu.memref_squeeze %dma_wait3A_474 : memref<1x128x128xf32, #tpu.memory_space<vmem>> -> memref<128x128xf32, #tpu.memory_space<vmem>>
      %dma_wait3A_476 = arith.constant 0 : i32
      %dma_wait3A_477 = tpu.memref_slice %arg9[%dma_wait3A_469, %dma_wait3A_470, %dma_wait3A_476] : memref<2x8x128xi32, #tpu.memory_space<vmem>> -> memref<1x1x128xi32, #tpu.memory_space<vmem>>
      %dma_wait3A_478 = tpu.memref_squeeze %dma_wait3A_477 : memref<1x1x128xi32, #tpu.memory_space<vmem>> -> memref<128xi32, #tpu.memory_space<vmem>>
      %dma_wait3A_479 = arith.constant 0 : i32
      %dma_wait3A_480 = arith.constant 0 : i32
      %dma_wait3A_481 = tpu.memref_slice %arg7[%dma_wait3A_479, %dma_wait3A_480] : memref<10008x128xf32, #tpu.memory_space<vmem_shared>> -> memref<10008x128xf32, #tpu.memory_space<vmem_shared>>
      %dma_wait3A_482 = tpu.memref_slice %arg12[%dma_wait3A_471] : memref<2x!tpu.dma_semaphore, #tpu.memory_space<semaphore_mem>> -> memref<1x!tpu.dma_semaphore, #tpu.memory_space<semaphore_mem>>
      %dma_wait3A_483 = tpu.memref_squeeze %dma_wait3A_482 : memref<1x!tpu.dma_semaphore, #tpu.memory_space<semaphore_mem>> -> memref<!tpu.dma_semaphore, #tpu.memory_space<semaphore_mem>>
      tpu.wait_indirect_dma semaphore(%dma_wait3A_483 : memref<!tpu.dma_semaphore, #tpu.memory_space<semaphore_mem>>) src(%dma_wait3A_475 : memref<128x128xf32, #tpu.memory_space<vmem>>) dst(%dma_wait3A_481 : memref<10008x128xf32, #tpu.memory_space<vmem_shared>>)
      %dma_start3A_484 = arith.constant 0 : i32
      %dma_start3A_485 = arith.constant 7 : i32
      %dma_start3A_486 = arith.constant 1 : i32
      %dma_start3A_487 = arith.constant 1 : i32
      %dma_start3A_488 = arith.constant 0 : i32
      %dma_start3A_489 = arith.constant 0 : i32
      %dma_start3A_490 = tpu.memref_slice %arg10[%dma_start3A_486, %dma_start3A_488, %dma_start3A_489] : memref<2x128x128xf32, #tpu.memory_space<vmem>> -> memref<1x128x128xf32, #tpu.memory_space<vmem>>
      %dma_start3A_491 = tpu.memref_squeeze %dma_start3A_490 : memref<1x128x128xf32, #tpu.memory_space<vmem>> -> memref<128x128xf32, #tpu.memory_space<vmem>>
      %dma_start3A_492 = arith.constant 0 : i32
      %dma_start3A_493 = tpu.memref_slice %arg8[%dma_start3A_484, %dma_start3A_485, %dma_start3A_492] : memref<2x8x128xi32, #tpu.memory_space<vmem>> -> memref<1x1x128xi32, #tpu.memory_space<vmem>>
      %dma_start3A_494 = tpu.memref_squeeze %dma_start3A_493 : memref<1x1x128xi32, #tpu.memory_space<vmem>> -> memref<128xi32, #tpu.memory_space<vmem>>
      %dma_start3A_495 = arith.constant 0 : i32
      %dma_start3A_496 = arith.constant 0 : i32
      %dma_start3A_497 = tpu.memref_slice %arg2[%dma_start3A_495, %dma_start3A_496] : memref<20000x128xf32, #tpu.memory_space<hbm>> -> memref<20000x128xf32, #tpu.memory_space<hbm>>
      %dma_start3A_498 = tpu.memref_slice %arg11[%dma_start3A_487] : memref<2x!tpu.dma_semaphore, #tpu.memory_space<semaphore_mem>> -> memref<1x!tpu.dma_semaphore, #tpu.memory_space<semaphore_mem>>
      %dma_start3A_499 = tpu.memref_squeeze %dma_start3A_498 : memref<1x!tpu.dma_semaphore, #tpu.memory_space<semaphore_mem>> -> memref<!tpu.dma_semaphore, #tpu.memory_space<semaphore_mem>>
      tpu.enqueue_indirect_dma source(%dma_start3A_497 : memref<20000x128xf32, #tpu.memory_space<hbm>>) target(%dma_start3A_491 : memref<128x128xf32, #tpu.memory_space<vmem>>) offsets(%dma_start3A_494 : memref<128xi32, #tpu.memory_space<vmem>>) semaphore(%dma_start3A_499 : memref<!tpu.dma_semaphore, #tpu.memory_space<semaphore_mem>>)
      %dma_wait3A_500 = arith.constant 0 : i32
      %dma_wait3A_501 = arith.constant 0 : i32
      %dma_wait3A_502 = arith.constant 0 : i32
      %dma_wait3A_503 = arith.constant 0 : i32
      %dma_wait3A_504 = tpu.memref_slice %arg10[%dma_wait3A_500, %dma_wait3A_502, %dma_wait3A_503] : memref<2x128x128xf32, #tpu.memory_space<vmem>> -> memref<1x128x128xf32, #tpu.memory_space<vmem>>
      %dma_wait3A_505 = tpu.memref_squeeze %dma_wait3A_504 : memref<1x128x128xf32, #tpu.memory_space<vmem>> -> memref<128x128xf32, #tpu.memory_space<vmem>>
      %dma_wait3A_506 = arith.constant 0 : i32
      %dma_wait3A_507 = arith.constant 0 : i32
      %dma_wait3A_508 = tpu.memref_slice %arg2[%dma_wait3A_506, %dma_wait3A_507] : memref<20000x128xf32, #tpu.memory_space<hbm>> -> memref<128x128xf32, #tpu.memory_space<hbm>>
      %dma_wait3A_509 = tpu.memref_slice %arg11[%dma_wait3A_501] : memref<2x!tpu.dma_semaphore, #tpu.memory_space<semaphore_mem>> -> memref<1x!tpu.dma_semaphore, #tpu.memory_space<semaphore_mem>>
      %dma_wait3A_510 = tpu.memref_squeeze %dma_wait3A_509 : memref<1x!tpu.dma_semaphore, #tpu.memory_space<semaphore_mem>> -> memref<!tpu.dma_semaphore, #tpu.memory_space<semaphore_mem>>
      %dma_wait3A_511 = arith.constant 0 : i32
      %dma_wait3A_512 = arith.constant 0 : i32
      %dma_wait3A_513 = tpu.memref_slice %arg10[%dma_wait3A_500, %dma_wait3A_511, %dma_wait3A_512] : memref<2x128x128xf32, #tpu.memory_space<vmem>> -> memref<1x128x128xf32, #tpu.memory_space<vmem>>
      %dma_wait3A_514 = tpu.memref_squeeze %dma_wait3A_513 : memref<1x128x128xf32, #tpu.memory_space<vmem>> -> memref<128x128xf32, #tpu.memory_space<vmem>>
      %dma_wait3A_515 = arith.constant 0 : i32
      %dma_wait3A_516 = arith.constant 0 : i32
      %dma_wait3A_517 = tpu.memref_slice %arg2[%dma_wait3A_515, %dma_wait3A_516] : memref<20000x128xf32, #tpu.memory_space<hbm>> -> memref<128x128xf32, #tpu.memory_space<hbm>>
      tpu.wait_dma2 semaphore(%dma_wait3A_510 : memref<!tpu.dma_semaphore, #tpu.memory_space<semaphore_mem>>) src(%dma_wait3A_517 : memref<128x128xf32, #tpu.memory_space<hbm>>) dst(%dma_wait3A_514 : memref<128x128xf32, #tpu.memory_space<vmem>>)
      %dma_start3A_518 = arith.constant 0 : i32
      %dma_start3A_519 = arith.constant 0 : i32
      %dma_start3A_520 = arith.constant 6 : i32
      %dma_start3A_521 = arith.constant 0 : i32
      %dma_start3A_522 = arith.constant 0 : i32
      %dma_start3A_523 = arith.constant 0 : i32
      %dma_start3A_524 = tpu.memref_slice %arg10[%dma_start3A_518, %dma_start3A_522, %dma_start3A_523] : memref<2x128x128xf32, #tpu.memory_space<vmem>> -> memref<1x128x128xf32, #tpu.memory_space<vmem>>
      %dma_start3A_525 = tpu.memref_squeeze %dma_start3A_524 : memref<1x128x128xf32, #tpu.memory_space<vmem>> -> memref<128x128xf32, #tpu.memory_space<vmem>>
      %dma_start3A_526 = arith.constant 0 : i32
      %dma_start3A_527 = tpu.memref_slice %arg9[%dma_start3A_519, %dma_start3A_520, %dma_start3A_526] : memref<2x8x128xi32, #tpu.memory_space<vmem>> -> memref<1x1x128xi32, #tpu.memory_space<vmem>>
      %dma_start3A_528 = tpu.memref_squeeze %dma_start3A_527 : memref<1x1x128xi32, #tpu.memory_space<vmem>> -> memref<128xi32, #tpu.memory_space<vmem>>
      %dma_start3A_529 = arith.constant 0 : i32
      %dma_start3A_530 = arith.constant 0 : i32
      %dma_start3A_531 = tpu.memref_slice %arg7[%dma_start3A_529, %dma_start3A_530] : memref<10008x128xf32, #tpu.memory_space<vmem_shared>> -> memref<10008x128xf32, #tpu.memory_space<vmem_shared>>
      %dma_start3A_532 = tpu.memref_slice %arg12[%dma_start3A_521] : memref<2x!tpu.dma_semaphore, #tpu.memory_space<semaphore_mem>> -> memref<1x!tpu.dma_semaphore, #tpu.memory_space<semaphore_mem>>
      %dma_start3A_533 = tpu.memref_squeeze %dma_start3A_532 : memref<1x!tpu.dma_semaphore, #tpu.memory_space<semaphore_mem>> -> memref<!tpu.dma_semaphore, #tpu.memory_space<semaphore_mem>>
      tpu.enqueue_indirect_dma source(%dma_start3A_525 : memref<128x128xf32, #tpu.memory_space<vmem>>) target(%dma_start3A_531 : memref<10008x128xf32, #tpu.memory_space<vmem_shared>>) offsets(%dma_start3A_528 : memref<128xi32, #tpu.memory_space<vmem>>) semaphore(%dma_start3A_533 : memref<!tpu.dma_semaphore, #tpu.memory_space<semaphore_mem>>) {add = true}
      %dma_wait3A_534 = arith.constant 0 : i32
      %dma_wait3A_535 = arith.constant 0 : i32
      %dma_wait3A_536 = arith.constant 6 : i32
      %dma_wait3A_537 = arith.constant 0 : i32
      %dma_wait3A_538 = arith.constant 0 : i32
      %dma_wait3A_539 = arith.constant 0 : i32
      %dma_wait3A_540 = tpu.memref_slice %arg10[%dma_wait3A_534, %dma_wait3A_538, %dma_wait3A_539] : memref<2x128x128xf32, #tpu.memory_space<vmem>> -> memref<1x128x128xf32, #tpu.memory_space<vmem>>
      %dma_wait3A_541 = tpu.memref_squeeze %dma_wait3A_540 : memref<1x128x128xf32, #tpu.memory_space<vmem>> -> memref<128x128xf32, #tpu.memory_space<vmem>>
      %dma_wait3A_542 = arith.constant 0 : i32
      %dma_wait3A_543 = tpu.memref_slice %arg9[%dma_wait3A_535, %dma_wait3A_536, %dma_wait3A_542] : memref<2x8x128xi32, #tpu.memory_space<vmem>> -> memref<1x1x128xi32, #tpu.memory_space<vmem>>
      %dma_wait3A_544 = tpu.memref_squeeze %dma_wait3A_543 : memref<1x1x128xi32, #tpu.memory_space<vmem>> -> memref<128xi32, #tpu.memory_space<vmem>>
      %dma_wait3A_545 = arith.constant 0 : i32
      %dma_wait3A_546 = arith.constant 0 : i32
      %dma_wait3A_547 = tpu.memref_slice %arg7[%dma_wait3A_545, %dma_wait3A_546] : memref<10008x128xf32, #tpu.memory_space<vmem_shared>> -> memref<10008x128xf32, #tpu.memory_space<vmem_shared>>
      %dma_wait3A_548 = tpu.memref_slice %arg12[%dma_wait3A_537] : memref<2x!tpu.dma_semaphore, #tpu.memory_space<semaphore_mem>> -> memref<1x!tpu.dma_semaphore, #tpu.memory_space<semaphore_mem>>
      %dma_wait3A_549 = tpu.memref_squeeze %dma_wait3A_548 : memref<1x!tpu.dma_semaphore, #tpu.memory_space<semaphore_mem>> -> memref<!tpu.dma_semaphore, #tpu.memory_space<semaphore_mem>>
      tpu.wait_indirect_dma semaphore(%dma_wait3A_549 : memref<!tpu.dma_semaphore, #tpu.memory_space<semaphore_mem>>) src(%dma_wait3A_541 : memref<128x128xf32, #tpu.memory_space<vmem>>) dst(%dma_wait3A_547 : memref<10008x128xf32, #tpu.memory_space<vmem_shared>>)
      %dma_wait3A_550 = arith.constant 1 : i32
      %dma_wait3A_551 = arith.constant 0 : i32
      %dma_wait3A_552 = arith.constant 0 : i32
      %dma_wait3A_553 = arith.constant 0 : i32
      %dma_wait3A_554 = tpu.memref_slice %arg8[%dma_wait3A_550, %dma_wait3A_552, %dma_wait3A_553] : memref<2x8x128xi32, #tpu.memory_space<vmem>> -> memref<1x8x128xi32, #tpu.memory_space<vmem>>
      %dma_wait3A_555 = tpu.memref_squeeze %dma_wait3A_554 : memref<1x8x128xi32, #tpu.memory_space<vmem>> -> memref<8x128xi32, #tpu.memory_space<vmem>>
      %dma_wait3A_556 = arith.constant 0 : i32
      %dma_wait3A_557 = arith.constant 0 : i32
      %dma_wait3A_558 = tpu.memref_slice %arg3[%arg0, %arg1, %dma_wait3A_556, %dma_wait3A_557] : memref<2x16x160x128xi32, #tpu.memory_space<hbm>> -> memref<1x1x8x128xi32, #tpu.memory_space<hbm>>
      %dma_wait3A_559 = tpu.memref_squeeze %dma_wait3A_558 : memref<1x1x8x128xi32, #tpu.memory_space<hbm>> -> memref<8x128xi32, #tpu.memory_space<hbm>>
      %dma_wait3A_560 = tpu.memref_slice %arg13[%dma_wait3A_551] : memref<2x!tpu.dma_semaphore, #tpu.memory_space<semaphore_mem>> -> memref<1x!tpu.dma_semaphore, #tpu.memory_space<semaphore_mem>>
      %dma_wait3A_561 = tpu.memref_squeeze %dma_wait3A_560 : memref<1x!tpu.dma_semaphore, #tpu.memory_space<semaphore_mem>> -> memref<!tpu.dma_semaphore, #tpu.memory_space<semaphore_mem>>
      %dma_wait3A_562 = arith.constant 0 : i32
      %dma_wait3A_563 = arith.constant 0 : i32
      %dma_wait3A_564 = tpu.memref_slice %arg8[%dma_wait3A_550, %dma_wait3A_562, %dma_wait3A_563] : memref<2x8x128xi32, #tpu.memory_space<vmem>> -> memref<1x8x128xi32, #tpu.memory_space<vmem>>
      %dma_wait3A_565 = tpu.memref_squeeze %dma_wait3A_564 : memref<1x8x128xi32, #tpu.memory_space<vmem>> -> memref<8x128xi32, #tpu.memory_space<vmem>>
      %dma_wait3A_566 = arith.constant 0 : i32
      %dma_wait3A_567 = arith.constant 0 : i32
      %dma_wait3A_568 = tpu.memref_slice %arg3[%arg0, %arg1, %dma_wait3A_566, %dma_wait3A_567] : memref<2x16x160x128xi32, #tpu.memory_space<hbm>> -> memref<1x1x8x128xi32, #tpu.memory_space<hbm>>
      %dma_wait3A_569 = tpu.memref_squeeze %dma_wait3A_568 : memref<1x1x8x128xi32, #tpu.memory_space<hbm>> -> memref<8x128xi32, #tpu.memory_space<hbm>>
      tpu.wait_dma2 semaphore(%dma_wait3A_561 : memref<!tpu.dma_semaphore, #tpu.memory_space<semaphore_mem>>) src(%dma_wait3A_569 : memref<8x128xi32, #tpu.memory_space<hbm>>) dst(%dma_wait3A_565 : memref<8x128xi32, #tpu.memory_space<vmem>>)
      %dma_wait3A_570 = arith.constant 1 : i32
      %dma_wait3A_571 = arith.constant 1 : i32
      %dma_wait3A_572 = arith.constant 0 : i32
      %dma_wait3A_573 = arith.constant 0 : i32
      %dma_wait3A_574 = tpu.memref_slice %arg9[%dma_wait3A_570, %dma_wait3A_572, %dma_wait3A_573] : memref<2x8x128xi32, #tpu.memory_space<vmem>> -> memref<1x8x128xi32, #tpu.memory_space<vmem>>
      %dma_wait3A_575 = tpu.memref_squeeze %dma_wait3A_574 : memref<1x8x128xi32, #tpu.memory_space<vmem>> -> memref<8x128xi32, #tpu.memory_space<vmem>>
      %dma_wait3A_576 = arith.constant 0 : i32
      %dma_wait3A_577 = arith.constant 0 : i32
      %dma_wait3A_578 = tpu.memref_slice %arg4[%arg0, %arg1, %dma_wait3A_576, %dma_wait3A_577] : memref<2x16x160x128xi32, #tpu.memory_space<hbm>> -> memref<1x1x8x128xi32, #tpu.memory_space<hbm>>
      %dma_wait3A_579 = tpu.memref_squeeze %dma_wait3A_578 : memref<1x1x8x128xi32, #tpu.memory_space<hbm>> -> memref<8x128xi32, #tpu.memory_space<hbm>>
      %dma_wait3A_580 = tpu.memref_slice %arg13[%dma_wait3A_571] : memref<2x!tpu.dma_semaphore, #tpu.memory_space<semaphore_mem>> -> memref<1x!tpu.dma_semaphore, #tpu.memory_space<semaphore_mem>>
      %dma_wait3A_581 = tpu.memref_squeeze %dma_wait3A_580 : memref<1x!tpu.dma_semaphore, #tpu.memory_space<semaphore_mem>> -> memref<!tpu.dma_semaphore, #tpu.memory_space<semaphore_mem>>
      %dma_wait3A_582 = arith.constant 0 : i32
      %dma_wait3A_583 = arith.constant 0 : i32
      %dma_wait3A_584 = tpu.memref_slice %arg9[%dma_wait3A_570, %dma_wait3A_582, %dma_wait3A_583] : memref<2x8x128xi32, #tpu.memory_space<vmem>> -> memref<1x8x128xi32, #tpu.memory_space<vmem>>
      %dma_wait3A_585 = tpu.memref_squeeze %dma_wait3A_584 : memref<1x8x128xi32, #tpu.memory_space<vmem>> -> memref<8x128xi32, #tpu.memory_space<vmem>>
      %dma_wait3A_586 = arith.constant 0 : i32
      %dma_wait3A_587 = arith.constant 0 : i32
      %dma_wait3A_588 = tpu.memref_slice %arg4[%arg0, %arg1, %dma_wait3A_586, %dma_wait3A_587] : memref<2x16x160x128xi32, #tpu.memory_space<hbm>> -> memref<1x1x8x128xi32, #tpu.memory_space<hbm>>
      %dma_wait3A_589 = tpu.memref_squeeze %dma_wait3A_588 : memref<1x1x8x128xi32, #tpu.memory_space<hbm>> -> memref<8x128xi32, #tpu.memory_space<hbm>>
      tpu.wait_dma2 semaphore(%dma_wait3A_581 : memref<!tpu.dma_semaphore, #tpu.memory_space<semaphore_mem>>) src(%dma_wait3A_589 : memref<8x128xi32, #tpu.memory_space<hbm>>) dst(%dma_wait3A_585 : memref<8x128xi32, #tpu.memory_space<vmem>>)
      %dma_start3A_590 = arith.constant 1 : i32
      %dma_start3A_591 = arith.constant 0 : i32
      %dma_start3A_592 = arith.constant 0 : i32
      %dma_start3A_593 = arith.constant 0 : i32
      %dma_start3A_594 = arith.constant 0 : i32
      %dma_start3A_595 = arith.constant 0 : i32
      %dma_start3A_596 = tpu.memref_slice %arg10[%dma_start3A_592, %dma_start3A_594, %dma_start3A_595] : memref<2x128x128xf32, #tpu.memory_space<vmem>> -> memref<1x128x128xf32, #tpu.memory_space<vmem>>
      %dma_start3A_597 = tpu.memref_squeeze %dma_start3A_596 : memref<1x128x128xf32, #tpu.memory_space<vmem>> -> memref<128x128xf32, #tpu.memory_space<vmem>>
      %dma_start3A_598 = arith.constant 0 : i32
      %dma_start3A_599 = tpu.memref_slice %arg8[%dma_start3A_590, %dma_start3A_591, %dma_start3A_598] : memref<2x8x128xi32, #tpu.memory_space<vmem>> -> memref<1x1x128xi32, #tpu.memory_space<vmem>>
      %dma_start3A_600 = tpu.memref_squeeze %dma_start3A_599 : memref<1x1x128xi32, #tpu.memory_space<vmem>> -> memref<128xi32, #tpu.memory_space<vmem>>
      %dma_start3A_601 = arith.constant 0 : i32
      %dma_start3A_602 = arith.constant 0 : i32
      %dma_start3A_603 = tpu.memref_slice %arg2[%dma_start3A_601, %dma_start3A_602] : memref<20000x128xf32, #tpu.memory_space<hbm>> -> memref<20000x128xf32, #tpu.memory_space<hbm>>
      %dma_start3A_604 = tpu.memref_slice %arg11[%dma_start3A_593] : memref<2x!tpu.dma_semaphore, #tpu.memory_space<semaphore_mem>> -> memref<1x!tpu.dma_semaphore, #tpu.memory_space<semaphore_mem>>
      %dma_start3A_605 = tpu.memref_squeeze %dma_start3A_604 : memref<1x!tpu.dma_semaphore, #tpu.memory_space<semaphore_mem>> -> memref<!tpu.dma_semaphore, #tpu.memory_space<semaphore_mem>>
      tpu.enqueue_indirect_dma source(%dma_start3A_603 : memref<20000x128xf32, #tpu.memory_space<hbm>>) target(%dma_start3A_597 : memref<128x128xf32, #tpu.memory_space<vmem>>) offsets(%dma_start3A_600 : memref<128xi32, #tpu.memory_space<vmem>>) semaphore(%dma_start3A_605 : memref<!tpu.dma_semaphore, #tpu.memory_space<semaphore_mem>>)
      %dma_wait3A_606 = arith.constant 1 : i32
      %dma_wait3A_607 = arith.constant 1 : i32
      %dma_wait3A_608 = arith.constant 0 : i32
      %dma_wait3A_609 = arith.constant 0 : i32
      %dma_wait3A_610 = tpu.memref_slice %arg10[%dma_wait3A_606, %dma_wait3A_608, %dma_wait3A_609] : memref<2x128x128xf32, #tpu.memory_space<vmem>> -> memref<1x128x128xf32, #tpu.memory_space<vmem>>
      %dma_wait3A_611 = tpu.memref_squeeze %dma_wait3A_610 : memref<1x128x128xf32, #tpu.memory_space<vmem>> -> memref<128x128xf32, #tpu.memory_space<vmem>>
      %dma_wait3A_612 = arith.constant 0 : i32
      %dma_wait3A_613 = arith.constant 0 : i32
      %dma_wait3A_614 = tpu.memref_slice %arg2[%dma_wait3A_612, %dma_wait3A_613] : memref<20000x128xf32, #tpu.memory_space<hbm>> -> memref<128x128xf32, #tpu.memory_space<hbm>>
      %dma_wait3A_615 = tpu.memref_slice %arg11[%dma_wait3A_607] : memref<2x!tpu.dma_semaphore, #tpu.memory_space<semaphore_mem>> -> memref<1x!tpu.dma_semaphore, #tpu.memory_space<semaphore_mem>>
      %dma_wait3A_616 = tpu.memref_squeeze %dma_wait3A_615 : memref<1x!tpu.dma_semaphore, #tpu.memory_space<semaphore_mem>> -> memref<!tpu.dma_semaphore, #tpu.memory_space<semaphore_mem>>
      %dma_wait3A_617 = arith.constant 0 : i32
      %dma_wait3A_618 = arith.constant 0 : i32
      %dma_wait3A_619 = tpu.memref_slice %arg10[%dma_wait3A_606, %dma_wait3A_617, %dma_wait3A_618] : memref<2x128x128xf32, #tpu.memory_space<vmem>> -> memref<1x128x128xf32, #tpu.memory_space<vmem>>
      %dma_wait3A_620 = tpu.memref_squeeze %dma_wait3A_619 : memref<1x128x128xf32, #tpu.memory_space<vmem>> -> memref<128x128xf32, #tpu.memory_space<vmem>>
      %dma_wait3A_621 = arith.constant 0 : i32
      %dma_wait3A_622 = arith.constant 0 : i32
      %dma_wait3A_623 = tpu.memref_slice %arg2[%dma_wait3A_621, %dma_wait3A_622] : memref<20000x128xf32, #tpu.memory_space<hbm>> -> memref<128x128xf32, #tpu.memory_space<hbm>>
      tpu.wait_dma2 semaphore(%dma_wait3A_616 : memref<!tpu.dma_semaphore, #tpu.memory_space<semaphore_mem>>) src(%dma_wait3A_623 : memref<128x128xf32, #tpu.memory_space<hbm>>) dst(%dma_wait3A_620 : memref<128x128xf32, #tpu.memory_space<vmem>>)
      %dma_start3A_624 = arith.constant 1 : i32
      %dma_start3A_625 = arith.constant 0 : i32
      %dma_start3A_626 = arith.constant 7 : i32
      %dma_start3A_627 = arith.constant 1 : i32
      %dma_start3A_628 = arith.constant 0 : i32
      %dma_start3A_629 = arith.constant 0 : i32
      %dma_start3A_630 = tpu.memref_slice %arg10[%dma_start3A_624, %dma_start3A_628, %dma_start3A_629] : memref<2x128x128xf32, #tpu.memory_space<vmem>> -> memref<1x128x128xf32, #tpu.memory_space<vmem>>
      %dma_start3A_631 = tpu.memref_squeeze %dma_start3A_630 : memref<1x128x128xf32, #tpu.memory_space<vmem>> -> memref<128x128xf32, #tpu.memory_space<vmem>>
      %dma_start3A_632 = arith.constant 0 : i32
      %dma_start3A_633 = tpu.memref_slice %arg9[%dma_start3A_625, %dma_start3A_626, %dma_start3A_632] : memref<2x8x128xi32, #tpu.memory_space<vmem>> -> memref<1x1x128xi32, #tpu.memory_space<vmem>>
      %dma_start3A_634 = tpu.memref_squeeze %dma_start3A_633 : memref<1x1x128xi32, #tpu.memory_space<vmem>> -> memref<128xi32, #tpu.memory_space<vmem>>
      %dma_start3A_635 = arith.constant 0 : i32
      %dma_start3A_636 = arith.constant 0 : i32
      %dma_start3A_637 = tpu.memref_slice %arg7[%dma_start3A_635, %dma_start3A_636] : memref<10008x128xf32, #tpu.memory_space<vmem_shared>> -> memref<10008x128xf32, #tpu.memory_space<vmem_shared>>
      %dma_start3A_638 = tpu.memref_slice %arg12[%dma_start3A_627] : memref<2x!tpu.dma_semaphore, #tpu.memory_space<semaphore_mem>> -> memref<1x!tpu.dma_semaphore, #tpu.memory_space<semaphore_mem>>
      %dma_start3A_639 = tpu.memref_squeeze %dma_start3A_638 : memref<1x!tpu.dma_semaphore, #tpu.memory_space<semaphore_mem>> -> memref<!tpu.dma_semaphore, #tpu.memory_space<semaphore_mem>>
      tpu.enqueue_indirect_dma source(%dma_start3A_631 : memref<128x128xf32, #tpu.memory_space<vmem>>) target(%dma_start3A_637 : memref<10008x128xf32, #tpu.memory_space<vmem_shared>>) offsets(%dma_start3A_634 : memref<128xi32, #tpu.memory_space<vmem>>) semaphore(%dma_start3A_639 : memref<!tpu.dma_semaphore, #tpu.memory_space<semaphore_mem>>) {add = true}
      %dma_wait3A_640 = arith.constant 1 : i32
      %dma_wait3A_641 = arith.constant 0 : i32
      %dma_wait3A_642 = arith.constant 7 : i32
      %dma_wait3A_643 = arith.constant 1 : i32
      %dma_wait3A_644 = arith.constant 0 : i32
      %dma_wait3A_645 = arith.constant 0 : i32
      %dma_wait3A_646 = tpu.memref_slice %arg10[%dma_wait3A_640, %dma_wait3A_644, %dma_wait3A_645] : memref<2x128x128xf32, #tpu.memory_space<vmem>> -> memref<1x128x128xf32, #tpu.memory_space<vmem>>
      %dma_wait3A_647 = tpu.memref_squeeze %dma_wait3A_646 : memref<1x128x128xf32, #tpu.memory_space<vmem>> -> memref<128x128xf32, #tpu.memory_space<vmem>>
      %dma_wait3A_648 = arith.constant 0 : i32
      %dma_wait3A_649 = tpu.memref_slice %arg9[%dma_wait3A_641, %dma_wait3A_642, %dma_wait3A_648] : memref<2x8x128xi32, #tpu.memory_space<vmem>> -> memref<1x1x128xi32, #tpu.memory_space<vmem>>
      %dma_wait3A_650 = tpu.memref_squeeze %dma_wait3A_649 : memref<1x1x128xi32, #tpu.memory_space<vmem>> -> memref<128xi32, #tpu.memory_space<vmem>>
      %dma_wait3A_651 = arith.constant 0 : i32
      %dma_wait3A_652 = arith.constant 0 : i32
      %dma_wait3A_653 = tpu.memref_slice %arg7[%dma_wait3A_651, %dma_wait3A_652] : memref<10008x128xf32, #tpu.memory_space<vmem_shared>> -> memref<10008x128xf32, #tpu.memory_space<vmem_shared>>
      %dma_wait3A_654 = tpu.memref_slice %arg12[%dma_wait3A_643] : memref<2x!tpu.dma_semaphore, #tpu.memory_space<semaphore_mem>> -> memref<1x!tpu.dma_semaphore, #tpu.memory_space<semaphore_mem>>
      %dma_wait3A_655 = tpu.memref_squeeze %dma_wait3A_654 : memref<1x!tpu.dma_semaphore, #tpu.memory_space<semaphore_mem>> -> memref<!tpu.dma_semaphore, #tpu.memory_space<semaphore_mem>>
      tpu.wait_indirect_dma semaphore(%dma_wait3A_655 : memref<!tpu.dma_semaphore, #tpu.memory_space<semaphore_mem>>) src(%dma_wait3A_647 : memref<128x128xf32, #tpu.memory_space<vmem>>) dst(%dma_wait3A_653 : memref<10008x128xf32, #tpu.memory_space<vmem_shared>>)
      %dma_start3A_656 = arith.constant 1 : i32
      %dma_start3A_657 = arith.constant 1 : i32
      %dma_start3A_658 = arith.constant 1 : i32
      %dma_start3A_659 = arith.constant 1 : i32
      %dma_start3A_660 = arith.constant 0 : i32
      %dma_start3A_661 = arith.constant 0 : i32
      %dma_start3A_662 = tpu.memref_slice %arg10[%dma_start3A_658, %dma_start3A_660, %dma_start3A_661] : memref<2x128x128xf32, #tpu.memory_space<vmem>> -> memref<1x128x128xf32, #tpu.memory_space<vmem>>
      %dma_start3A_663 = tpu.memref_squeeze %dma_start3A_662 : memref<1x128x128xf32, #tpu.memory_space<vmem>> -> memref<128x128xf32, #tpu.memory_space<vmem>>
      %dma_start3A_664 = arith.constant 0 : i32
      %dma_start3A_665 = tpu.memref_slice %arg8[%dma_start3A_656, %dma_start3A_657, %dma_start3A_664] : memref<2x8x128xi32, #tpu.memory_space<vmem>> -> memref<1x1x128xi32, #tpu.memory_space<vmem>>
      %dma_start3A_666 = tpu.memref_squeeze %dma_start3A_665 : memref<1x1x128xi32, #tpu.memory_space<vmem>> -> memref<128xi32, #tpu.memory_space<vmem>>
      %dma_start3A_667 = arith.constant 0 : i32
      %dma_start3A_668 = arith.constant 0 : i32
      %dma_start3A_669 = tpu.memref_slice %arg2[%dma_start3A_667, %dma_start3A_668] : memref<20000x128xf32, #tpu.memory_space<hbm>> -> memref<20000x128xf32, #tpu.memory_space<hbm>>
      %dma_start3A_670 = tpu.memref_slice %arg11[%dma_start3A_659] : memref<2x!tpu.dma_semaphore, #tpu.memory_space<semaphore_mem>> -> memref<1x!tpu.dma_semaphore, #tpu.memory_space<semaphore_mem>>
      %dma_start3A_671 = tpu.memref_squeeze %dma_start3A_670 : memref<1x!tpu.dma_semaphore, #tpu.memory_space<semaphore_mem>> -> memref<!tpu.dma_semaphore, #tpu.memory_space<semaphore_mem>>
      tpu.enqueue_indirect_dma source(%dma_start3A_669 : memref<20000x128xf32, #tpu.memory_space<hbm>>) target(%dma_start3A_663 : memref<128x128xf32, #tpu.memory_space<vmem>>) offsets(%dma_start3A_666 : memref<128xi32, #tpu.memory_space<vmem>>) semaphore(%dma_start3A_671 : memref<!tpu.dma_semaphore, #tpu.memory_space<semaphore_mem>>)
      %mul3A_672 = arith.constant 2 : i32
      %mul3A_673 = arith.muli %mul3A_672, %scan3A_57 : i32
      %add3A_674 = arith.constant 1 : i32
      %add3A_675 = arith.addi %mul3A_673, %add3A_674 : i32
      %lt3A_676 = arith.constant 9 : i32
      %lt3A_677 = arith.cmpi slt, %scan3A_57, %lt3A_676 : i32
      %convert_element_type3A_678 = arith.extui %lt3A_677 : i1 to i32
      %cond3A_679 = arith.constant 0 : i32
      %cond3A_680 = arith.cmpi ne, %convert_element_type3A_678, %cond3A_679 : i32
      scf.if %cond3A_680 {
        %add3A_1186 = arith.constant 1 : i32
        %add3A_1187 = arith.addi %add3A_675, %add3A_1186 : i32
        %mul3A_1188 = arith.constant 8 : i32
        %mul3A_1189 = arith.muli %add3A_1187, %mul3A_1188 : i32
        %dma_start3A_1190 = arith.constant 0 : i32
        %dma_start3A_1191 = arith.constant 0 : i32
        %dma_start3A_1192 = arith.constant 0 : i32
        %dma_start3A_1193 = arith.constant 0 : i32
        %dma_start3A_1194 = tpu.memref_slice %arg8[%dma_start3A_1190, %dma_start3A_1192, %dma_start3A_1193] : memref<2x8x128xi32, #tpu.memory_space<vmem>> -> memref<1x8x128xi32, #tpu.memory_space<vmem>>
        %dma_start3A_1195 = tpu.memref_squeeze %dma_start3A_1194 : memref<1x8x128xi32, #tpu.memory_space<vmem>> -> memref<8x128xi32, #tpu.memory_space<vmem>>
        %dma_start3A_1196 = arith.constant 0 : i32
        %dma_start3A_1197 = tpu.memref_slice %arg3[%arg0, %arg1, %mul3A_1189, %dma_start3A_1196] : memref<2x16x160x128xi32, #tpu.memory_space<hbm>> -> memref<1x1x8x128xi32, #tpu.memory_space<hbm>>
        %dma_start3A_1198 = tpu.memref_squeeze %dma_start3A_1197 : memref<1x1x8x128xi32, #tpu.memory_space<hbm>> -> memref<8x128xi32, #tpu.memory_space<hbm>>
        %dma_start3A_1199 = tpu.memref_slice %arg13[%dma_start3A_1191] : memref<2x!tpu.dma_semaphore, #tpu.memory_space<semaphore_mem>> -> memref<1x!tpu.dma_semaphore, #tpu.memory_space<semaphore_mem>>
        %dma_start3A_1200 = tpu.memref_squeeze %dma_start3A_1199 : memref<1x!tpu.dma_semaphore, #tpu.memory_space<semaphore_mem>> -> memref<!tpu.dma_semaphore, #tpu.memory_space<semaphore_mem>>
        %dma_start3A_1201 = arith.constant 0 : i32
        %dma_start3A_1202 = arith.constant 0 : i32
        %dma_start3A_1203 = tpu.memref_slice %arg8[%dma_start3A_1190, %dma_start3A_1201, %dma_start3A_1202] : memref<2x8x128xi32, #tpu.memory_space<vmem>> -> memref<1x8x128xi32, #tpu.memory_space<vmem>>
        %dma_start3A_1204 = tpu.memref_squeeze %dma_start3A_1203 : memref<1x8x128xi32, #tpu.memory_space<vmem>> -> memref<8x128xi32, #tpu.memory_space<vmem>>
        %dma_start3A_1205 = arith.constant 0 : i32
        %dma_start3A_1206 = tpu.memref_slice %arg3[%arg0, %arg1, %mul3A_1189, %dma_start3A_1205] : memref<2x16x160x128xi32, #tpu.memory_space<hbm>> -> memref<1x1x8x128xi32, #tpu.memory_space<hbm>>
        %dma_start3A_1207 = tpu.memref_squeeze %dma_start3A_1206 : memref<1x1x8x128xi32, #tpu.memory_space<hbm>> -> memref<8x128xi32, #tpu.memory_space<hbm>>
        tpu.enqueue_dma source(%dma_start3A_1207 : memref<8x128xi32, #tpu.memory_space<hbm>>) target(%dma_start3A_1204 : memref<8x128xi32, #tpu.memory_space<vmem>>) target_semaphore(%dma_start3A_1200 : memref<!tpu.dma_semaphore, #tpu.memory_space<semaphore_mem>>)
        %add3A_1208 = arith.constant 1 : i32
        %add3A_1209 = arith.addi %add3A_675, %add3A_1208 : i32
        %mul3A_1210 = arith.constant 8 : i32
        %mul3A_1211 = arith.muli %add3A_1209, %mul3A_1210 : i32
        %dma_start3A_1212 = arith.constant 0 : i32
        %dma_start3A_1213 = arith.constant 1 : i32
        %dma_start3A_1214 = arith.constant 0 : i32
        %dma_start3A_1215 = arith.constant 0 : i32
        %dma_start3A_1216 = tpu.memref_slice %arg9[%dma_start3A_1212, %dma_start3A_1214, %dma_start3A_1215] : memref<2x8x128xi32, #tpu.memory_space<vmem>> -> memref<1x8x128xi32, #tpu.memory_space<vmem>>
        %dma_start3A_1217 = tpu.memref_squeeze %dma_start3A_1216 : memref<1x8x128xi32, #tpu.memory_space<vmem>> -> memref<8x128xi32, #tpu.memory_space<vmem>>
        %dma_start3A_1218 = arith.constant 0 : i32
        %dma_start3A_1219 = tpu.memref_slice %arg4[%arg0, %arg1, %mul3A_1211, %dma_start3A_1218] : memref<2x16x160x128xi32, #tpu.memory_space<hbm>> -> memref<1x1x8x128xi32, #tpu.memory_space<hbm>>
        %dma_start3A_1220 = tpu.memref_squeeze %dma_start3A_1219 : memref<1x1x8x128xi32, #tpu.memory_space<hbm>> -> memref<8x128xi32, #tpu.memory_space<hbm>>
        %dma_start3A_1221 = tpu.memref_slice %arg13[%dma_start3A_1213] : memref<2x!tpu.dma_semaphore, #tpu.memory_space<semaphore_mem>> -> memref<1x!tpu.dma_semaphore, #tpu.memory_space<semaphore_mem>>
        %dma_start3A_1222 = tpu.memref_squeeze %dma_start3A_1221 : memref<1x!tpu.dma_semaphore, #tpu.memory_space<semaphore_mem>> -> memref<!tpu.dma_semaphore, #tpu.memory_space<semaphore_mem>>
        %dma_start3A_1223 = arith.constant 0 : i32
        %dma_start3A_1224 = arith.constant 0 : i32
        %dma_start3A_1225 = tpu.memref_slice %arg9[%dma_start3A_1212, %dma_start3A_1223, %dma_start3A_1224] : memref<2x8x128xi32, #tpu.memory_space<vmem>> -> memref<1x8x128xi32, #tpu.memory_space<vmem>>
        %dma_start3A_1226 = tpu.memref_squeeze %dma_start3A_1225 : memref<1x8x128xi32, #tpu.memory_space<vmem>> -> memref<8x128xi32, #tpu.memory_space<vmem>>
        %dma_start3A_1227 = arith.constant 0 : i32
        %dma_start3A_1228 = tpu.memref_slice %arg4[%arg0, %arg1, %mul3A_1211, %dma_start3A_1227] : memref<2x16x160x128xi32, #tpu.memory_space<hbm>> -> memref<1x1x8x128xi32, #tpu.memory_space<hbm>>
        %dma_start3A_1229 = tpu.memref_squeeze %dma_start3A_1228 : memref<1x1x8x128xi32, #tpu.memory_space<hbm>> -> memref<8x128xi32, #tpu.memory_space<hbm>>
        tpu.enqueue_dma source(%dma_start3A_1229 : memref<8x128xi32, #tpu.memory_space<hbm>>) target(%dma_start3A_1226 : memref<8x128xi32, #tpu.memory_space<vmem>>) target_semaphore(%dma_start3A_1222 : memref<!tpu.dma_semaphore, #tpu.memory_space<semaphore_mem>>)
      } else {
      }
      %dma_wait3A_681 = arith.constant 0 : i32
      %dma_wait3A_682 = arith.constant 0 : i32
      %dma_wait3A_683 = arith.constant 0 : i32
      %dma_wait3A_684 = arith.constant 0 : i32
      %dma_wait3A_685 = tpu.memref_slice %arg10[%dma_wait3A_681, %dma_wait3A_683, %dma_wait3A_684] : memref<2x128x128xf32, #tpu.memory_space<vmem>> -> memref<1x128x128xf32, #tpu.memory_space<vmem>>
      %dma_wait3A_686 = tpu.memref_squeeze %dma_wait3A_685 : memref<1x128x128xf32, #tpu.memory_space<vmem>> -> memref<128x128xf32, #tpu.memory_space<vmem>>
      %dma_wait3A_687 = arith.constant 0 : i32
      %dma_wait3A_688 = arith.constant 0 : i32
      %dma_wait3A_689 = tpu.memref_slice %arg2[%dma_wait3A_687, %dma_wait3A_688] : memref<20000x128xf32, #tpu.memory_space<hbm>> -> memref<128x128xf32, #tpu.memory_space<hbm>>
      %dma_wait3A_690 = tpu.memref_slice %arg11[%dma_wait3A_682] : memref<2x!tpu.dma_semaphore, #tpu.memory_space<semaphore_mem>> -> memref<1x!tpu.dma_semaphore, #tpu.memory_space<semaphore_mem>>
      %dma_wait3A_691 = tpu.memref_squeeze %dma_wait3A_690 : memref<1x!tpu.dma_semaphore, #tpu.memory_space<semaphore_mem>> -> memref<!tpu.dma_semaphore, #tpu.memory_space<semaphore_mem>>
      %dma_wait3A_692 = arith.constant 0 : i32
      %dma_wait3A_693 = arith.constant 0 : i32
      %dma_wait3A_694 = tpu.memref_slice %arg10[%dma_wait3A_681, %dma_wait3A_692, %dma_wait3A_693] : memref<2x128x128xf32, #tpu.memory_space<vmem>> -> memref<1x128x128xf32, #tpu.memory_space<vmem>>
      %dma_wait3A_695 = tpu.memref_squeeze %dma_wait3A_694 : memref<1x128x128xf32, #tpu.memory_space<vmem>> -> memref<128x128xf32, #tpu.memory_space<vmem>>
      %dma_wait3A_696 = arith.constant 0 : i32
      %dma_wait3A_697 = arith.constant 0 : i32
      %dma_wait3A_698 = tpu.memref_slice %arg2[%dma_wait3A_696, %dma_wait3A_697] : memref<20000x128xf32, #tpu.memory_space<hbm>> -> memref<128x128xf32, #tpu.memory_space<hbm>>
      tpu.wait_dma2 semaphore(%dma_wait3A_691 : memref<!tpu.dma_semaphore, #tpu.memory_space<semaphore_mem>>) src(%dma_wait3A_698 : memref<128x128xf32, #tpu.memory_space<hbm>>) dst(%dma_wait3A_695 : memref<128x128xf32, #tpu.memory_space<vmem>>)
      %dma_start3A_699 = arith.constant 0 : i32
      %dma_start3A_700 = arith.constant 1 : i32
      %dma_start3A_701 = arith.constant 0 : i32
      %dma_start3A_702 = arith.constant 0 : i32
      %dma_start3A_703 = arith.constant 0 : i32
      %dma_start3A_704 = arith.constant 0 : i32
      %dma_start3A_705 = tpu.memref_slice %arg10[%dma_start3A_699, %dma_start3A_703, %dma_start3A_704] : memref<2x128x128xf32, #tpu.memory_space<vmem>> -> memref<1x128x128xf32, #tpu.memory_space<vmem>>
      %dma_start3A_706 = tpu.memref_squeeze %dma_start3A_705 : memref<1x128x128xf32, #tpu.memory_space<vmem>> -> memref<128x128xf32, #tpu.memory_space<vmem>>
      %dma_start3A_707 = arith.constant 0 : i32
      %dma_start3A_708 = tpu.memref_slice %arg9[%dma_start3A_700, %dma_start3A_701, %dma_start3A_707] : memref<2x8x128xi32, #tpu.memory_space<vmem>> -> memref<1x1x128xi32, #tpu.memory_space<vmem>>
      %dma_start3A_709 = tpu.memref_squeeze %dma_start3A_708 : memref<1x1x128xi32, #tpu.memory_space<vmem>> -> memref<128xi32, #tpu.memory_space<vmem>>
      %dma_start3A_710 = arith.constant 0 : i32
      %dma_start3A_711 = arith.constant 0 : i32
      %dma_start3A_712 = tpu.memref_slice %arg7[%dma_start3A_710, %dma_start3A_711] : memref<10008x128xf32, #tpu.memory_space<vmem_shared>> -> memref<10008x128xf32, #tpu.memory_space<vmem_shared>>
      %dma_start3A_713 = tpu.memref_slice %arg12[%dma_start3A_702] : memref<2x!tpu.dma_semaphore, #tpu.memory_space<semaphore_mem>> -> memref<1x!tpu.dma_semaphore, #tpu.memory_space<semaphore_mem>>
      %dma_start3A_714 = tpu.memref_squeeze %dma_start3A_713 : memref<1x!tpu.dma_semaphore, #tpu.memory_space<semaphore_mem>> -> memref<!tpu.dma_semaphore, #tpu.memory_space<semaphore_mem>>
      tpu.enqueue_indirect_dma source(%dma_start3A_706 : memref<128x128xf32, #tpu.memory_space<vmem>>) target(%dma_start3A_712 : memref<10008x128xf32, #tpu.memory_space<vmem_shared>>) offsets(%dma_start3A_709 : memref<128xi32, #tpu.memory_space<vmem>>) semaphore(%dma_start3A_714 : memref<!tpu.dma_semaphore, #tpu.memory_space<semaphore_mem>>) {add = true}
      %dma_wait3A_715 = arith.constant 0 : i32
      %dma_wait3A_716 = arith.constant 1 : i32
      %dma_wait3A_717 = arith.constant 0 : i32
      %dma_wait3A_718 = arith.constant 0 : i32
      %dma_wait3A_719 = arith.constant 0 : i32
      %dma_wait3A_720 = arith.constant 0 : i32
      %dma_wait3A_721 = tpu.memref_slice %arg10[%dma_wait3A_715, %dma_wait3A_719, %dma_wait3A_720] : memref<2x128x128xf32, #tpu.memory_space<vmem>> -> memref<1x128x128xf32, #tpu.memory_space<vmem>>
      %dma_wait3A_722 = tpu.memref_squeeze %dma_wait3A_721 : memref<1x128x128xf32, #tpu.memory_space<vmem>> -> memref<128x128xf32, #tpu.memory_space<vmem>>
      %dma_wait3A_723 = arith.constant 0 : i32
      %dma_wait3A_724 = tpu.memref_slice %arg9[%dma_wait3A_716, %dma_wait3A_717, %dma_wait3A_723] : memref<2x8x128xi32, #tpu.memory_space<vmem>> -> memref<1x1x128xi32, #tpu.memory_space<vmem>>
      %dma_wait3A_725 = tpu.memref_squeeze %dma_wait3A_724 : memref<1x1x128xi32, #tpu.memory_space<vmem>> -> memref<128xi32, #tpu.memory_space<vmem>>
      %dma_wait3A_726 = arith.constant 0 : i32
      %dma_wait3A_727 = arith.constant 0 : i32
      %dma_wait3A_728 = tpu.memref_slice %arg7[%dma_wait3A_726, %dma_wait3A_727] : memref<10008x128xf32, #tpu.memory_space<vmem_shared>> -> memref<10008x128xf32, #tpu.memory_space<vmem_shared>>
      %dma_wait3A_729 = tpu.memref_slice %arg12[%dma_wait3A_718] : memref<2x!tpu.dma_semaphore, #tpu.memory_space<semaphore_mem>> -> memref<1x!tpu.dma_semaphore, #tpu.memory_space<semaphore_mem>>
      %dma_wait3A_730 = tpu.memref_squeeze %dma_wait3A_729 : memref<1x!tpu.dma_semaphore, #tpu.memory_space<semaphore_mem>> -> memref<!tpu.dma_semaphore, #tpu.memory_space<semaphore_mem>>
      tpu.wait_indirect_dma semaphore(%dma_wait3A_730 : memref<!tpu.dma_semaphore, #tpu.memory_space<semaphore_mem>>) src(%dma_wait3A_722 : memref<128x128xf32, #tpu.memory_space<vmem>>) dst(%dma_wait3A_728 : memref<10008x128xf32, #tpu.memory_space<vmem_shared>>)
      %dma_start3A_731 = arith.constant 1 : i32
      %dma_start3A_732 = arith.constant 2 : i32
      %dma_start3A_733 = arith.constant 0 : i32
      %dma_start3A_734 = arith.constant 0 : i32
      %dma_start3A_735 = arith.constant 0 : i32
      %dma_start3A_736 = arith.constant 0 : i32
      %dma_start3A_737 = tpu.memref_slice %arg10[%dma_start3A_733, %dma_start3A_735, %dma_start3A_736] : memref<2x128x128xf32, #tpu.memory_space<vmem>> -> memref<1x128x128xf32, #tpu.memory_space<vmem>>
      %dma_start3A_738 = tpu.memref_squeeze %dma_start3A_737 : memref<1x128x128xf32, #tpu.memory_space<vmem>> -> memref<128x128xf32, #tpu.memory_space<vmem>>
      %dma_start3A_739 = arith.constant 0 : i32
      %dma_start3A_740 = tpu.memref_slice %arg8[%dma_start3A_731, %dma_start3A_732, %dma_start3A_739] : memref<2x8x128xi32, #tpu.memory_space<vmem>> -> memref<1x1x128xi32, #tpu.memory_space<vmem>>
      %dma_start3A_741 = tpu.memref_squeeze %dma_start3A_740 : memref<1x1x128xi32, #tpu.memory_space<vmem>> -> memref<128xi32, #tpu.memory_space<vmem>>
      %dma_start3A_742 = arith.constant 0 : i32
      %dma_start3A_743 = arith.constant 0 : i32
      %dma_start3A_744 = tpu.memref_slice %arg2[%dma_start3A_742, %dma_start3A_743] : memref<20000x128xf32, #tpu.memory_space<hbm>> -> memref<20000x128xf32, #tpu.memory_space<hbm>>
      %dma_start3A_745 = tpu.memref_slice %arg11[%dma_start3A_734] : memref<2x!tpu.dma_semaphore, #tpu.memory_space<semaphore_mem>> -> memref<1x!tpu.dma_semaphore, #tpu.memory_space<semaphore_mem>>
      %dma_start3A_746 = tpu.memref_squeeze %dma_start3A_745 : memref<1x!tpu.dma_semaphore, #tpu.memory_space<semaphore_mem>> -> memref<!tpu.dma_semaphore, #tpu.memory_space<semaphore_mem>>
      tpu.enqueue_indirect_dma source(%dma_start3A_744 : memref<20000x128xf32, #tpu.memory_space<hbm>>) target(%dma_start3A_738 : memref<128x128xf32, #tpu.memory_space<vmem>>) offsets(%dma_start3A_741 : memref<128xi32, #tpu.memory_space<vmem>>) semaphore(%dma_start3A_746 : memref<!tpu.dma_semaphore, #tpu.memory_space<semaphore_mem>>)
      %dma_wait3A_747 = arith.constant 1 : i32
      %dma_wait3A_748 = arith.constant 1 : i32
      %dma_wait3A_749 = arith.constant 0 : i32
      %dma_wait3A_750 = arith.constant 0 : i32
      %dma_wait3A_751 = tpu.memref_slice %arg10[%dma_wait3A_747, %dma_wait3A_749, %dma_wait3A_750] : memref<2x128x128xf32, #tpu.memory_space<vmem>> -> memref<1x128x128xf32, #tpu.memory_space<vmem>>
      %dma_wait3A_752 = tpu.memref_squeeze %dma_wait3A_751 : memref<1x128x128xf32, #tpu.memory_space<vmem>> -> memref<128x128xf32, #tpu.memory_space<vmem>>
      %dma_wait3A_753 = arith.constant 0 : i32
      %dma_wait3A_754 = arith.constant 0 : i32
      %dma_wait3A_755 = tpu.memref_slice %arg2[%dma_wait3A_753, %dma_wait3A_754] : memref<20000x128xf32, #tpu.memory_space<hbm>> -> memref<128x128xf32, #tpu.memory_space<hbm>>
      %dma_wait3A_756 = tpu.memref_slice %arg11[%dma_wait3A_748] : memref<2x!tpu.dma_semaphore, #tpu.memory_space<semaphore_mem>> -> memref<1x!tpu.dma_semaphore, #tpu.memory_space<semaphore_mem>>
      %dma_wait3A_757 = tpu.memref_squeeze %dma_wait3A_756 : memref<1x!tpu.dma_semaphore, #tpu.memory_space<semaphore_mem>> -> memref<!tpu.dma_semaphore, #tpu.memory_space<semaphore_mem>>
      %dma_wait3A_758 = arith.constant 0 : i32
      %dma_wait3A_759 = arith.constant 0 : i32
      %dma_wait3A_760 = tpu.memref_slice %arg10[%dma_wait3A_747, %dma_wait3A_758, %dma_wait3A_759] : memref<2x128x128xf32, #tpu.memory_space<vmem>> -> memref<1x128x128xf32, #tpu.memory_space<vmem>>
      %dma_wait3A_761 = tpu.memref_squeeze %dma_wait3A_760 : memref<1x128x128xf32, #tpu.memory_space<vmem>> -> memref<128x128xf32, #tpu.memory_space<vmem>>
      %dma_wait3A_762 = arith.constant 0 : i32
      %dma_wait3A_763 = arith.constant 0 : i32
      %dma_wait3A_764 = tpu.memref_slice %arg2[%dma_wait3A_762, %dma_wait3A_763] : memref<20000x128xf32, #tpu.memory_space<hbm>> -> memref<128x128xf32, #tpu.memory_space<hbm>>
      tpu.wait_dma2 semaphore(%dma_wait3A_757 : memref<!tpu.dma_semaphore, #tpu.memory_space<semaphore_mem>>) src(%dma_wait3A_764 : memref<128x128xf32, #tpu.memory_space<hbm>>) dst(%dma_wait3A_761 : memref<128x128xf32, #tpu.memory_space<vmem>>)
      %dma_start3A_765 = arith.constant 1 : i32
      %dma_start3A_766 = arith.constant 1 : i32
      %dma_start3A_767 = arith.constant 1 : i32
      %dma_start3A_768 = arith.constant 1 : i32
      %dma_start3A_769 = arith.constant 0 : i32
      %dma_start3A_770 = arith.constant 0 : i32
      %dma_start3A_771 = tpu.memref_slice %arg10[%dma_start3A_765, %dma_start3A_769, %dma_start3A_770] : memref<2x128x128xf32, #tpu.memory_space<vmem>> -> memref<1x128x128xf32, #tpu.memory_space<vmem>>
      %dma_start3A_772 = tpu.memref_squeeze %dma_start3A_771 : memref<1x128x128xf32, #tpu.memory_space<vmem>> -> memref<128x128xf32, #tpu.memory_space<vmem>>
      %dma_start3A_773 = arith.constant 0 : i32
      %dma_start3A_774 = tpu.memref_slice %arg9[%dma_start3A_766, %dma_start3A_767, %dma_start3A_773] : memref<2x8x128xi32, #tpu.memory_space<vmem>> -> memref<1x1x128xi32, #tpu.memory_space<vmem>>
      %dma_start3A_775 = tpu.memref_squeeze %dma_start3A_774 : memref<1x1x128xi32, #tpu.memory_space<vmem>> -> memref<128xi32, #tpu.memory_space<vmem>>
      %dma_start3A_776 = arith.constant 0 : i32
      %dma_start3A_777 = arith.constant 0 : i32
      %dma_start3A_778 = tpu.memref_slice %arg7[%dma_start3A_776, %dma_start3A_777] : memref<10008x128xf32, #tpu.memory_space<vmem_shared>> -> memref<10008x128xf32, #tpu.memory_space<vmem_shared>>
      %dma_start3A_779 = tpu.memref_slice %arg12[%dma_start3A_768] : memref<2x!tpu.dma_semaphore, #tpu.memory_space<semaphore_mem>> -> memref<1x!tpu.dma_semaphore, #tpu.memory_space<semaphore_mem>>
      %dma_start3A_780 = tpu.memref_squeeze %dma_start3A_779 : memref<1x!tpu.dma_semaphore, #tpu.memory_space<semaphore_mem>> -> memref<!tpu.dma_semaphore, #tpu.memory_space<semaphore_mem>>
      tpu.enqueue_indirect_dma source(%dma_start3A_772 : memref<128x128xf32, #tpu.memory_space<vmem>>) target(%dma_start3A_778 : memref<10008x128xf32, #tpu.memory_space<vmem_shared>>) offsets(%dma_start3A_775 : memref<128xi32, #tpu.memory_space<vmem>>) semaphore(%dma_start3A_780 : memref<!tpu.dma_semaphore, #tpu.memory_space<semaphore_mem>>) {add = true}
      %dma_wait3A_781 = arith.constant 1 : i32
      %dma_wait3A_782 = arith.constant 1 : i32
      %dma_wait3A_783 = arith.constant 1 : i32
      %dma_wait3A_784 = arith.constant 1 : i32
      %dma_wait3A_785 = arith.constant 0 : i32
      %dma_wait3A_786 = arith.constant 0 : i32
      %dma_wait3A_787 = tpu.memref_slice %arg10[%dma_wait3A_781, %dma_wait3A_785, %dma_wait3A_786] : memref<2x128x128xf32, #tpu.memory_space<vmem>> -> memref<1x128x128xf32, #tpu.memory_space<vmem>>
      %dma_wait3A_788 = tpu.memref_squeeze %dma_wait3A_787 : memref<1x128x128xf32, #tpu.memory_space<vmem>> -> memref<128x128xf32, #tpu.memory_space<vmem>>
      %dma_wait3A_789 = arith.constant 0 : i32
      %dma_wait3A_790 = tpu.memref_slice %arg9[%dma_wait3A_782, %dma_wait3A_783, %dma_wait3A_789] : memref<2x8x128xi32, #tpu.memory_space<vmem>> -> memref<1x1x128xi32, #tpu.memory_space<vmem>>
      %dma_wait3A_791 = tpu.memref_squeeze %dma_wait3A_790 : memref<1x1x128xi32, #tpu.memory_space<vmem>> -> memref<128xi32, #tpu.memory_space<vmem>>
      %dma_wait3A_792 = arith.constant 0 : i32
      %dma_wait3A_793 = arith.constant 0 : i32
      %dma_wait3A_794 = tpu.memref_slice %arg7[%dma_wait3A_792, %dma_wait3A_793] : memref<10008x128xf32, #tpu.memory_space<vmem_shared>> -> memref<10008x128xf32, #tpu.memory_space<vmem_shared>>
      %dma_wait3A_795 = tpu.memref_slice %arg12[%dma_wait3A_784] : memref<2x!tpu.dma_semaphore, #tpu.memory_space<semaphore_mem>> -> memref<1x!tpu.dma_semaphore, #tpu.memory_space<semaphore_mem>>
      %dma_wait3A_796 = tpu.memref_squeeze %dma_wait3A_795 : memref<1x!tpu.dma_semaphore, #tpu.memory_space<semaphore_mem>> -> memref<!tpu.dma_semaphore, #tpu.memory_space<semaphore_mem>>
      tpu.wait_indirect_dma semaphore(%dma_wait3A_796 : memref<!tpu.dma_semaphore, #tpu.memory_space<semaphore_mem>>) src(%dma_wait3A_788 : memref<128x128xf32, #tpu.memory_space<vmem>>) dst(%dma_wait3A_794 : memref<10008x128xf32, #tpu.memory_space<vmem_shared>>)
      %dma_start3A_797 = arith.constant 1 : i32
      %dma_start3A_798 = arith.constant 3 : i32
      %dma_start3A_799 = arith.constant 1 : i32
      %dma_start3A_800 = arith.constant 1 : i32
      %dma_start3A_801 = arith.constant 0 : i32
      %dma_start3A_802 = arith.constant 0 : i32
      %dma_start3A_803 = tpu.memref_slice %arg10[%dma_start3A_799, %dma_start3A_801, %dma_start3A_802] : memref<2x128x128xf32, #tpu.memory_space<vmem>> -> memref<1x128x128xf32, #tpu.memory_space<vmem>>
      %dma_start3A_804 = tpu.memref_squeeze %dma_start3A_803 : memref<1x128x128xf32, #tpu.memory_space<vmem>> -> memref<128x128xf32, #tpu.memory_space<vmem>>
      %dma_start3A_805 = arith.constant 0 : i32
      %dma_start3A_806 = tpu.memref_slice %arg8[%dma_start3A_797, %dma_start3A_798, %dma_start3A_805] : memref<2x8x128xi32, #tpu.memory_space<vmem>> -> memref<1x1x128xi32, #tpu.memory_space<vmem>>
      %dma_start3A_807 = tpu.memref_squeeze %dma_start3A_806 : memref<1x1x128xi32, #tpu.memory_space<vmem>> -> memref<128xi32, #tpu.memory_space<vmem>>
      %dma_start3A_808 = arith.constant 0 : i32
      %dma_start3A_809 = arith.constant 0 : i32
      %dma_start3A_810 = tpu.memref_slice %arg2[%dma_start3A_808, %dma_start3A_809] : memref<20000x128xf32, #tpu.memory_space<hbm>> -> memref<20000x128xf32, #tpu.memory_space<hbm>>
      %dma_start3A_811 = tpu.memref_slice %arg11[%dma_start3A_800] : memref<2x!tpu.dma_semaphore, #tpu.memory_space<semaphore_mem>> -> memref<1x!tpu.dma_semaphore, #tpu.memory_space<semaphore_mem>>
      %dma_start3A_812 = tpu.memref_squeeze %dma_start3A_811 : memref<1x!tpu.dma_semaphore, #tpu.memory_space<semaphore_mem>> -> memref<!tpu.dma_semaphore, #tpu.memory_space<semaphore_mem>>
      tpu.enqueue_indirect_dma source(%dma_start3A_810 : memref<20000x128xf32, #tpu.memory_space<hbm>>) target(%dma_start3A_804 : memref<128x128xf32, #tpu.memory_space<vmem>>) offsets(%dma_start3A_807 : memref<128xi32, #tpu.memory_space<vmem>>) semaphore(%dma_start3A_812 : memref<!tpu.dma_semaphore, #tpu.memory_space<semaphore_mem>>)
      %dma_wait3A_813 = arith.constant 0 : i32
      %dma_wait3A_814 = arith.constant 0 : i32
      %dma_wait3A_815 = arith.constant 0 : i32
      %dma_wait3A_816 = arith.constant 0 : i32
      %dma_wait3A_817 = tpu.memref_slice %arg10[%dma_wait3A_813, %dma_wait3A_815, %dma_wait3A_816] : memref<2x128x128xf32, #tpu.memory_space<vmem>> -> memref<1x128x128xf32, #tpu.memory_space<vmem>>
      %dma_wait3A_818 = tpu.memref_squeeze %dma_wait3A_817 : memref<1x128x128xf32, #tpu.memory_space<vmem>> -> memref<128x128xf32, #tpu.memory_space<vmem>>
      %dma_wait3A_819 = arith.constant 0 : i32
      %dma_wait3A_820 = arith.constant 0 : i32
      %dma_wait3A_821 = tpu.memref_slice %arg2[%dma_wait3A_819, %dma_wait3A_820] : memref<20000x128xf32, #tpu.memory_space<hbm>> -> memref<128x128xf32, #tpu.memory_space<hbm>>
      %dma_wait3A_822 = tpu.memref_slice %arg11[%dma_wait3A_814] : memref<2x!tpu.dma_semaphore, #tpu.memory_space<semaphore_mem>> -> memref<1x!tpu.dma_semaphore, #tpu.memory_space<semaphore_mem>>
      %dma_wait3A_823 = tpu.memref_squeeze %dma_wait3A_822 : memref<1x!tpu.dma_semaphore, #tpu.memory_space<semaphore_mem>> -> memref<!tpu.dma_semaphore, #tpu.memory_space<semaphore_mem>>
      %dma_wait3A_824 = arith.constant 0 : i32
      %dma_wait3A_825 = arith.constant 0 : i32
      %dma_wait3A_826 = tpu.memref_slice %arg10[%dma_wait3A_813, %dma_wait3A_824, %dma_wait3A_825] : memref<2x128x128xf32, #tpu.memory_space<vmem>> -> memref<1x128x128xf32, #tpu.memory_space<vmem>>
      %dma_wait3A_827 = tpu.memref_squeeze %dma_wait3A_826 : memref<1x128x128xf32, #tpu.memory_space<vmem>> -> memref<128x128xf32, #tpu.memory_space<vmem>>
      %dma_wait3A_828 = arith.constant 0 : i32
      %dma_wait3A_829 = arith.constant 0 : i32
      %dma_wait3A_830 = tpu.memref_slice %arg2[%dma_wait3A_828, %dma_wait3A_829] : memref<20000x128xf32, #tpu.memory_space<hbm>> -> memref<128x128xf32, #tpu.memory_space<hbm>>
      tpu.wait_dma2 semaphore(%dma_wait3A_823 : memref<!tpu.dma_semaphore, #tpu.memory_space<semaphore_mem>>) src(%dma_wait3A_830 : memref<128x128xf32, #tpu.memory_space<hbm>>) dst(%dma_wait3A_827 : memref<128x128xf32, #tpu.memory_space<vmem>>)
      %dma_start3A_831 = arith.constant 0 : i32
      %dma_start3A_832 = arith.constant 1 : i32
      %dma_start3A_833 = arith.constant 2 : i32
      %dma_start3A_834 = arith.constant 0 : i32
      %dma_start3A_835 = arith.constant 0 : i32
      %dma_start3A_836 = arith.constant 0 : i32
      %dma_start3A_837 = tpu.memref_slice %arg10[%dma_start3A_831, %dma_start3A_835, %dma_start3A_836] : memref<2x128x128xf32, #tpu.memory_space<vmem>> -> memref<1x128x128xf32, #tpu.memory_space<vmem>>
      %dma_start3A_838 = tpu.memref_squeeze %dma_start3A_837 : memref<1x128x128xf32, #tpu.memory_space<vmem>> -> memref<128x128xf32, #tpu.memory_space<vmem>>
      %dma_start3A_839 = arith.constant 0 : i32
      %dma_start3A_840 = tpu.memref_slice %arg9[%dma_start3A_832, %dma_start3A_833, %dma_start3A_839] : memref<2x8x128xi32, #tpu.memory_space<vmem>> -> memref<1x1x128xi32, #tpu.memory_space<vmem>>
      %dma_start3A_841 = tpu.memref_squeeze %dma_start3A_840 : memref<1x1x128xi32, #tpu.memory_space<vmem>> -> memref<128xi32, #tpu.memory_space<vmem>>
      %dma_start3A_842 = arith.constant 0 : i32
      %dma_start3A_843 = arith.constant 0 : i32
      %dma_start3A_844 = tpu.memref_slice %arg7[%dma_start3A_842, %dma_start3A_843] : memref<10008x128xf32, #tpu.memory_space<vmem_shared>> -> memref<10008x128xf32, #tpu.memory_space<vmem_shared>>
      %dma_start3A_845 = tpu.memref_slice %arg12[%dma_start3A_834] : memref<2x!tpu.dma_semaphore, #tpu.memory_space<semaphore_mem>> -> memref<1x!tpu.dma_semaphore, #tpu.memory_space<semaphore_mem>>
      %dma_start3A_846 = tpu.memref_squeeze %dma_start3A_845 : memref<1x!tpu.dma_semaphore, #tpu.memory_space<semaphore_mem>> -> memref<!tpu.dma_semaphore, #tpu.memory_space<semaphore_mem>>
      tpu.enqueue_indirect_dma source(%dma_start3A_838 : memref<128x128xf32, #tpu.memory_space<vmem>>) target(%dma_start3A_844 : memref<10008x128xf32, #tpu.memory_space<vmem_shared>>) offsets(%dma_start3A_841 : memref<128xi32, #tpu.memory_space<vmem>>) semaphore(%dma_start3A_846 : memref<!tpu.dma_semaphore, #tpu.memory_space<semaphore_mem>>) {add = true}
      %dma_wait3A_847 = arith.constant 0 : i32
      %dma_wait3A_848 = arith.constant 1 : i32
      %dma_wait3A_849 = arith.constant 2 : i32
      %dma_wait3A_850 = arith.constant 0 : i32
      %dma_wait3A_851 = arith.constant 0 : i32
      %dma_wait3A_852 = arith.constant 0 : i32
      %dma_wait3A_853 = tpu.memref_slice %arg10[%dma_wait3A_847, %dma_wait3A_851, %dma_wait3A_852] : memref<2x128x128xf32, #tpu.memory_space<vmem>> -> memref<1x128x128xf32, #tpu.memory_space<vmem>>
      %dma_wait3A_854 = tpu.memref_squeeze %dma_wait3A_853 : memref<1x128x128xf32, #tpu.memory_space<vmem>> -> memref<128x128xf32, #tpu.memory_space<vmem>>
      %dma_wait3A_855 = arith.constant 0 : i32
      %dma_wait3A_856 = tpu.memref_slice %arg9[%dma_wait3A_848, %dma_wait3A_849, %dma_wait3A_855] : memref<2x8x128xi32, #tpu.memory_space<vmem>> -> memref<1x1x128xi32, #tpu.memory_space<vmem>>
      %dma_wait3A_857 = tpu.memref_squeeze %dma_wait3A_856 : memref<1x1x128xi32, #tpu.memory_space<vmem>> -> memref<128xi32, #tpu.memory_space<vmem>>
      %dma_wait3A_858 = arith.constant 0 : i32
      %dma_wait3A_859 = arith.constant 0 : i32
      %dma_wait3A_860 = tpu.memref_slice %arg7[%dma_wait3A_858, %dma_wait3A_859] : memref<10008x128xf32, #tpu.memory_space<vmem_shared>> -> memref<10008x128xf32, #tpu.memory_space<vmem_shared>>
      %dma_wait3A_861 = tpu.memref_slice %arg12[%dma_wait3A_850] : memref<2x!tpu.dma_semaphore, #tpu.memory_space<semaphore_mem>> -> memref<1x!tpu.dma_semaphore, #tpu.memory_space<semaphore_mem>>
      %dma_wait3A_862 = tpu.memref_squeeze %dma_wait3A_861 : memref<1x!tpu.dma_semaphore, #tpu.memory_space<semaphore_mem>> -> memref<!tpu.dma_semaphore, #tpu.memory_space<semaphore_mem>>
      tpu.wait_indirect_dma semaphore(%dma_wait3A_862 : memref<!tpu.dma_semaphore, #tpu.memory_space<semaphore_mem>>) src(%dma_wait3A_854 : memref<128x128xf32, #tpu.memory_space<vmem>>) dst(%dma_wait3A_860 : memref<10008x128xf32, #tpu.memory_space<vmem_shared>>)
      %dma_start3A_863 = arith.constant 1 : i32
      %dma_start3A_864 = arith.constant 4 : i32
      %dma_start3A_865 = arith.constant 0 : i32
      %dma_start3A_866 = arith.constant 0 : i32
      %dma_start3A_867 = arith.constant 0 : i32
      %dma_start3A_868 = arith.constant 0 : i32
      %dma_start3A_869 = tpu.memref_slice %arg10[%dma_start3A_865, %dma_start3A_867, %dma_start3A_868] : memref<2x128x128xf32, #tpu.memory_space<vmem>> -> memref<1x128x128xf32, #tpu.memory_space<vmem>>
      %dma_start3A_870 = tpu.memref_squeeze %dma_start3A_869 : memref<1x128x128xf32, #tpu.memory_space<vmem>> -> memref<128x128xf32, #tpu.memory_space<vmem>>
      %dma_start3A_871 = arith.constant 0 : i32
      %dma_start3A_872 = tpu.memref_slice %arg8[%dma_start3A_863, %dma_start3A_864, %dma_start3A_871] : memref<2x8x128xi32, #tpu.memory_space<vmem>> -> memref<1x1x128xi32, #tpu.memory_space<vmem>>
      %dma_start3A_873 = tpu.memref_squeeze %dma_start3A_872 : memref<1x1x128xi32, #tpu.memory_space<vmem>> -> memref<128xi32, #tpu.memory_space<vmem>>
      %dma_start3A_874 = arith.constant 0 : i32
      %dma_start3A_875 = arith.constant 0 : i32
      %dma_start3A_876 = tpu.memref_slice %arg2[%dma_start3A_874, %dma_start3A_875] : memref<20000x128xf32, #tpu.memory_space<hbm>> -> memref<20000x128xf32, #tpu.memory_space<hbm>>
      %dma_start3A_877 = tpu.memref_slice %arg11[%dma_start3A_866] : memref<2x!tpu.dma_semaphore, #tpu.memory_space<semaphore_mem>> -> memref<1x!tpu.dma_semaphore, #tpu.memory_space<semaphore_mem>>
      %dma_start3A_878 = tpu.memref_squeeze %dma_start3A_877 : memref<1x!tpu.dma_semaphore, #tpu.memory_space<semaphore_mem>> -> memref<!tpu.dma_semaphore, #tpu.memory_space<semaphore_mem>>
      tpu.enqueue_indirect_dma source(%dma_start3A_876 : memref<20000x128xf32, #tpu.memory_space<hbm>>) target(%dma_start3A_870 : memref<128x128xf32, #tpu.memory_space<vmem>>) offsets(%dma_start3A_873 : memref<128xi32, #tpu.memory_space<vmem>>) semaphore(%dma_start3A_878 : memref<!tpu.dma_semaphore, #tpu.memory_space<semaphore_mem>>)
      %dma_wait3A_879 = arith.constant 1 : i32
      %dma_wait3A_880 = arith.constant 1 : i32
      %dma_wait3A_881 = arith.constant 0 : i32
      %dma_wait3A_882 = arith.constant 0 : i32
      %dma_wait3A_883 = tpu.memref_slice %arg10[%dma_wait3A_879, %dma_wait3A_881, %dma_wait3A_882] : memref<2x128x128xf32, #tpu.memory_space<vmem>> -> memref<1x128x128xf32, #tpu.memory_space<vmem>>
      %dma_wait3A_884 = tpu.memref_squeeze %dma_wait3A_883 : memref<1x128x128xf32, #tpu.memory_space<vmem>> -> memref<128x128xf32, #tpu.memory_space<vmem>>
      %dma_wait3A_885 = arith.constant 0 : i32
      %dma_wait3A_886 = arith.constant 0 : i32
      %dma_wait3A_887 = tpu.memref_slice %arg2[%dma_wait3A_885, %dma_wait3A_886] : memref<20000x128xf32, #tpu.memory_space<hbm>> -> memref<128x128xf32, #tpu.memory_space<hbm>>
      %dma_wait3A_888 = tpu.memref_slice %arg11[%dma_wait3A_880] : memref<2x!tpu.dma_semaphore, #tpu.memory_space<semaphore_mem>> -> memref<1x!tpu.dma_semaphore, #tpu.memory_space<semaphore_mem>>
      %dma_wait3A_889 = tpu.memref_squeeze %dma_wait3A_888 : memref<1x!tpu.dma_semaphore, #tpu.memory_space<semaphore_mem>> -> memref<!tpu.dma_semaphore, #tpu.memory_space<semaphore_mem>>
      %dma_wait3A_890 = arith.constant 0 : i32
      %dma_wait3A_891 = arith.constant 0 : i32
      %dma_wait3A_892 = tpu.memref_slice %arg10[%dma_wait3A_879, %dma_wait3A_890, %dma_wait3A_891] : memref<2x128x128xf32, #tpu.memory_space<vmem>> -> memref<1x128x128xf32, #tpu.memory_space<vmem>>
      %dma_wait3A_893 = tpu.memref_squeeze %dma_wait3A_892 : memref<1x128x128xf32, #tpu.memory_space<vmem>> -> memref<128x128xf32, #tpu.memory_space<vmem>>
      %dma_wait3A_894 = arith.constant 0 : i32
      %dma_wait3A_895 = arith.constant 0 : i32
      %dma_wait3A_896 = tpu.memref_slice %arg2[%dma_wait3A_894, %dma_wait3A_895] : memref<20000x128xf32, #tpu.memory_space<hbm>> -> memref<128x128xf32, #tpu.memory_space<hbm>>
      tpu.wait_dma2 semaphore(%dma_wait3A_889 : memref<!tpu.dma_semaphore, #tpu.memory_space<semaphore_mem>>) src(%dma_wait3A_896 : memref<128x128xf32, #tpu.memory_space<hbm>>) dst(%dma_wait3A_893 : memref<128x128xf32, #tpu.memory_space<vmem>>)
      %dma_start3A_897 = arith.constant 1 : i32
      %dma_start3A_898 = arith.constant 1 : i32
      %dma_start3A_899 = arith.constant 3 : i32
      %dma_start3A_900 = arith.constant 1 : i32
      %dma_start3A_901 = arith.constant 0 : i32
      %dma_start3A_902 = arith.constant 0 : i32
      %dma_start3A_903 = tpu.memref_slice %arg10[%dma_start3A_897, %dma_start3A_901, %dma_start3A_902] : memref<2x128x128xf32, #tpu.memory_space<vmem>> -> memref<1x128x128xf32, #tpu.memory_space<vmem>>
      %dma_start3A_904 = tpu.memref_squeeze %dma_start3A_903 : memref<1x128x128xf32, #tpu.memory_space<vmem>> -> memref<128x128xf32, #tpu.memory_space<vmem>>
      %dma_start3A_905 = arith.constant 0 : i32
      %dma_start3A_906 = tpu.memref_slice %arg9[%dma_start3A_898, %dma_start3A_899, %dma_start3A_905] : memref<2x8x128xi32, #tpu.memory_space<vmem>> -> memref<1x1x128xi32, #tpu.memory_space<vmem>>
      %dma_start3A_907 = tpu.memref_squeeze %dma_start3A_906 : memref<1x1x128xi32, #tpu.memory_space<vmem>> -> memref<128xi32, #tpu.memory_space<vmem>>
      %dma_start3A_908 = arith.constant 0 : i32
      %dma_start3A_909 = arith.constant 0 : i32
      %dma_start3A_910 = tpu.memref_slice %arg7[%dma_start3A_908, %dma_start3A_909] : memref<10008x128xf32, #tpu.memory_space<vmem_shared>> -> memref<10008x128xf32, #tpu.memory_space<vmem_shared>>
      %dma_start3A_911 = tpu.memref_slice %arg12[%dma_start3A_900] : memref<2x!tpu.dma_semaphore, #tpu.memory_space<semaphore_mem>> -> memref<1x!tpu.dma_semaphore, #tpu.memory_space<semaphore_mem>>
      %dma_start3A_912 = tpu.memref_squeeze %dma_start3A_911 : memref<1x!tpu.dma_semaphore, #tpu.memory_space<semaphore_mem>> -> memref<!tpu.dma_semaphore, #tpu.memory_space<semaphore_mem>>
      tpu.enqueue_indirect_dma source(%dma_start3A_904 : memref<128x128xf32, #tpu.memory_space<vmem>>) target(%dma_start3A_910 : memref<10008x128xf32, #tpu.memory_space<vmem_shared>>) offsets(%dma_start3A_907 : memref<128xi32, #tpu.memory_space<vmem>>) semaphore(%dma_start3A_912 : memref<!tpu.dma_semaphore, #tpu.memory_space<semaphore_mem>>) {add = true}
      %dma_wait3A_913 = arith.constant 1 : i32
      %dma_wait3A_914 = arith.constant 1 : i32
      %dma_wait3A_915 = arith.constant 3 : i32
      %dma_wait3A_916 = arith.constant 1 : i32
      %dma_wait3A_917 = arith.constant 0 : i32
      %dma_wait3A_918 = arith.constant 0 : i32
      %dma_wait3A_919 = tpu.memref_slice %arg10[%dma_wait3A_913, %dma_wait3A_917, %dma_wait3A_918] : memref<2x128x128xf32, #tpu.memory_space<vmem>> -> memref<1x128x128xf32, #tpu.memory_space<vmem>>
      %dma_wait3A_920 = tpu.memref_squeeze %dma_wait3A_919 : memref<1x128x128xf32, #tpu.memory_space<vmem>> -> memref<128x128xf32, #tpu.memory_space<vmem>>
      %dma_wait3A_921 = arith.constant 0 : i32
      %dma_wait3A_922 = tpu.memref_slice %arg9[%dma_wait3A_914, %dma_wait3A_915, %dma_wait3A_921] : memref<2x8x128xi32, #tpu.memory_space<vmem>> -> memref<1x1x128xi32, #tpu.memory_space<vmem>>
      %dma_wait3A_923 = tpu.memref_squeeze %dma_wait3A_922 : memref<1x1x128xi32, #tpu.memory_space<vmem>> -> memref<128xi32, #tpu.memory_space<vmem>>
      %dma_wait3A_924 = arith.constant 0 : i32
      %dma_wait3A_925 = arith.constant 0 : i32
      %dma_wait3A_926 = tpu.memref_slice %arg7[%dma_wait3A_924, %dma_wait3A_925] : memref<10008x128xf32, #tpu.memory_space<vmem_shared>> -> memref<10008x128xf32, #tpu.memory_space<vmem_shared>>
      %dma_wait3A_927 = tpu.memref_slice %arg12[%dma_wait3A_916] : memref<2x!tpu.dma_semaphore, #tpu.memory_space<semaphore_mem>> -> memref<1x!tpu.dma_semaphore, #tpu.memory_space<semaphore_mem>>
      %dma_wait3A_928 = tpu.memref_squeeze %dma_wait3A_927 : memref<1x!tpu.dma_semaphore, #tpu.memory_space<semaphore_mem>> -> memref<!tpu.dma_semaphore, #tpu.memory_space<semaphore_mem>>
      tpu.wait_indirect_dma semaphore(%dma_wait3A_928 : memref<!tpu.dma_semaphore, #tpu.memory_space<semaphore_mem>>) src(%dma_wait3A_920 : memref<128x128xf32, #tpu.memory_space<vmem>>) dst(%dma_wait3A_926 : memref<10008x128xf32, #tpu.memory_space<vmem_shared>>)
      %dma_start3A_929 = arith.constant 1 : i32
      %dma_start3A_930 = arith.constant 5 : i32
      %dma_start3A_931 = arith.constant 1 : i32
      %dma_start3A_932 = arith.constant 1 : i32
      %dma_start3A_933 = arith.constant 0 : i32
      %dma_start3A_934 = arith.constant 0 : i32
      %dma_start3A_935 = tpu.memref_slice %arg10[%dma_start3A_931, %dma_start3A_933, %dma_start3A_934] : memref<2x128x128xf32, #tpu.memory_space<vmem>> -> memref<1x128x128xf32, #tpu.memory_space<vmem>>
      %dma_start3A_936 = tpu.memref_squeeze %dma_start3A_935 : memref<1x128x128xf32, #tpu.memory_space<vmem>> -> memref<128x128xf32, #tpu.memory_space<vmem>>
      %dma_start3A_937 = arith.constant 0 : i32
      %dma_start3A_938 = tpu.memref_slice %arg8[%dma_start3A_929, %dma_start3A_930, %dma_start3A_937] : memref<2x8x128xi32, #tpu.memory_space<vmem>> -> memref<1x1x128xi32, #tpu.memory_space<vmem>>
      %dma_start3A_939 = tpu.memref_squeeze %dma_start3A_938 : memref<1x1x128xi32, #tpu.memory_space<vmem>> -> memref<128xi32, #tpu.memory_space<vmem>>
      %dma_start3A_940 = arith.constant 0 : i32
      %dma_start3A_941 = arith.constant 0 : i32
      %dma_start3A_942 = tpu.memref_slice %arg2[%dma_start3A_940, %dma_start3A_941] : memref<20000x128xf32, #tpu.memory_space<hbm>> -> memref<20000x128xf32, #tpu.memory_space<hbm>>
      %dma_start3A_943 = tpu.memref_slice %arg11[%dma_start3A_932] : memref<2x!tpu.dma_semaphore, #tpu.memory_space<semaphore_mem>> -> memref<1x!tpu.dma_semaphore, #tpu.memory_space<semaphore_mem>>
      %dma_start3A_944 = tpu.memref_squeeze %dma_start3A_943 : memref<1x!tpu.dma_semaphore, #tpu.memory_space<semaphore_mem>> -> memref<!tpu.dma_semaphore, #tpu.memory_space<semaphore_mem>>
      tpu.enqueue_indirect_dma source(%dma_start3A_942 : memref<20000x128xf32, #tpu.memory_space<hbm>>) target(%dma_start3A_936 : memref<128x128xf32, #tpu.memory_space<vmem>>) offsets(%dma_start3A_939 : memref<128xi32, #tpu.memory_space<vmem>>) semaphore(%dma_start3A_944 : memref<!tpu.dma_semaphore, #tpu.memory_space<semaphore_mem>>)
      %dma_wait3A_945 = arith.constant 0 : i32
      %dma_wait3A_946 = arith.constant 0 : i32
      %dma_wait3A_947 = arith.constant 0 : i32
      %dma_wait3A_948 = arith.constant 0 : i32
      %dma_wait3A_949 = tpu.memref_slice %arg10[%dma_wait3A_945, %dma_wait3A_947, %dma_wait3A_948] : memref<2x128x128xf32, #tpu.memory_space<vmem>> -> memref<1x128x128xf32, #tpu.memory_space<vmem>>
      %dma_wait3A_950 = tpu.memref_squeeze %dma_wait3A_949 : memref<1x128x128xf32, #tpu.memory_space<vmem>> -> memref<128x128xf32, #tpu.memory_space<vmem>>
      %dma_wait3A_951 = arith.constant 0 : i32
      %dma_wait3A_952 = arith.constant 0 : i32
      %dma_wait3A_953 = tpu.memref_slice %arg2[%dma_wait3A_951, %dma_wait3A_952] : memref<20000x128xf32, #tpu.memory_space<hbm>> -> memref<128x128xf32, #tpu.memory_space<hbm>>
      %dma_wait3A_954 = tpu.memref_slice %arg11[%dma_wait3A_946] : memref<2x!tpu.dma_semaphore, #tpu.memory_space<semaphore_mem>> -> memref<1x!tpu.dma_semaphore, #tpu.memory_space<semaphore_mem>>
      %dma_wait3A_955 = tpu.memref_squeeze %dma_wait3A_954 : memref<1x!tpu.dma_semaphore, #tpu.memory_space<semaphore_mem>> -> memref<!tpu.dma_semaphore, #tpu.memory_space<semaphore_mem>>
      %dma_wait3A_956 = arith.constant 0 : i32
      %dma_wait3A_957 = arith.constant 0 : i32
      %dma_wait3A_958 = tpu.memref_slice %arg10[%dma_wait3A_945, %dma_wait3A_956, %dma_wait3A_957] : memref<2x128x128xf32, #tpu.memory_space<vmem>> -> memref<1x128x128xf32, #tpu.memory_space<vmem>>
      %dma_wait3A_959 = tpu.memref_squeeze %dma_wait3A_958 : memref<1x128x128xf32, #tpu.memory_space<vmem>> -> memref<128x128xf32, #tpu.memory_space<vmem>>
      %dma_wait3A_960 = arith.constant 0 : i32
      %dma_wait3A_961 = arith.constant 0 : i32
      %dma_wait3A_962 = tpu.memref_slice %arg2[%dma_wait3A_960, %dma_wait3A_961] : memref<20000x128xf32, #tpu.memory_space<hbm>> -> memref<128x128xf32, #tpu.memory_space<hbm>>
      tpu.wait_dma2 semaphore(%dma_wait3A_955 : memref<!tpu.dma_semaphore, #tpu.memory_space<semaphore_mem>>) src(%dma_wait3A_962 : memref<128x128xf32, #tpu.memory_space<hbm>>) dst(%dma_wait3A_959 : memref<128x128xf32, #tpu.memory_space<vmem>>)
      %dma_start3A_963 = arith.constant 0 : i32
      %dma_start3A_964 = arith.constant 1 : i32
      %dma_start3A_965 = arith.constant 4 : i32
      %dma_start3A_966 = arith.constant 0 : i32
      %dma_start3A_967 = arith.constant 0 : i32
      %dma_start3A_968 = arith.constant 0 : i32
      %dma_start3A_969 = tpu.memref_slice %arg10[%dma_start3A_963, %dma_start3A_967, %dma_start3A_968] : memref<2x128x128xf32, #tpu.memory_space<vmem>> -> memref<1x128x128xf32, #tpu.memory_space<vmem>>
      %dma_start3A_970 = tpu.memref_squeeze %dma_start3A_969 : memref<1x128x128xf32, #tpu.memory_space<vmem>> -> memref<128x128xf32, #tpu.memory_space<vmem>>
      %dma_start3A_971 = arith.constant 0 : i32
      %dma_start3A_972 = tpu.memref_slice %arg9[%dma_start3A_964, %dma_start3A_965, %dma_start3A_971] : memref<2x8x128xi32, #tpu.memory_space<vmem>> -> memref<1x1x128xi32, #tpu.memory_space<vmem>>
      %dma_start3A_973 = tpu.memref_squeeze %dma_start3A_972 : memref<1x1x128xi32, #tpu.memory_space<vmem>> -> memref<128xi32, #tpu.memory_space<vmem>>
      %dma_start3A_974 = arith.constant 0 : i32
      %dma_start3A_975 = arith.constant 0 : i32
      %dma_start3A_976 = tpu.memref_slice %arg7[%dma_start3A_974, %dma_start3A_975] : memref<10008x128xf32, #tpu.memory_space<vmem_shared>> -> memref<10008x128xf32, #tpu.memory_space<vmem_shared>>
      %dma_start3A_977 = tpu.memref_slice %arg12[%dma_start3A_966] : memref<2x!tpu.dma_semaphore, #tpu.memory_space<semaphore_mem>> -> memref<1x!tpu.dma_semaphore, #tpu.memory_space<semaphore_mem>>
      %dma_start3A_978 = tpu.memref_squeeze %dma_start3A_977 : memref<1x!tpu.dma_semaphore, #tpu.memory_space<semaphore_mem>> -> memref<!tpu.dma_semaphore, #tpu.memory_space<semaphore_mem>>
      tpu.enqueue_indirect_dma source(%dma_start3A_970 : memref<128x128xf32, #tpu.memory_space<vmem>>) target(%dma_start3A_976 : memref<10008x128xf32, #tpu.memory_space<vmem_shared>>) offsets(%dma_start3A_973 : memref<128xi32, #tpu.memory_space<vmem>>) semaphore(%dma_start3A_978 : memref<!tpu.dma_semaphore, #tpu.memory_space<semaphore_mem>>) {add = true}
      %dma_wait3A_979 = arith.constant 0 : i32
      %dma_wait3A_980 = arith.constant 1 : i32
      %dma_wait3A_981 = arith.constant 4 : i32
      %dma_wait3A_982 = arith.constant 0 : i32
      %dma_wait3A_983 = arith.constant 0 : i32
      %dma_wait3A_984 = arith.constant 0 : i32
      %dma_wait3A_985 = tpu.memref_slice %arg10[%dma_wait3A_979, %dma_wait3A_983, %dma_wait3A_984] : memref<2x128x128xf32, #tpu.memory_space<vmem>> -> memref<1x128x128xf32, #tpu.memory_space<vmem>>
      %dma_wait3A_986 = tpu.memref_squeeze %dma_wait3A_985 : memref<1x128x128xf32, #tpu.memory_space<vmem>> -> memref<128x128xf32, #tpu.memory_space<vmem>>
      %dma_wait3A_987 = arith.constant 0 : i32
      %dma_wait3A_988 = tpu.memref_slice %arg9[%dma_wait3A_980, %dma_wait3A_981, %dma_wait3A_987] : memref<2x8x128xi32, #tpu.memory_space<vmem>> -> memref<1x1x128xi32, #tpu.memory_space<vmem>>
      %dma_wait3A_989 = tpu.memref_squeeze %dma_wait3A_988 : memref<1x1x128xi32, #tpu.memory_space<vmem>> -> memref<128xi32, #tpu.memory_space<vmem>>
      %dma_wait3A_990 = arith.constant 0 : i32
      %dma_wait3A_991 = arith.constant 0 : i32
      %dma_wait3A_992 = tpu.memref_slice %arg7[%dma_wait3A_990, %dma_wait3A_991] : memref<10008x128xf32, #tpu.memory_space<vmem_shared>> -> memref<10008x128xf32, #tpu.memory_space<vmem_shared>>
      %dma_wait3A_993 = tpu.memref_slice %arg12[%dma_wait3A_982] : memref<2x!tpu.dma_semaphore, #tpu.memory_space<semaphore_mem>> -> memref<1x!tpu.dma_semaphore, #tpu.memory_space<semaphore_mem>>
      %dma_wait3A_994 = tpu.memref_squeeze %dma_wait3A_993 : memref<1x!tpu.dma_semaphore, #tpu.memory_space<semaphore_mem>> -> memref<!tpu.dma_semaphore, #tpu.memory_space<semaphore_mem>>
      tpu.wait_indirect_dma semaphore(%dma_wait3A_994 : memref<!tpu.dma_semaphore, #tpu.memory_space<semaphore_mem>>) src(%dma_wait3A_986 : memref<128x128xf32, #tpu.memory_space<vmem>>) dst(%dma_wait3A_992 : memref<10008x128xf32, #tpu.memory_space<vmem_shared>>)
      %dma_start3A_995 = arith.constant 1 : i32
      %dma_start3A_996 = arith.constant 6 : i32
      %dma_start3A_997 = arith.constant 0 : i32
      %dma_start3A_998 = arith.constant 0 : i32
      %dma_start3A_999 = arith.constant 0 : i32
      %dma_start3A_1000 = arith.constant 0 : i32
      %dma_start3A_1001 = tpu.memref_slice %arg10[%dma_start3A_997, %dma_start3A_999, %dma_start3A_1000] : memref<2x128x128xf32, #tpu.memory_space<vmem>> -> memref<1x128x128xf32, #tpu.memory_space<vmem>>
      %dma_start3A_1002 = tpu.memref_squeeze %dma_start3A_1001 : memref<1x128x128xf32, #tpu.memory_space<vmem>> -> memref<128x128xf32, #tpu.memory_space<vmem>>
      %dma_start3A_1003 = arith.constant 0 : i32
      %dma_start3A_1004 = tpu.memref_slice %arg8[%dma_start3A_995, %dma_start3A_996, %dma_start3A_1003] : memref<2x8x128xi32, #tpu.memory_space<vmem>> -> memref<1x1x128xi32, #tpu.memory_space<vmem>>
      %dma_start3A_1005 = tpu.memref_squeeze %dma_start3A_1004 : memref<1x1x128xi32, #tpu.memory_space<vmem>> -> memref<128xi32, #tpu.memory_space<vmem>>
      %dma_start3A_1006 = arith.constant 0 : i32
      %dma_start3A_1007 = arith.constant 0 : i32
      %dma_start3A_1008 = tpu.memref_slice %arg2[%dma_start3A_1006, %dma_start3A_1007] : memref<20000x128xf32, #tpu.memory_space<hbm>> -> memref<20000x128xf32, #tpu.memory_space<hbm>>
      %dma_start3A_1009 = tpu.memref_slice %arg11[%dma_start3A_998] : memref<2x!tpu.dma_semaphore, #tpu.memory_space<semaphore_mem>> -> memref<1x!tpu.dma_semaphore, #tpu.memory_space<semaphore_mem>>
      %dma_start3A_1010 = tpu.memref_squeeze %dma_start3A_1009 : memref<1x!tpu.dma_semaphore, #tpu.memory_space<semaphore_mem>> -> memref<!tpu.dma_semaphore, #tpu.memory_space<semaphore_mem>>
      tpu.enqueue_indirect_dma source(%dma_start3A_1008 : memref<20000x128xf32, #tpu.memory_space<hbm>>) target(%dma_start3A_1002 : memref<128x128xf32, #tpu.memory_space<vmem>>) offsets(%dma_start3A_1005 : memref<128xi32, #tpu.memory_space<vmem>>) semaphore(%dma_start3A_1010 : memref<!tpu.dma_semaphore, #tpu.memory_space<semaphore_mem>>)
      %dma_wait3A_1011 = arith.constant 1 : i32
      %dma_wait3A_1012 = arith.constant 1 : i32
      %dma_wait3A_1013 = arith.constant 0 : i32
      %dma_wait3A_1014 = arith.constant 0 : i32
      %dma_wait3A_1015 = tpu.memref_slice %arg10[%dma_wait3A_1011, %dma_wait3A_1013, %dma_wait3A_1014] : memref<2x128x128xf32, #tpu.memory_space<vmem>> -> memref<1x128x128xf32, #tpu.memory_space<vmem>>
      %dma_wait3A_1016 = tpu.memref_squeeze %dma_wait3A_1015 : memref<1x128x128xf32, #tpu.memory_space<vmem>> -> memref<128x128xf32, #tpu.memory_space<vmem>>
      %dma_wait3A_1017 = arith.constant 0 : i32
      %dma_wait3A_1018 = arith.constant 0 : i32
      %dma_wait3A_1019 = tpu.memref_slice %arg2[%dma_wait3A_1017, %dma_wait3A_1018] : memref<20000x128xf32, #tpu.memory_space<hbm>> -> memref<128x128xf32, #tpu.memory_space<hbm>>
      %dma_wait3A_1020 = tpu.memref_slice %arg11[%dma_wait3A_1012] : memref<2x!tpu.dma_semaphore, #tpu.memory_space<semaphore_mem>> -> memref<1x!tpu.dma_semaphore, #tpu.memory_space<semaphore_mem>>
      %dma_wait3A_1021 = tpu.memref_squeeze %dma_wait3A_1020 : memref<1x!tpu.dma_semaphore, #tpu.memory_space<semaphore_mem>> -> memref<!tpu.dma_semaphore, #tpu.memory_space<semaphore_mem>>
      %dma_wait3A_1022 = arith.constant 0 : i32
      %dma_wait3A_1023 = arith.constant 0 : i32
      %dma_wait3A_1024 = tpu.memref_slice %arg10[%dma_wait3A_1011, %dma_wait3A_1022, %dma_wait3A_1023] : memref<2x128x128xf32, #tpu.memory_space<vmem>> -> memref<1x128x128xf32, #tpu.memory_space<vmem>>
      %dma_wait3A_1025 = tpu.memref_squeeze %dma_wait3A_1024 : memref<1x128x128xf32, #tpu.memory_space<vmem>> -> memref<128x128xf32, #tpu.memory_space<vmem>>
      %dma_wait3A_1026 = arith.constant 0 : i32
      %dma_wait3A_1027 = arith.constant 0 : i32
      %dma_wait3A_1028 = tpu.memref_slice %arg2[%dma_wait3A_1026, %dma_wait3A_1027] : memref<20000x128xf32, #tpu.memory_space<hbm>> -> memref<128x128xf32, #tpu.memory_space<hbm>>
      tpu.wait_dma2 semaphore(%dma_wait3A_1021 : memref<!tpu.dma_semaphore, #tpu.memory_space<semaphore_mem>>) src(%dma_wait3A_1028 : memref<128x128xf32, #tpu.memory_space<hbm>>) dst(%dma_wait3A_1025 : memref<128x128xf32, #tpu.memory_space<vmem>>)
      %dma_start3A_1029 = arith.constant 1 : i32
      %dma_start3A_1030 = arith.constant 1 : i32
      %dma_start3A_1031 = arith.constant 5 : i32
      %dma_start3A_1032 = arith.constant 1 : i32
      %dma_start3A_1033 = arith.constant 0 : i32
      %dma_start3A_1034 = arith.constant 0 : i32
      %dma_start3A_1035 = tpu.memref_slice %arg10[%dma_start3A_1029, %dma_start3A_1033, %dma_start3A_1034] : memref<2x128x128xf32, #tpu.memory_space<vmem>> -> memref<1x128x128xf32, #tpu.memory_space<vmem>>
      %dma_start3A_1036 = tpu.memref_squeeze %dma_start3A_1035 : memref<1x128x128xf32, #tpu.memory_space<vmem>> -> memref<128x128xf32, #tpu.memory_space<vmem>>
      %dma_start3A_1037 = arith.constant 0 : i32
      %dma_start3A_1038 = tpu.memref_slice %arg9[%dma_start3A_1030, %dma_start3A_1031, %dma_start3A_1037] : memref<2x8x128xi32, #tpu.memory_space<vmem>> -> memref<1x1x128xi32, #tpu.memory_space<vmem>>
      %dma_start3A_1039 = tpu.memref_squeeze %dma_start3A_1038 : memref<1x1x128xi32, #tpu.memory_space<vmem>> -> memref<128xi32, #tpu.memory_space<vmem>>
      %dma_start3A_1040 = arith.constant 0 : i32
      %dma_start3A_1041 = arith.constant 0 : i32
      %dma_start3A_1042 = tpu.memref_slice %arg7[%dma_start3A_1040, %dma_start3A_1041] : memref<10008x128xf32, #tpu.memory_space<vmem_shared>> -> memref<10008x128xf32, #tpu.memory_space<vmem_shared>>
      %dma_start3A_1043 = tpu.memref_slice %arg12[%dma_start3A_1032] : memref<2x!tpu.dma_semaphore, #tpu.memory_space<semaphore_mem>> -> memref<1x!tpu.dma_semaphore, #tpu.memory_space<semaphore_mem>>
      %dma_start3A_1044 = tpu.memref_squeeze %dma_start3A_1043 : memref<1x!tpu.dma_semaphore, #tpu.memory_space<semaphore_mem>> -> memref<!tpu.dma_semaphore, #tpu.memory_space<semaphore_mem>>
      tpu.enqueue_indirect_dma source(%dma_start3A_1036 : memref<128x128xf32, #tpu.memory_space<vmem>>) target(%dma_start3A_1042 : memref<10008x128xf32, #tpu.memory_space<vmem_shared>>) offsets(%dma_start3A_1039 : memref<128xi32, #tpu.memory_space<vmem>>) semaphore(%dma_start3A_1044 : memref<!tpu.dma_semaphore, #tpu.memory_space<semaphore_mem>>) {add = true}
      %dma_wait3A_1045 = arith.constant 1 : i32
      %dma_wait3A_1046 = arith.constant 1 : i32
      %dma_wait3A_1047 = arith.constant 5 : i32
      %dma_wait3A_1048 = arith.constant 1 : i32
      %dma_wait3A_1049 = arith.constant 0 : i32
      %dma_wait3A_1050 = arith.constant 0 : i32
      %dma_wait3A_1051 = tpu.memref_slice %arg10[%dma_wait3A_1045, %dma_wait3A_1049, %dma_wait3A_1050] : memref<2x128x128xf32, #tpu.memory_space<vmem>> -> memref<1x128x128xf32, #tpu.memory_space<vmem>>
      %dma_wait3A_1052 = tpu.memref_squeeze %dma_wait3A_1051 : memref<1x128x128xf32, #tpu.memory_space<vmem>> -> memref<128x128xf32, #tpu.memory_space<vmem>>
      %dma_wait3A_1053 = arith.constant 0 : i32
      %dma_wait3A_1054 = tpu.memref_slice %arg9[%dma_wait3A_1046, %dma_wait3A_1047, %dma_wait3A_1053] : memref<2x8x128xi32, #tpu.memory_space<vmem>> -> memref<1x1x128xi32, #tpu.memory_space<vmem>>
      %dma_wait3A_1055 = tpu.memref_squeeze %dma_wait3A_1054 : memref<1x1x128xi32, #tpu.memory_space<vmem>> -> memref<128xi32, #tpu.memory_space<vmem>>
      %dma_wait3A_1056 = arith.constant 0 : i32
      %dma_wait3A_1057 = arith.constant 0 : i32
      %dma_wait3A_1058 = tpu.memref_slice %arg7[%dma_wait3A_1056, %dma_wait3A_1057] : memref<10008x128xf32, #tpu.memory_space<vmem_shared>> -> memref<10008x128xf32, #tpu.memory_space<vmem_shared>>
      %dma_wait3A_1059 = tpu.memref_slice %arg12[%dma_wait3A_1048] : memref<2x!tpu.dma_semaphore, #tpu.memory_space<semaphore_mem>> -> memref<1x!tpu.dma_semaphore, #tpu.memory_space<semaphore_mem>>
      %dma_wait3A_1060 = tpu.memref_squeeze %dma_wait3A_1059 : memref<1x!tpu.dma_semaphore, #tpu.memory_space<semaphore_mem>> -> memref<!tpu.dma_semaphore, #tpu.memory_space<semaphore_mem>>
      tpu.wait_indirect_dma semaphore(%dma_wait3A_1060 : memref<!tpu.dma_semaphore, #tpu.memory_space<semaphore_mem>>) src(%dma_wait3A_1052 : memref<128x128xf32, #tpu.memory_space<vmem>>) dst(%dma_wait3A_1058 : memref<10008x128xf32, #tpu.memory_space<vmem_shared>>)
      %dma_start3A_1061 = arith.constant 1 : i32
      %dma_start3A_1062 = arith.constant 7 : i32
      %dma_start3A_1063 = arith.constant 1 : i32
      %dma_start3A_1064 = arith.constant 1 : i32
      %dma_start3A_1065 = arith.constant 0 : i32
      %dma_start3A_1066 = arith.constant 0 : i32
      %dma_start3A_1067 = tpu.memref_slice %arg10[%dma_start3A_1063, %dma_start3A_1065, %dma_start3A_1066] : memref<2x128x128xf32, #tpu.memory_space<vmem>> -> memref<1x128x128xf32, #tpu.memory_space<vmem>>
      %dma_start3A_1068 = tpu.memref_squeeze %dma_start3A_1067 : memref<1x128x128xf32, #tpu.memory_space<vmem>> -> memref<128x128xf32, #tpu.memory_space<vmem>>
      %dma_start3A_1069 = arith.constant 0 : i32
      %dma_start3A_1070 = tpu.memref_slice %arg8[%dma_start3A_1061, %dma_start3A_1062, %dma_start3A_1069] : memref<2x8x128xi32, #tpu.memory_space<vmem>> -> memref<1x1x128xi32, #tpu.memory_space<vmem>>
      %dma_start3A_1071 = tpu.memref_squeeze %dma_start3A_1070 : memref<1x1x128xi32, #tpu.memory_space<vmem>> -> memref<128xi32, #tpu.memory_space<vmem>>
      %dma_start3A_1072 = arith.constant 0 : i32
      %dma_start3A_1073 = arith.constant 0 : i32
      %dma_start3A_1074 = tpu.memref_slice %arg2[%dma_start3A_1072, %dma_start3A_1073] : memref<20000x128xf32, #tpu.memory_space<hbm>> -> memref<20000x128xf32, #tpu.memory_space<hbm>>
      %dma_start3A_1075 = tpu.memref_slice %arg11[%dma_start3A_1064] : memref<2x!tpu.dma_semaphore, #tpu.memory_space<semaphore_mem>> -> memref<1x!tpu.dma_semaphore, #tpu.memory_space<semaphore_mem>>
      %dma_start3A_1076 = tpu.memref_squeeze %dma_start3A_1075 : memref<1x!tpu.dma_semaphore, #tpu.memory_space<semaphore_mem>> -> memref<!tpu.dma_semaphore, #tpu.memory_space<semaphore_mem>>
      tpu.enqueue_indirect_dma source(%dma_start3A_1074 : memref<20000x128xf32, #tpu.memory_space<hbm>>) target(%dma_start3A_1068 : memref<128x128xf32, #tpu.memory_space<vmem>>) offsets(%dma_start3A_1071 : memref<128xi32, #tpu.memory_space<vmem>>) semaphore(%dma_start3A_1076 : memref<!tpu.dma_semaphore, #tpu.memory_space<semaphore_mem>>)
      %dma_wait3A_1077 = arith.constant 0 : i32
      %dma_wait3A_1078 = arith.constant 0 : i32
      %dma_wait3A_1079 = arith.constant 0 : i32
      %dma_wait3A_1080 = arith.constant 0 : i32
      %dma_wait3A_1081 = tpu.memref_slice %arg10[%dma_wait3A_1077, %dma_wait3A_1079, %dma_wait3A_1080] : memref<2x128x128xf32, #tpu.memory_space<vmem>> -> memref<1x128x128xf32, #tpu.memory_space<vmem>>
      %dma_wait3A_1082 = tpu.memref_squeeze %dma_wait3A_1081 : memref<1x128x128xf32, #tpu.memory_space<vmem>> -> memref<128x128xf32, #tpu.memory_space<vmem>>
      %dma_wait3A_1083 = arith.constant 0 : i32
      %dma_wait3A_1084 = arith.constant 0 : i32
      %dma_wait3A_1085 = tpu.memref_slice %arg2[%dma_wait3A_1083, %dma_wait3A_1084] : memref<20000x128xf32, #tpu.memory_space<hbm>> -> memref<128x128xf32, #tpu.memory_space<hbm>>
      %dma_wait3A_1086 = tpu.memref_slice %arg11[%dma_wait3A_1078] : memref<2x!tpu.dma_semaphore, #tpu.memory_space<semaphore_mem>> -> memref<1x!tpu.dma_semaphore, #tpu.memory_space<semaphore_mem>>
      %dma_wait3A_1087 = tpu.memref_squeeze %dma_wait3A_1086 : memref<1x!tpu.dma_semaphore, #tpu.memory_space<semaphore_mem>> -> memref<!tpu.dma_semaphore, #tpu.memory_space<semaphore_mem>>
      %dma_wait3A_1088 = arith.constant 0 : i32
      %dma_wait3A_1089 = arith.constant 0 : i32
      %dma_wait3A_1090 = tpu.memref_slice %arg10[%dma_wait3A_1077, %dma_wait3A_1088, %dma_wait3A_1089] : memref<2x128x128xf32, #tpu.memory_space<vmem>> -> memref<1x128x128xf32, #tpu.memory_space<vmem>>
      %dma_wait3A_1091 = tpu.memref_squeeze %dma_wait3A_1090 : memref<1x128x128xf32, #tpu.memory_space<vmem>> -> memref<128x128xf32, #tpu.memory_space<vmem>>
      %dma_wait3A_1092 = arith.constant 0 : i32
      %dma_wait3A_1093 = arith.constant 0 : i32
      %dma_wait3A_1094 = tpu.memref_slice %arg2[%dma_wait3A_1092, %dma_wait3A_1093] : memref<20000x128xf32, #tpu.memory_space<hbm>> -> memref<128x128xf32, #tpu.memory_space<hbm>>
      tpu.wait_dma2 semaphore(%dma_wait3A_1087 : memref<!tpu.dma_semaphore, #tpu.memory_space<semaphore_mem>>) src(%dma_wait3A_1094 : memref<128x128xf32, #tpu.memory_space<hbm>>) dst(%dma_wait3A_1091 : memref<128x128xf32, #tpu.memory_space<vmem>>)
      %dma_start3A_1095 = arith.constant 0 : i32
      %dma_start3A_1096 = arith.constant 1 : i32
      %dma_start3A_1097 = arith.constant 6 : i32
      %dma_start3A_1098 = arith.constant 0 : i32
      %dma_start3A_1099 = arith.constant 0 : i32
      %dma_start3A_1100 = arith.constant 0 : i32
      %dma_start3A_1101 = tpu.memref_slice %arg10[%dma_start3A_1095, %dma_start3A_1099, %dma_start3A_1100] : memref<2x128x128xf32, #tpu.memory_space<vmem>> -> memref<1x128x128xf32, #tpu.memory_space<vmem>>
      %dma_start3A_1102 = tpu.memref_squeeze %dma_start3A_1101 : memref<1x128x128xf32, #tpu.memory_space<vmem>> -> memref<128x128xf32, #tpu.memory_space<vmem>>
      %dma_start3A_1103 = arith.constant 0 : i32
      %dma_start3A_1104 = tpu.memref_slice %arg9[%dma_start3A_1096, %dma_start3A_1097, %dma_start3A_1103] : memref<2x8x128xi32, #tpu.memory_space<vmem>> -> memref<1x1x128xi32, #tpu.memory_space<vmem>>
      %dma_start3A_1105 = tpu.memref_squeeze %dma_start3A_1104 : memref<1x1x128xi32, #tpu.memory_space<vmem>> -> memref<128xi32, #tpu.memory_space<vmem>>
      %dma_start3A_1106 = arith.constant 0 : i32
      %dma_start3A_1107 = arith.constant 0 : i32
      %dma_start3A_1108 = tpu.memref_slice %arg7[%dma_start3A_1106, %dma_start3A_1107] : memref<10008x128xf32, #tpu.memory_space<vmem_shared>> -> memref<10008x128xf32, #tpu.memory_space<vmem_shared>>
      %dma_start3A_1109 = tpu.memref_slice %arg12[%dma_start3A_1098] : memref<2x!tpu.dma_semaphore, #tpu.memory_space<semaphore_mem>> -> memref<1x!tpu.dma_semaphore, #tpu.memory_space<semaphore_mem>>
      %dma_start3A_1110 = tpu.memref_squeeze %dma_start3A_1109 : memref<1x!tpu.dma_semaphore, #tpu.memory_space<semaphore_mem>> -> memref<!tpu.dma_semaphore, #tpu.memory_space<semaphore_mem>>
      tpu.enqueue_indirect_dma source(%dma_start3A_1102 : memref<128x128xf32, #tpu.memory_space<vmem>>) target(%dma_start3A_1108 : memref<10008x128xf32, #tpu.memory_space<vmem_shared>>) offsets(%dma_start3A_1105 : memref<128xi32, #tpu.memory_space<vmem>>) semaphore(%dma_start3A_1110 : memref<!tpu.dma_semaphore, #tpu.memory_space<semaphore_mem>>) {add = true}
      %dma_wait3A_1111 = arith.constant 0 : i32
      %dma_wait3A_1112 = arith.constant 1 : i32
      %dma_wait3A_1113 = arith.constant 6 : i32
      %dma_wait3A_1114 = arith.constant 0 : i32
      %dma_wait3A_1115 = arith.constant 0 : i32
      %dma_wait3A_1116 = arith.constant 0 : i32
      %dma_wait3A_1117 = tpu.memref_slice %arg10[%dma_wait3A_1111, %dma_wait3A_1115, %dma_wait3A_1116] : memref<2x128x128xf32, #tpu.memory_space<vmem>> -> memref<1x128x128xf32, #tpu.memory_space<vmem>>
      %dma_wait3A_1118 = tpu.memref_squeeze %dma_wait3A_1117 : memref<1x128x128xf32, #tpu.memory_space<vmem>> -> memref<128x128xf32, #tpu.memory_space<vmem>>
      %dma_wait3A_1119 = arith.constant 0 : i32
      %dma_wait3A_1120 = tpu.memref_slice %arg9[%dma_wait3A_1112, %dma_wait3A_1113, %dma_wait3A_1119] : memref<2x8x128xi32, #tpu.memory_space<vmem>> -> memref<1x1x128xi32, #tpu.memory_space<vmem>>
      %dma_wait3A_1121 = tpu.memref_squeeze %dma_wait3A_1120 : memref<1x1x128xi32, #tpu.memory_space<vmem>> -> memref<128xi32, #tpu.memory_space<vmem>>
      %dma_wait3A_1122 = arith.constant 0 : i32
      %dma_wait3A_1123 = arith.constant 0 : i32
      %dma_wait3A_1124 = tpu.memref_slice %arg7[%dma_wait3A_1122, %dma_wait3A_1123] : memref<10008x128xf32, #tpu.memory_space<vmem_shared>> -> memref<10008x128xf32, #tpu.memory_space<vmem_shared>>
      %dma_wait3A_1125 = tpu.memref_slice %arg12[%dma_wait3A_1114] : memref<2x!tpu.dma_semaphore, #tpu.memory_space<semaphore_mem>> -> memref<1x!tpu.dma_semaphore, #tpu.memory_space<semaphore_mem>>
      %dma_wait3A_1126 = tpu.memref_squeeze %dma_wait3A_1125 : memref<1x!tpu.dma_semaphore, #tpu.memory_space<semaphore_mem>> -> memref<!tpu.dma_semaphore, #tpu.memory_space<semaphore_mem>>
      tpu.wait_indirect_dma semaphore(%dma_wait3A_1126 : memref<!tpu.dma_semaphore, #tpu.memory_space<semaphore_mem>>) src(%dma_wait3A_1118 : memref<128x128xf32, #tpu.memory_space<vmem>>) dst(%dma_wait3A_1124 : memref<10008x128xf32, #tpu.memory_space<vmem_shared>>)
      %convert_element_type3A_1127 = arith.extui %lt3A_677 : i1 to i32
      %cond3A_1128 = arith.constant 0 : i32
      %cond3A_1129 = arith.cmpi ne, %convert_element_type3A_1127, %cond3A_1128 : i32
      scf.if %cond3A_1129 {
        %dma_wait3A_1186 = arith.constant 0 : i32
        %dma_wait3A_1187 = arith.constant 0 : i32
        %dma_wait3A_1188 = arith.constant 0 : i32
        %dma_wait3A_1189 = arith.constant 0 : i32
        %dma_wait3A_1190 = tpu.memref_slice %arg8[%dma_wait3A_1186, %dma_wait3A_1188, %dma_wait3A_1189] : memref<2x8x128xi32, #tpu.memory_space<vmem>> -> memref<1x8x128xi32, #tpu.memory_space<vmem>>
        %dma_wait3A_1191 = tpu.memref_squeeze %dma_wait3A_1190 : memref<1x8x128xi32, #tpu.memory_space<vmem>> -> memref<8x128xi32, #tpu.memory_space<vmem>>
        %dma_wait3A_1192 = arith.constant 0 : i32
        %dma_wait3A_1193 = arith.constant 0 : i32
        %dma_wait3A_1194 = tpu.memref_slice %arg3[%arg0, %arg1, %dma_wait3A_1192, %dma_wait3A_1193] : memref<2x16x160x128xi32, #tpu.memory_space<hbm>> -> memref<1x1x8x128xi32, #tpu.memory_space<hbm>>
        %dma_wait3A_1195 = tpu.memref_squeeze %dma_wait3A_1194 : memref<1x1x8x128xi32, #tpu.memory_space<hbm>> -> memref<8x128xi32, #tpu.memory_space<hbm>>
        %dma_wait3A_1196 = tpu.memref_slice %arg13[%dma_wait3A_1187] : memref<2x!tpu.dma_semaphore, #tpu.memory_space<semaphore_mem>> -> memref<1x!tpu.dma_semaphore, #tpu.memory_space<semaphore_mem>>
        %dma_wait3A_1197 = tpu.memref_squeeze %dma_wait3A_1196 : memref<1x!tpu.dma_semaphore, #tpu.memory_space<semaphore_mem>> -> memref<!tpu.dma_semaphore, #tpu.memory_space<semaphore_mem>>
        %dma_wait3A_1198 = arith.constant 0 : i32
        %dma_wait3A_1199 = arith.constant 0 : i32
        %dma_wait3A_1200 = tpu.memref_slice %arg8[%dma_wait3A_1186, %dma_wait3A_1198, %dma_wait3A_1199] : memref<2x8x128xi32, #tpu.memory_space<vmem>> -> memref<1x8x128xi32, #tpu.memory_space<vmem>>
        %dma_wait3A_1201 = tpu.memref_squeeze %dma_wait3A_1200 : memref<1x8x128xi32, #tpu.memory_space<vmem>> -> memref<8x128xi32, #tpu.memory_space<vmem>>
        %dma_wait3A_1202 = arith.constant 0 : i32
        %dma_wait3A_1203 = arith.constant 0 : i32
        %dma_wait3A_1204 = tpu.memref_slice %arg3[%arg0, %arg1, %dma_wait3A_1202, %dma_wait3A_1203] : memref<2x16x160x128xi32, #tpu.memory_space<hbm>> -> memref<1x1x8x128xi32, #tpu.memory_space<hbm>>
        %dma_wait3A_1205 = tpu.memref_squeeze %dma_wait3A_1204 : memref<1x1x8x128xi32, #tpu.memory_space<hbm>> -> memref<8x128xi32, #tpu.memory_space<hbm>>
        tpu.wait_dma2 semaphore(%dma_wait3A_1197 : memref<!tpu.dma_semaphore, #tpu.memory_space<semaphore_mem>>) src(%dma_wait3A_1205 : memref<8x128xi32, #tpu.memory_space<hbm>>) dst(%dma_wait3A_1201 : memref<8x128xi32, #tpu.memory_space<vmem>>)
        %dma_wait3A_1206 = arith.constant 0 : i32
        %dma_wait3A_1207 = arith.constant 1 : i32
        %dma_wait3A_1208 = arith.constant 0 : i32
        %dma_wait3A_1209 = arith.constant 0 : i32
        %dma_wait3A_1210 = tpu.memref_slice %arg9[%dma_wait3A_1206, %dma_wait3A_1208, %dma_wait3A_1209] : memref<2x8x128xi32, #tpu.memory_space<vmem>> -> memref<1x8x128xi32, #tpu.memory_space<vmem>>
        %dma_wait3A_1211 = tpu.memref_squeeze %dma_wait3A_1210 : memref<1x8x128xi32, #tpu.memory_space<vmem>> -> memref<8x128xi32, #tpu.memory_space<vmem>>
        %dma_wait3A_1212 = arith.constant 0 : i32
        %dma_wait3A_1213 = arith.constant 0 : i32
        %dma_wait3A_1214 = tpu.memref_slice %arg4[%arg0, %arg1, %dma_wait3A_1212, %dma_wait3A_1213] : memref<2x16x160x128xi32, #tpu.memory_space<hbm>> -> memref<1x1x8x128xi32, #tpu.memory_space<hbm>>
        %dma_wait3A_1215 = tpu.memref_squeeze %dma_wait3A_1214 : memref<1x1x8x128xi32, #tpu.memory_space<hbm>> -> memref<8x128xi32, #tpu.memory_space<hbm>>
        %dma_wait3A_1216 = tpu.memref_slice %arg13[%dma_wait3A_1207] : memref<2x!tpu.dma_semaphore, #tpu.memory_space<semaphore_mem>> -> memref<1x!tpu.dma_semaphore, #tpu.memory_space<semaphore_mem>>
        %dma_wait3A_1217 = tpu.memref_squeeze %dma_wait3A_1216 : memref<1x!tpu.dma_semaphore, #tpu.memory_space<semaphore_mem>> -> memref<!tpu.dma_semaphore, #tpu.memory_space<semaphore_mem>>
        %dma_wait3A_1218 = arith.constant 0 : i32
        %dma_wait3A_1219 = arith.constant 0 : i32
        %dma_wait3A_1220 = tpu.memref_slice %arg9[%dma_wait3A_1206, %dma_wait3A_1218, %dma_wait3A_1219] : memref<2x8x128xi32, #tpu.memory_space<vmem>> -> memref<1x8x128xi32, #tpu.memory_space<vmem>>
        %dma_wait3A_1221 = tpu.memref_squeeze %dma_wait3A_1220 : memref<1x8x128xi32, #tpu.memory_space<vmem>> -> memref<8x128xi32, #tpu.memory_space<vmem>>
        %dma_wait3A_1222 = arith.constant 0 : i32
        %dma_wait3A_1223 = arith.constant 0 : i32
        %dma_wait3A_1224 = tpu.memref_slice %arg4[%arg0, %arg1, %dma_wait3A_1222, %dma_wait3A_1223] : memref<2x16x160x128xi32, #tpu.memory_space<hbm>> -> memref<1x1x8x128xi32, #tpu.memory_space<hbm>>
        %dma_wait3A_1225 = tpu.memref_squeeze %dma_wait3A_1224 : memref<1x1x8x128xi32, #tpu.memory_space<hbm>> -> memref<8x128xi32, #tpu.memory_space<hbm>>
        tpu.wait_dma2 semaphore(%dma_wait3A_1217 : memref<!tpu.dma_semaphore, #tpu.memory_space<semaphore_mem>>) src(%dma_wait3A_1225 : memref<8x128xi32, #tpu.memory_space<hbm>>) dst(%dma_wait3A_1221 : memref<8x128xi32, #tpu.memory_space<vmem>>)
      } else {
      }
      %convert_element_type3A_1130 = arith.extui %lt3A_677 : i1 to i32
      %cond3A_1131 = arith.constant 0 : i32
      %cond3A_1132 = arith.cmpi ne, %convert_element_type3A_1130, %cond3A_1131 : i32
      scf.if %cond3A_1132 {
        %dma_start3A_1186 = arith.constant 0 : i32
        %dma_start3A_1187 = arith.constant 0 : i32
        %dma_start3A_1188 = arith.constant 0 : i32
        %dma_start3A_1189 = arith.constant 0 : i32
        %dma_start3A_1190 = arith.constant 0 : i32
        %dma_start3A_1191 = arith.constant 0 : i32
        %dma_start3A_1192 = tpu.memref_slice %arg10[%dma_start3A_1188, %dma_start3A_1190, %dma_start3A_1191] : memref<2x128x128xf32, #tpu.memory_space<vmem>> -> memref<1x128x128xf32, #tpu.memory_space<vmem>>
        %dma_start3A_1193 = tpu.memref_squeeze %dma_start3A_1192 : memref<1x128x128xf32, #tpu.memory_space<vmem>> -> memref<128x128xf32, #tpu.memory_space<vmem>>
        %dma_start3A_1194 = arith.constant 0 : i32
        %dma_start3A_1195 = tpu.memref_slice %arg8[%dma_start3A_1186, %dma_start3A_1187, %dma_start3A_1194] : memref<2x8x128xi32, #tpu.memory_space<vmem>> -> memref<1x1x128xi32, #tpu.memory_space<vmem>>
        %dma_start3A_1196 = tpu.memref_squeeze %dma_start3A_1195 : memref<1x1x128xi32, #tpu.memory_space<vmem>> -> memref<128xi32, #tpu.memory_space<vmem>>
        %dma_start3A_1197 = arith.constant 0 : i32
        %dma_start3A_1198 = arith.constant 0 : i32
        %dma_start3A_1199 = tpu.memref_slice %arg2[%dma_start3A_1197, %dma_start3A_1198] : memref<20000x128xf32, #tpu.memory_space<hbm>> -> memref<20000x128xf32, #tpu.memory_space<hbm>>
        %dma_start3A_1200 = tpu.memref_slice %arg11[%dma_start3A_1189] : memref<2x!tpu.dma_semaphore, #tpu.memory_space<semaphore_mem>> -> memref<1x!tpu.dma_semaphore, #tpu.memory_space<semaphore_mem>>
        %dma_start3A_1201 = tpu.memref_squeeze %dma_start3A_1200 : memref<1x!tpu.dma_semaphore, #tpu.memory_space<semaphore_mem>> -> memref<!tpu.dma_semaphore, #tpu.memory_space<semaphore_mem>>
        tpu.enqueue_indirect_dma source(%dma_start3A_1199 : memref<20000x128xf32, #tpu.memory_space<hbm>>) target(%dma_start3A_1193 : memref<128x128xf32, #tpu.memory_space<vmem>>) offsets(%dma_start3A_1196 : memref<128xi32, #tpu.memory_space<vmem>>) semaphore(%dma_start3A_1201 : memref<!tpu.dma_semaphore, #tpu.memory_space<semaphore_mem>>)
      } else {
      }
      %dma_wait3A_1133 = arith.constant 1 : i32
      %dma_wait3A_1134 = arith.constant 1 : i32
      %dma_wait3A_1135 = arith.constant 0 : i32
      %dma_wait3A_1136 = arith.constant 0 : i32
      %dma_wait3A_1137 = tpu.memref_slice %arg10[%dma_wait3A_1133, %dma_wait3A_1135, %dma_wait3A_1136] : memref<2x128x128xf32, #tpu.memory_space<vmem>> -> memref<1x128x128xf32, #tpu.memory_space<vmem>>
      %dma_wait3A_1138 = tpu.memref_squeeze %dma_wait3A_1137 : memref<1x128x128xf32, #tpu.memory_space<vmem>> -> memref<128x128xf32, #tpu.memory_space<vmem>>
      %dma_wait3A_1139 = arith.constant 0 : i32
      %dma_wait3A_1140 = arith.constant 0 : i32
      %dma_wait3A_1141 = tpu.memref_slice %arg2[%dma_wait3A_1139, %dma_wait3A_1140] : memref<20000x128xf32, #tpu.memory_space<hbm>> -> memref<128x128xf32, #tpu.memory_space<hbm>>
      %dma_wait3A_1142 = tpu.memref_slice %arg11[%dma_wait3A_1134] : memref<2x!tpu.dma_semaphore, #tpu.memory_space<semaphore_mem>> -> memref<1x!tpu.dma_semaphore, #tpu.memory_space<semaphore_mem>>
      %dma_wait3A_1143 = tpu.memref_squeeze %dma_wait3A_1142 : memref<1x!tpu.dma_semaphore, #tpu.memory_space<semaphore_mem>> -> memref<!tpu.dma_semaphore, #tpu.memory_space<semaphore_mem>>
      %dma_wait3A_1144 = arith.constant 0 : i32
      %dma_wait3A_1145 = arith.constant 0 : i32
      %dma_wait3A_1146 = tpu.memref_slice %arg10[%dma_wait3A_1133, %dma_wait3A_1144, %dma_wait3A_1145] : memref<2x128x128xf32, #tpu.memory_space<vmem>> -> memref<1x128x128xf32, #tpu.memory_space<vmem>>
      %dma_wait3A_1147 = tpu.memref_squeeze %dma_wait3A_1146 : memref<1x128x128xf32, #tpu.memory_space<vmem>> -> memref<128x128xf32, #tpu.memory_space<vmem>>
      %dma_wait3A_1148 = arith.constant 0 : i32
      %dma_wait3A_1149 = arith.constant 0 : i32
      %dma_wait3A_1150 = tpu.memref_slice %arg2[%dma_wait3A_1148, %dma_wait3A_1149] : memref<20000x128xf32, #tpu.memory_space<hbm>> -> memref<128x128xf32, #tpu.memory_space<hbm>>
      tpu.wait_dma2 semaphore(%dma_wait3A_1143 : memref<!tpu.dma_semaphore, #tpu.memory_space<semaphore_mem>>) src(%dma_wait3A_1150 : memref<128x128xf32, #tpu.memory_space<hbm>>) dst(%dma_wait3A_1147 : memref<128x128xf32, #tpu.memory_space<vmem>>)
      %dma_start3A_1151 = arith.constant 1 : i32
      %dma_start3A_1152 = arith.constant 1 : i32
      %dma_start3A_1153 = arith.constant 7 : i32
      %dma_start3A_1154 = arith.constant 1 : i32
      %dma_start3A_1155 = arith.constant 0 : i32
      %dma_start3A_1156 = arith.constant 0 : i32
      %dma_start3A_1157 = tpu.memref_slice %arg10[%dma_start3A_1151, %dma_start3A_1155, %dma_start3A_1156] : memref<2x128x128xf32, #tpu.memory_space<vmem>> -> memref<1x128x128xf32, #tpu.memory_space<vmem>>
      %dma_start3A_1158 = tpu.memref_squeeze %dma_start3A_1157 : memref<1x128x128xf32, #tpu.memory_space<vmem>> -> memref<128x128xf32, #tpu.memory_space<vmem>>
      %dma_start3A_1159 = arith.constant 0 : i32
      %dma_start3A_1160 = tpu.memref_slice %arg9[%dma_start3A_1152, %dma_start3A_1153, %dma_start3A_1159] : memref<2x8x128xi32, #tpu.memory_space<vmem>> -> memref<1x1x128xi32, #tpu.memory_space<vmem>>
      %dma_start3A_1161 = tpu.memref_squeeze %dma_start3A_1160 : memref<1x1x128xi32, #tpu.memory_space<vmem>> -> memref<128xi32, #tpu.memory_space<vmem>>
      %dma_start3A_1162 = arith.constant 0 : i32
      %dma_start3A_1163 = arith.constant 0 : i32
      %dma_start3A_1164 = tpu.memref_slice %arg7[%dma_start3A_1162, %dma_start3A_1163] : memref<10008x128xf32, #tpu.memory_space<vmem_shared>> -> memref<10008x128xf32, #tpu.memory_space<vmem_shared>>
      %dma_start3A_1165 = tpu.memref_slice %arg12[%dma_start3A_1154] : memref<2x!tpu.dma_semaphore, #tpu.memory_space<semaphore_mem>> -> memref<1x!tpu.dma_semaphore, #tpu.memory_space<semaphore_mem>>
      %dma_start3A_1166 = tpu.memref_squeeze %dma_start3A_1165 : memref<1x!tpu.dma_semaphore, #tpu.memory_space<semaphore_mem>> -> memref<!tpu.dma_semaphore, #tpu.memory_space<semaphore_mem>>
      tpu.enqueue_indirect_dma source(%dma_start3A_1158 : memref<128x128xf32, #tpu.memory_space<vmem>>) target(%dma_start3A_1164 : memref<10008x128xf32, #tpu.memory_space<vmem_shared>>) offsets(%dma_start3A_1161 : memref<128xi32, #tpu.memory_space<vmem>>) semaphore(%dma_start3A_1166 : memref<!tpu.dma_semaphore, #tpu.memory_space<semaphore_mem>>) {add = true}
      %dma_wait3A_1167 = arith.constant 1 : i32
      %dma_wait3A_1168 = arith.constant 1 : i32
      %dma_wait3A_1169 = arith.constant 7 : i32
      %dma_wait3A_1170 = arith.constant 1 : i32
      %dma_wait3A_1171 = arith.constant 0 : i32
      %dma_wait3A_1172 = arith.constant 0 : i32
      %dma_wait3A_1173 = tpu.memref_slice %arg10[%dma_wait3A_1167, %dma_wait3A_1171, %dma_wait3A_1172] : memref<2x128x128xf32, #tpu.memory_space<vmem>> -> memref<1x128x128xf32, #tpu.memory_space<vmem>>
      %dma_wait3A_1174 = tpu.memref_squeeze %dma_wait3A_1173 : memref<1x128x128xf32, #tpu.memory_space<vmem>> -> memref<128x128xf32, #tpu.memory_space<vmem>>
      %dma_wait3A_1175 = arith.constant 0 : i32
      %dma_wait3A_1176 = tpu.memref_slice %arg9[%dma_wait3A_1168, %dma_wait3A_1169, %dma_wait3A_1175] : memref<2x8x128xi32, #tpu.memory_space<vmem>> -> memref<1x1x128xi32, #tpu.memory_space<vmem>>
      %dma_wait3A_1177 = tpu.memref_squeeze %dma_wait3A_1176 : memref<1x1x128xi32, #tpu.memory_space<vmem>> -> memref<128xi32, #tpu.memory_space<vmem>>
      %dma_wait3A_1178 = arith.constant 0 : i32
      %dma_wait3A_1179 = arith.constant 0 : i32
      %dma_wait3A_1180 = tpu.memref_slice %arg7[%dma_wait3A_1178, %dma_wait3A_1179] : memref<10008x128xf32, #tpu.memory_space<vmem_shared>> -> memref<10008x128xf32, #tpu.memory_space<vmem_shared>>
      %dma_wait3A_1181 = tpu.memref_slice %arg12[%dma_wait3A_1170] : memref<2x!tpu.dma_semaphore, #tpu.memory_space<semaphore_mem>> -> memref<1x!tpu.dma_semaphore, #tpu.memory_space<semaphore_mem>>
      %dma_wait3A_1182 = tpu.memref_squeeze %dma_wait3A_1181 : memref<1x!tpu.dma_semaphore, #tpu.memory_space<semaphore_mem>> -> memref<!tpu.dma_semaphore, #tpu.memory_space<semaphore_mem>>
      tpu.wait_indirect_dma semaphore(%dma_wait3A_1182 : memref<!tpu.dma_semaphore, #tpu.memory_space<semaphore_mem>>) src(%dma_wait3A_1174 : memref<128x128xf32, #tpu.memory_space<vmem>>) dst(%dma_wait3A_1180 : memref<10008x128xf32, #tpu.memory_space<vmem_shared>>)
      %convert_element_type3A_1183 = arith.extui %lt3A_677 : i1 to i32
      %cond3A_1184 = arith.constant 0 : i32
      %cond3A_1185 = arith.cmpi ne, %convert_element_type3A_1183, %cond3A_1184 : i32
      scf.if %cond3A_1185 {
        %dma_start3A_1186 = arith.constant 0 : i32
        %dma_start3A_1187 = arith.constant 1 : i32
        %dma_start3A_1188 = arith.constant 1 : i32
        %dma_start3A_1189 = arith.constant 1 : i32
        %dma_start3A_1190 = arith.constant 0 : i32
        %dma_start3A_1191 = arith.constant 0 : i32
        %dma_start3A_1192 = tpu.memref_slice %arg10[%dma_start3A_1188, %dma_start3A_1190, %dma_start3A_1191] : memref<2x128x128xf32, #tpu.memory_space<vmem>> -> memref<1x128x128xf32, #tpu.memory_space<vmem>>
        %dma_start3A_1193 = tpu.memref_squeeze %dma_start3A_1192 : memref<1x128x128xf32, #tpu.memory_space<vmem>> -> memref<128x128xf32, #tpu.memory_space<vmem>>
        %dma_start3A_1194 = arith.constant 0 : i32
        %dma_start3A_1195 = tpu.memref_slice %arg8[%dma_start3A_1186, %dma_start3A_1187, %dma_start3A_1194] : memref<2x8x128xi32, #tpu.memory_space<vmem>> -> memref<1x1x128xi32, #tpu.memory_space<vmem>>
        %dma_start3A_1196 = tpu.memref_squeeze %dma_start3A_1195 : memref<1x1x128xi32, #tpu.memory_space<vmem>> -> memref<128xi32, #tpu.memory_space<vmem>>
        %dma_start3A_1197 = arith.constant 0 : i32
        %dma_start3A_1198 = arith.constant 0 : i32
        %dma_start3A_1199 = tpu.memref_slice %arg2[%dma_start3A_1197, %dma_start3A_1198] : memref<20000x128xf32, #tpu.memory_space<hbm>> -> memref<20000x128xf32, #tpu.memory_space<hbm>>
        %dma_start3A_1200 = tpu.memref_slice %arg11[%dma_start3A_1189] : memref<2x!tpu.dma_semaphore, #tpu.memory_space<semaphore_mem>> -> memref<1x!tpu.dma_semaphore, #tpu.memory_space<semaphore_mem>>
        %dma_start3A_1201 = tpu.memref_squeeze %dma_start3A_1200 : memref<1x!tpu.dma_semaphore, #tpu.memory_space<semaphore_mem>> -> memref<!tpu.dma_semaphore, #tpu.memory_space<semaphore_mem>>
        tpu.enqueue_indirect_dma source(%dma_start3A_1199 : memref<20000x128xf32, #tpu.memory_space<hbm>>) target(%dma_start3A_1193 : memref<128x128xf32, #tpu.memory_space<vmem>>) offsets(%dma_start3A_1196 : memref<128xi32, #tpu.memory_space<vmem>>) semaphore(%dma_start3A_1201 : memref<!tpu.dma_semaphore, #tpu.memory_space<semaphore_mem>>)
      } else {
      }
    }
    %scan3A_43 = arith.constant 10 : i32
    %barrier3A_44 = arith.constant 0 : index
    tpu.barrier barrier_id(%barrier3A_44)
    %mul3A_45 = arith.constant 632 : i32
    %mul3A_46 = arith.muli %arg1, %mul3A_45 : i32
    %lt3A_47 = arith.constant 15 : i32
    %lt3A_48 = arith.cmpi slt, %arg1, %lt3A_47 : i32
    %convert_element_type3A_49 = arith.extui %lt3A_48 : i1 to i32
    %cond3A_50 = arith.constant 0 : i32
    %cond3A_51 = arith.cmpi ne, %convert_element_type3A_49, %cond3A_50 : i32
    scf.if %cond3A_51 {
      %mul3A_57 = arith.constant 10000 : i32
      %mul3A_58 = arith.muli %arg0, %mul3A_57 : i32
      %add3A = arith.addi %mul3A_58, %mul3A_46 : i32
      "tpu.region"() ({
        %run_scoped3A_59 = tpu.sem_alloc : memref<!tpu.dma_semaphore, #tpu.memory_space<semaphore_mem>>
        %dma_start3A_60 = arith.constant 0 : i32
        %dma_start3A_61 = tpu.memref_slice %arg6[%add3A, %dma_start3A_60] : memref<20000x128xf32, #tpu.memory_space<hbm>> -> memref<632x128xf32, #tpu.memory_space<hbm>>
        %dma_start3A_62 = arith.constant 0 : i32
        %dma_start3A_63 = tpu.memref_slice %arg7[%mul3A_46, %dma_start3A_62] : memref<10008x128xf32, #tpu.memory_space<vmem_shared>> -> memref<632x128xf32, #tpu.memory_space<vmem_shared>>
        tpu.enqueue_dma source(%dma_start3A_63 : memref<632x128xf32, #tpu.memory_space<vmem_shared>>) target(%dma_start3A_61 : memref<632x128xf32, #tpu.memory_space<hbm>>) target_semaphore(%run_scoped3A_59 : memref<!tpu.dma_semaphore, #tpu.memory_space<semaphore_mem>>)
        %dma_wait3A = arith.constant 0 : i32
        %dma_wait3A_64 = tpu.memref_slice %arg6[%add3A, %dma_wait3A] : memref<20000x128xf32, #tpu.memory_space<hbm>> -> memref<632x128xf32, #tpu.memory_space<hbm>>
        %dma_wait3A_65 = arith.constant 0 : i32
        %dma_wait3A_66 = tpu.memref_slice %arg7[%mul3A_46, %dma_wait3A_65] : memref<10008x128xf32, #tpu.memory_space<vmem_shared>> -> memref<632x128xf32, #tpu.memory_space<vmem_shared>>
        tpu.wait_dma2 semaphore(%run_scoped3A_59 : memref<!tpu.dma_semaphore, #tpu.memory_space<semaphore_mem>>) src(%dma_wait3A_66 : memref<632x128xf32, #tpu.memory_space<vmem_shared>>) dst(%dma_wait3A_64 : memref<632x128xf32, #tpu.memory_space<hbm>>)
        tpu.yield
      }) : () -> ()
    } else {
    }
    %eq3A_52 = arith.constant 15 : i32
    %eq3A_53 = arith.cmpi eq, %arg1, %eq3A_52 : i32
    %convert_element_type3A_54 = arith.extui %eq3A_53 : i1 to i32
    %cond3A_55 = arith.constant 0 : i32
    %cond3A_56 = arith.cmpi ne, %convert_element_type3A_54, %cond3A_55 : i32
    scf.if %cond3A_56 {
      %mul3A_57 = arith.constant 10000 : i32
      %mul3A_58 = arith.muli %arg0, %mul3A_57 : i32
      %add3A = arith.addi %mul3A_58, %mul3A_46 : i32
      "tpu.region"() ({
        %run_scoped3A_59 = tpu.sem_alloc : memref<!tpu.dma_semaphore, #tpu.memory_space<semaphore_mem>>
        %dma_start3A_60 = arith.constant 0 : i32
        %dma_start3A_61 = tpu.memref_slice %arg6[%add3A, %dma_start3A_60] : memref<20000x128xf32, #tpu.memory_space<hbm>> -> memref<520x128xf32, #tpu.memory_space<hbm>>
        %dma_start3A_62 = arith.constant 0 : i32
        %dma_start3A_63 = tpu.memref_slice %arg7[%mul3A_46, %dma_start3A_62] : memref<10008x128xf32, #tpu.memory_space<vmem_shared>> -> memref<520x128xf32, #tpu.memory_space<vmem_shared>>
        tpu.enqueue_dma source(%dma_start3A_63 : memref<520x128xf32, #tpu.memory_space<vmem_shared>>) target(%dma_start3A_61 : memref<520x128xf32, #tpu.memory_space<hbm>>) target_semaphore(%run_scoped3A_59 : memref<!tpu.dma_semaphore, #tpu.memory_space<semaphore_mem>>)
        %dma_wait3A = arith.constant 0 : i32
        %dma_wait3A_64 = tpu.memref_slice %arg6[%add3A, %dma_wait3A] : memref<20000x128xf32, #tpu.memory_space<hbm>> -> memref<520x128xf32, #tpu.memory_space<hbm>>
        %dma_wait3A_65 = arith.constant 0 : i32
        %dma_wait3A_66 = tpu.memref_slice %arg7[%mul3A_46, %dma_wait3A_65] : memref<10008x128xf32, #tpu.memory_space<vmem_shared>> -> memref<520x128xf32, #tpu.memory_space<vmem_shared>>
        tpu.wait_dma2 semaphore(%run_scoped3A_59 : memref<!tpu.dma_semaphore, #tpu.memory_space<semaphore_mem>>) src(%dma_wait3A_66 : memref<520x128xf32, #tpu.memory_space<vmem_shared>>) dst(%dma_wait3A_64 : memref<520x128xf32, #tpu.memory_space<hbm>>)
        tpu.yield
      }) : () -> ()
    } else {
    }
    return
  }
}

#map = affine_map<(d0, d1) -> (0, 0)>
#map1 = affine_map<(d0, d1) -> (0, 0, 0, 0)>
module attributes {stable_mosaic.version = 14 : i64} {
  func.func @_agg_body(%arg0: i32, %arg1: i32, %arg2: memref<20000x128xf32, #tpu.memory_space<hbm>>, %arg3: memref<2x16x160x128xi32, #tpu.memory_space<hbm>>, %arg4: memref<2x16x160x128xi32, #tpu.memory_space<hbm>>, %arg5: memref<632x128xf32, #tpu.memory_space<hbm>>, %arg6: memref<20000x128xf32, #tpu.memory_space<hbm>>, %arg7: memref<10008x128xf32, #tpu.memory_space<vmem_shared>>, %arg8: memref<2x8x128xi32, #tpu.memory_space<vmem>>, %arg9: memref<2x8x128xi32, #tpu.memory_space<vmem>>, %arg10: memref<2x128x128xf32, #tpu.memory_space<vmem>>, %arg11: memref<2x!tpu.dma_semaphore, #tpu.memory_space<semaphore_mem>>, %arg12: memref<2x!tpu.dma_semaphore, #tpu.memory_space<semaphore_mem>>, %arg13: memref<2x!tpu.dma_semaphore, #tpu.memory_space<semaphore_mem>>) attributes {dimension_semantics = [#tpu.dimension_semantics<core_parallel>, #tpu.dimension_semantics<subcore_parallel>], iteration_bounds = array<i64: 2, 16>, scalar_prefetch = 0 : i64, scratch_operands = 7 : i64, tpu.core_type = #tpu.core_type<sc_vector_subcore>, window_params = [{transform_indices = #map}, {transform_indices = #map1}, {transform_indices = #map1}, {transform_indices = #map}, {transform_indices = #map}]} {
    %mul3A = arith.constant 632 : i32
    %mul3A_0 = arith.muli %arg1, %mul3A : i32
    %lt3A = arith.constant 15 : i32
    %lt3A_1 = arith.cmpi slt, %arg1, %lt3A : i32
    %convert_element_type3A = arith.extui %lt3A_1 : i1 to i32
    %cond3A = arith.constant 0 : i32
    %cond3A_2 = arith.cmpi ne, %convert_element_type3A, %cond3A : i32
    scf.if %cond3A_2 {
      "tpu.region"() ({
        %run_scoped3A_57 = tpu.sem_alloc : memref<!tpu.dma_semaphore, #tpu.memory_space<semaphore_mem>>
        %dma_start3A_58 = arith.constant 0 : i32
        %dma_start3A_59 = tpu.memref_slice %arg7[%mul3A_0, %dma_start3A_58] : memref<10008x128xf32, #tpu.memory_space<vmem_shared>> -> memref<632x128xf32, #tpu.memory_space<vmem_shared>>
        %dma_start3A_60 = arith.constant 0 : i32
        %dma_start3A_61 = arith.constant 0 : i32
        %dma_start3A_62 = tpu.memref_slice %arg5[%dma_start3A_60, %dma_start3A_61] : memref<632x128xf32, #tpu.memory_space<hbm>> -> memref<632x128xf32, #tpu.memory_space<hbm>>
        tpu.enqueue_dma source(%dma_start3A_62 : memref<632x128xf32, #tpu.memory_space<hbm>>) target(%dma_start3A_59 : memref<632x128xf32, #tpu.memory_space<vmem_shared>>) target_semaphore(%run_scoped3A_57 : memref<!tpu.dma_semaphore, #tpu.memory_space<semaphore_mem>>)
        %dma_wait3A = arith.constant 0 : i32
        %dma_wait3A_63 = tpu.memref_slice %arg7[%mul3A_0, %dma_wait3A] : memref<10008x128xf32, #tpu.memory_space<vmem_shared>> -> memref<632x128xf32, #tpu.memory_space<vmem_shared>>
        %dma_wait3A_64 = arith.constant 0 : i32
        %dma_wait3A_65 = arith.constant 0 : i32
        %dma_wait3A_66 = tpu.memref_slice %arg5[%dma_wait3A_64, %dma_wait3A_65] : memref<632x128xf32, #tpu.memory_space<hbm>> -> memref<632x128xf32, #tpu.memory_space<hbm>>
        tpu.wait_dma2 semaphore(%run_scoped3A_57 : memref<!tpu.dma_semaphore, #tpu.memory_space<semaphore_mem>>) src(%dma_wait3A_66 : memref<632x128xf32, #tpu.memory_space<hbm>>) dst(%dma_wait3A_63 : memref<632x128xf32, #tpu.memory_space<vmem_shared>>)
        tpu.yield
      }) : () -> ()
    } else {
    }
    %eq3A = arith.constant 15 : i32
    %eq3A_3 = arith.cmpi eq, %arg1, %eq3A : i32
    %convert_element_type3A_4 = arith.extui %eq3A_3 : i1 to i32
    %cond3A_5 = arith.constant 0 : i32
    %cond3A_6 = arith.cmpi ne, %convert_element_type3A_4, %cond3A_5 : i32
    scf.if %cond3A_6 {
      "tpu.region"() ({
        %run_scoped3A_57 = tpu.sem_alloc : memref<!tpu.dma_semaphore, #tpu.memory_space<semaphore_mem>>
        %dma_start3A_58 = arith.constant 0 : i32
        %dma_start3A_59 = tpu.memref_slice %arg7[%mul3A_0, %dma_start3A_58] : memref<10008x128xf32, #tpu.memory_space<vmem_shared>> -> memref<528x128xf32, #tpu.memory_space<vmem_shared>>
        %dma_start3A_60 = arith.constant 0 : i32
        %dma_start3A_61 = arith.constant 0 : i32
        %dma_start3A_62 = tpu.memref_slice %arg5[%dma_start3A_60, %dma_start3A_61] : memref<632x128xf32, #tpu.memory_space<hbm>> -> memref<528x128xf32, #tpu.memory_space<hbm>>
        tpu.enqueue_dma source(%dma_start3A_62 : memref<528x128xf32, #tpu.memory_space<hbm>>) target(%dma_start3A_59 : memref<528x128xf32, #tpu.memory_space<vmem_shared>>) target_semaphore(%run_scoped3A_57 : memref<!tpu.dma_semaphore, #tpu.memory_space<semaphore_mem>>)
        %dma_wait3A = arith.constant 0 : i32
        %dma_wait3A_63 = tpu.memref_slice %arg7[%mul3A_0, %dma_wait3A] : memref<10008x128xf32, #tpu.memory_space<vmem_shared>> -> memref<528x128xf32, #tpu.memory_space<vmem_shared>>
        %dma_wait3A_64 = arith.constant 0 : i32
        %dma_wait3A_65 = arith.constant 0 : i32
        %dma_wait3A_66 = tpu.memref_slice %arg5[%dma_wait3A_64, %dma_wait3A_65] : memref<632x128xf32, #tpu.memory_space<hbm>> -> memref<528x128xf32, #tpu.memory_space<hbm>>
        tpu.wait_dma2 semaphore(%run_scoped3A_57 : memref<!tpu.dma_semaphore, #tpu.memory_space<semaphore_mem>>) src(%dma_wait3A_66 : memref<528x128xf32, #tpu.memory_space<hbm>>) dst(%dma_wait3A_63 : memref<528x128xf32, #tpu.memory_space<vmem_shared>>)
        tpu.yield
      }) : () -> ()
    } else {
    }
    %run_scoped3A = arith.constant 0 : i32
    "tpu.region"() ({
      %run_scoped3A_57 = tpu.sem_alloc : memref<!tpu.dma_semaphore, #tpu.memory_space<semaphore_mem>>
      %dma_start3A_58 = arith.constant 0 : i32
      %dma_start3A_59 = arith.constant 0 : i32
      %dma_start3A_60 = tpu.memref_slice %arg8[%run_scoped3A, %dma_start3A_58, %dma_start3A_59] : memref<2x8x128xi32, #tpu.memory_space<vmem>> -> memref<1x8x128xi32, #tpu.memory_space<vmem>>
      %dma_start3A_61 = tpu.memref_squeeze %dma_start3A_60 : memref<1x8x128xi32, #tpu.memory_space<vmem>> -> memref<8x128xi32, #tpu.memory_space<vmem>>
      %dma_start3A_62 = arith.constant 0 : i32
      %dma_start3A_63 = arith.constant 0 : i32
      %dma_start3A_64 = tpu.memref_slice %arg3[%arg0, %arg1, %dma_start3A_62, %dma_start3A_63] : memref<2x16x160x128xi32, #tpu.memory_space<hbm>> -> memref<1x1x8x128xi32, #tpu.memory_space<hbm>>
      %dma_start3A_65 = tpu.memref_squeeze %dma_start3A_64 : memref<1x1x8x128xi32, #tpu.memory_space<hbm>> -> memref<8x128xi32, #tpu.memory_space<hbm>>
      %dma_start3A_66 = arith.constant 0 : i32
      %dma_start3A_67 = arith.constant 0 : i32
      %dma_start3A_68 = tpu.memref_slice %arg8[%run_scoped3A, %dma_start3A_66, %dma_start3A_67] : memref<2x8x128xi32, #tpu.memory_space<vmem>> -> memref<1x8x128xi32, #tpu.memory_space<vmem>>
      %dma_start3A_69 = tpu.memref_squeeze %dma_start3A_68 : memref<1x8x128xi32, #tpu.memory_space<vmem>> -> memref<8x128xi32, #tpu.memory_space<vmem>>
      %dma_start3A_70 = arith.constant 0 : i32
      %dma_start3A_71 = arith.constant 0 : i32
      %dma_start3A_72 = tpu.memref_slice %arg3[%arg0, %arg1, %dma_start3A_70, %dma_start3A_71] : memref<2x16x160x128xi32, #tpu.memory_space<hbm>> -> memref<1x1x8x128xi32, #tpu.memory_space<hbm>>
      %dma_start3A_73 = tpu.memref_squeeze %dma_start3A_72 : memref<1x1x8x128xi32, #tpu.memory_space<hbm>> -> memref<8x128xi32, #tpu.memory_space<hbm>>
      tpu.enqueue_dma source(%dma_start3A_73 : memref<8x128xi32, #tpu.memory_space<hbm>>) target(%dma_start3A_69 : memref<8x128xi32, #tpu.memory_space<vmem>>) target_semaphore(%run_scoped3A_57 : memref<!tpu.dma_semaphore, #tpu.memory_space<semaphore_mem>>)
      %dma_wait3A = arith.constant 0 : i32
      %dma_wait3A_74 = arith.constant 0 : i32
      %dma_wait3A_75 = tpu.memref_slice %arg8[%run_scoped3A, %dma_wait3A, %dma_wait3A_74] : memref<2x8x128xi32, #tpu.memory_space<vmem>> -> memref<1x8x128xi32, #tpu.memory_space<vmem>>
      %dma_wait3A_76 = tpu.memref_squeeze %dma_wait3A_75 : memref<1x8x128xi32, #tpu.memory_space<vmem>> -> memref<8x128xi32, #tpu.memory_space<vmem>>
      %dma_wait3A_77 = arith.constant 0 : i32
      %dma_wait3A_78 = arith.constant 0 : i32
      %dma_wait3A_79 = tpu.memref_slice %arg3[%arg0, %arg1, %dma_wait3A_77, %dma_wait3A_78] : memref<2x16x160x128xi32, #tpu.memory_space<hbm>> -> memref<1x1x8x128xi32, #tpu.memory_space<hbm>>
      %dma_wait3A_80 = tpu.memref_squeeze %dma_wait3A_79 : memref<1x1x8x128xi32, #tpu.memory_space<hbm>> -> memref<8x128xi32, #tpu.memory_space<hbm>>
      %dma_wait3A_81 = arith.constant 0 : i32
      %dma_wait3A_82 = arith.constant 0 : i32
      %dma_wait3A_83 = tpu.memref_slice %arg8[%run_scoped3A, %dma_wait3A_81, %dma_wait3A_82] : memref<2x8x128xi32, #tpu.memory_space<vmem>> -> memref<1x8x128xi32, #tpu.memory_space<vmem>>
      %dma_wait3A_84 = tpu.memref_squeeze %dma_wait3A_83 : memref<1x8x128xi32, #tpu.memory_space<vmem>> -> memref<8x128xi32, #tpu.memory_space<vmem>>
      %dma_wait3A_85 = arith.constant 0 : i32
      %dma_wait3A_86 = arith.constant 0 : i32
      %dma_wait3A_87 = tpu.memref_slice %arg3[%arg0, %arg1, %dma_wait3A_85, %dma_wait3A_86] : memref<2x16x160x128xi32, #tpu.memory_space<hbm>> -> memref<1x1x8x128xi32, #tpu.memory_space<hbm>>
      %dma_wait3A_88 = tpu.memref_squeeze %dma_wait3A_87 : memref<1x1x8x128xi32, #tpu.memory_space<hbm>> -> memref<8x128xi32, #tpu.memory_space<hbm>>
      tpu.wait_dma2 semaphore(%run_scoped3A_57 : memref<!tpu.dma_semaphore, #tpu.memory_space<semaphore_mem>>) src(%dma_wait3A_88 : memref<8x128xi32, #tpu.memory_space<hbm>>) dst(%dma_wait3A_84 : memref<8x128xi32, #tpu.memory_space<vmem>>)
      tpu.yield
    }) : () -> ()
    %run_scoped3A_7 = arith.constant 0 : i32
    "tpu.region"() ({
      %run_scoped3A_57 = tpu.sem_alloc : memref<!tpu.dma_semaphore, #tpu.memory_space<semaphore_mem>>
      %dma_start3A_58 = arith.constant 0 : i32
      %dma_start3A_59 = arith.constant 0 : i32
      %dma_start3A_60 = tpu.memref_slice %arg9[%run_scoped3A_7, %dma_start3A_58, %dma_start3A_59] : memref<2x8x128xi32, #tpu.memory_space<vmem>> -> memref<1x8x128xi32, #tpu.memory_space<vmem>>
      %dma_start3A_61 = tpu.memref_squeeze %dma_start3A_60 : memref<1x8x128xi32, #tpu.memory_space<vmem>> -> memref<8x128xi32, #tpu.memory_space<vmem>>
      %dma_start3A_62 = arith.constant 0 : i32
      %dma_start3A_63 = arith.constant 0 : i32
      %dma_start3A_64 = tpu.memref_slice %arg4[%arg0, %arg1, %dma_start3A_62, %dma_start3A_63] : memref<2x16x160x128xi32, #tpu.memory_space<hbm>> -> memref<1x1x8x128xi32, #tpu.memory_space<hbm>>
      %dma_start3A_65 = tpu.memref_squeeze %dma_start3A_64 : memref<1x1x8x128xi32, #tpu.memory_space<hbm>> -> memref<8x128xi32, #tpu.memory_space<hbm>>
      %dma_start3A_66 = arith.constant 0 : i32
      %dma_start3A_67 = arith.constant 0 : i32
      %dma_start3A_68 = tpu.memref_slice %arg9[%run_scoped3A_7, %dma_start3A_66, %dma_start3A_67] : memref<2x8x128xi32, #tpu.memory_space<vmem>> -> memref<1x8x128xi32, #tpu.memory_space<vmem>>
      %dma_start3A_69 = tpu.memref_squeeze %dma_start3A_68 : memref<1x8x128xi32, #tpu.memory_space<vmem>> -> memref<8x128xi32, #tpu.memory_space<vmem>>
      %dma_start3A_70 = arith.constant 0 : i32
      %dma_start3A_71 = arith.constant 0 : i32
      %dma_start3A_72 = tpu.memref_slice %arg4[%arg0, %arg1, %dma_start3A_70, %dma_start3A_71] : memref<2x16x160x128xi32, #tpu.memory_space<hbm>> -> memref<1x1x8x128xi32, #tpu.memory_space<hbm>>
      %dma_start3A_73 = tpu.memref_squeeze %dma_start3A_72 : memref<1x1x8x128xi32, #tpu.memory_space<hbm>> -> memref<8x128xi32, #tpu.memory_space<hbm>>
      tpu.enqueue_dma source(%dma_start3A_73 : memref<8x128xi32, #tpu.memory_space<hbm>>) target(%dma_start3A_69 : memref<8x128xi32, #tpu.memory_space<vmem>>) target_semaphore(%run_scoped3A_57 : memref<!tpu.dma_semaphore, #tpu.memory_space<semaphore_mem>>)
      %dma_wait3A = arith.constant 0 : i32
      %dma_wait3A_74 = arith.constant 0 : i32
      %dma_wait3A_75 = tpu.memref_slice %arg9[%run_scoped3A_7, %dma_wait3A, %dma_wait3A_74] : memref<2x8x128xi32, #tpu.memory_space<vmem>> -> memref<1x8x128xi32, #tpu.memory_space<vmem>>
      %dma_wait3A_76 = tpu.memref_squeeze %dma_wait3A_75 : memref<1x8x128xi32, #tpu.memory_space<vmem>> -> memref<8x128xi32, #tpu.memory_space<vmem>>
      %dma_wait3A_77 = arith.constant 0 : i32
      %dma_wait3A_78 = arith.constant 0 : i32
      %dma_wait3A_79 = tpu.memref_slice %arg4[%arg0, %arg1, %dma_wait3A_77, %dma_wait3A_78] : memref<2x16x160x128xi32, #tpu.memory_space<hbm>> -> memref<1x1x8x128xi32, #tpu.memory_space<hbm>>
      %dma_wait3A_80 = tpu.memref_squeeze %dma_wait3A_79 : memref<1x1x8x128xi32, #tpu.memory_space<hbm>> -> memref<8x128xi32, #tpu.memory_space<hbm>>
      %dma_wait3A_81 = arith.constant 0 : i32
      %dma_wait3A_82 = arith.constant 0 : i32
      %dma_wait3A_83 = tpu.memref_slice %arg9[%run_scoped3A_7, %dma_wait3A_81, %dma_wait3A_82] : memref<2x8x128xi32, #tpu.memory_space<vmem>> -> memref<1x8x128xi32, #tpu.memory_space<vmem>>
      %dma_wait3A_84 = tpu.memref_squeeze %dma_wait3A_83 : memref<1x8x128xi32, #tpu.memory_space<vmem>> -> memref<8x128xi32, #tpu.memory_space<vmem>>
      %dma_wait3A_85 = arith.constant 0 : i32
      %dma_wait3A_86 = arith.constant 0 : i32
      %dma_wait3A_87 = tpu.memref_slice %arg4[%arg0, %arg1, %dma_wait3A_85, %dma_wait3A_86] : memref<2x16x160x128xi32, #tpu.memory_space<hbm>> -> memref<1x1x8x128xi32, #tpu.memory_space<hbm>>
      %dma_wait3A_88 = tpu.memref_squeeze %dma_wait3A_87 : memref<1x1x8x128xi32, #tpu.memory_space<hbm>> -> memref<8x128xi32, #tpu.memory_space<hbm>>
      tpu.wait_dma2 semaphore(%run_scoped3A_57 : memref<!tpu.dma_semaphore, #tpu.memory_space<semaphore_mem>>) src(%dma_wait3A_88 : memref<8x128xi32, #tpu.memory_space<hbm>>) dst(%dma_wait3A_84 : memref<8x128xi32, #tpu.memory_space<vmem>>)
      tpu.yield
    }) : () -> ()
    %barrier3A = arith.constant 0 : index
    tpu.barrier barrier_id(%barrier3A)
    %dma_start3A = arith.constant 0 : i32
    %dma_start3A_8 = arith.constant 0 : i32
    %dma_start3A_9 = arith.constant 0 : i32
    %dma_start3A_10 = arith.constant 0 : i32
    %dma_start3A_11 = arith.constant 0 : i32
    %dma_start3A_12 = arith.constant 0 : i32
    %dma_start3A_13 = tpu.memref_slice %arg10[%dma_start3A_9, %dma_start3A_11, %dma_start3A_12] : memref<2x128x128xf32, #tpu.memory_space<vmem>> -> memref<1x128x128xf32, #tpu.memory_space<vmem>>
    %dma_start3A_14 = tpu.memref_squeeze %dma_start3A_13 : memref<1x128x128xf32, #tpu.memory_space<vmem>> -> memref<128x128xf32, #tpu.memory_space<vmem>>
    %dma_start3A_15 = arith.constant 0 : i32
    %dma_start3A_16 = tpu.memref_slice %arg8[%dma_start3A, %dma_start3A_8, %dma_start3A_15] : memref<2x8x128xi32, #tpu.memory_space<vmem>> -> memref<1x1x128xi32, #tpu.memory_space<vmem>>
    %dma_start3A_17 = tpu.memref_squeeze %dma_start3A_16 : memref<1x1x128xi32, #tpu.memory_space<vmem>> -> memref<128xi32, #tpu.memory_space<vmem>>
    %dma_start3A_18 = arith.constant 0 : i32
    %dma_start3A_19 = arith.constant 0 : i32
    %dma_start3A_20 = tpu.memref_slice %arg2[%dma_start3A_18, %dma_start3A_19] : memref<20000x128xf32, #tpu.memory_space<hbm>> -> memref<20000x128xf32, #tpu.memory_space<hbm>>
    %dma_start3A_21 = tpu.memref_slice %arg11[%dma_start3A_10] : memref<2x!tpu.dma_semaphore, #tpu.memory_space<semaphore_mem>> -> memref<1x!tpu.dma_semaphore, #tpu.memory_space<semaphore_mem>>
    %dma_start3A_22 = tpu.memref_squeeze %dma_start3A_21 : memref<1x!tpu.dma_semaphore, #tpu.memory_space<semaphore_mem>> -> memref<!tpu.dma_semaphore, #tpu.memory_space<semaphore_mem>>
    tpu.enqueue_indirect_dma source(%dma_start3A_20 : memref<20000x128xf32, #tpu.memory_space<hbm>>) target(%dma_start3A_14 : memref<128x128xf32, #tpu.memory_space<vmem>>) offsets(%dma_start3A_17 : memref<128xi32, #tpu.memory_space<vmem>>) semaphore(%dma_start3A_22 : memref<!tpu.dma_semaphore, #tpu.memory_space<semaphore_mem>>)
    %dma_start3A_23 = arith.constant 0 : i32
    %dma_start3A_24 = arith.constant 1 : i32
    %dma_start3A_25 = arith.constant 1 : i32
    %dma_start3A_26 = arith.constant 1 : i32
    %dma_start3A_27 = arith.constant 0 : i32
    %dma_start3A_28 = arith.constant 0 : i32
    %dma_start3A_29 = tpu.memref_slice %arg10[%dma_start3A_25, %dma_start3A_27, %dma_start3A_28] : memref<2x128x128xf32, #tpu.memory_space<vmem>> -> memref<1x128x128xf32, #tpu.memory_space<vmem>>
    %dma_start3A_30 = tpu.memref_squeeze %dma_start3A_29 : memref<1x128x128xf32, #tpu.memory_space<vmem>> -> memref<128x128xf32, #tpu.memory_space<vmem>>
    %dma_start3A_31 = arith.constant 0 : i32
    %dma_start3A_32 = tpu.memref_slice %arg8[%dma_start3A_23, %dma_start3A_24, %dma_start3A_31] : memref<2x8x128xi32, #tpu.memory_space<vmem>> -> memref<1x1x128xi32, #tpu.memory_space<vmem>>
    %dma_start3A_33 = tpu.memref_squeeze %dma_start3A_32 : memref<1x1x128xi32, #tpu.memory_space<vmem>> -> memref<128xi32, #tpu.memory_space<vmem>>
    %dma_start3A_34 = arith.constant 0 : i32
    %dma_start3A_35 = arith.constant 0 : i32
    %dma_start3A_36 = tpu.memref_slice %arg2[%dma_start3A_34, %dma_start3A_35] : memref<20000x128xf32, #tpu.memory_space<hbm>> -> memref<20000x128xf32, #tpu.memory_space<hbm>>
    %dma_start3A_37 = tpu.memref_slice %arg11[%dma_start3A_26] : memref<2x!tpu.dma_semaphore, #tpu.memory_space<semaphore_mem>> -> memref<1x!tpu.dma_semaphore, #tpu.memory_space<semaphore_mem>>
    %dma_start3A_38 = tpu.memref_squeeze %dma_start3A_37 : memref<1x!tpu.dma_semaphore, #tpu.memory_space<semaphore_mem>> -> memref<!tpu.dma_semaphore, #tpu.memory_space<semaphore_mem>>
    tpu.enqueue_indirect_dma source(%dma_start3A_36 : memref<20000x128xf32, #tpu.memory_space<hbm>>) target(%dma_start3A_30 : memref<128x128xf32, #tpu.memory_space<vmem>>) offsets(%dma_start3A_33 : memref<128xi32, #tpu.memory_space<vmem>>) semaphore(%dma_start3A_38 : memref<!tpu.dma_semaphore, #tpu.memory_space<semaphore_mem>>)
    %scan3A = arith.constant 0 : i32
    %scan3A_39 = arith.constant 0 : i32
    %scan3A_40 = arith.constant 10 : i32
    %scan3A_41 = arith.addi %scan3A_39, %scan3A_40 : i32
    %scan3A_42 = arith.constant 1 : i32
    scf.for %scan3A_57 = %scan3A_39 to %scan3A_41 step %scan3A_42  : i32 {
      %mul3A_58 = arith.constant 2 : i32
      %mul3A_59 = arith.muli %mul3A_58, %scan3A_57 : i32
      %add3A = arith.constant 0 : i32
      %add3A_60 = arith.addi %mul3A_59, %add3A : i32
      %add3A_61 = arith.constant 1 : i32
      %add3A_62 = arith.addi %add3A_60, %add3A_61 : i32
      %mul3A_63 = arith.constant 8 : i32
      %mul3A_64 = arith.muli %add3A_62, %mul3A_63 : i32
      %dma_start3A_65 = arith.constant 1 : i32
      %dma_start3A_66 = arith.constant 0 : i32
      %dma_start3A_67 = arith.constant 0 : i32
      %dma_start3A_68 = arith.constant 0 : i32
      %dma_start3A_69 = tpu.memref_slice %arg8[%dma_start3A_65, %dma_start3A_67, %dma_start3A_68] : memref<2x8x128xi32, #tpu.memory_space<vmem>> -> memref<1x8x128xi32, #tpu.memory_space<vmem>>
      %dma_start3A_70 = tpu.memref_squeeze %dma_start3A_69 : memref<1x8x128xi32, #tpu.memory_space<vmem>> -> memref<8x128xi32, #tpu.memory_space<vmem>>
      %dma_start3A_71 = arith.constant 0 : i32
      %dma_start3A_72 = tpu.memref_slice %arg3[%arg0, %arg1, %mul3A_64, %dma_start3A_71] : memref<2x16x160x128xi32, #tpu.memory_space<hbm>> -> memref<1x1x8x128xi32, #tpu.memory_space<hbm>>
      %dma_start3A_73 = tpu.memref_squeeze %dma_start3A_72 : memref<1x1x8x128xi32, #tpu.memory_space<hbm>> -> memref<8x128xi32, #tpu.memory_space<hbm>>
      %dma_start3A_74 = tpu.memref_slice %arg13[%dma_start3A_66] : memref<2x!tpu.dma_semaphore, #tpu.memory_space<semaphore_mem>> -> memref<1x!tpu.dma_semaphore, #tpu.memory_space<semaphore_mem>>
      %dma_start3A_75 = tpu.memref_squeeze %dma_start3A_74 : memref<1x!tpu.dma_semaphore, #tpu.memory_space<semaphore_mem>> -> memref<!tpu.dma_semaphore, #tpu.memory_space<semaphore_mem>>
      %dma_start3A_76 = arith.constant 0 : i32
      %dma_start3A_77 = arith.constant 0 : i32
      %dma_start3A_78 = tpu.memref_slice %arg8[%dma_start3A_65, %dma_start3A_76, %dma_start3A_77] : memref<2x8x128xi32, #tpu.memory_space<vmem>> -> memref<1x8x128xi32, #tpu.memory_space<vmem>>
      %dma_start3A_79 = tpu.memref_squeeze %dma_start3A_78 : memref<1x8x128xi32, #tpu.memory_space<vmem>> -> memref<8x128xi32, #tpu.memory_space<vmem>>
      %dma_start3A_80 = arith.constant 0 : i32
      %dma_start3A_81 = tpu.memref_slice %arg3[%arg0, %arg1, %mul3A_64, %dma_start3A_80] : memref<2x16x160x128xi32, #tpu.memory_space<hbm>> -> memref<1x1x8x128xi32, #tpu.memory_space<hbm>>
      %dma_start3A_82 = tpu.memref_squeeze %dma_start3A_81 : memref<1x1x8x128xi32, #tpu.memory_space<hbm>> -> memref<8x128xi32, #tpu.memory_space<hbm>>
      tpu.enqueue_dma source(%dma_start3A_82 : memref<8x128xi32, #tpu.memory_space<hbm>>) target(%dma_start3A_79 : memref<8x128xi32, #tpu.memory_space<vmem>>) target_semaphore(%dma_start3A_75 : memref<!tpu.dma_semaphore, #tpu.memory_space<semaphore_mem>>)
      %add3A_83 = arith.constant 1 : i32
      %add3A_84 = arith.addi %add3A_60, %add3A_83 : i32
      %mul3A_85 = arith.constant 8 : i32
      %mul3A_86 = arith.muli %add3A_84, %mul3A_85 : i32
      %dma_start3A_87 = arith.constant 1 : i32
      %dma_start3A_88 = arith.constant 1 : i32
      %dma_start3A_89 = arith.constant 0 : i32
      %dma_start3A_90 = arith.constant 0 : i32
      %dma_start3A_91 = tpu.memref_slice %arg9[%dma_start3A_87, %dma_start3A_89, %dma_start3A_90] : memref<2x8x128xi32, #tpu.memory_space<vmem>> -> memref<1x8x128xi32, #tpu.memory_space<vmem>>
      %dma_start3A_92 = tpu.memref_squeeze %dma_start3A_91 : memref<1x8x128xi32, #tpu.memory_space<vmem>> -> memref<8x128xi32, #tpu.memory_space<vmem>>
      %dma_start3A_93 = arith.constant 0 : i32
      %dma_start3A_94 = tpu.memref_slice %arg4[%arg0, %arg1, %mul3A_86, %dma_start3A_93] : memref<2x16x160x128xi32, #tpu.memory_space<hbm>> -> memref<1x1x8x128xi32, #tpu.memory_space<hbm>>
      %dma_start3A_95 = tpu.memref_squeeze %dma_start3A_94 : memref<1x1x8x128xi32, #tpu.memory_space<hbm>> -> memref<8x128xi32, #tpu.memory_space<hbm>>
      %dma_start3A_96 = tpu.memref_slice %arg13[%dma_start3A_88] : memref<2x!tpu.dma_semaphore, #tpu.memory_space<semaphore_mem>> -> memref<1x!tpu.dma_semaphore, #tpu.memory_space<semaphore_mem>>
      %dma_start3A_97 = tpu.memref_squeeze %dma_start3A_96 : memref<1x!tpu.dma_semaphore, #tpu.memory_space<semaphore_mem>> -> memref<!tpu.dma_semaphore, #tpu.memory_space<semaphore_mem>>
      %dma_start3A_98 = arith.constant 0 : i32
      %dma_start3A_99 = arith.constant 0 : i32
      %dma_start3A_100 = tpu.memref_slice %arg9[%dma_start3A_87, %dma_start3A_98, %dma_start3A_99] : memref<2x8x128xi32, #tpu.memory_space<vmem>> -> memref<1x8x128xi32, #tpu.memory_space<vmem>>
      %dma_start3A_101 = tpu.memref_squeeze %dma_start3A_100 : memref<1x8x128xi32, #tpu.memory_space<vmem>> -> memref<8x128xi32, #tpu.memory_space<vmem>>
      %dma_start3A_102 = arith.constant 0 : i32
      %dma_start3A_103 = tpu.memref_slice %arg4[%arg0, %arg1, %mul3A_86, %dma_start3A_102] : memref<2x16x160x128xi32, #tpu.memory_space<hbm>> -> memref<1x1x8x128xi32, #tpu.memory_space<hbm>>
      %dma_start3A_104 = tpu.memref_squeeze %dma_start3A_103 : memref<1x1x8x128xi32, #tpu.memory_space<hbm>> -> memref<8x128xi32, #tpu.memory_space<hbm>>
      tpu.enqueue_dma source(%dma_start3A_104 : memref<8x128xi32, #tpu.memory_space<hbm>>) target(%dma_start3A_101 : memref<8x128xi32, #tpu.memory_space<vmem>>) target_semaphore(%dma_start3A_97 : memref<!tpu.dma_semaphore, #tpu.memory_space<semaphore_mem>>)
      %dma_wait3A = arith.constant 0 : i32
      %dma_wait3A_105 = arith.constant 0 : i32
      %dma_wait3A_106 = arith.constant 0 : i32
      %dma_wait3A_107 = arith.constant 0 : i32
      %dma_wait3A_108 = tpu.memref_slice %arg10[%dma_wait3A, %dma_wait3A_106, %dma_wait3A_107] : memref<2x128x128xf32, #tpu.memory_space<vmem>> -> memref<1x128x128xf32, #tpu.memory_space<vmem>>
      %dma_wait3A_109 = tpu.memref_squeeze %dma_wait3A_108 : memref<1x128x128xf32, #tpu.memory_space<vmem>> -> memref<128x128xf32, #tpu.memory_space<vmem>>
      %dma_wait3A_110 = arith.constant 0 : i32
      %dma_wait3A_111 = arith.constant 0 : i32
      %dma_wait3A_112 = tpu.memref_slice %arg2[%dma_wait3A_110, %dma_wait3A_111] : memref<20000x128xf32, #tpu.memory_space<hbm>> -> memref<128x128xf32, #tpu.memory_space<hbm>>
      %dma_wait3A_113 = tpu.memref_slice %arg11[%dma_wait3A_105] : memref<2x!tpu.dma_semaphore, #tpu.memory_space<semaphore_mem>> -> memref<1x!tpu.dma_semaphore, #tpu.memory_space<semaphore_mem>>
      %dma_wait3A_114 = tpu.memref_squeeze %dma_wait3A_113 : memref<1x!tpu.dma_semaphore, #tpu.memory_space<semaphore_mem>> -> memref<!tpu.dma_semaphore, #tpu.memory_space<semaphore_mem>>
      %dma_wait3A_115 = arith.constant 0 : i32
      %dma_wait3A_116 = arith.constant 0 : i32
      %dma_wait3A_117 = tpu.memref_slice %arg10[%dma_wait3A, %dma_wait3A_115, %dma_wait3A_116] : memref<2x128x128xf32, #tpu.memory_space<vmem>> -> memref<1x128x128xf32, #tpu.memory_space<vmem>>
      %dma_wait3A_118 = tpu.memref_squeeze %dma_wait3A_117 : memref<1x128x128xf32, #tpu.memory_space<vmem>> -> memref<128x128xf32, #tpu.memory_space<vmem>>
      %dma_wait3A_119 = arith.constant 0 : i32
      %dma_wait3A_120 = arith.constant 0 : i32
      %dma_wait3A_121 = tpu.memref_slice %arg2[%dma_wait3A_119, %dma_wait3A_120] : memref<20000x128xf32, #tpu.memory_space<hbm>> -> memref<128x128xf32, #tpu.memory_space<hbm>>
      tpu.wait_dma2 semaphore(%dma_wait3A_114 : memref<!tpu.dma_semaphore, #tpu.memory_space<semaphore_mem>>) src(%dma_wait3A_121 : memref<128x128xf32, #tpu.memory_space<hbm>>) dst(%dma_wait3A_118 : memref<128x128xf32, #tpu.memory_space<vmem>>)
      %dma_start3A_122 = arith.constant 0 : i32
      %dma_start3A_123 = arith.constant 0 : i32
      %dma_start3A_124 = arith.constant 0 : i32
      %dma_start3A_125 = arith.constant 0 : i32
      %dma_start3A_126 = arith.constant 0 : i32
      %dma_start3A_127 = arith.constant 0 : i32
      %dma_start3A_128 = tpu.memref_slice %arg10[%dma_start3A_122, %dma_start3A_126, %dma_start3A_127] : memref<2x128x128xf32, #tpu.memory_space<vmem>> -> memref<1x128x128xf32, #tpu.memory_space<vmem>>
      %dma_start3A_129 = tpu.memref_squeeze %dma_start3A_128 : memref<1x128x128xf32, #tpu.memory_space<vmem>> -> memref<128x128xf32, #tpu.memory_space<vmem>>
      %dma_start3A_130 = arith.constant 0 : i32
      %dma_start3A_131 = tpu.memref_slice %arg9[%dma_start3A_123, %dma_start3A_124, %dma_start3A_130] : memref<2x8x128xi32, #tpu.memory_space<vmem>> -> memref<1x1x128xi32, #tpu.memory_space<vmem>>
      %dma_start3A_132 = tpu.memref_squeeze %dma_start3A_131 : memref<1x1x128xi32, #tpu.memory_space<vmem>> -> memref<128xi32, #tpu.memory_space<vmem>>
      %dma_start3A_133 = arith.constant 0 : i32
      %dma_start3A_134 = arith.constant 0 : i32
      %dma_start3A_135 = tpu.memref_slice %arg7[%dma_start3A_133, %dma_start3A_134] : memref<10008x128xf32, #tpu.memory_space<vmem_shared>> -> memref<10008x128xf32, #tpu.memory_space<vmem_shared>>
      %dma_start3A_136 = tpu.memref_slice %arg12[%dma_start3A_125] : memref<2x!tpu.dma_semaphore, #tpu.memory_space<semaphore_mem>> -> memref<1x!tpu.dma_semaphore, #tpu.memory_space<semaphore_mem>>
      %dma_start3A_137 = tpu.memref_squeeze %dma_start3A_136 : memref<1x!tpu.dma_semaphore, #tpu.memory_space<semaphore_mem>> -> memref<!tpu.dma_semaphore, #tpu.memory_space<semaphore_mem>>
      tpu.enqueue_indirect_dma source(%dma_start3A_129 : memref<128x128xf32, #tpu.memory_space<vmem>>) target(%dma_start3A_135 : memref<10008x128xf32, #tpu.memory_space<vmem_shared>>) offsets(%dma_start3A_132 : memref<128xi32, #tpu.memory_space<vmem>>) semaphore(%dma_start3A_137 : memref<!tpu.dma_semaphore, #tpu.memory_space<semaphore_mem>>) {add = true}
      %dma_wait3A_138 = arith.constant 0 : i32
      %dma_wait3A_139 = arith.constant 0 : i32
      %dma_wait3A_140 = arith.constant 0 : i32
      %dma_wait3A_141 = arith.constant 0 : i32
      %dma_wait3A_142 = arith.constant 0 : i32
      %dma_wait3A_143 = arith.constant 0 : i32
      %dma_wait3A_144 = tpu.memref_slice %arg10[%dma_wait3A_138, %dma_wait3A_142, %dma_wait3A_143] : memref<2x128x128xf32, #tpu.memory_space<vmem>> -> memref<1x128x128xf32, #tpu.memory_space<vmem>>
      %dma_wait3A_145 = tpu.memref_squeeze %dma_wait3A_144 : memref<1x128x128xf32, #tpu.memory_space<vmem>> -> memref<128x128xf32, #tpu.memory_space<vmem>>
      %dma_wait3A_146 = arith.constant 0 : i32
      %dma_wait3A_147 = tpu.memref_slice %arg9[%dma_wait3A_139, %dma_wait3A_140, %dma_wait3A_146] : memref<2x8x128xi32, #tpu.memory_space<vmem>> -> memref<1x1x128xi32, #tpu.memory_space<vmem>>
      %dma_wait3A_148 = tpu.memref_squeeze %dma_wait3A_147 : memref<1x1x128xi32, #tpu.memory_space<vmem>> -> memref<128xi32, #tpu.memory_space<vmem>>
      %dma_wait3A_149 = arith.constant 0 : i32
      %dma_wait3A_150 = arith.constant 0 : i32
      %dma_wait3A_151 = tpu.memref_slice %arg7[%dma_wait3A_149, %dma_wait3A_150] : memref<10008x128xf32, #tpu.memory_space<vmem_shared>> -> memref<10008x128xf32, #tpu.memory_space<vmem_shared>>
      %dma_wait3A_152 = tpu.memref_slice %arg12[%dma_wait3A_141] : memref<2x!tpu.dma_semaphore, #tpu.memory_space<semaphore_mem>> -> memref<1x!tpu.dma_semaphore, #tpu.memory_space<semaphore_mem>>
      %dma_wait3A_153 = tpu.memref_squeeze %dma_wait3A_152 : memref<1x!tpu.dma_semaphore, #tpu.memory_space<semaphore_mem>> -> memref<!tpu.dma_semaphore, #tpu.memory_space<semaphore_mem>>
      tpu.wait_indirect_dma semaphore(%dma_wait3A_153 : memref<!tpu.dma_semaphore, #tpu.memory_space<semaphore_mem>>) src(%dma_wait3A_145 : memref<128x128xf32, #tpu.memory_space<vmem>>) dst(%dma_wait3A_151 : memref<10008x128xf32, #tpu.memory_space<vmem_shared>>)
      %dma_start3A_154 = arith.constant 0 : i32
      %dma_start3A_155 = arith.constant 2 : i32
      %dma_start3A_156 = arith.constant 0 : i32
      %dma_start3A_157 = arith.constant 0 : i32
      %dma_start3A_158 = arith.constant 0 : i32
      %dma_start3A_159 = arith.constant 0 : i32
      %dma_start3A_160 = tpu.memref_slice %arg10[%dma_start3A_156, %dma_start3A_158, %dma_start3A_159] : memref<2x128x128xf32, #tpu.memory_space<vmem>> -> memref<1x128x128xf32, #tpu.memory_space<vmem>>
      %dma_start3A_161 = tpu.memref_squeeze %dma_start3A_160 : memref<1x128x128xf32, #tpu.memory_space<vmem>> -> memref<128x128xf32, #tpu.memory_space<vmem>>
      %dma_start3A_162 = arith.constant 0 : i32
      %dma_start3A_163 = tpu.memref_slice %arg8[%dma_start3A_154, %dma_start3A_155, %dma_start3A_162] : memref<2x8x128xi32, #tpu.memory_space<vmem>> -> memref<1x1x128xi32, #tpu.memory_space<vmem>>
      %dma_start3A_164 = tpu.memref_squeeze %dma_start3A_163 : memref<1x1x128xi32, #tpu.memory_space<vmem>> -> memref<128xi32, #tpu.memory_space<vmem>>
      %dma_start3A_165 = arith.constant 0 : i32
      %dma_start3A_166 = arith.constant 0 : i32
      %dma_start3A_167 = tpu.memref_slice %arg2[%dma_start3A_165, %dma_start3A_166] : memref<20000x128xf32, #tpu.memory_space<hbm>> -> memref<20000x128xf32, #tpu.memory_space<hbm>>
      %dma_start3A_168 = tpu.memref_slice %arg11[%dma_start3A_157] : memref<2x!tpu.dma_semaphore, #tpu.memory_space<semaphore_mem>> -> memref<1x!tpu.dma_semaphore, #tpu.memory_space<semaphore_mem>>
      %dma_start3A_169 = tpu.memref_squeeze %dma_start3A_168 : memref<1x!tpu.dma_semaphore, #tpu.memory_space<semaphore_mem>> -> memref<!tpu.dma_semaphore, #tpu.memory_space<semaphore_mem>>
      tpu.enqueue_indirect_dma source(%dma_start3A_167 : memref<20000x128xf32, #tpu.memory_space<hbm>>) target(%dma_start3A_161 : memref<128x128xf32, #tpu.memory_space<vmem>>) offsets(%dma_start3A_164 : memref<128xi32, #tpu.memory_space<vmem>>) semaphore(%dma_start3A_169 : memref<!tpu.dma_semaphore, #tpu.memory_space<semaphore_mem>>)
      %dma_wait3A_170 = arith.constant 1 : i32
      %dma_wait3A_171 = arith.constant 1 : i32
      %dma_wait3A_172 = arith.constant 0 : i32
      %dma_wait3A_173 = arith.constant 0 : i32
      %dma_wait3A_174 = tpu.memref_slice %arg10[%dma_wait3A_170, %dma_wait3A_172, %dma_wait3A_173] : memref<2x128x128xf32, #tpu.memory_space<vmem>> -> memref<1x128x128xf32, #tpu.memory_space<vmem>>
      %dma_wait3A_175 = tpu.memref_squeeze %dma_wait3A_174 : memref<1x128x128xf32, #tpu.memory_space<vmem>> -> memref<128x128xf32, #tpu.memory_space<vmem>>
      %dma_wait3A_176 = arith.constant 0 : i32
      %dma_wait3A_177 = arith.constant 0 : i32
      %dma_wait3A_178 = tpu.memref_slice %arg2[%dma_wait3A_176, %dma_wait3A_177] : memref<20000x128xf32, #tpu.memory_space<hbm>> -> memref<128x128xf32, #tpu.memory_space<hbm>>
      %dma_wait3A_179 = tpu.memref_slice %arg11[%dma_wait3A_171] : memref<2x!tpu.dma_semaphore, #tpu.memory_space<semaphore_mem>> -> memref<1x!tpu.dma_semaphore, #tpu.memory_space<semaphore_mem>>
      %dma_wait3A_180 = tpu.memref_squeeze %dma_wait3A_179 : memref<1x!tpu.dma_semaphore, #tpu.memory_space<semaphore_mem>> -> memref<!tpu.dma_semaphore, #tpu.memory_space<semaphore_mem>>
      %dma_wait3A_181 = arith.constant 0 : i32
      %dma_wait3A_182 = arith.constant 0 : i32
      %dma_wait3A_183 = tpu.memref_slice %arg10[%dma_wait3A_170, %dma_wait3A_181, %dma_wait3A_182] : memref<2x128x128xf32, #tpu.memory_space<vmem>> -> memref<1x128x128xf32, #tpu.memory_space<vmem>>
      %dma_wait3A_184 = tpu.memref_squeeze %dma_wait3A_183 : memref<1x128x128xf32, #tpu.memory_space<vmem>> -> memref<128x128xf32, #tpu.memory_space<vmem>>
      %dma_wait3A_185 = arith.constant 0 : i32
      %dma_wait3A_186 = arith.constant 0 : i32
      %dma_wait3A_187 = tpu.memref_slice %arg2[%dma_wait3A_185, %dma_wait3A_186] : memref<20000x128xf32, #tpu.memory_space<hbm>> -> memref<128x128xf32, #tpu.memory_space<hbm>>
      tpu.wait_dma2 semaphore(%dma_wait3A_180 : memref<!tpu.dma_semaphore, #tpu.memory_space<semaphore_mem>>) src(%dma_wait3A_187 : memref<128x128xf32, #tpu.memory_space<hbm>>) dst(%dma_wait3A_184 : memref<128x128xf32, #tpu.memory_space<vmem>>)
      %dma_start3A_188 = arith.constant 1 : i32
      %dma_start3A_189 = arith.constant 0 : i32
      %dma_start3A_190 = arith.constant 1 : i32
      %dma_start3A_191 = arith.constant 1 : i32
      %dma_start3A_192 = arith.constant 0 : i32
      %dma_start3A_193 = arith.constant 0 : i32
      %dma_start3A_194 = tpu.memref_slice %arg10[%dma_start3A_188, %dma_start3A_192, %dma_start3A_193] : memref<2x128x128xf32, #tpu.memory_space<vmem>> -> memref<1x128x128xf32, #tpu.memory_space<vmem>>
      %dma_start3A_195 = tpu.memref_squeeze %dma_start3A_194 : memref<1x128x128xf32, #tpu.memory_space<vmem>> -> memref<128x128xf32, #tpu.memory_space<vmem>>
      %dma_start3A_196 = arith.constant 0 : i32
      %dma_start3A_197 = tpu.memref_slice %arg9[%dma_start3A_189, %dma_start3A_190, %dma_start3A_196] : memref<2x8x128xi32, #tpu.memory_space<vmem>> -> memref<1x1x128xi32, #tpu.memory_space<vmem>>
      %dma_start3A_198 = tpu.memref_squeeze %dma_start3A_197 : memref<1x1x128xi32, #tpu.memory_space<vmem>> -> memref<128xi32, #tpu.memory_space<vmem>>
      %dma_start3A_199 = arith.constant 0 : i32
      %dma_start3A_200 = arith.constant 0 : i32
      %dma_start3A_201 = tpu.memref_slice %arg7[%dma_start3A_199, %dma_start3A_200] : memref<10008x128xf32, #tpu.memory_space<vmem_shared>> -> memref<10008x128xf32, #tpu.memory_space<vmem_shared>>
      %dma_start3A_202 = tpu.memref_slice %arg12[%dma_start3A_191] : memref<2x!tpu.dma_semaphore, #tpu.memory_space<semaphore_mem>> -> memref<1x!tpu.dma_semaphore, #tpu.memory_space<semaphore_mem>>
      %dma_start3A_203 = tpu.memref_squeeze %dma_start3A_202 : memref<1x!tpu.dma_semaphore, #tpu.memory_space<semaphore_mem>> -> memref<!tpu.dma_semaphore, #tpu.memory_space<semaphore_mem>>
      tpu.enqueue_indirect_dma source(%dma_start3A_195 : memref<128x128xf32, #tpu.memory_space<vmem>>) target(%dma_start3A_201 : memref<10008x128xf32, #tpu.memory_space<vmem_shared>>) offsets(%dma_start3A_198 : memref<128xi32, #tpu.memory_space<vmem>>) semaphore(%dma_start3A_203 : memref<!tpu.dma_semaphore, #tpu.memory_space<semaphore_mem>>) {add = true}
      %dma_wait3A_204 = arith.constant 1 : i32
      %dma_wait3A_205 = arith.constant 0 : i32
      %dma_wait3A_206 = arith.constant 1 : i32
      %dma_wait3A_207 = arith.constant 1 : i32
      %dma_wait3A_208 = arith.constant 0 : i32
      %dma_wait3A_209 = arith.constant 0 : i32
      %dma_wait3A_210 = tpu.memref_slice %arg10[%dma_wait3A_204, %dma_wait3A_208, %dma_wait3A_209] : memref<2x128x128xf32, #tpu.memory_space<vmem>> -> memref<1x128x128xf32, #tpu.memory_space<vmem>>
      %dma_wait3A_211 = tpu.memref_squeeze %dma_wait3A_210 : memref<1x128x128xf32, #tpu.memory_space<vmem>> -> memref<128x128xf32, #tpu.memory_space<vmem>>
      %dma_wait3A_212 = arith.constant 0 : i32
      %dma_wait3A_213 = tpu.memref_slice %arg9[%dma_wait3A_205, %dma_wait3A_206, %dma_wait3A_212] : memref<2x8x128xi32, #tpu.memory_space<vmem>> -> memref<1x1x128xi32, #tpu.memory_space<vmem>>
      %dma_wait3A_214 = tpu.memref_squeeze %dma_wait3A_213 : memref<1x1x128xi32, #tpu.memory_space<vmem>> -> memref<128xi32, #tpu.memory_space<vmem>>
      %dma_wait3A_215 = arith.constant 0 : i32
      %dma_wait3A_216 = arith.constant 0 : i32
      %dma_wait3A_217 = tpu.memref_slice %arg7[%dma_wait3A_215, %dma_wait3A_216] : memref<10008x128xf32, #tpu.memory_space<vmem_shared>> -> memref<10008x128xf32, #tpu.memory_space<vmem_shared>>
      %dma_wait3A_218 = tpu.memref_slice %arg12[%dma_wait3A_207] : memref<2x!tpu.dma_semaphore, #tpu.memory_space<semaphore_mem>> -> memref<1x!tpu.dma_semaphore, #tpu.memory_space<semaphore_mem>>
      %dma_wait3A_219 = tpu.memref_squeeze %dma_wait3A_218 : memref<1x!tpu.dma_semaphore, #tpu.memory_space<semaphore_mem>> -> memref<!tpu.dma_semaphore, #tpu.memory_space<semaphore_mem>>
      tpu.wait_indirect_dma semaphore(%dma_wait3A_219 : memref<!tpu.dma_semaphore, #tpu.memory_space<semaphore_mem>>) src(%dma_wait3A_211 : memref<128x128xf32, #tpu.memory_space<vmem>>) dst(%dma_wait3A_217 : memref<10008x128xf32, #tpu.memory_space<vmem_shared>>)
      %dma_start3A_220 = arith.constant 0 : i32
      %dma_start3A_221 = arith.constant 3 : i32
      %dma_start3A_222 = arith.constant 1 : i32
      %dma_start3A_223 = arith.constant 1 : i32
      %dma_start3A_224 = arith.constant 0 : i32
      %dma_start3A_225 = arith.constant 0 : i32
      %dma_start3A_226 = tpu.memref_slice %arg10[%dma_start3A_222, %dma_start3A_224, %dma_start3A_225] : memref<2x128x128xf32, #tpu.memory_space<vmem>> -> memref<1x128x128xf32, #tpu.memory_space<vmem>>
      %dma_start3A_227 = tpu.memref_squeeze %dma_start3A_226 : memref<1x128x128xf32, #tpu.memory_space<vmem>> -> memref<128x128xf32, #tpu.memory_space<vmem>>
      %dma_start3A_228 = arith.constant 0 : i32
      %dma_start3A_229 = tpu.memref_slice %arg8[%dma_start3A_220, %dma_start3A_221, %dma_start3A_228] : memref<2x8x128xi32, #tpu.memory_space<vmem>> -> memref<1x1x128xi32, #tpu.memory_space<vmem>>
      %dma_start3A_230 = tpu.memref_squeeze %dma_start3A_229 : memref<1x1x128xi32, #tpu.memory_space<vmem>> -> memref<128xi32, #tpu.memory_space<vmem>>
      %dma_start3A_231 = arith.constant 0 : i32
      %dma_start3A_232 = arith.constant 0 : i32
      %dma_start3A_233 = tpu.memref_slice %arg2[%dma_start3A_231, %dma_start3A_232] : memref<20000x128xf32, #tpu.memory_space<hbm>> -> memref<20000x128xf32, #tpu.memory_space<hbm>>
      %dma_start3A_234 = tpu.memref_slice %arg11[%dma_start3A_223] : memref<2x!tpu.dma_semaphore, #tpu.memory_space<semaphore_mem>> -> memref<1x!tpu.dma_semaphore, #tpu.memory_space<semaphore_mem>>
      %dma_start3A_235 = tpu.memref_squeeze %dma_start3A_234 : memref<1x!tpu.dma_semaphore, #tpu.memory_space<semaphore_mem>> -> memref<!tpu.dma_semaphore, #tpu.memory_space<semaphore_mem>>
      tpu.enqueue_indirect_dma source(%dma_start3A_233 : memref<20000x128xf32, #tpu.memory_space<hbm>>) target(%dma_start3A_227 : memref<128x128xf32, #tpu.memory_space<vmem>>) offsets(%dma_start3A_230 : memref<128xi32, #tpu.memory_space<vmem>>) semaphore(%dma_start3A_235 : memref<!tpu.dma_semaphore, #tpu.memory_space<semaphore_mem>>)
      %dma_wait3A_236 = arith.constant 0 : i32
      %dma_wait3A_237 = arith.constant 0 : i32
      %dma_wait3A_238 = arith.constant 0 : i32
      %dma_wait3A_239 = arith.constant 0 : i32
      %dma_wait3A_240 = tpu.memref_slice %arg10[%dma_wait3A_236, %dma_wait3A_238, %dma_wait3A_239] : memref<2x128x128xf32, #tpu.memory_space<vmem>> -> memref<1x128x128xf32, #tpu.memory_space<vmem>>
      %dma_wait3A_241 = tpu.memref_squeeze %dma_wait3A_240 : memref<1x128x128xf32, #tpu.memory_space<vmem>> -> memref<128x128xf32, #tpu.memory_space<vmem>>
      %dma_wait3A_242 = arith.constant 0 : i32
      %dma_wait3A_243 = arith.constant 0 : i32
      %dma_wait3A_244 = tpu.memref_slice %arg2[%dma_wait3A_242, %dma_wait3A_243] : memref<20000x128xf32, #tpu.memory_space<hbm>> -> memref<128x128xf32, #tpu.memory_space<hbm>>
      %dma_wait3A_245 = tpu.memref_slice %arg11[%dma_wait3A_237] : memref<2x!tpu.dma_semaphore, #tpu.memory_space<semaphore_mem>> -> memref<1x!tpu.dma_semaphore, #tpu.memory_space<semaphore_mem>>
      %dma_wait3A_246 = tpu.memref_squeeze %dma_wait3A_245 : memref<1x!tpu.dma_semaphore, #tpu.memory_space<semaphore_mem>> -> memref<!tpu.dma_semaphore, #tpu.memory_space<semaphore_mem>>
      %dma_wait3A_247 = arith.constant 0 : i32
      %dma_wait3A_248 = arith.constant 0 : i32
      %dma_wait3A_249 = tpu.memref_slice %arg10[%dma_wait3A_236, %dma_wait3A_247, %dma_wait3A_248] : memref<2x128x128xf32, #tpu.memory_space<vmem>> -> memref<1x128x128xf32, #tpu.memory_space<vmem>>
      %dma_wait3A_250 = tpu.memref_squeeze %dma_wait3A_249 : memref<1x128x128xf32, #tpu.memory_space<vmem>> -> memref<128x128xf32, #tpu.memory_space<vmem>>
      %dma_wait3A_251 = arith.constant 0 : i32
      %dma_wait3A_252 = arith.constant 0 : i32
      %dma_wait3A_253 = tpu.memref_slice %arg2[%dma_wait3A_251, %dma_wait3A_252] : memref<20000x128xf32, #tpu.memory_space<hbm>> -> memref<128x128xf32, #tpu.memory_space<hbm>>
      tpu.wait_dma2 semaphore(%dma_wait3A_246 : memref<!tpu.dma_semaphore, #tpu.memory_space<semaphore_mem>>) src(%dma_wait3A_253 : memref<128x128xf32, #tpu.memory_space<hbm>>) dst(%dma_wait3A_250 : memref<128x128xf32, #tpu.memory_space<vmem>>)
      %dma_start3A_254 = arith.constant 0 : i32
      %dma_start3A_255 = arith.constant 0 : i32
      %dma_start3A_256 = arith.constant 2 : i32
      %dma_start3A_257 = arith.constant 0 : i32
      %dma_start3A_258 = arith.constant 0 : i32
      %dma_start3A_259 = arith.constant 0 : i32
      %dma_start3A_260 = tpu.memref_slice %arg10[%dma_start3A_254, %dma_start3A_258, %dma_start3A_259] : memref<2x128x128xf32, #tpu.memory_space<vmem>> -> memref<1x128x128xf32, #tpu.memory_space<vmem>>
      %dma_start3A_261 = tpu.memref_squeeze %dma_start3A_260 : memref<1x128x128xf32, #tpu.memory_space<vmem>> -> memref<128x128xf32, #tpu.memory_space<vmem>>
      %dma_start3A_262 = arith.constant 0 : i32
      %dma_start3A_263 = tpu.memref_slice %arg9[%dma_start3A_255, %dma_start3A_256, %dma_start3A_262] : memref<2x8x128xi32, #tpu.memory_space<vmem>> -> memref<1x1x128xi32, #tpu.memory_space<vmem>>
      %dma_start3A_264 = tpu.memref_squeeze %dma_start3A_263 : memref<1x1x128xi32, #tpu.memory_space<vmem>> -> memref<128xi32, #tpu.memory_space<vmem>>
      %dma_start3A_265 = arith.constant 0 : i32
      %dma_start3A_266 = arith.constant 0 : i32
      %dma_start3A_267 = tpu.memref_slice %arg7[%dma_start3A_265, %dma_start3A_266] : memref<10008x128xf32, #tpu.memory_space<vmem_shared>> -> memref<10008x128xf32, #tpu.memory_space<vmem_shared>>
      %dma_start3A_268 = tpu.memref_slice %arg12[%dma_start3A_257] : memref<2x!tpu.dma_semaphore, #tpu.memory_space<semaphore_mem>> -> memref<1x!tpu.dma_semaphore, #tpu.memory_space<semaphore_mem>>
      %dma_start3A_269 = tpu.memref_squeeze %dma_start3A_268 : memref<1x!tpu.dma_semaphore, #tpu.memory_space<semaphore_mem>> -> memref<!tpu.dma_semaphore, #tpu.memory_space<semaphore_mem>>
      tpu.enqueue_indirect_dma source(%dma_start3A_261 : memref<128x128xf32, #tpu.memory_space<vmem>>) target(%dma_start3A_267 : memref<10008x128xf32, #tpu.memory_space<vmem_shared>>) offsets(%dma_start3A_264 : memref<128xi32, #tpu.memory_space<vmem>>) semaphore(%dma_start3A_269 : memref<!tpu.dma_semaphore, #tpu.memory_space<semaphore_mem>>) {add = true}
      %dma_wait3A_270 = arith.constant 0 : i32
      %dma_wait3A_271 = arith.constant 0 : i32
      %dma_wait3A_272 = arith.constant 2 : i32
      %dma_wait3A_273 = arith.constant 0 : i32
      %dma_wait3A_274 = arith.constant 0 : i32
      %dma_wait3A_275 = arith.constant 0 : i32
      %dma_wait3A_276 = tpu.memref_slice %arg10[%dma_wait3A_270, %dma_wait3A_274, %dma_wait3A_275] : memref<2x128x128xf32, #tpu.memory_space<vmem>> -> memref<1x128x128xf32, #tpu.memory_space<vmem>>
      %dma_wait3A_277 = tpu.memref_squeeze %dma_wait3A_276 : memref<1x128x128xf32, #tpu.memory_space<vmem>> -> memref<128x128xf32, #tpu.memory_space<vmem>>
      %dma_wait3A_278 = arith.constant 0 : i32
      %dma_wait3A_279 = tpu.memref_slice %arg9[%dma_wait3A_271, %dma_wait3A_272, %dma_wait3A_278] : memref<2x8x128xi32, #tpu.memory_space<vmem>> -> memref<1x1x128xi32, #tpu.memory_space<vmem>>
      %dma_wait3A_280 = tpu.memref_squeeze %dma_wait3A_279 : memref<1x1x128xi32, #tpu.memory_space<vmem>> -> memref<128xi32, #tpu.memory_space<vmem>>
      %dma_wait3A_281 = arith.constant 0 : i32
      %dma_wait3A_282 = arith.constant 0 : i32
      %dma_wait3A_283 = tpu.memref_slice %arg7[%dma_wait3A_281, %dma_wait3A_282] : memref<10008x128xf32, #tpu.memory_space<vmem_shared>> -> memref<10008x128xf32, #tpu.memory_space<vmem_shared>>
      %dma_wait3A_284 = tpu.memref_slice %arg12[%dma_wait3A_273] : memref<2x!tpu.dma_semaphore, #tpu.memory_space<semaphore_mem>> -> memref<1x!tpu.dma_semaphore, #tpu.memory_space<semaphore_mem>>
      %dma_wait3A_285 = tpu.memref_squeeze %dma_wait3A_284 : memref<1x!tpu.dma_semaphore, #tpu.memory_space<semaphore_mem>> -> memref<!tpu.dma_semaphore, #tpu.memory_space<semaphore_mem>>
      tpu.wait_indirect_dma semaphore(%dma_wait3A_285 : memref<!tpu.dma_semaphore, #tpu.memory_space<semaphore_mem>>) src(%dma_wait3A_277 : memref<128x128xf32, #tpu.memory_space<vmem>>) dst(%dma_wait3A_283 : memref<10008x128xf32, #tpu.memory_space<vmem_shared>>)
      %dma_start3A_286 = arith.constant 0 : i32
      %dma_start3A_287 = arith.constant 4 : i32
      %dma_start3A_288 = arith.constant 0 : i32
      %dma_start3A_289 = arith.constant 0 : i32
      %dma_start3A_290 = arith.constant 0 : i32
      %dma_start3A_291 = arith.constant 0 : i32
      %dma_start3A_292 = tpu.memref_slice %arg10[%dma_start3A_288, %dma_start3A_290, %dma_start3A_291] : memref<2x128x128xf32, #tpu.memory_space<vmem>> -> memref<1x128x128xf32, #tpu.memory_space<vmem>>
      %dma_start3A_293 = tpu.memref_squeeze %dma_start3A_292 : memref<1x128x128xf32, #tpu.memory_space<vmem>> -> memref<128x128xf32, #tpu.memory_space<vmem>>
      %dma_start3A_294 = arith.constant 0 : i32
      %dma_start3A_295 = tpu.memref_slice %arg8[%dma_start3A_286, %dma_start3A_287, %dma_start3A_294] : memref<2x8x128xi32, #tpu.memory_space<vmem>> -> memref<1x1x128xi32, #tpu.memory_space<vmem>>
      %dma_start3A_296 = tpu.memref_squeeze %dma_start3A_295 : memref<1x1x128xi32, #tpu.memory_space<vmem>> -> memref<128xi32, #tpu.memory_space<vmem>>
      %dma_start3A_297 = arith.constant 0 : i32
      %dma_start3A_298 = arith.constant 0 : i32
      %dma_start3A_299 = tpu.memref_slice %arg2[%dma_start3A_297, %dma_start3A_298] : memref<20000x128xf32, #tpu.memory_space<hbm>> -> memref<20000x128xf32, #tpu.memory_space<hbm>>
      %dma_start3A_300 = tpu.memref_slice %arg11[%dma_start3A_289] : memref<2x!tpu.dma_semaphore, #tpu.memory_space<semaphore_mem>> -> memref<1x!tpu.dma_semaphore, #tpu.memory_space<semaphore_mem>>
      %dma_start3A_301 = tpu.memref_squeeze %dma_start3A_300 : memref<1x!tpu.dma_semaphore, #tpu.memory_space<semaphore_mem>> -> memref<!tpu.dma_semaphore, #tpu.memory_space<semaphore_mem>>
      tpu.enqueue_indirect_dma source(%dma_start3A_299 : memref<20000x128xf32, #tpu.memory_space<hbm>>) target(%dma_start3A_293 : memref<128x128xf32, #tpu.memory_space<vmem>>) offsets(%dma_start3A_296 : memref<128xi32, #tpu.memory_space<vmem>>) semaphore(%dma_start3A_301 : memref<!tpu.dma_semaphore, #tpu.memory_space<semaphore_mem>>)
      %dma_wait3A_302 = arith.constant 1 : i32
      %dma_wait3A_303 = arith.constant 1 : i32
      %dma_wait3A_304 = arith.constant 0 : i32
      %dma_wait3A_305 = arith.constant 0 : i32
      %dma_wait3A_306 = tpu.memref_slice %arg10[%dma_wait3A_302, %dma_wait3A_304, %dma_wait3A_305] : memref<2x128x128xf32, #tpu.memory_space<vmem>> -> memref<1x128x128xf32, #tpu.memory_space<vmem>>
      %dma_wait3A_307 = tpu.memref_squeeze %dma_wait3A_306 : memref<1x128x128xf32, #tpu.memory_space<vmem>> -> memref<128x128xf32, #tpu.memory_space<vmem>>
      %dma_wait3A_308 = arith.constant 0 : i32
      %dma_wait3A_309 = arith.constant 0 : i32
      %dma_wait3A_310 = tpu.memref_slice %arg2[%dma_wait3A_308, %dma_wait3A_309] : memref<20000x128xf32, #tpu.memory_space<hbm>> -> memref<128x128xf32, #tpu.memory_space<hbm>>
      %dma_wait3A_311 = tpu.memref_slice %arg11[%dma_wait3A_303] : memref<2x!tpu.dma_semaphore, #tpu.memory_space<semaphore_mem>> -> memref<1x!tpu.dma_semaphore, #tpu.memory_space<semaphore_mem>>
      %dma_wait3A_312 = tpu.memref_squeeze %dma_wait3A_311 : memref<1x!tpu.dma_semaphore, #tpu.memory_space<semaphore_mem>> -> memref<!tpu.dma_semaphore, #tpu.memory_space<semaphore_mem>>
      %dma_wait3A_313 = arith.constant 0 : i32
      %dma_wait3A_314 = arith.constant 0 : i32
      %dma_wait3A_315 = tpu.memref_slice %arg10[%dma_wait3A_302, %dma_wait3A_313, %dma_wait3A_314] : memref<2x128x128xf32, #tpu.memory_space<vmem>> -> memref<1x128x128xf32, #tpu.memory_space<vmem>>
      %dma_wait3A_316 = tpu.memref_squeeze %dma_wait3A_315 : memref<1x128x128xf32, #tpu.memory_space<vmem>> -> memref<128x128xf32, #tpu.memory_space<vmem>>
      %dma_wait3A_317 = arith.constant 0 : i32
      %dma_wait3A_318 = arith.constant 0 : i32
      %dma_wait3A_319 = tpu.memref_slice %arg2[%dma_wait3A_317, %dma_wait3A_318] : memref<20000x128xf32, #tpu.memory_space<hbm>> -> memref<128x128xf32, #tpu.memory_space<hbm>>
      tpu.wait_dma2 semaphore(%dma_wait3A_312 : memref<!tpu.dma_semaphore, #tpu.memory_space<semaphore_mem>>) src(%dma_wait3A_319 : memref<128x128xf32, #tpu.memory_space<hbm>>) dst(%dma_wait3A_316 : memref<128x128xf32, #tpu.memory_space<vmem>>)
      %dma_start3A_320 = arith.constant 1 : i32
      %dma_start3A_321 = arith.constant 0 : i32
      %dma_start3A_322 = arith.constant 3 : i32
      %dma_start3A_323 = arith.constant 1 : i32
      %dma_start3A_324 = arith.constant 0 : i32
      %dma_start3A_325 = arith.constant 0 : i32
      %dma_start3A_326 = tpu.memref_slice %arg10[%dma_start3A_320, %dma_start3A_324, %dma_start3A_325] : memref<2x128x128xf32, #tpu.memory_space<vmem>> -> memref<1x128x128xf32, #tpu.memory_space<vmem>>
      %dma_start3A_327 = tpu.memref_squeeze %dma_start3A_326 : memref<1x128x128xf32, #tpu.memory_space<vmem>> -> memref<128x128xf32, #tpu.memory_space<vmem>>
      %dma_start3A_328 = arith.constant 0 : i32
      %dma_start3A_329 = tpu.memref_slice %arg9[%dma_start3A_321, %dma_start3A_322, %dma_start3A_328] : memref<2x8x128xi32, #tpu.memory_space<vmem>> -> memref<1x1x128xi32, #tpu.memory_space<vmem>>
      %dma_start3A_330 = tpu.memref_squeeze %dma_start3A_329 : memref<1x1x128xi32, #tpu.memory_space<vmem>> -> memref<128xi32, #tpu.memory_space<vmem>>
      %dma_start3A_331 = arith.constant 0 : i32
      %dma_start3A_332 = arith.constant 0 : i32
      %dma_start3A_333 = tpu.memref_slice %arg7[%dma_start3A_331, %dma_start3A_332] : memref<10008x128xf32, #tpu.memory_space<vmem_shared>> -> memref<10008x128xf32, #tpu.memory_space<vmem_shared>>
      %dma_start3A_334 = tpu.memref_slice %arg12[%dma_start3A_323] : memref<2x!tpu.dma_semaphore, #tpu.memory_space<semaphore_mem>> -> memref<1x!tpu.dma_semaphore, #tpu.memory_space<semaphore_mem>>
      %dma_start3A_335 = tpu.memref_squeeze %dma_start3A_334 : memref<1x!tpu.dma_semaphore, #tpu.memory_space<semaphore_mem>> -> memref<!tpu.dma_semaphore, #tpu.memory_space<semaphore_mem>>
      tpu.enqueue_indirect_dma source(%dma_start3A_327 : memref<128x128xf32, #tpu.memory_space<vmem>>) target(%dma_start3A_333 : memref<10008x128xf32, #tpu.memory_space<vmem_shared>>) offsets(%dma_start3A_330 : memref<128xi32, #tpu.memory_space<vmem>>) semaphore(%dma_start3A_335 : memref<!tpu.dma_semaphore, #tpu.memory_space<semaphore_mem>>) {add = true}
      %dma_wait3A_336 = arith.constant 1 : i32
      %dma_wait3A_337 = arith.constant 0 : i32
      %dma_wait3A_338 = arith.constant 3 : i32
      %dma_wait3A_339 = arith.constant 1 : i32
      %dma_wait3A_340 = arith.constant 0 : i32
      %dma_wait3A_341 = arith.constant 0 : i32
      %dma_wait3A_342 = tpu.memref_slice %arg10[%dma_wait3A_336, %dma_wait3A_340, %dma_wait3A_341] : memref<2x128x128xf32, #tpu.memory_space<vmem>> -> memref<1x128x128xf32, #tpu.memory_space<vmem>>
      %dma_wait3A_343 = tpu.memref_squeeze %dma_wait3A_342 : memref<1x128x128xf32, #tpu.memory_space<vmem>> -> memref<128x128xf32, #tpu.memory_space<vmem>>
      %dma_wait3A_344 = arith.constant 0 : i32
      %dma_wait3A_345 = tpu.memref_slice %arg9[%dma_wait3A_337, %dma_wait3A_338, %dma_wait3A_344] : memref<2x8x128xi32, #tpu.memory_space<vmem>> -> memref<1x1x128xi32, #tpu.memory_space<vmem>>
      %dma_wait3A_346 = tpu.memref_squeeze %dma_wait3A_345 : memref<1x1x128xi32, #tpu.memory_space<vmem>> -> memref<128xi32, #tpu.memory_space<vmem>>
      %dma_wait3A_347 = arith.constant 0 : i32
      %dma_wait3A_348 = arith.constant 0 : i32
      %dma_wait3A_349 = tpu.memref_slice %arg7[%dma_wait3A_347, %dma_wait3A_348] : memref<10008x128xf32, #tpu.memory_space<vmem_shared>> -> memref<10008x128xf32, #tpu.memory_space<vmem_shared>>
      %dma_wait3A_350 = tpu.memref_slice %arg12[%dma_wait3A_339] : memref<2x!tpu.dma_semaphore, #tpu.memory_space<semaphore_mem>> -> memref<1x!tpu.dma_semaphore, #tpu.memory_space<semaphore_mem>>
      %dma_wait3A_351 = tpu.memref_squeeze %dma_wait3A_350 : memref<1x!tpu.dma_semaphore, #tpu.memory_space<semaphore_mem>> -> memref<!tpu.dma_semaphore, #tpu.memory_space<semaphore_mem>>
      tpu.wait_indirect_dma semaphore(%dma_wait3A_351 : memref<!tpu.dma_semaphore, #tpu.memory_space<semaphore_mem>>) src(%dma_wait3A_343 : memref<128x128xf32, #tpu.memory_space<vmem>>) dst(%dma_wait3A_349 : memref<10008x128xf32, #tpu.memory_space<vmem_shared>>)
      %dma_start3A_352 = arith.constant 0 : i32
      %dma_start3A_353 = arith.constant 5 : i32
      %dma_start3A_354 = arith.constant 1 : i32
      %dma_start3A_355 = arith.constant 1 : i32
      %dma_start3A_356 = arith.constant 0 : i32
      %dma_start3A_357 = arith.constant 0 : i32
      %dma_start3A_358 = tpu.memref_slice %arg10[%dma_start3A_354, %dma_start3A_356, %dma_start3A_357] : memref<2x128x128xf32, #tpu.memory_space<vmem>> -> memref<1x128x128xf32, #tpu.memory_space<vmem>>
      %dma_start3A_359 = tpu.memref_squeeze %dma_start3A_358 : memref<1x128x128xf32, #tpu.memory_space<vmem>> -> memref<128x128xf32, #tpu.memory_space<vmem>>
      %dma_start3A_360 = arith.constant 0 : i32
      %dma_start3A_361 = tpu.memref_slice %arg8[%dma_start3A_352, %dma_start3A_353, %dma_start3A_360] : memref<2x8x128xi32, #tpu.memory_space<vmem>> -> memref<1x1x128xi32, #tpu.memory_space<vmem>>
      %dma_start3A_362 = tpu.memref_squeeze %dma_start3A_361 : memref<1x1x128xi32, #tpu.memory_space<vmem>> -> memref<128xi32, #tpu.memory_space<vmem>>
      %dma_start3A_363 = arith.constant 0 : i32
      %dma_start3A_364 = arith.constant 0 : i32
      %dma_start3A_365 = tpu.memref_slice %arg2[%dma_start3A_363, %dma_start3A_364] : memref<20000x128xf32, #tpu.memory_space<hbm>> -> memref<20000x128xf32, #tpu.memory_space<hbm>>
      %dma_start3A_366 = tpu.memref_slice %arg11[%dma_start3A_355] : memref<2x!tpu.dma_semaphore, #tpu.memory_space<semaphore_mem>> -> memref<1x!tpu.dma_semaphore, #tpu.memory_space<semaphore_mem>>
      %dma_start3A_367 = tpu.memref_squeeze %dma_start3A_366 : memref<1x!tpu.dma_semaphore, #tpu.memory_space<semaphore_mem>> -> memref<!tpu.dma_semaphore, #tpu.memory_space<semaphore_mem>>
      tpu.enqueue_indirect_dma source(%dma_start3A_365 : memref<20000x128xf32, #tpu.memory_space<hbm>>) target(%dma_start3A_359 : memref<128x128xf32, #tpu.memory_space<vmem>>) offsets(%dma_start3A_362 : memref<128xi32, #tpu.memory_space<vmem>>) semaphore(%dma_start3A_367 : memref<!tpu.dma_semaphore, #tpu.memory_space<semaphore_mem>>)
      %dma_wait3A_368 = arith.constant 0 : i32
      %dma_wait3A_369 = arith.constant 0 : i32
      %dma_wait3A_370 = arith.constant 0 : i32
      %dma_wait3A_371 = arith.constant 0 : i32
      %dma_wait3A_372 = tpu.memref_slice %arg10[%dma_wait3A_368, %dma_wait3A_370, %dma_wait3A_371] : memref<2x128x128xf32, #tpu.memory_space<vmem>> -> memref<1x128x128xf32, #tpu.memory_space<vmem>>
      %dma_wait3A_373 = tpu.memref_squeeze %dma_wait3A_372 : memref<1x128x128xf32, #tpu.memory_space<vmem>> -> memref<128x128xf32, #tpu.memory_space<vmem>>
      %dma_wait3A_374 = arith.constant 0 : i32
      %dma_wait3A_375 = arith.constant 0 : i32
      %dma_wait3A_376 = tpu.memref_slice %arg2[%dma_wait3A_374, %dma_wait3A_375] : memref<20000x128xf32, #tpu.memory_space<hbm>> -> memref<128x128xf32, #tpu.memory_space<hbm>>
      %dma_wait3A_377 = tpu.memref_slice %arg11[%dma_wait3A_369] : memref<2x!tpu.dma_semaphore, #tpu.memory_space<semaphore_mem>> -> memref<1x!tpu.dma_semaphore, #tpu.memory_space<semaphore_mem>>
      %dma_wait3A_378 = tpu.memref_squeeze %dma_wait3A_377 : memref<1x!tpu.dma_semaphore, #tpu.memory_space<semaphore_mem>> -> memref<!tpu.dma_semaphore, #tpu.memory_space<semaphore_mem>>
      %dma_wait3A_379 = arith.constant 0 : i32
      %dma_wait3A_380 = arith.constant 0 : i32
      %dma_wait3A_381 = tpu.memref_slice %arg10[%dma_wait3A_368, %dma_wait3A_379, %dma_wait3A_380] : memref<2x128x128xf32, #tpu.memory_space<vmem>> -> memref<1x128x128xf32, #tpu.memory_space<vmem>>
      %dma_wait3A_382 = tpu.memref_squeeze %dma_wait3A_381 : memref<1x128x128xf32, #tpu.memory_space<vmem>> -> memref<128x128xf32, #tpu.memory_space<vmem>>
      %dma_wait3A_383 = arith.constant 0 : i32
      %dma_wait3A_384 = arith.constant 0 : i32
      %dma_wait3A_385 = tpu.memref_slice %arg2[%dma_wait3A_383, %dma_wait3A_384] : memref<20000x128xf32, #tpu.memory_space<hbm>> -> memref<128x128xf32, #tpu.memory_space<hbm>>
      tpu.wait_dma2 semaphore(%dma_wait3A_378 : memref<!tpu.dma_semaphore, #tpu.memory_space<semaphore_mem>>) src(%dma_wait3A_385 : memref<128x128xf32, #tpu.memory_space<hbm>>) dst(%dma_wait3A_382 : memref<128x128xf32, #tpu.memory_space<vmem>>)
      %dma_start3A_386 = arith.constant 0 : i32
      %dma_start3A_387 = arith.constant 0 : i32
      %dma_start3A_388 = arith.constant 4 : i32
      %dma_start3A_389 = arith.constant 0 : i32
      %dma_start3A_390 = arith.constant 0 : i32
      %dma_start3A_391 = arith.constant 0 : i32
      %dma_start3A_392 = tpu.memref_slice %arg10[%dma_start3A_386, %dma_start3A_390, %dma_start3A_391] : memref<2x128x128xf32, #tpu.memory_space<vmem>> -> memref<1x128x128xf32, #tpu.memory_space<vmem>>
      %dma_start3A_393 = tpu.memref_squeeze %dma_start3A_392 : memref<1x128x128xf32, #tpu.memory_space<vmem>> -> memref<128x128xf32, #tpu.memory_space<vmem>>
      %dma_start3A_394 = arith.constant 0 : i32
      %dma_start3A_395 = tpu.memref_slice %arg9[%dma_start3A_387, %dma_start3A_388, %dma_start3A_394] : memref<2x8x128xi32, #tpu.memory_space<vmem>> -> memref<1x1x128xi32, #tpu.memory_space<vmem>>
      %dma_start3A_396 = tpu.memref_squeeze %dma_start3A_395 : memref<1x1x128xi32, #tpu.memory_space<vmem>> -> memref<128xi32, #tpu.memory_space<vmem>>
      %dma_start3A_397 = arith.constant 0 : i32
      %dma_start3A_398 = arith.constant 0 : i32
      %dma_start3A_399 = tpu.memref_slice %arg7[%dma_start3A_397, %dma_start3A_398] : memref<10008x128xf32, #tpu.memory_space<vmem_shared>> -> memref<10008x128xf32, #tpu.memory_space<vmem_shared>>
      %dma_start3A_400 = tpu.memref_slice %arg12[%dma_start3A_389] : memref<2x!tpu.dma_semaphore, #tpu.memory_space<semaphore_mem>> -> memref<1x!tpu.dma_semaphore, #tpu.memory_space<semaphore_mem>>
      %dma_start3A_401 = tpu.memref_squeeze %dma_start3A_400 : memref<1x!tpu.dma_semaphore, #tpu.memory_space<semaphore_mem>> -> memref<!tpu.dma_semaphore, #tpu.memory_space<semaphore_mem>>
      tpu.enqueue_indirect_dma source(%dma_start3A_393 : memref<128x128xf32, #tpu.memory_space<vmem>>) target(%dma_start3A_399 : memref<10008x128xf32, #tpu.memory_space<vmem_shared>>) offsets(%dma_start3A_396 : memref<128xi32, #tpu.memory_space<vmem>>) semaphore(%dma_start3A_401 : memref<!tpu.dma_semaphore, #tpu.memory_space<semaphore_mem>>) {add = true}
      %dma_wait3A_402 = arith.constant 0 : i32
      %dma_wait3A_403 = arith.constant 0 : i32
      %dma_wait3A_404 = arith.constant 4 : i32
      %dma_wait3A_405 = arith.constant 0 : i32
      %dma_wait3A_406 = arith.constant 0 : i32
      %dma_wait3A_407 = arith.constant 0 : i32
      %dma_wait3A_408 = tpu.memref_slice %arg10[%dma_wait3A_402, %dma_wait3A_406, %dma_wait3A_407] : memref<2x128x128xf32, #tpu.memory_space<vmem>> -> memref<1x128x128xf32, #tpu.memory_space<vmem>>
      %dma_wait3A_409 = tpu.memref_squeeze %dma_wait3A_408 : memref<1x128x128xf32, #tpu.memory_space<vmem>> -> memref<128x128xf32, #tpu.memory_space<vmem>>
      %dma_wait3A_410 = arith.constant 0 : i32
      %dma_wait3A_411 = tpu.memref_slice %arg9[%dma_wait3A_403, %dma_wait3A_404, %dma_wait3A_410] : memref<2x8x128xi32, #tpu.memory_space<vmem>> -> memref<1x1x128xi32, #tpu.memory_space<vmem>>
      %dma_wait3A_412 = tpu.memref_squeeze %dma_wait3A_411 : memref<1x1x128xi32, #tpu.memory_space<vmem>> -> memref<128xi32, #tpu.memory_space<vmem>>
      %dma_wait3A_413 = arith.constant 0 : i32
      %dma_wait3A_414 = arith.constant 0 : i32
      %dma_wait3A_415 = tpu.memref_slice %arg7[%dma_wait3A_413, %dma_wait3A_414] : memref<10008x128xf32, #tpu.memory_space<vmem_shared>> -> memref<10008x128xf32, #tpu.memory_space<vmem_shared>>
      %dma_wait3A_416 = tpu.memref_slice %arg12[%dma_wait3A_405] : memref<2x!tpu.dma_semaphore, #tpu.memory_space<semaphore_mem>> -> memref<1x!tpu.dma_semaphore, #tpu.memory_space<semaphore_mem>>
      %dma_wait3A_417 = tpu.memref_squeeze %dma_wait3A_416 : memref<1x!tpu.dma_semaphore, #tpu.memory_space<semaphore_mem>> -> memref<!tpu.dma_semaphore, #tpu.memory_space<semaphore_mem>>
      tpu.wait_indirect_dma semaphore(%dma_wait3A_417 : memref<!tpu.dma_semaphore, #tpu.memory_space<semaphore_mem>>) src(%dma_wait3A_409 : memref<128x128xf32, #tpu.memory_space<vmem>>) dst(%dma_wait3A_415 : memref<10008x128xf32, #tpu.memory_space<vmem_shared>>)
      %dma_start3A_418 = arith.constant 0 : i32
      %dma_start3A_419 = arith.constant 6 : i32
      %dma_start3A_420 = arith.constant 0 : i32
      %dma_start3A_421 = arith.constant 0 : i32
      %dma_start3A_422 = arith.constant 0 : i32
      %dma_start3A_423 = arith.constant 0 : i32
      %dma_start3A_424 = tpu.memref_slice %arg10[%dma_start3A_420, %dma_start3A_422, %dma_start3A_423] : memref<2x128x128xf32, #tpu.memory_space<vmem>> -> memref<1x128x128xf32, #tpu.memory_space<vmem>>
      %dma_start3A_425 = tpu.memref_squeeze %dma_start3A_424 : memref<1x128x128xf32, #tpu.memory_space<vmem>> -> memref<128x128xf32, #tpu.memory_space<vmem>>
      %dma_start3A_426 = arith.constant 0 : i32
      %dma_start3A_427 = tpu.memref_slice %arg8[%dma_start3A_418, %dma_start3A_419, %dma_start3A_426] : memref<2x8x128xi32, #tpu.memory_space<vmem>> -> memref<1x1x128xi32, #tpu.memory_space<vmem>>
      %dma_start3A_428 = tpu.memref_squeeze %dma_start3A_427 : memref<1x1x128xi32, #tpu.memory_space<vmem>> -> memref<128xi32, #tpu.memory_space<vmem>>
      %dma_start3A_429 = arith.constant 0 : i32
      %dma_start3A_430 = arith.constant 0 : i32
      %dma_start3A_431 = tpu.memref_slice %arg2[%dma_start3A_429, %dma_start3A_430] : memref<20000x128xf32, #tpu.memory_space<hbm>> -> memref<20000x128xf32, #tpu.memory_space<hbm>>
      %dma_start3A_432 = tpu.memref_slice %arg11[%dma_start3A_421] : memref<2x!tpu.dma_semaphore, #tpu.memory_space<semaphore_mem>> -> memref<1x!tpu.dma_semaphore, #tpu.memory_space<semaphore_mem>>
      %dma_start3A_433 = tpu.memref_squeeze %dma_start3A_432 : memref<1x!tpu.dma_semaphore, #tpu.memory_space<semaphore_mem>> -> memref<!tpu.dma_semaphore, #tpu.memory_space<semaphore_mem>>
      tpu.enqueue_indirect_dma source(%dma_start3A_431 : memref<20000x128xf32, #tpu.memory_space<hbm>>) target(%dma_start3A_425 : memref<128x128xf32, #tpu.memory_space<vmem>>) offsets(%dma_start3A_428 : memref<128xi32, #tpu.memory_space<vmem>>) semaphore(%dma_start3A_433 : memref<!tpu.dma_semaphore, #tpu.memory_space<semaphore_mem>>)
      %dma_wait3A_434 = arith.constant 1 : i32
      %dma_wait3A_435 = arith.constant 1 : i32
      %dma_wait3A_436 = arith.constant 0 : i32
      %dma_wait3A_437 = arith.constant 0 : i32
      %dma_wait3A_438 = tpu.memref_slice %arg10[%dma_wait3A_434, %dma_wait3A_436, %dma_wait3A_437] : memref<2x128x128xf32, #tpu.memory_space<vmem>> -> memref<1x128x128xf32, #tpu.memory_space<vmem>>
      %dma_wait3A_439 = tpu.memref_squeeze %dma_wait3A_438 : memref<1x128x128xf32, #tpu.memory_space<vmem>> -> memref<128x128xf32, #tpu.memory_space<vmem>>
      %dma_wait3A_440 = arith.constant 0 : i32
      %dma_wait3A_441 = arith.constant 0 : i32
      %dma_wait3A_442 = tpu.memref_slice %arg2[%dma_wait3A_440, %dma_wait3A_441] : memref<20000x128xf32, #tpu.memory_space<hbm>> -> memref<128x128xf32, #tpu.memory_space<hbm>>
      %dma_wait3A_443 = tpu.memref_slice %arg11[%dma_wait3A_435] : memref<2x!tpu.dma_semaphore, #tpu.memory_space<semaphore_mem>> -> memref<1x!tpu.dma_semaphore, #tpu.memory_space<semaphore_mem>>
      %dma_wait3A_444 = tpu.memref_squeeze %dma_wait3A_443 : memref<1x!tpu.dma_semaphore, #tpu.memory_space<semaphore_mem>> -> memref<!tpu.dma_semaphore, #tpu.memory_space<semaphore_mem>>
      %dma_wait3A_445 = arith.constant 0 : i32
      %dma_wait3A_446 = arith.constant 0 : i32
      %dma_wait3A_447 = tpu.memref_slice %arg10[%dma_wait3A_434, %dma_wait3A_445, %dma_wait3A_446] : memref<2x128x128xf32, #tpu.memory_space<vmem>> -> memref<1x128x128xf32, #tpu.memory_space<vmem>>
      %dma_wait3A_448 = tpu.memref_squeeze %dma_wait3A_447 : memref<1x128x128xf32, #tpu.memory_space<vmem>> -> memref<128x128xf32, #tpu.memory_space<vmem>>
      %dma_wait3A_449 = arith.constant 0 : i32
      %dma_wait3A_450 = arith.constant 0 : i32
      %dma_wait3A_451 = tpu.memref_slice %arg2[%dma_wait3A_449, %dma_wait3A_450] : memref<20000x128xf32, #tpu.memory_space<hbm>> -> memref<128x128xf32, #tpu.memory_space<hbm>>
      tpu.wait_dma2 semaphore(%dma_wait3A_444 : memref<!tpu.dma_semaphore, #tpu.memory_space<semaphore_mem>>) src(%dma_wait3A_451 : memref<128x128xf32, #tpu.memory_space<hbm>>) dst(%dma_wait3A_448 : memref<128x128xf32, #tpu.memory_space<vmem>>)
      %dma_start3A_452 = arith.constant 1 : i32
      %dma_start3A_453 = arith.constant 0 : i32
      %dma_start3A_454 = arith.constant 5 : i32
      %dma_start3A_455 = arith.constant 1 : i32
      %dma_start3A_456 = arith.constant 0 : i32
      %dma_start3A_457 = arith.constant 0 : i32
      %dma_start3A_458 = tpu.memref_slice %arg10[%dma_start3A_452, %dma_start3A_456, %dma_start3A_457] : memref<2x128x128xf32, #tpu.memory_space<vmem>> -> memref<1x128x128xf32, #tpu.memory_space<vmem>>
      %dma_start3A_459 = tpu.memref_squeeze %dma_start3A_458 : memref<1x128x128xf32, #tpu.memory_space<vmem>> -> memref<128x128xf32, #tpu.memory_space<vmem>>
      %dma_start3A_460 = arith.constant 0 : i32
      %dma_start3A_461 = tpu.memref_slice %arg9[%dma_start3A_453, %dma_start3A_454, %dma_start3A_460] : memref<2x8x128xi32, #tpu.memory_space<vmem>> -> memref<1x1x128xi32, #tpu.memory_space<vmem>>
      %dma_start3A_462 = tpu.memref_squeeze %dma_start3A_461 : memref<1x1x128xi32, #tpu.memory_space<vmem>> -> memref<128xi32, #tpu.memory_space<vmem>>
      %dma_start3A_463 = arith.constant 0 : i32
      %dma_start3A_464 = arith.constant 0 : i32
      %dma_start3A_465 = tpu.memref_slice %arg7[%dma_start3A_463, %dma_start3A_464] : memref<10008x128xf32, #tpu.memory_space<vmem_shared>> -> memref<10008x128xf32, #tpu.memory_space<vmem_shared>>
      %dma_start3A_466 = tpu.memref_slice %arg12[%dma_start3A_455] : memref<2x!tpu.dma_semaphore, #tpu.memory_space<semaphore_mem>> -> memref<1x!tpu.dma_semaphore, #tpu.memory_space<semaphore_mem>>
      %dma_start3A_467 = tpu.memref_squeeze %dma_start3A_466 : memref<1x!tpu.dma_semaphore, #tpu.memory_space<semaphore_mem>> -> memref<!tpu.dma_semaphore, #tpu.memory_space<semaphore_mem>>
      tpu.enqueue_indirect_dma source(%dma_start3A_459 : memref<128x128xf32, #tpu.memory_space<vmem>>) target(%dma_start3A_465 : memref<10008x128xf32, #tpu.memory_space<vmem_shared>>) offsets(%dma_start3A_462 : memref<128xi32, #tpu.memory_space<vmem>>) semaphore(%dma_start3A_467 : memref<!tpu.dma_semaphore, #tpu.memory_space<semaphore_mem>>) {add = true}
      %dma_wait3A_468 = arith.constant 1 : i32
      %dma_wait3A_469 = arith.constant 0 : i32
      %dma_wait3A_470 = arith.constant 5 : i32
      %dma_wait3A_471 = arith.constant 1 : i32
      %dma_wait3A_472 = arith.constant 0 : i32
      %dma_wait3A_473 = arith.constant 0 : i32
      %dma_wait3A_474 = tpu.memref_slice %arg10[%dma_wait3A_468, %dma_wait3A_472, %dma_wait3A_473] : memref<2x128x128xf32, #tpu.memory_space<vmem>> -> memref<1x128x128xf32, #tpu.memory_space<vmem>>
      %dma_wait3A_475 = tpu.memref_squeeze %dma_wait3A_474 : memref<1x128x128xf32, #tpu.memory_space<vmem>> -> memref<128x128xf32, #tpu.memory_space<vmem>>
      %dma_wait3A_476 = arith.constant 0 : i32
      %dma_wait3A_477 = tpu.memref_slice %arg9[%dma_wait3A_469, %dma_wait3A_470, %dma_wait3A_476] : memref<2x8x128xi32, #tpu.memory_space<vmem>> -> memref<1x1x128xi32, #tpu.memory_space<vmem>>
      %dma_wait3A_478 = tpu.memref_squeeze %dma_wait3A_477 : memref<1x1x128xi32, #tpu.memory_space<vmem>> -> memref<128xi32, #tpu.memory_space<vmem>>
      %dma_wait3A_479 = arith.constant 0 : i32
      %dma_wait3A_480 = arith.constant 0 : i32
      %dma_wait3A_481 = tpu.memref_slice %arg7[%dma_wait3A_479, %dma_wait3A_480] : memref<10008x128xf32, #tpu.memory_space<vmem_shared>> -> memref<10008x128xf32, #tpu.memory_space<vmem_shared>>
      %dma_wait3A_482 = tpu.memref_slice %arg12[%dma_wait3A_471] : memref<2x!tpu.dma_semaphore, #tpu.memory_space<semaphore_mem>> -> memref<1x!tpu.dma_semaphore, #tpu.memory_space<semaphore_mem>>
      %dma_wait3A_483 = tpu.memref_squeeze %dma_wait3A_482 : memref<1x!tpu.dma_semaphore, #tpu.memory_space<semaphore_mem>> -> memref<!tpu.dma_semaphore, #tpu.memory_space<semaphore_mem>>
      tpu.wait_indirect_dma semaphore(%dma_wait3A_483 : memref<!tpu.dma_semaphore, #tpu.memory_space<semaphore_mem>>) src(%dma_wait3A_475 : memref<128x128xf32, #tpu.memory_space<vmem>>) dst(%dma_wait3A_481 : memref<10008x128xf32, #tpu.memory_space<vmem_shared>>)
      %dma_start3A_484 = arith.constant 0 : i32
      %dma_start3A_485 = arith.constant 7 : i32
      %dma_start3A_486 = arith.constant 1 : i32
      %dma_start3A_487 = arith.constant 1 : i32
      %dma_start3A_488 = arith.constant 0 : i32
      %dma_start3A_489 = arith.constant 0 : i32
      %dma_start3A_490 = tpu.memref_slice %arg10[%dma_start3A_486, %dma_start3A_488, %dma_start3A_489] : memref<2x128x128xf32, #tpu.memory_space<vmem>> -> memref<1x128x128xf32, #tpu.memory_space<vmem>>
      %dma_start3A_491 = tpu.memref_squeeze %dma_start3A_490 : memref<1x128x128xf32, #tpu.memory_space<vmem>> -> memref<128x128xf32, #tpu.memory_space<vmem>>
      %dma_start3A_492 = arith.constant 0 : i32
      %dma_start3A_493 = tpu.memref_slice %arg8[%dma_start3A_484, %dma_start3A_485, %dma_start3A_492] : memref<2x8x128xi32, #tpu.memory_space<vmem>> -> memref<1x1x128xi32, #tpu.memory_space<vmem>>
      %dma_start3A_494 = tpu.memref_squeeze %dma_start3A_493 : memref<1x1x128xi32, #tpu.memory_space<vmem>> -> memref<128xi32, #tpu.memory_space<vmem>>
      %dma_start3A_495 = arith.constant 0 : i32
      %dma_start3A_496 = arith.constant 0 : i32
      %dma_start3A_497 = tpu.memref_slice %arg2[%dma_start3A_495, %dma_start3A_496] : memref<20000x128xf32, #tpu.memory_space<hbm>> -> memref<20000x128xf32, #tpu.memory_space<hbm>>
      %dma_start3A_498 = tpu.memref_slice %arg11[%dma_start3A_487] : memref<2x!tpu.dma_semaphore, #tpu.memory_space<semaphore_mem>> -> memref<1x!tpu.dma_semaphore, #tpu.memory_space<semaphore_mem>>
      %dma_start3A_499 = tpu.memref_squeeze %dma_start3A_498 : memref<1x!tpu.dma_semaphore, #tpu.memory_space<semaphore_mem>> -> memref<!tpu.dma_semaphore, #tpu.memory_space<semaphore_mem>>
      tpu.enqueue_indirect_dma source(%dma_start3A_497 : memref<20000x128xf32, #tpu.memory_space<hbm>>) target(%dma_start3A_491 : memref<128x128xf32, #tpu.memory_space<vmem>>) offsets(%dma_start3A_494 : memref<128xi32, #tpu.memory_space<vmem>>) semaphore(%dma_start3A_499 : memref<!tpu.dma_semaphore, #tpu.memory_space<semaphore_mem>>)
      %dma_wait3A_500 = arith.constant 0 : i32
      %dma_wait3A_501 = arith.constant 0 : i32
      %dma_wait3A_502 = arith.constant 0 : i32
      %dma_wait3A_503 = arith.constant 0 : i32
      %dma_wait3A_504 = tpu.memref_slice %arg10[%dma_wait3A_500, %dma_wait3A_502, %dma_wait3A_503] : memref<2x128x128xf32, #tpu.memory_space<vmem>> -> memref<1x128x128xf32, #tpu.memory_space<vmem>>
      %dma_wait3A_505 = tpu.memref_squeeze %dma_wait3A_504 : memref<1x128x128xf32, #tpu.memory_space<vmem>> -> memref<128x128xf32, #tpu.memory_space<vmem>>
      %dma_wait3A_506 = arith.constant 0 : i32
      %dma_wait3A_507 = arith.constant 0 : i32
      %dma_wait3A_508 = tpu.memref_slice %arg2[%dma_wait3A_506, %dma_wait3A_507] : memref<20000x128xf32, #tpu.memory_space<hbm>> -> memref<128x128xf32, #tpu.memory_space<hbm>>
      %dma_wait3A_509 = tpu.memref_slice %arg11[%dma_wait3A_501] : memref<2x!tpu.dma_semaphore, #tpu.memory_space<semaphore_mem>> -> memref<1x!tpu.dma_semaphore, #tpu.memory_space<semaphore_mem>>
      %dma_wait3A_510 = tpu.memref_squeeze %dma_wait3A_509 : memref<1x!tpu.dma_semaphore, #tpu.memory_space<semaphore_mem>> -> memref<!tpu.dma_semaphore, #tpu.memory_space<semaphore_mem>>
      %dma_wait3A_511 = arith.constant 0 : i32
      %dma_wait3A_512 = arith.constant 0 : i32
      %dma_wait3A_513 = tpu.memref_slice %arg10[%dma_wait3A_500, %dma_wait3A_511, %dma_wait3A_512] : memref<2x128x128xf32, #tpu.memory_space<vmem>> -> memref<1x128x128xf32, #tpu.memory_space<vmem>>
      %dma_wait3A_514 = tpu.memref_squeeze %dma_wait3A_513 : memref<1x128x128xf32, #tpu.memory_space<vmem>> -> memref<128x128xf32, #tpu.memory_space<vmem>>
      %dma_wait3A_515 = arith.constant 0 : i32
      %dma_wait3A_516 = arith.constant 0 : i32
      %dma_wait3A_517 = tpu.memref_slice %arg2[%dma_wait3A_515, %dma_wait3A_516] : memref<20000x128xf32, #tpu.memory_space<hbm>> -> memref<128x128xf32, #tpu.memory_space<hbm>>
      tpu.wait_dma2 semaphore(%dma_wait3A_510 : memref<!tpu.dma_semaphore, #tpu.memory_space<semaphore_mem>>) src(%dma_wait3A_517 : memref<128x128xf32, #tpu.memory_space<hbm>>) dst(%dma_wait3A_514 : memref<128x128xf32, #tpu.memory_space<vmem>>)
      %dma_start3A_518 = arith.constant 0 : i32
      %dma_start3A_519 = arith.constant 0 : i32
      %dma_start3A_520 = arith.constant 6 : i32
      %dma_start3A_521 = arith.constant 0 : i32
      %dma_start3A_522 = arith.constant 0 : i32
      %dma_start3A_523 = arith.constant 0 : i32
      %dma_start3A_524 = tpu.memref_slice %arg10[%dma_start3A_518, %dma_start3A_522, %dma_start3A_523] : memref<2x128x128xf32, #tpu.memory_space<vmem>> -> memref<1x128x128xf32, #tpu.memory_space<vmem>>
      %dma_start3A_525 = tpu.memref_squeeze %dma_start3A_524 : memref<1x128x128xf32, #tpu.memory_space<vmem>> -> memref<128x128xf32, #tpu.memory_space<vmem>>
      %dma_start3A_526 = arith.constant 0 : i32
      %dma_start3A_527 = tpu.memref_slice %arg9[%dma_start3A_519, %dma_start3A_520, %dma_start3A_526] : memref<2x8x128xi32, #tpu.memory_space<vmem>> -> memref<1x1x128xi32, #tpu.memory_space<vmem>>
      %dma_start3A_528 = tpu.memref_squeeze %dma_start3A_527 : memref<1x1x128xi32, #tpu.memory_space<vmem>> -> memref<128xi32, #tpu.memory_space<vmem>>
      %dma_start3A_529 = arith.constant 0 : i32
      %dma_start3A_530 = arith.constant 0 : i32
      %dma_start3A_531 = tpu.memref_slice %arg7[%dma_start3A_529, %dma_start3A_530] : memref<10008x128xf32, #tpu.memory_space<vmem_shared>> -> memref<10008x128xf32, #tpu.memory_space<vmem_shared>>
      %dma_start3A_532 = tpu.memref_slice %arg12[%dma_start3A_521] : memref<2x!tpu.dma_semaphore, #tpu.memory_space<semaphore_mem>> -> memref<1x!tpu.dma_semaphore, #tpu.memory_space<semaphore_mem>>
      %dma_start3A_533 = tpu.memref_squeeze %dma_start3A_532 : memref<1x!tpu.dma_semaphore, #tpu.memory_space<semaphore_mem>> -> memref<!tpu.dma_semaphore, #tpu.memory_space<semaphore_mem>>
      tpu.enqueue_indirect_dma source(%dma_start3A_525 : memref<128x128xf32, #tpu.memory_space<vmem>>) target(%dma_start3A_531 : memref<10008x128xf32, #tpu.memory_space<vmem_shared>>) offsets(%dma_start3A_528 : memref<128xi32, #tpu.memory_space<vmem>>) semaphore(%dma_start3A_533 : memref<!tpu.dma_semaphore, #tpu.memory_space<semaphore_mem>>) {add = true}
      %dma_wait3A_534 = arith.constant 0 : i32
      %dma_wait3A_535 = arith.constant 0 : i32
      %dma_wait3A_536 = arith.constant 6 : i32
      %dma_wait3A_537 = arith.constant 0 : i32
      %dma_wait3A_538 = arith.constant 0 : i32
      %dma_wait3A_539 = arith.constant 0 : i32
      %dma_wait3A_540 = tpu.memref_slice %arg10[%dma_wait3A_534, %dma_wait3A_538, %dma_wait3A_539] : memref<2x128x128xf32, #tpu.memory_space<vmem>> -> memref<1x128x128xf32, #tpu.memory_space<vmem>>
      %dma_wait3A_541 = tpu.memref_squeeze %dma_wait3A_540 : memref<1x128x128xf32, #tpu.memory_space<vmem>> -> memref<128x128xf32, #tpu.memory_space<vmem>>
      %dma_wait3A_542 = arith.constant 0 : i32
      %dma_wait3A_543 = tpu.memref_slice %arg9[%dma_wait3A_535, %dma_wait3A_536, %dma_wait3A_542] : memref<2x8x128xi32, #tpu.memory_space<vmem>> -> memref<1x1x128xi32, #tpu.memory_space<vmem>>
      %dma_wait3A_544 = tpu.memref_squeeze %dma_wait3A_543 : memref<1x1x128xi32, #tpu.memory_space<vmem>> -> memref<128xi32, #tpu.memory_space<vmem>>
      %dma_wait3A_545 = arith.constant 0 : i32
      %dma_wait3A_546 = arith.constant 0 : i32
      %dma_wait3A_547 = tpu.memref_slice %arg7[%dma_wait3A_545, %dma_wait3A_546] : memref<10008x128xf32, #tpu.memory_space<vmem_shared>> -> memref<10008x128xf32, #tpu.memory_space<vmem_shared>>
      %dma_wait3A_548 = tpu.memref_slice %arg12[%dma_wait3A_537] : memref<2x!tpu.dma_semaphore, #tpu.memory_space<semaphore_mem>> -> memref<1x!tpu.dma_semaphore, #tpu.memory_space<semaphore_mem>>
      %dma_wait3A_549 = tpu.memref_squeeze %dma_wait3A_548 : memref<1x!tpu.dma_semaphore, #tpu.memory_space<semaphore_mem>> -> memref<!tpu.dma_semaphore, #tpu.memory_space<semaphore_mem>>
      tpu.wait_indirect_dma semaphore(%dma_wait3A_549 : memref<!tpu.dma_semaphore, #tpu.memory_space<semaphore_mem>>) src(%dma_wait3A_541 : memref<128x128xf32, #tpu.memory_space<vmem>>) dst(%dma_wait3A_547 : memref<10008x128xf32, #tpu.memory_space<vmem_shared>>)
      %dma_wait3A_550 = arith.constant 1 : i32
      %dma_wait3A_551 = arith.constant 0 : i32
      %dma_wait3A_552 = arith.constant 0 : i32
      %dma_wait3A_553 = arith.constant 0 : i32
      %dma_wait3A_554 = tpu.memref_slice %arg8[%dma_wait3A_550, %dma_wait3A_552, %dma_wait3A_553] : memref<2x8x128xi32, #tpu.memory_space<vmem>> -> memref<1x8x128xi32, #tpu.memory_space<vmem>>
      %dma_wait3A_555 = tpu.memref_squeeze %dma_wait3A_554 : memref<1x8x128xi32, #tpu.memory_space<vmem>> -> memref<8x128xi32, #tpu.memory_space<vmem>>
      %dma_wait3A_556 = arith.constant 0 : i32
      %dma_wait3A_557 = arith.constant 0 : i32
      %dma_wait3A_558 = tpu.memref_slice %arg3[%arg0, %arg1, %dma_wait3A_556, %dma_wait3A_557] : memref<2x16x160x128xi32, #tpu.memory_space<hbm>> -> memref<1x1x8x128xi32, #tpu.memory_space<hbm>>
      %dma_wait3A_559 = tpu.memref_squeeze %dma_wait3A_558 : memref<1x1x8x128xi32, #tpu.memory_space<hbm>> -> memref<8x128xi32, #tpu.memory_space<hbm>>
      %dma_wait3A_560 = tpu.memref_slice %arg13[%dma_wait3A_551] : memref<2x!tpu.dma_semaphore, #tpu.memory_space<semaphore_mem>> -> memref<1x!tpu.dma_semaphore, #tpu.memory_space<semaphore_mem>>
      %dma_wait3A_561 = tpu.memref_squeeze %dma_wait3A_560 : memref<1x!tpu.dma_semaphore, #tpu.memory_space<semaphore_mem>> -> memref<!tpu.dma_semaphore, #tpu.memory_space<semaphore_mem>>
      %dma_wait3A_562 = arith.constant 0 : i32
      %dma_wait3A_563 = arith.constant 0 : i32
      %dma_wait3A_564 = tpu.memref_slice %arg8[%dma_wait3A_550, %dma_wait3A_562, %dma_wait3A_563] : memref<2x8x128xi32, #tpu.memory_space<vmem>> -> memref<1x8x128xi32, #tpu.memory_space<vmem>>
      %dma_wait3A_565 = tpu.memref_squeeze %dma_wait3A_564 : memref<1x8x128xi32, #tpu.memory_space<vmem>> -> memref<8x128xi32, #tpu.memory_space<vmem>>
      %dma_wait3A_566 = arith.constant 0 : i32
      %dma_wait3A_567 = arith.constant 0 : i32
      %dma_wait3A_568 = tpu.memref_slice %arg3[%arg0, %arg1, %dma_wait3A_566, %dma_wait3A_567] : memref<2x16x160x128xi32, #tpu.memory_space<hbm>> -> memref<1x1x8x128xi32, #tpu.memory_space<hbm>>
      %dma_wait3A_569 = tpu.memref_squeeze %dma_wait3A_568 : memref<1x1x8x128xi32, #tpu.memory_space<hbm>> -> memref<8x128xi32, #tpu.memory_space<hbm>>
      tpu.wait_dma2 semaphore(%dma_wait3A_561 : memref<!tpu.dma_semaphore, #tpu.memory_space<semaphore_mem>>) src(%dma_wait3A_569 : memref<8x128xi32, #tpu.memory_space<hbm>>) dst(%dma_wait3A_565 : memref<8x128xi32, #tpu.memory_space<vmem>>)
      %dma_wait3A_570 = arith.constant 1 : i32
      %dma_wait3A_571 = arith.constant 1 : i32
      %dma_wait3A_572 = arith.constant 0 : i32
      %dma_wait3A_573 = arith.constant 0 : i32
      %dma_wait3A_574 = tpu.memref_slice %arg9[%dma_wait3A_570, %dma_wait3A_572, %dma_wait3A_573] : memref<2x8x128xi32, #tpu.memory_space<vmem>> -> memref<1x8x128xi32, #tpu.memory_space<vmem>>
      %dma_wait3A_575 = tpu.memref_squeeze %dma_wait3A_574 : memref<1x8x128xi32, #tpu.memory_space<vmem>> -> memref<8x128xi32, #tpu.memory_space<vmem>>
      %dma_wait3A_576 = arith.constant 0 : i32
      %dma_wait3A_577 = arith.constant 0 : i32
      %dma_wait3A_578 = tpu.memref_slice %arg4[%arg0, %arg1, %dma_wait3A_576, %dma_wait3A_577] : memref<2x16x160x128xi32, #tpu.memory_space<hbm>> -> memref<1x1x8x128xi32, #tpu.memory_space<hbm>>
      %dma_wait3A_579 = tpu.memref_squeeze %dma_wait3A_578 : memref<1x1x8x128xi32, #tpu.memory_space<hbm>> -> memref<8x128xi32, #tpu.memory_space<hbm>>
      %dma_wait3A_580 = tpu.memref_slice %arg13[%dma_wait3A_571] : memref<2x!tpu.dma_semaphore, #tpu.memory_space<semaphore_mem>> -> memref<1x!tpu.dma_semaphore, #tpu.memory_space<semaphore_mem>>
      %dma_wait3A_581 = tpu.memref_squeeze %dma_wait3A_580 : memref<1x!tpu.dma_semaphore, #tpu.memory_space<semaphore_mem>> -> memref<!tpu.dma_semaphore, #tpu.memory_space<semaphore_mem>>
      %dma_wait3A_582 = arith.constant 0 : i32
      %dma_wait3A_583 = arith.constant 0 : i32
      %dma_wait3A_584 = tpu.memref_slice %arg9[%dma_wait3A_570, %dma_wait3A_582, %dma_wait3A_583] : memref<2x8x128xi32, #tpu.memory_space<vmem>> -> memref<1x8x128xi32, #tpu.memory_space<vmem>>
      %dma_wait3A_585 = tpu.memref_squeeze %dma_wait3A_584 : memref<1x8x128xi32, #tpu.memory_space<vmem>> -> memref<8x128xi32, #tpu.memory_space<vmem>>
      %dma_wait3A_586 = arith.constant 0 : i32
      %dma_wait3A_587 = arith.constant 0 : i32
      %dma_wait3A_588 = tpu.memref_slice %arg4[%arg0, %arg1, %dma_wait3A_586, %dma_wait3A_587] : memref<2x16x160x128xi32, #tpu.memory_space<hbm>> -> memref<1x1x8x128xi32, #tpu.memory_space<hbm>>
      %dma_wait3A_589 = tpu.memref_squeeze %dma_wait3A_588 : memref<1x1x8x128xi32, #tpu.memory_space<hbm>> -> memref<8x128xi32, #tpu.memory_space<hbm>>
      tpu.wait_dma2 semaphore(%dma_wait3A_581 : memref<!tpu.dma_semaphore, #tpu.memory_space<semaphore_mem>>) src(%dma_wait3A_589 : memref<8x128xi32, #tpu.memory_space<hbm>>) dst(%dma_wait3A_585 : memref<8x128xi32, #tpu.memory_space<vmem>>)
      %dma_start3A_590 = arith.constant 1 : i32
      %dma_start3A_591 = arith.constant 0 : i32
      %dma_start3A_592 = arith.constant 0 : i32
      %dma_start3A_593 = arith.constant 0 : i32
      %dma_start3A_594 = arith.constant 0 : i32
      %dma_start3A_595 = arith.constant 0 : i32
      %dma_start3A_596 = tpu.memref_slice %arg10[%dma_start3A_592, %dma_start3A_594, %dma_start3A_595] : memref<2x128x128xf32, #tpu.memory_space<vmem>> -> memref<1x128x128xf32, #tpu.memory_space<vmem>>
      %dma_start3A_597 = tpu.memref_squeeze %dma_start3A_596 : memref<1x128x128xf32, #tpu.memory_space<vmem>> -> memref<128x128xf32, #tpu.memory_space<vmem>>
      %dma_start3A_598 = arith.constant 0 : i32
      %dma_start3A_599 = tpu.memref_slice %arg8[%dma_start3A_590, %dma_start3A_591, %dma_start3A_598] : memref<2x8x128xi32, #tpu.memory_space<vmem>> -> memref<1x1x128xi32, #tpu.memory_space<vmem>>
      %dma_start3A_600 = tpu.memref_squeeze %dma_start3A_599 : memref<1x1x128xi32, #tpu.memory_space<vmem>> -> memref<128xi32, #tpu.memory_space<vmem>>
      %dma_start3A_601 = arith.constant 0 : i32
      %dma_start3A_602 = arith.constant 0 : i32
      %dma_start3A_603 = tpu.memref_slice %arg2[%dma_start3A_601, %dma_start3A_602] : memref<20000x128xf32, #tpu.memory_space<hbm>> -> memref<20000x128xf32, #tpu.memory_space<hbm>>
      %dma_start3A_604 = tpu.memref_slice %arg11[%dma_start3A_593] : memref<2x!tpu.dma_semaphore, #tpu.memory_space<semaphore_mem>> -> memref<1x!tpu.dma_semaphore, #tpu.memory_space<semaphore_mem>>
      %dma_start3A_605 = tpu.memref_squeeze %dma_start3A_604 : memref<1x!tpu.dma_semaphore, #tpu.memory_space<semaphore_mem>> -> memref<!tpu.dma_semaphore, #tpu.memory_space<semaphore_mem>>
      tpu.enqueue_indirect_dma source(%dma_start3A_603 : memref<20000x128xf32, #tpu.memory_space<hbm>>) target(%dma_start3A_597 : memref<128x128xf32, #tpu.memory_space<vmem>>) offsets(%dma_start3A_600 : memref<128xi32, #tpu.memory_space<vmem>>) semaphore(%dma_start3A_605 : memref<!tpu.dma_semaphore, #tpu.memory_space<semaphore_mem>>)
      %dma_wait3A_606 = arith.constant 1 : i32
      %dma_wait3A_607 = arith.constant 1 : i32
      %dma_wait3A_608 = arith.constant 0 : i32
      %dma_wait3A_609 = arith.constant 0 : i32
      %dma_wait3A_610 = tpu.memref_slice %arg10[%dma_wait3A_606, %dma_wait3A_608, %dma_wait3A_609] : memref<2x128x128xf32, #tpu.memory_space<vmem>> -> memref<1x128x128xf32, #tpu.memory_space<vmem>>
      %dma_wait3A_611 = tpu.memref_squeeze %dma_wait3A_610 : memref<1x128x128xf32, #tpu.memory_space<vmem>> -> memref<128x128xf32, #tpu.memory_space<vmem>>
      %dma_wait3A_612 = arith.constant 0 : i32
      %dma_wait3A_613 = arith.constant 0 : i32
      %dma_wait3A_614 = tpu.memref_slice %arg2[%dma_wait3A_612, %dma_wait3A_613] : memref<20000x128xf32, #tpu.memory_space<hbm>> -> memref<128x128xf32, #tpu.memory_space<hbm>>
      %dma_wait3A_615 = tpu.memref_slice %arg11[%dma_wait3A_607] : memref<2x!tpu.dma_semaphore, #tpu.memory_space<semaphore_mem>> -> memref<1x!tpu.dma_semaphore, #tpu.memory_space<semaphore_mem>>
      %dma_wait3A_616 = tpu.memref_squeeze %dma_wait3A_615 : memref<1x!tpu.dma_semaphore, #tpu.memory_space<semaphore_mem>> -> memref<!tpu.dma_semaphore, #tpu.memory_space<semaphore_mem>>
      %dma_wait3A_617 = arith.constant 0 : i32
      %dma_wait3A_618 = arith.constant 0 : i32
      %dma_wait3A_619 = tpu.memref_slice %arg10[%dma_wait3A_606, %dma_wait3A_617, %dma_wait3A_618] : memref<2x128x128xf32, #tpu.memory_space<vmem>> -> memref<1x128x128xf32, #tpu.memory_space<vmem>>
      %dma_wait3A_620 = tpu.memref_squeeze %dma_wait3A_619 : memref<1x128x128xf32, #tpu.memory_space<vmem>> -> memref<128x128xf32, #tpu.memory_space<vmem>>
      %dma_wait3A_621 = arith.constant 0 : i32
      %dma_wait3A_622 = arith.constant 0 : i32
      %dma_wait3A_623 = tpu.memref_slice %arg2[%dma_wait3A_621, %dma_wait3A_622] : memref<20000x128xf32, #tpu.memory_space<hbm>> -> memref<128x128xf32, #tpu.memory_space<hbm>>
      tpu.wait_dma2 semaphore(%dma_wait3A_616 : memref<!tpu.dma_semaphore, #tpu.memory_space<semaphore_mem>>) src(%dma_wait3A_623 : memref<128x128xf32, #tpu.memory_space<hbm>>) dst(%dma_wait3A_620 : memref<128x128xf32, #tpu.memory_space<vmem>>)
      %dma_start3A_624 = arith.constant 1 : i32
      %dma_start3A_625 = arith.constant 0 : i32
      %dma_start3A_626 = arith.constant 7 : i32
      %dma_start3A_627 = arith.constant 1 : i32
      %dma_start3A_628 = arith.constant 0 : i32
      %dma_start3A_629 = arith.constant 0 : i32
      %dma_start3A_630 = tpu.memref_slice %arg10[%dma_start3A_624, %dma_start3A_628, %dma_start3A_629] : memref<2x128x128xf32, #tpu.memory_space<vmem>> -> memref<1x128x128xf32, #tpu.memory_space<vmem>>
      %dma_start3A_631 = tpu.memref_squeeze %dma_start3A_630 : memref<1x128x128xf32, #tpu.memory_space<vmem>> -> memref<128x128xf32, #tpu.memory_space<vmem>>
      %dma_start3A_632 = arith.constant 0 : i32
      %dma_start3A_633 = tpu.memref_slice %arg9[%dma_start3A_625, %dma_start3A_626, %dma_start3A_632] : memref<2x8x128xi32, #tpu.memory_space<vmem>> -> memref<1x1x128xi32, #tpu.memory_space<vmem>>
      %dma_start3A_634 = tpu.memref_squeeze %dma_start3A_633 : memref<1x1x128xi32, #tpu.memory_space<vmem>> -> memref<128xi32, #tpu.memory_space<vmem>>
      %dma_start3A_635 = arith.constant 0 : i32
      %dma_start3A_636 = arith.constant 0 : i32
      %dma_start3A_637 = tpu.memref_slice %arg7[%dma_start3A_635, %dma_start3A_636] : memref<10008x128xf32, #tpu.memory_space<vmem_shared>> -> memref<10008x128xf32, #tpu.memory_space<vmem_shared>>
      %dma_start3A_638 = tpu.memref_slice %arg12[%dma_start3A_627] : memref<2x!tpu.dma_semaphore, #tpu.memory_space<semaphore_mem>> -> memref<1x!tpu.dma_semaphore, #tpu.memory_space<semaphore_mem>>
      %dma_start3A_639 = tpu.memref_squeeze %dma_start3A_638 : memref<1x!tpu.dma_semaphore, #tpu.memory_space<semaphore_mem>> -> memref<!tpu.dma_semaphore, #tpu.memory_space<semaphore_mem>>
      tpu.enqueue_indirect_dma source(%dma_start3A_631 : memref<128x128xf32, #tpu.memory_space<vmem>>) target(%dma_start3A_637 : memref<10008x128xf32, #tpu.memory_space<vmem_shared>>) offsets(%dma_start3A_634 : memref<128xi32, #tpu.memory_space<vmem>>) semaphore(%dma_start3A_639 : memref<!tpu.dma_semaphore, #tpu.memory_space<semaphore_mem>>) {add = true}
      %dma_wait3A_640 = arith.constant 1 : i32
      %dma_wait3A_641 = arith.constant 0 : i32
      %dma_wait3A_642 = arith.constant 7 : i32
      %dma_wait3A_643 = arith.constant 1 : i32
      %dma_wait3A_644 = arith.constant 0 : i32
      %dma_wait3A_645 = arith.constant 0 : i32
      %dma_wait3A_646 = tpu.memref_slice %arg10[%dma_wait3A_640, %dma_wait3A_644, %dma_wait3A_645] : memref<2x128x128xf32, #tpu.memory_space<vmem>> -> memref<1x128x128xf32, #tpu.memory_space<vmem>>
      %dma_wait3A_647 = tpu.memref_squeeze %dma_wait3A_646 : memref<1x128x128xf32, #tpu.memory_space<vmem>> -> memref<128x128xf32, #tpu.memory_space<vmem>>
      %dma_wait3A_648 = arith.constant 0 : i32
      %dma_wait3A_649 = tpu.memref_slice %arg9[%dma_wait3A_641, %dma_wait3A_642, %dma_wait3A_648] : memref<2x8x128xi32, #tpu.memory_space<vmem>> -> memref<1x1x128xi32, #tpu.memory_space<vmem>>
      %dma_wait3A_650 = tpu.memref_squeeze %dma_wait3A_649 : memref<1x1x128xi32, #tpu.memory_space<vmem>> -> memref<128xi32, #tpu.memory_space<vmem>>
      %dma_wait3A_651 = arith.constant 0 : i32
      %dma_wait3A_652 = arith.constant 0 : i32
      %dma_wait3A_653 = tpu.memref_slice %arg7[%dma_wait3A_651, %dma_wait3A_652] : memref<10008x128xf32, #tpu.memory_space<vmem_shared>> -> memref<10008x128xf32, #tpu.memory_space<vmem_shared>>
      %dma_wait3A_654 = tpu.memref_slice %arg12[%dma_wait3A_643] : memref<2x!tpu.dma_semaphore, #tpu.memory_space<semaphore_mem>> -> memref<1x!tpu.dma_semaphore, #tpu.memory_space<semaphore_mem>>
      %dma_wait3A_655 = tpu.memref_squeeze %dma_wait3A_654 : memref<1x!tpu.dma_semaphore, #tpu.memory_space<semaphore_mem>> -> memref<!tpu.dma_semaphore, #tpu.memory_space<semaphore_mem>>
      tpu.wait_indirect_dma semaphore(%dma_wait3A_655 : memref<!tpu.dma_semaphore, #tpu.memory_space<semaphore_mem>>) src(%dma_wait3A_647 : memref<128x128xf32, #tpu.memory_space<vmem>>) dst(%dma_wait3A_653 : memref<10008x128xf32, #tpu.memory_space<vmem_shared>>)
      %dma_start3A_656 = arith.constant 1 : i32
      %dma_start3A_657 = arith.constant 1 : i32
      %dma_start3A_658 = arith.constant 1 : i32
      %dma_start3A_659 = arith.constant 1 : i32
      %dma_start3A_660 = arith.constant 0 : i32
      %dma_start3A_661 = arith.constant 0 : i32
      %dma_start3A_662 = tpu.memref_slice %arg10[%dma_start3A_658, %dma_start3A_660, %dma_start3A_661] : memref<2x128x128xf32, #tpu.memory_space<vmem>> -> memref<1x128x128xf32, #tpu.memory_space<vmem>>
      %dma_start3A_663 = tpu.memref_squeeze %dma_start3A_662 : memref<1x128x128xf32, #tpu.memory_space<vmem>> -> memref<128x128xf32, #tpu.memory_space<vmem>>
      %dma_start3A_664 = arith.constant 0 : i32
      %dma_start3A_665 = tpu.memref_slice %arg8[%dma_start3A_656, %dma_start3A_657, %dma_start3A_664] : memref<2x8x128xi32, #tpu.memory_space<vmem>> -> memref<1x1x128xi32, #tpu.memory_space<vmem>>
      %dma_start3A_666 = tpu.memref_squeeze %dma_start3A_665 : memref<1x1x128xi32, #tpu.memory_space<vmem>> -> memref<128xi32, #tpu.memory_space<vmem>>
      %dma_start3A_667 = arith.constant 0 : i32
      %dma_start3A_668 = arith.constant 0 : i32
      %dma_start3A_669 = tpu.memref_slice %arg2[%dma_start3A_667, %dma_start3A_668] : memref<20000x128xf32, #tpu.memory_space<hbm>> -> memref<20000x128xf32, #tpu.memory_space<hbm>>
      %dma_start3A_670 = tpu.memref_slice %arg11[%dma_start3A_659] : memref<2x!tpu.dma_semaphore, #tpu.memory_space<semaphore_mem>> -> memref<1x!tpu.dma_semaphore, #tpu.memory_space<semaphore_mem>>
      %dma_start3A_671 = tpu.memref_squeeze %dma_start3A_670 : memref<1x!tpu.dma_semaphore, #tpu.memory_space<semaphore_mem>> -> memref<!tpu.dma_semaphore, #tpu.memory_space<semaphore_mem>>
      tpu.enqueue_indirect_dma source(%dma_start3A_669 : memref<20000x128xf32, #tpu.memory_space<hbm>>) target(%dma_start3A_663 : memref<128x128xf32, #tpu.memory_space<vmem>>) offsets(%dma_start3A_666 : memref<128xi32, #tpu.memory_space<vmem>>) semaphore(%dma_start3A_671 : memref<!tpu.dma_semaphore, #tpu.memory_space<semaphore_mem>>)
      %mul3A_672 = arith.constant 2 : i32
      %mul3A_673 = arith.muli %mul3A_672, %scan3A_57 : i32
      %add3A_674 = arith.constant 1 : i32
      %add3A_675 = arith.addi %mul3A_673, %add3A_674 : i32
      %lt3A_676 = arith.constant 9 : i32
      %lt3A_677 = arith.cmpi slt, %scan3A_57, %lt3A_676 : i32
      %convert_element_type3A_678 = arith.extui %lt3A_677 : i1 to i32
      %cond3A_679 = arith.constant 0 : i32
      %cond3A_680 = arith.cmpi ne, %convert_element_type3A_678, %cond3A_679 : i32
      scf.if %cond3A_680 {
        %add3A_1186 = arith.constant 1 : i32
        %add3A_1187 = arith.addi %add3A_675, %add3A_1186 : i32
        %mul3A_1188 = arith.constant 8 : i32
        %mul3A_1189 = arith.muli %add3A_1187, %mul3A_1188 : i32
        %dma_start3A_1190 = arith.constant 0 : i32
        %dma_start3A_1191 = arith.constant 0 : i32
        %dma_start3A_1192 = arith.constant 0 : i32
        %dma_start3A_1193 = arith.constant 0 : i32
        %dma_start3A_1194 = tpu.memref_slice %arg8[%dma_start3A_1190, %dma_start3A_1192, %dma_start3A_1193] : memref<2x8x128xi32, #tpu.memory_space<vmem>> -> memref<1x8x128xi32, #tpu.memory_space<vmem>>
        %dma_start3A_1195 = tpu.memref_squeeze %dma_start3A_1194 : memref<1x8x128xi32, #tpu.memory_space<vmem>> -> memref<8x128xi32, #tpu.memory_space<vmem>>
        %dma_start3A_1196 = arith.constant 0 : i32
        %dma_start3A_1197 = tpu.memref_slice %arg3[%arg0, %arg1, %mul3A_1189, %dma_start3A_1196] : memref<2x16x160x128xi32, #tpu.memory_space<hbm>> -> memref<1x1x8x128xi32, #tpu.memory_space<hbm>>
        %dma_start3A_1198 = tpu.memref_squeeze %dma_start3A_1197 : memref<1x1x8x128xi32, #tpu.memory_space<hbm>> -> memref<8x128xi32, #tpu.memory_space<hbm>>
        %dma_start3A_1199 = tpu.memref_slice %arg13[%dma_start3A_1191] : memref<2x!tpu.dma_semaphore, #tpu.memory_space<semaphore_mem>> -> memref<1x!tpu.dma_semaphore, #tpu.memory_space<semaphore_mem>>
        %dma_start3A_1200 = tpu.memref_squeeze %dma_start3A_1199 : memref<1x!tpu.dma_semaphore, #tpu.memory_space<semaphore_mem>> -> memref<!tpu.dma_semaphore, #tpu.memory_space<semaphore_mem>>
        %dma_start3A_1201 = arith.constant 0 : i32
        %dma_start3A_1202 = arith.constant 0 : i32
        %dma_start3A_1203 = tpu.memref_slice %arg8[%dma_start3A_1190, %dma_start3A_1201, %dma_start3A_1202] : memref<2x8x128xi32, #tpu.memory_space<vmem>> -> memref<1x8x128xi32, #tpu.memory_space<vmem>>
        %dma_start3A_1204 = tpu.memref_squeeze %dma_start3A_1203 : memref<1x8x128xi32, #tpu.memory_space<vmem>> -> memref<8x128xi32, #tpu.memory_space<vmem>>
        %dma_start3A_1205 = arith.constant 0 : i32
        %dma_start3A_1206 = tpu.memref_slice %arg3[%arg0, %arg1, %mul3A_1189, %dma_start3A_1205] : memref<2x16x160x128xi32, #tpu.memory_space<hbm>> -> memref<1x1x8x128xi32, #tpu.memory_space<hbm>>
        %dma_start3A_1207 = tpu.memref_squeeze %dma_start3A_1206 : memref<1x1x8x128xi32, #tpu.memory_space<hbm>> -> memref<8x128xi32, #tpu.memory_space<hbm>>
        tpu.enqueue_dma source(%dma_start3A_1207 : memref<8x128xi32, #tpu.memory_space<hbm>>) target(%dma_start3A_1204 : memref<8x128xi32, #tpu.memory_space<vmem>>) target_semaphore(%dma_start3A_1200 : memref<!tpu.dma_semaphore, #tpu.memory_space<semaphore_mem>>)
        %add3A_1208 = arith.constant 1 : i32
        %add3A_1209 = arith.addi %add3A_675, %add3A_1208 : i32
        %mul3A_1210 = arith.constant 8 : i32
        %mul3A_1211 = arith.muli %add3A_1209, %mul3A_1210 : i32
        %dma_start3A_1212 = arith.constant 0 : i32
        %dma_start3A_1213 = arith.constant 1 : i32
        %dma_start3A_1214 = arith.constant 0 : i32
        %dma_start3A_1215 = arith.constant 0 : i32
        %dma_start3A_1216 = tpu.memref_slice %arg9[%dma_start3A_1212, %dma_start3A_1214, %dma_start3A_1215] : memref<2x8x128xi32, #tpu.memory_space<vmem>> -> memref<1x8x128xi32, #tpu.memory_space<vmem>>
        %dma_start3A_1217 = tpu.memref_squeeze %dma_start3A_1216 : memref<1x8x128xi32, #tpu.memory_space<vmem>> -> memref<8x128xi32, #tpu.memory_space<vmem>>
        %dma_start3A_1218 = arith.constant 0 : i32
        %dma_start3A_1219 = tpu.memref_slice %arg4[%arg0, %arg1, %mul3A_1211, %dma_start3A_1218] : memref<2x16x160x128xi32, #tpu.memory_space<hbm>> -> memref<1x1x8x128xi32, #tpu.memory_space<hbm>>
        %dma_start3A_1220 = tpu.memref_squeeze %dma_start3A_1219 : memref<1x1x8x128xi32, #tpu.memory_space<hbm>> -> memref<8x128xi32, #tpu.memory_space<hbm>>
        %dma_start3A_1221 = tpu.memref_slice %arg13[%dma_start3A_1213] : memref<2x!tpu.dma_semaphore, #tpu.memory_space<semaphore_mem>> -> memref<1x!tpu.dma_semaphore, #tpu.memory_space<semaphore_mem>>
        %dma_start3A_1222 = tpu.memref_squeeze %dma_start3A_1221 : memref<1x!tpu.dma_semaphore, #tpu.memory_space<semaphore_mem>> -> memref<!tpu.dma_semaphore, #tpu.memory_space<semaphore_mem>>
        %dma_start3A_1223 = arith.constant 0 : i32
        %dma_start3A_1224 = arith.constant 0 : i32
        %dma_start3A_1225 = tpu.memref_slice %arg9[%dma_start3A_1212, %dma_start3A_1223, %dma_start3A_1224] : memref<2x8x128xi32, #tpu.memory_space<vmem>> -> memref<1x8x128xi32, #tpu.memory_space<vmem>>
        %dma_start3A_1226 = tpu.memref_squeeze %dma_start3A_1225 : memref<1x8x128xi32, #tpu.memory_space<vmem>> -> memref<8x128xi32, #tpu.memory_space<vmem>>
        %dma_start3A_1227 = arith.constant 0 : i32
        %dma_start3A_1228 = tpu.memref_slice %arg4[%arg0, %arg1, %mul3A_1211, %dma_start3A_1227] : memref<2x16x160x128xi32, #tpu.memory_space<hbm>> -> memref<1x1x8x128xi32, #tpu.memory_space<hbm>>
        %dma_start3A_1229 = tpu.memref_squeeze %dma_start3A_1228 : memref<1x1x8x128xi32, #tpu.memory_space<hbm>> -> memref<8x128xi32, #tpu.memory_space<hbm>>
        tpu.enqueue_dma source(%dma_start3A_1229 : memref<8x128xi32, #tpu.memory_space<hbm>>) target(%dma_start3A_1226 : memref<8x128xi32, #tpu.memory_space<vmem>>) target_semaphore(%dma_start3A_1222 : memref<!tpu.dma_semaphore, #tpu.memory_space<semaphore_mem>>)
      } else {
      }
      %dma_wait3A_681 = arith.constant 0 : i32
      %dma_wait3A_682 = arith.constant 0 : i32
      %dma_wait3A_683 = arith.constant 0 : i32
      %dma_wait3A_684 = arith.constant 0 : i32
      %dma_wait3A_685 = tpu.memref_slice %arg10[%dma_wait3A_681, %dma_wait3A_683, %dma_wait3A_684] : memref<2x128x128xf32, #tpu.memory_space<vmem>> -> memref<1x128x128xf32, #tpu.memory_space<vmem>>
      %dma_wait3A_686 = tpu.memref_squeeze %dma_wait3A_685 : memref<1x128x128xf32, #tpu.memory_space<vmem>> -> memref<128x128xf32, #tpu.memory_space<vmem>>
      %dma_wait3A_687 = arith.constant 0 : i32
      %dma_wait3A_688 = arith.constant 0 : i32
      %dma_wait3A_689 = tpu.memref_slice %arg2[%dma_wait3A_687, %dma_wait3A_688] : memref<20000x128xf32, #tpu.memory_space<hbm>> -> memref<128x128xf32, #tpu.memory_space<hbm>>
      %dma_wait3A_690 = tpu.memref_slice %arg11[%dma_wait3A_682] : memref<2x!tpu.dma_semaphore, #tpu.memory_space<semaphore_mem>> -> memref<1x!tpu.dma_semaphore, #tpu.memory_space<semaphore_mem>>
      %dma_wait3A_691 = tpu.memref_squeeze %dma_wait3A_690 : memref<1x!tpu.dma_semaphore, #tpu.memory_space<semaphore_mem>> -> memref<!tpu.dma_semaphore, #tpu.memory_space<semaphore_mem>>
      %dma_wait3A_692 = arith.constant 0 : i32
      %dma_wait3A_693 = arith.constant 0 : i32
      %dma_wait3A_694 = tpu.memref_slice %arg10[%dma_wait3A_681, %dma_wait3A_692, %dma_wait3A_693] : memref<2x128x128xf32, #tpu.memory_space<vmem>> -> memref<1x128x128xf32, #tpu.memory_space<vmem>>
      %dma_wait3A_695 = tpu.memref_squeeze %dma_wait3A_694 : memref<1x128x128xf32, #tpu.memory_space<vmem>> -> memref<128x128xf32, #tpu.memory_space<vmem>>
      %dma_wait3A_696 = arith.constant 0 : i32
      %dma_wait3A_697 = arith.constant 0 : i32
      %dma_wait3A_698 = tpu.memref_slice %arg2[%dma_wait3A_696, %dma_wait3A_697] : memref<20000x128xf32, #tpu.memory_space<hbm>> -> memref<128x128xf32, #tpu.memory_space<hbm>>
      tpu.wait_dma2 semaphore(%dma_wait3A_691 : memref<!tpu.dma_semaphore, #tpu.memory_space<semaphore_mem>>) src(%dma_wait3A_698 : memref<128x128xf32, #tpu.memory_space<hbm>>) dst(%dma_wait3A_695 : memref<128x128xf32, #tpu.memory_space<vmem>>)
      %dma_start3A_699 = arith.constant 0 : i32
      %dma_start3A_700 = arith.constant 1 : i32
      %dma_start3A_701 = arith.constant 0 : i32
      %dma_start3A_702 = arith.constant 0 : i32
      %dma_start3A_703 = arith.constant 0 : i32
      %dma_start3A_704 = arith.constant 0 : i32
      %dma_start3A_705 = tpu.memref_slice %arg10[%dma_start3A_699, %dma_start3A_703, %dma_start3A_704] : memref<2x128x128xf32, #tpu.memory_space<vmem>> -> memref<1x128x128xf32, #tpu.memory_space<vmem>>
      %dma_start3A_706 = tpu.memref_squeeze %dma_start3A_705 : memref<1x128x128xf32, #tpu.memory_space<vmem>> -> memref<128x128xf32, #tpu.memory_space<vmem>>
      %dma_start3A_707 = arith.constant 0 : i32
      %dma_start3A_708 = tpu.memref_slice %arg9[%dma_start3A_700, %dma_start3A_701, %dma_start3A_707] : memref<2x8x128xi32, #tpu.memory_space<vmem>> -> memref<1x1x128xi32, #tpu.memory_space<vmem>>
      %dma_start3A_709 = tpu.memref_squeeze %dma_start3A_708 : memref<1x1x128xi32, #tpu.memory_space<vmem>> -> memref<128xi32, #tpu.memory_space<vmem>>
      %dma_start3A_710 = arith.constant 0 : i32
      %dma_start3A_711 = arith.constant 0 : i32
      %dma_start3A_712 = tpu.memref_slice %arg7[%dma_start3A_710, %dma_start3A_711] : memref<10008x128xf32, #tpu.memory_space<vmem_shared>> -> memref<10008x128xf32, #tpu.memory_space<vmem_shared>>
      %dma_start3A_713 = tpu.memref_slice %arg12[%dma_start3A_702] : memref<2x!tpu.dma_semaphore, #tpu.memory_space<semaphore_mem>> -> memref<1x!tpu.dma_semaphore, #tpu.memory_space<semaphore_mem>>
      %dma_start3A_714 = tpu.memref_squeeze %dma_start3A_713 : memref<1x!tpu.dma_semaphore, #tpu.memory_space<semaphore_mem>> -> memref<!tpu.dma_semaphore, #tpu.memory_space<semaphore_mem>>
      tpu.enqueue_indirect_dma source(%dma_start3A_706 : memref<128x128xf32, #tpu.memory_space<vmem>>) target(%dma_start3A_712 : memref<10008x128xf32, #tpu.memory_space<vmem_shared>>) offsets(%dma_start3A_709 : memref<128xi32, #tpu.memory_space<vmem>>) semaphore(%dma_start3A_714 : memref<!tpu.dma_semaphore, #tpu.memory_space<semaphore_mem>>) {add = true}
      %dma_wait3A_715 = arith.constant 0 : i32
      %dma_wait3A_716 = arith.constant 1 : i32
      %dma_wait3A_717 = arith.constant 0 : i32
      %dma_wait3A_718 = arith.constant 0 : i32
      %dma_wait3A_719 = arith.constant 0 : i32
      %dma_wait3A_720 = arith.constant 0 : i32
      %dma_wait3A_721 = tpu.memref_slice %arg10[%dma_wait3A_715, %dma_wait3A_719, %dma_wait3A_720] : memref<2x128x128xf32, #tpu.memory_space<vmem>> -> memref<1x128x128xf32, #tpu.memory_space<vmem>>
      %dma_wait3A_722 = tpu.memref_squeeze %dma_wait3A_721 : memref<1x128x128xf32, #tpu.memory_space<vmem>> -> memref<128x128xf32, #tpu.memory_space<vmem>>
      %dma_wait3A_723 = arith.constant 0 : i32
      %dma_wait3A_724 = tpu.memref_slice %arg9[%dma_wait3A_716, %dma_wait3A_717, %dma_wait3A_723] : memref<2x8x128xi32, #tpu.memory_space<vmem>> -> memref<1x1x128xi32, #tpu.memory_space<vmem>>
      %dma_wait3A_725 = tpu.memref_squeeze %dma_wait3A_724 : memref<1x1x128xi32, #tpu.memory_space<vmem>> -> memref<128xi32, #tpu.memory_space<vmem>>
      %dma_wait3A_726 = arith.constant 0 : i32
      %dma_wait3A_727 = arith.constant 0 : i32
      %dma_wait3A_728 = tpu.memref_slice %arg7[%dma_wait3A_726, %dma_wait3A_727] : memref<10008x128xf32, #tpu.memory_space<vmem_shared>> -> memref<10008x128xf32, #tpu.memory_space<vmem_shared>>
      %dma_wait3A_729 = tpu.memref_slice %arg12[%dma_wait3A_718] : memref<2x!tpu.dma_semaphore, #tpu.memory_space<semaphore_mem>> -> memref<1x!tpu.dma_semaphore, #tpu.memory_space<semaphore_mem>>
      %dma_wait3A_730 = tpu.memref_squeeze %dma_wait3A_729 : memref<1x!tpu.dma_semaphore, #tpu.memory_space<semaphore_mem>> -> memref<!tpu.dma_semaphore, #tpu.memory_space<semaphore_mem>>
      tpu.wait_indirect_dma semaphore(%dma_wait3A_730 : memref<!tpu.dma_semaphore, #tpu.memory_space<semaphore_mem>>) src(%dma_wait3A_722 : memref<128x128xf32, #tpu.memory_space<vmem>>) dst(%dma_wait3A_728 : memref<10008x128xf32, #tpu.memory_space<vmem_shared>>)
      %dma_start3A_731 = arith.constant 1 : i32
      %dma_start3A_732 = arith.constant 2 : i32
      %dma_start3A_733 = arith.constant 0 : i32
      %dma_start3A_734 = arith.constant 0 : i32
      %dma_start3A_735 = arith.constant 0 : i32
      %dma_start3A_736 = arith.constant 0 : i32
      %dma_start3A_737 = tpu.memref_slice %arg10[%dma_start3A_733, %dma_start3A_735, %dma_start3A_736] : memref<2x128x128xf32, #tpu.memory_space<vmem>> -> memref<1x128x128xf32, #tpu.memory_space<vmem>>
      %dma_start3A_738 = tpu.memref_squeeze %dma_start3A_737 : memref<1x128x128xf32, #tpu.memory_space<vmem>> -> memref<128x128xf32, #tpu.memory_space<vmem>>
      %dma_start3A_739 = arith.constant 0 : i32
      %dma_start3A_740 = tpu.memref_slice %arg8[%dma_start3A_731, %dma_start3A_732, %dma_start3A_739] : memref<2x8x128xi32, #tpu.memory_space<vmem>> -> memref<1x1x128xi32, #tpu.memory_space<vmem>>
      %dma_start3A_741 = tpu.memref_squeeze %dma_start3A_740 : memref<1x1x128xi32, #tpu.memory_space<vmem>> -> memref<128xi32, #tpu.memory_space<vmem>>
      %dma_start3A_742 = arith.constant 0 : i32
      %dma_start3A_743 = arith.constant 0 : i32
      %dma_start3A_744 = tpu.memref_slice %arg2[%dma_start3A_742, %dma_start3A_743] : memref<20000x128xf32, #tpu.memory_space<hbm>> -> memref<20000x128xf32, #tpu.memory_space<hbm>>
      %dma_start3A_745 = tpu.memref_slice %arg11[%dma_start3A_734] : memref<2x!tpu.dma_semaphore, #tpu.memory_space<semaphore_mem>> -> memref<1x!tpu.dma_semaphore, #tpu.memory_space<semaphore_mem>>
      %dma_start3A_746 = tpu.memref_squeeze %dma_start3A_745 : memref<1x!tpu.dma_semaphore, #tpu.memory_space<semaphore_mem>> -> memref<!tpu.dma_semaphore, #tpu.memory_space<semaphore_mem>>
      tpu.enqueue_indirect_dma source(%dma_start3A_744 : memref<20000x128xf32, #tpu.memory_space<hbm>>) target(%dma_start3A_738 : memref<128x128xf32, #tpu.memory_space<vmem>>) offsets(%dma_start3A_741 : memref<128xi32, #tpu.memory_space<vmem>>) semaphore(%dma_start3A_746 : memref<!tpu.dma_semaphore, #tpu.memory_space<semaphore_mem>>)
      %dma_wait3A_747 = arith.constant 1 : i32
      %dma_wait3A_748 = arith.constant 1 : i32
      %dma_wait3A_749 = arith.constant 0 : i32
      %dma_wait3A_750 = arith.constant 0 : i32
      %dma_wait3A_751 = tpu.memref_slice %arg10[%dma_wait3A_747, %dma_wait3A_749, %dma_wait3A_750] : memref<2x128x128xf32, #tpu.memory_space<vmem>> -> memref<1x128x128xf32, #tpu.memory_space<vmem>>
      %dma_wait3A_752 = tpu.memref_squeeze %dma_wait3A_751 : memref<1x128x128xf32, #tpu.memory_space<vmem>> -> memref<128x128xf32, #tpu.memory_space<vmem>>
      %dma_wait3A_753 = arith.constant 0 : i32
      %dma_wait3A_754 = arith.constant 0 : i32
      %dma_wait3A_755 = tpu.memref_slice %arg2[%dma_wait3A_753, %dma_wait3A_754] : memref<20000x128xf32, #tpu.memory_space<hbm>> -> memref<128x128xf32, #tpu.memory_space<hbm>>
      %dma_wait3A_756 = tpu.memref_slice %arg11[%dma_wait3A_748] : memref<2x!tpu.dma_semaphore, #tpu.memory_space<semaphore_mem>> -> memref<1x!tpu.dma_semaphore, #tpu.memory_space<semaphore_mem>>
      %dma_wait3A_757 = tpu.memref_squeeze %dma_wait3A_756 : memref<1x!tpu.dma_semaphore, #tpu.memory_space<semaphore_mem>> -> memref<!tpu.dma_semaphore, #tpu.memory_space<semaphore_mem>>
      %dma_wait3A_758 = arith.constant 0 : i32
      %dma_wait3A_759 = arith.constant 0 : i32
      %dma_wait3A_760 = tpu.memref_slice %arg10[%dma_wait3A_747, %dma_wait3A_758, %dma_wait3A_759] : memref<2x128x128xf32, #tpu.memory_space<vmem>> -> memref<1x128x128xf32, #tpu.memory_space<vmem>>
      %dma_wait3A_761 = tpu.memref_squeeze %dma_wait3A_760 : memref<1x128x128xf32, #tpu.memory_space<vmem>> -> memref<128x128xf32, #tpu.memory_space<vmem>>
      %dma_wait3A_762 = arith.constant 0 : i32
      %dma_wait3A_763 = arith.constant 0 : i32
      %dma_wait3A_764 = tpu.memref_slice %arg2[%dma_wait3A_762, %dma_wait3A_763] : memref<20000x128xf32, #tpu.memory_space<hbm>> -> memref<128x128xf32, #tpu.memory_space<hbm>>
      tpu.wait_dma2 semaphore(%dma_wait3A_757 : memref<!tpu.dma_semaphore, #tpu.memory_space<semaphore_mem>>) src(%dma_wait3A_764 : memref<128x128xf32, #tpu.memory_space<hbm>>) dst(%dma_wait3A_761 : memref<128x128xf32, #tpu.memory_space<vmem>>)
      %dma_start3A_765 = arith.constant 1 : i32
      %dma_start3A_766 = arith.constant 1 : i32
      %dma_start3A_767 = arith.constant 1 : i32
      %dma_start3A_768 = arith.constant 1 : i32
      %dma_start3A_769 = arith.constant 0 : i32
      %dma_start3A_770 = arith.constant 0 : i32
      %dma_start3A_771 = tpu.memref_slice %arg10[%dma_start3A_765, %dma_start3A_769, %dma_start3A_770] : memref<2x128x128xf32, #tpu.memory_space<vmem>> -> memref<1x128x128xf32, #tpu.memory_space<vmem>>
      %dma_start3A_772 = tpu.memref_squeeze %dma_start3A_771 : memref<1x128x128xf32, #tpu.memory_space<vmem>> -> memref<128x128xf32, #tpu.memory_space<vmem>>
      %dma_start3A_773 = arith.constant 0 : i32
      %dma_start3A_774 = tpu.memref_slice %arg9[%dma_start3A_766, %dma_start3A_767, %dma_start3A_773] : memref<2x8x128xi32, #tpu.memory_space<vmem>> -> memref<1x1x128xi32, #tpu.memory_space<vmem>>
      %dma_start3A_775 = tpu.memref_squeeze %dma_start3A_774 : memref<1x1x128xi32, #tpu.memory_space<vmem>> -> memref<128xi32, #tpu.memory_space<vmem>>
      %dma_start3A_776 = arith.constant 0 : i32
      %dma_start3A_777 = arith.constant 0 : i32
      %dma_start3A_778 = tpu.memref_slice %arg7[%dma_start3A_776, %dma_start3A_777] : memref<10008x128xf32, #tpu.memory_space<vmem_shared>> -> memref<10008x128xf32, #tpu.memory_space<vmem_shared>>
      %dma_start3A_779 = tpu.memref_slice %arg12[%dma_start3A_768] : memref<2x!tpu.dma_semaphore, #tpu.memory_space<semaphore_mem>> -> memref<1x!tpu.dma_semaphore, #tpu.memory_space<semaphore_mem>>
      %dma_start3A_780 = tpu.memref_squeeze %dma_start3A_779 : memref<1x!tpu.dma_semaphore, #tpu.memory_space<semaphore_mem>> -> memref<!tpu.dma_semaphore, #tpu.memory_space<semaphore_mem>>
      tpu.enqueue_indirect_dma source(%dma_start3A_772 : memref<128x128xf32, #tpu.memory_space<vmem>>) target(%dma_start3A_778 : memref<10008x128xf32, #tpu.memory_space<vmem_shared>>) offsets(%dma_start3A_775 : memref<128xi32, #tpu.memory_space<vmem>>) semaphore(%dma_start3A_780 : memref<!tpu.dma_semaphore, #tpu.memory_space<semaphore_mem>>) {add = true}
      %dma_wait3A_781 = arith.constant 1 : i32
      %dma_wait3A_782 = arith.constant 1 : i32
      %dma_wait3A_783 = arith.constant 1 : i32
      %dma_wait3A_784 = arith.constant 1 : i32
      %dma_wait3A_785 = arith.constant 0 : i32
      %dma_wait3A_786 = arith.constant 0 : i32
      %dma_wait3A_787 = tpu.memref_slice %arg10[%dma_wait3A_781, %dma_wait3A_785, %dma_wait3A_786] : memref<2x128x128xf32, #tpu.memory_space<vmem>> -> memref<1x128x128xf32, #tpu.memory_space<vmem>>
      %dma_wait3A_788 = tpu.memref_squeeze %dma_wait3A_787 : memref<1x128x128xf32, #tpu.memory_space<vmem>> -> memref<128x128xf32, #tpu.memory_space<vmem>>
      %dma_wait3A_789 = arith.constant 0 : i32
      %dma_wait3A_790 = tpu.memref_slice %arg9[%dma_wait3A_782, %dma_wait3A_783, %dma_wait3A_789] : memref<2x8x128xi32, #tpu.memory_space<vmem>> -> memref<1x1x128xi32, #tpu.memory_space<vmem>>
      %dma_wait3A_791 = tpu.memref_squeeze %dma_wait3A_790 : memref<1x1x128xi32, #tpu.memory_space<vmem>> -> memref<128xi32, #tpu.memory_space<vmem>>
      %dma_wait3A_792 = arith.constant 0 : i32
      %dma_wait3A_793 = arith.constant 0 : i32
      %dma_wait3A_794 = tpu.memref_slice %arg7[%dma_wait3A_792, %dma_wait3A_793] : memref<10008x128xf32, #tpu.memory_space<vmem_shared>> -> memref<10008x128xf32, #tpu.memory_space<vmem_shared>>
      %dma_wait3A_795 = tpu.memref_slice %arg12[%dma_wait3A_784] : memref<2x!tpu.dma_semaphore, #tpu.memory_space<semaphore_mem>> -> memref<1x!tpu.dma_semaphore, #tpu.memory_space<semaphore_mem>>
      %dma_wait3A_796 = tpu.memref_squeeze %dma_wait3A_795 : memref<1x!tpu.dma_semaphore, #tpu.memory_space<semaphore_mem>> -> memref<!tpu.dma_semaphore, #tpu.memory_space<semaphore_mem>>
      tpu.wait_indirect_dma semaphore(%dma_wait3A_796 : memref<!tpu.dma_semaphore, #tpu.memory_space<semaphore_mem>>) src(%dma_wait3A_788 : memref<128x128xf32, #tpu.memory_space<vmem>>) dst(%dma_wait3A_794 : memref<10008x128xf32, #tpu.memory_space<vmem_shared>>)
      %dma_start3A_797 = arith.constant 1 : i32
      %dma_start3A_798 = arith.constant 3 : i32
      %dma_start3A_799 = arith.constant 1 : i32
      %dma_start3A_800 = arith.constant 1 : i32
      %dma_start3A_801 = arith.constant 0 : i32
      %dma_start3A_802 = arith.constant 0 : i32
      %dma_start3A_803 = tpu.memref_slice %arg10[%dma_start3A_799, %dma_start3A_801, %dma_start3A_802] : memref<2x128x128xf32, #tpu.memory_space<vmem>> -> memref<1x128x128xf32, #tpu.memory_space<vmem>>
      %dma_start3A_804 = tpu.memref_squeeze %dma_start3A_803 : memref<1x128x128xf32, #tpu.memory_space<vmem>> -> memref<128x128xf32, #tpu.memory_space<vmem>>
      %dma_start3A_805 = arith.constant 0 : i32
      %dma_start3A_806 = tpu.memref_slice %arg8[%dma_start3A_797, %dma_start3A_798, %dma_start3A_805] : memref<2x8x128xi32, #tpu.memory_space<vmem>> -> memref<1x1x128xi32, #tpu.memory_space<vmem>>
      %dma_start3A_807 = tpu.memref_squeeze %dma_start3A_806 : memref<1x1x128xi32, #tpu.memory_space<vmem>> -> memref<128xi32, #tpu.memory_space<vmem>>
      %dma_start3A_808 = arith.constant 0 : i32
      %dma_start3A_809 = arith.constant 0 : i32
      %dma_start3A_810 = tpu.memref_slice %arg2[%dma_start3A_808, %dma_start3A_809] : memref<20000x128xf32, #tpu.memory_space<hbm>> -> memref<20000x128xf32, #tpu.memory_space<hbm>>
      %dma_start3A_811 = tpu.memref_slice %arg11[%dma_start3A_800] : memref<2x!tpu.dma_semaphore, #tpu.memory_space<semaphore_mem>> -> memref<1x!tpu.dma_semaphore, #tpu.memory_space<semaphore_mem>>
      %dma_start3A_812 = tpu.memref_squeeze %dma_start3A_811 : memref<1x!tpu.dma_semaphore, #tpu.memory_space<semaphore_mem>> -> memref<!tpu.dma_semaphore, #tpu.memory_space<semaphore_mem>>
      tpu.enqueue_indirect_dma source(%dma_start3A_810 : memref<20000x128xf32, #tpu.memory_space<hbm>>) target(%dma_start3A_804 : memref<128x128xf32, #tpu.memory_space<vmem>>) offsets(%dma_start3A_807 : memref<128xi32, #tpu.memory_space<vmem>>) semaphore(%dma_start3A_812 : memref<!tpu.dma_semaphore, #tpu.memory_space<semaphore_mem>>)
      %dma_wait3A_813 = arith.constant 0 : i32
      %dma_wait3A_814 = arith.constant 0 : i32
      %dma_wait3A_815 = arith.constant 0 : i32
      %dma_wait3A_816 = arith.constant 0 : i32
      %dma_wait3A_817 = tpu.memref_slice %arg10[%dma_wait3A_813, %dma_wait3A_815, %dma_wait3A_816] : memref<2x128x128xf32, #tpu.memory_space<vmem>> -> memref<1x128x128xf32, #tpu.memory_space<vmem>>
      %dma_wait3A_818 = tpu.memref_squeeze %dma_wait3A_817 : memref<1x128x128xf32, #tpu.memory_space<vmem>> -> memref<128x128xf32, #tpu.memory_space<vmem>>
      %dma_wait3A_819 = arith.constant 0 : i32
      %dma_wait3A_820 = arith.constant 0 : i32
      %dma_wait3A_821 = tpu.memref_slice %arg2[%dma_wait3A_819, %dma_wait3A_820] : memref<20000x128xf32, #tpu.memory_space<hbm>> -> memref<128x128xf32, #tpu.memory_space<hbm>>
      %dma_wait3A_822 = tpu.memref_slice %arg11[%dma_wait3A_814] : memref<2x!tpu.dma_semaphore, #tpu.memory_space<semaphore_mem>> -> memref<1x!tpu.dma_semaphore, #tpu.memory_space<semaphore_mem>>
      %dma_wait3A_823 = tpu.memref_squeeze %dma_wait3A_822 : memref<1x!tpu.dma_semaphore, #tpu.memory_space<semaphore_mem>> -> memref<!tpu.dma_semaphore, #tpu.memory_space<semaphore_mem>>
      %dma_wait3A_824 = arith.constant 0 : i32
      %dma_wait3A_825 = arith.constant 0 : i32
      %dma_wait3A_826 = tpu.memref_slice %arg10[%dma_wait3A_813, %dma_wait3A_824, %dma_wait3A_825] : memref<2x128x128xf32, #tpu.memory_space<vmem>> -> memref<1x128x128xf32, #tpu.memory_space<vmem>>
      %dma_wait3A_827 = tpu.memref_squeeze %dma_wait3A_826 : memref<1x128x128xf32, #tpu.memory_space<vmem>> -> memref<128x128xf32, #tpu.memory_space<vmem>>
      %dma_wait3A_828 = arith.constant 0 : i32
      %dma_wait3A_829 = arith.constant 0 : i32
      %dma_wait3A_830 = tpu.memref_slice %arg2[%dma_wait3A_828, %dma_wait3A_829] : memref<20000x128xf32, #tpu.memory_space<hbm>> -> memref<128x128xf32, #tpu.memory_space<hbm>>
      tpu.wait_dma2 semaphore(%dma_wait3A_823 : memref<!tpu.dma_semaphore, #tpu.memory_space<semaphore_mem>>) src(%dma_wait3A_830 : memref<128x128xf32, #tpu.memory_space<hbm>>) dst(%dma_wait3A_827 : memref<128x128xf32, #tpu.memory_space<vmem>>)
      %dma_start3A_831 = arith.constant 0 : i32
      %dma_start3A_832 = arith.constant 1 : i32
      %dma_start3A_833 = arith.constant 2 : i32
      %dma_start3A_834 = arith.constant 0 : i32
      %dma_start3A_835 = arith.constant 0 : i32
      %dma_start3A_836 = arith.constant 0 : i32
      %dma_start3A_837 = tpu.memref_slice %arg10[%dma_start3A_831, %dma_start3A_835, %dma_start3A_836] : memref<2x128x128xf32, #tpu.memory_space<vmem>> -> memref<1x128x128xf32, #tpu.memory_space<vmem>>
      %dma_start3A_838 = tpu.memref_squeeze %dma_start3A_837 : memref<1x128x128xf32, #tpu.memory_space<vmem>> -> memref<128x128xf32, #tpu.memory_space<vmem>>
      %dma_start3A_839 = arith.constant 0 : i32
      %dma_start3A_840 = tpu.memref_slice %arg9[%dma_start3A_832, %dma_start3A_833, %dma_start3A_839] : memref<2x8x128xi32, #tpu.memory_space<vmem>> -> memref<1x1x128xi32, #tpu.memory_space<vmem>>
      %dma_start3A_841 = tpu.memref_squeeze %dma_start3A_840 : memref<1x1x128xi32, #tpu.memory_space<vmem>> -> memref<128xi32, #tpu.memory_space<vmem>>
      %dma_start3A_842 = arith.constant 0 : i32
      %dma_start3A_843 = arith.constant 0 : i32
      %dma_start3A_844 = tpu.memref_slice %arg7[%dma_start3A_842, %dma_start3A_843] : memref<10008x128xf32, #tpu.memory_space<vmem_shared>> -> memref<10008x128xf32, #tpu.memory_space<vmem_shared>>
      %dma_start3A_845 = tpu.memref_slice %arg12[%dma_start3A_834] : memref<2x!tpu.dma_semaphore, #tpu.memory_space<semaphore_mem>> -> memref<1x!tpu.dma_semaphore, #tpu.memory_space<semaphore_mem>>
      %dma_start3A_846 = tpu.memref_squeeze %dma_start3A_845 : memref<1x!tpu.dma_semaphore, #tpu.memory_space<semaphore_mem>> -> memref<!tpu.dma_semaphore, #tpu.memory_space<semaphore_mem>>
      tpu.enqueue_indirect_dma source(%dma_start3A_838 : memref<128x128xf32, #tpu.memory_space<vmem>>) target(%dma_start3A_844 : memref<10008x128xf32, #tpu.memory_space<vmem_shared>>) offsets(%dma_start3A_841 : memref<128xi32, #tpu.memory_space<vmem>>) semaphore(%dma_start3A_846 : memref<!tpu.dma_semaphore, #tpu.memory_space<semaphore_mem>>) {add = true}
      %dma_wait3A_847 = arith.constant 0 : i32
      %dma_wait3A_848 = arith.constant 1 : i32
      %dma_wait3A_849 = arith.constant 2 : i32
      %dma_wait3A_850 = arith.constant 0 : i32
      %dma_wait3A_851 = arith.constant 0 : i32
      %dma_wait3A_852 = arith.constant 0 : i32
      %dma_wait3A_853 = tpu.memref_slice %arg10[%dma_wait3A_847, %dma_wait3A_851, %dma_wait3A_852] : memref<2x128x128xf32, #tpu.memory_space<vmem>> -> memref<1x128x128xf32, #tpu.memory_space<vmem>>
      %dma_wait3A_854 = tpu.memref_squeeze %dma_wait3A_853 : memref<1x128x128xf32, #tpu.memory_space<vmem>> -> memref<128x128xf32, #tpu.memory_space<vmem>>
      %dma_wait3A_855 = arith.constant 0 : i32
      %dma_wait3A_856 = tpu.memref_slice %arg9[%dma_wait3A_848, %dma_wait3A_849, %dma_wait3A_855] : memref<2x8x128xi32, #tpu.memory_space<vmem>> -> memref<1x1x128xi32, #tpu.memory_space<vmem>>
      %dma_wait3A_857 = tpu.memref_squeeze %dma_wait3A_856 : memref<1x1x128xi32, #tpu.memory_space<vmem>> -> memref<128xi32, #tpu.memory_space<vmem>>
      %dma_wait3A_858 = arith.constant 0 : i32
      %dma_wait3A_859 = arith.constant 0 : i32
      %dma_wait3A_860 = tpu.memref_slice %arg7[%dma_wait3A_858, %dma_wait3A_859] : memref<10008x128xf32, #tpu.memory_space<vmem_shared>> -> memref<10008x128xf32, #tpu.memory_space<vmem_shared>>
      %dma_wait3A_861 = tpu.memref_slice %arg12[%dma_wait3A_850] : memref<2x!tpu.dma_semaphore, #tpu.memory_space<semaphore_mem>> -> memref<1x!tpu.dma_semaphore, #tpu.memory_space<semaphore_mem>>
      %dma_wait3A_862 = tpu.memref_squeeze %dma_wait3A_861 : memref<1x!tpu.dma_semaphore, #tpu.memory_space<semaphore_mem>> -> memref<!tpu.dma_semaphore, #tpu.memory_space<semaphore_mem>>
      tpu.wait_indirect_dma semaphore(%dma_wait3A_862 : memref<!tpu.dma_semaphore, #tpu.memory_space<semaphore_mem>>) src(%dma_wait3A_854 : memref<128x128xf32, #tpu.memory_space<vmem>>) dst(%dma_wait3A_860 : memref<10008x128xf32, #tpu.memory_space<vmem_shared>>)
      %dma_start3A_863 = arith.constant 1 : i32
      %dma_start3A_864 = arith.constant 4 : i32
      %dma_start3A_865 = arith.constant 0 : i32
      %dma_start3A_866 = arith.constant 0 : i32
      %dma_start3A_867 = arith.constant 0 : i32
      %dma_start3A_868 = arith.constant 0 : i32
      %dma_start3A_869 = tpu.memref_slice %arg10[%dma_start3A_865, %dma_start3A_867, %dma_start3A_868] : memref<2x128x128xf32, #tpu.memory_space<vmem>> -> memref<1x128x128xf32, #tpu.memory_space<vmem>>
      %dma_start3A_870 = tpu.memref_squeeze %dma_start3A_869 : memref<1x128x128xf32, #tpu.memory_space<vmem>> -> memref<128x128xf32, #tpu.memory_space<vmem>>
      %dma_start3A_871 = arith.constant 0 : i32
      %dma_start3A_872 = tpu.memref_slice %arg8[%dma_start3A_863, %dma_start3A_864, %dma_start3A_871] : memref<2x8x128xi32, #tpu.memory_space<vmem>> -> memref<1x1x128xi32, #tpu.memory_space<vmem>>
      %dma_start3A_873 = tpu.memref_squeeze %dma_start3A_872 : memref<1x1x128xi32, #tpu.memory_space<vmem>> -> memref<128xi32, #tpu.memory_space<vmem>>
      %dma_start3A_874 = arith.constant 0 : i32
      %dma_start3A_875 = arith.constant 0 : i32
      %dma_start3A_876 = tpu.memref_slice %arg2[%dma_start3A_874, %dma_start3A_875] : memref<20000x128xf32, #tpu.memory_space<hbm>> -> memref<20000x128xf32, #tpu.memory_space<hbm>>
      %dma_start3A_877 = tpu.memref_slice %arg11[%dma_start3A_866] : memref<2x!tpu.dma_semaphore, #tpu.memory_space<semaphore_mem>> -> memref<1x!tpu.dma_semaphore, #tpu.memory_space<semaphore_mem>>
      %dma_start3A_878 = tpu.memref_squeeze %dma_start3A_877 : memref<1x!tpu.dma_semaphore, #tpu.memory_space<semaphore_mem>> -> memref<!tpu.dma_semaphore, #tpu.memory_space<semaphore_mem>>
      tpu.enqueue_indirect_dma source(%dma_start3A_876 : memref<20000x128xf32, #tpu.memory_space<hbm>>) target(%dma_start3A_870 : memref<128x128xf32, #tpu.memory_space<vmem>>) offsets(%dma_start3A_873 : memref<128xi32, #tpu.memory_space<vmem>>) semaphore(%dma_start3A_878 : memref<!tpu.dma_semaphore, #tpu.memory_space<semaphore_mem>>)
      %dma_wait3A_879 = arith.constant 1 : i32
      %dma_wait3A_880 = arith.constant 1 : i32
      %dma_wait3A_881 = arith.constant 0 : i32
      %dma_wait3A_882 = arith.constant 0 : i32
      %dma_wait3A_883 = tpu.memref_slice %arg10[%dma_wait3A_879, %dma_wait3A_881, %dma_wait3A_882] : memref<2x128x128xf32, #tpu.memory_space<vmem>> -> memref<1x128x128xf32, #tpu.memory_space<vmem>>
      %dma_wait3A_884 = tpu.memref_squeeze %dma_wait3A_883 : memref<1x128x128xf32, #tpu.memory_space<vmem>> -> memref<128x128xf32, #tpu.memory_space<vmem>>
      %dma_wait3A_885 = arith.constant 0 : i32
      %dma_wait3A_886 = arith.constant 0 : i32
      %dma_wait3A_887 = tpu.memref_slice %arg2[%dma_wait3A_885, %dma_wait3A_886] : memref<20000x128xf32, #tpu.memory_space<hbm>> -> memref<128x128xf32, #tpu.memory_space<hbm>>
      %dma_wait3A_888 = tpu.memref_slice %arg11[%dma_wait3A_880] : memref<2x!tpu.dma_semaphore, #tpu.memory_space<semaphore_mem>> -> memref<1x!tpu.dma_semaphore, #tpu.memory_space<semaphore_mem>>
      %dma_wait3A_889 = tpu.memref_squeeze %dma_wait3A_888 : memref<1x!tpu.dma_semaphore, #tpu.memory_space<semaphore_mem>> -> memref<!tpu.dma_semaphore, #tpu.memory_space<semaphore_mem>>
      %dma_wait3A_890 = arith.constant 0 : i32
      %dma_wait3A_891 = arith.constant 0 : i32
      %dma_wait3A_892 = tpu.memref_slice %arg10[%dma_wait3A_879, %dma_wait3A_890, %dma_wait3A_891] : memref<2x128x128xf32, #tpu.memory_space<vmem>> -> memref<1x128x128xf32, #tpu.memory_space<vmem>>
      %dma_wait3A_893 = tpu.memref_squeeze %dma_wait3A_892 : memref<1x128x128xf32, #tpu.memory_space<vmem>> -> memref<128x128xf32, #tpu.memory_space<vmem>>
      %dma_wait3A_894 = arith.constant 0 : i32
      %dma_wait3A_895 = arith.constant 0 : i32
      %dma_wait3A_896 = tpu.memref_slice %arg2[%dma_wait3A_894, %dma_wait3A_895] : memref<20000x128xf32, #tpu.memory_space<hbm>> -> memref<128x128xf32, #tpu.memory_space<hbm>>
      tpu.wait_dma2 semaphore(%dma_wait3A_889 : memref<!tpu.dma_semaphore, #tpu.memory_space<semaphore_mem>>) src(%dma_wait3A_896 : memref<128x128xf32, #tpu.memory_space<hbm>>) dst(%dma_wait3A_893 : memref<128x128xf32, #tpu.memory_space<vmem>>)
      %dma_start3A_897 = arith.constant 1 : i32
      %dma_start3A_898 = arith.constant 1 : i32
      %dma_start3A_899 = arith.constant 3 : i32
      %dma_start3A_900 = arith.constant 1 : i32
      %dma_start3A_901 = arith.constant 0 : i32
      %dma_start3A_902 = arith.constant 0 : i32
      %dma_start3A_903 = tpu.memref_slice %arg10[%dma_start3A_897, %dma_start3A_901, %dma_start3A_902] : memref<2x128x128xf32, #tpu.memory_space<vmem>> -> memref<1x128x128xf32, #tpu.memory_space<vmem>>
      %dma_start3A_904 = tpu.memref_squeeze %dma_start3A_903 : memref<1x128x128xf32, #tpu.memory_space<vmem>> -> memref<128x128xf32, #tpu.memory_space<vmem>>
      %dma_start3A_905 = arith.constant 0 : i32
      %dma_start3A_906 = tpu.memref_slice %arg9[%dma_start3A_898, %dma_start3A_899, %dma_start3A_905] : memref<2x8x128xi32, #tpu.memory_space<vmem>> -> memref<1x1x128xi32, #tpu.memory_space<vmem>>
      %dma_start3A_907 = tpu.memref_squeeze %dma_start3A_906 : memref<1x1x128xi32, #tpu.memory_space<vmem>> -> memref<128xi32, #tpu.memory_space<vmem>>
      %dma_start3A_908 = arith.constant 0 : i32
      %dma_start3A_909 = arith.constant 0 : i32
      %dma_start3A_910 = tpu.memref_slice %arg7[%dma_start3A_908, %dma_start3A_909] : memref<10008x128xf32, #tpu.memory_space<vmem_shared>> -> memref<10008x128xf32, #tpu.memory_space<vmem_shared>>
      %dma_start3A_911 = tpu.memref_slice %arg12[%dma_start3A_900] : memref<2x!tpu.dma_semaphore, #tpu.memory_space<semaphore_mem>> -> memref<1x!tpu.dma_semaphore, #tpu.memory_space<semaphore_mem>>
      %dma_start3A_912 = tpu.memref_squeeze %dma_start3A_911 : memref<1x!tpu.dma_semaphore, #tpu.memory_space<semaphore_mem>> -> memref<!tpu.dma_semaphore, #tpu.memory_space<semaphore_mem>>
      tpu.enqueue_indirect_dma source(%dma_start3A_904 : memref<128x128xf32, #tpu.memory_space<vmem>>) target(%dma_start3A_910 : memref<10008x128xf32, #tpu.memory_space<vmem_shared>>) offsets(%dma_start3A_907 : memref<128xi32, #tpu.memory_space<vmem>>) semaphore(%dma_start3A_912 : memref<!tpu.dma_semaphore, #tpu.memory_space<semaphore_mem>>) {add = true}
      %dma_wait3A_913 = arith.constant 1 : i32
      %dma_wait3A_914 = arith.constant 1 : i32
      %dma_wait3A_915 = arith.constant 3 : i32
      %dma_wait3A_916 = arith.constant 1 : i32
      %dma_wait3A_917 = arith.constant 0 : i32
      %dma_wait3A_918 = arith.constant 0 : i32
      %dma_wait3A_919 = tpu.memref_slice %arg10[%dma_wait3A_913, %dma_wait3A_917, %dma_wait3A_918] : memref<2x128x128xf32, #tpu.memory_space<vmem>> -> memref<1x128x128xf32, #tpu.memory_space<vmem>>
      %dma_wait3A_920 = tpu.memref_squeeze %dma_wait3A_919 : memref<1x128x128xf32, #tpu.memory_space<vmem>> -> memref<128x128xf32, #tpu.memory_space<vmem>>
      %dma_wait3A_921 = arith.constant 0 : i32
      %dma_wait3A_922 = tpu.memref_slice %arg9[%dma_wait3A_914, %dma_wait3A_915, %dma_wait3A_921] : memref<2x8x128xi32, #tpu.memory_space<vmem>> -> memref<1x1x128xi32, #tpu.memory_space<vmem>>
      %dma_wait3A_923 = tpu.memref_squeeze %dma_wait3A_922 : memref<1x1x128xi32, #tpu.memory_space<vmem>> -> memref<128xi32, #tpu.memory_space<vmem>>
      %dma_wait3A_924 = arith.constant 0 : i32
      %dma_wait3A_925 = arith.constant 0 : i32
      %dma_wait3A_926 = tpu.memref_slice %arg7[%dma_wait3A_924, %dma_wait3A_925] : memref<10008x128xf32, #tpu.memory_space<vmem_shared>> -> memref<10008x128xf32, #tpu.memory_space<vmem_shared>>
      %dma_wait3A_927 = tpu.memref_slice %arg12[%dma_wait3A_916] : memref<2x!tpu.dma_semaphore, #tpu.memory_space<semaphore_mem>> -> memref<1x!tpu.dma_semaphore, #tpu.memory_space<semaphore_mem>>
      %dma_wait3A_928 = tpu.memref_squeeze %dma_wait3A_927 : memref<1x!tpu.dma_semaphore, #tpu.memory_space<semaphore_mem>> -> memref<!tpu.dma_semaphore, #tpu.memory_space<semaphore_mem>>
      tpu.wait_indirect_dma semaphore(%dma_wait3A_928 : memref<!tpu.dma_semaphore, #tpu.memory_space<semaphore_mem>>) src(%dma_wait3A_920 : memref<128x128xf32, #tpu.memory_space<vmem>>) dst(%dma_wait3A_926 : memref<10008x128xf32, #tpu.memory_space<vmem_shared>>)
      %dma_start3A_929 = arith.constant 1 : i32
      %dma_start3A_930 = arith.constant 5 : i32
      %dma_start3A_931 = arith.constant 1 : i32
      %dma_start3A_932 = arith.constant 1 : i32
      %dma_start3A_933 = arith.constant 0 : i32
      %dma_start3A_934 = arith.constant 0 : i32
      %dma_start3A_935 = tpu.memref_slice %arg10[%dma_start3A_931, %dma_start3A_933, %dma_start3A_934] : memref<2x128x128xf32, #tpu.memory_space<vmem>> -> memref<1x128x128xf32, #tpu.memory_space<vmem>>
      %dma_start3A_936 = tpu.memref_squeeze %dma_start3A_935 : memref<1x128x128xf32, #tpu.memory_space<vmem>> -> memref<128x128xf32, #tpu.memory_space<vmem>>
      %dma_start3A_937 = arith.constant 0 : i32
      %dma_start3A_938 = tpu.memref_slice %arg8[%dma_start3A_929, %dma_start3A_930, %dma_start3A_937] : memref<2x8x128xi32, #tpu.memory_space<vmem>> -> memref<1x1x128xi32, #tpu.memory_space<vmem>>
      %dma_start3A_939 = tpu.memref_squeeze %dma_start3A_938 : memref<1x1x128xi32, #tpu.memory_space<vmem>> -> memref<128xi32, #tpu.memory_space<vmem>>
      %dma_start3A_940 = arith.constant 0 : i32
      %dma_start3A_941 = arith.constant 0 : i32
      %dma_start3A_942 = tpu.memref_slice %arg2[%dma_start3A_940, %dma_start3A_941] : memref<20000x128xf32, #tpu.memory_space<hbm>> -> memref<20000x128xf32, #tpu.memory_space<hbm>>
      %dma_start3A_943 = tpu.memref_slice %arg11[%dma_start3A_932] : memref<2x!tpu.dma_semaphore, #tpu.memory_space<semaphore_mem>> -> memref<1x!tpu.dma_semaphore, #tpu.memory_space<semaphore_mem>>
      %dma_start3A_944 = tpu.memref_squeeze %dma_start3A_943 : memref<1x!tpu.dma_semaphore, #tpu.memory_space<semaphore_mem>> -> memref<!tpu.dma_semaphore, #tpu.memory_space<semaphore_mem>>
      tpu.enqueue_indirect_dma source(%dma_start3A_942 : memref<20000x128xf32, #tpu.memory_space<hbm>>) target(%dma_start3A_936 : memref<128x128xf32, #tpu.memory_space<vmem>>) offsets(%dma_start3A_939 : memref<128xi32, #tpu.memory_space<vmem>>) semaphore(%dma_start3A_944 : memref<!tpu.dma_semaphore, #tpu.memory_space<semaphore_mem>>)
      %dma_wait3A_945 = arith.constant 0 : i32
      %dma_wait3A_946 = arith.constant 0 : i32
      %dma_wait3A_947 = arith.constant 0 : i32
      %dma_wait3A_948 = arith.constant 0 : i32
      %dma_wait3A_949 = tpu.memref_slice %arg10[%dma_wait3A_945, %dma_wait3A_947, %dma_wait3A_948] : memref<2x128x128xf32, #tpu.memory_space<vmem>> -> memref<1x128x128xf32, #tpu.memory_space<vmem>>
      %dma_wait3A_950 = tpu.memref_squeeze %dma_wait3A_949 : memref<1x128x128xf32, #tpu.memory_space<vmem>> -> memref<128x128xf32, #tpu.memory_space<vmem>>
      %dma_wait3A_951 = arith.constant 0 : i32
      %dma_wait3A_952 = arith.constant 0 : i32
      %dma_wait3A_953 = tpu.memref_slice %arg2[%dma_wait3A_951, %dma_wait3A_952] : memref<20000x128xf32, #tpu.memory_space<hbm>> -> memref<128x128xf32, #tpu.memory_space<hbm>>
      %dma_wait3A_954 = tpu.memref_slice %arg11[%dma_wait3A_946] : memref<2x!tpu.dma_semaphore, #tpu.memory_space<semaphore_mem>> -> memref<1x!tpu.dma_semaphore, #tpu.memory_space<semaphore_mem>>
      %dma_wait3A_955 = tpu.memref_squeeze %dma_wait3A_954 : memref<1x!tpu.dma_semaphore, #tpu.memory_space<semaphore_mem>> -> memref<!tpu.dma_semaphore, #tpu.memory_space<semaphore_mem>>
      %dma_wait3A_956 = arith.constant 0 : i32
      %dma_wait3A_957 = arith.constant 0 : i32
      %dma_wait3A_958 = tpu.memref_slice %arg10[%dma_wait3A_945, %dma_wait3A_956, %dma_wait3A_957] : memref<2x128x128xf32, #tpu.memory_space<vmem>> -> memref<1x128x128xf32, #tpu.memory_space<vmem>>
      %dma_wait3A_959 = tpu.memref_squeeze %dma_wait3A_958 : memref<1x128x128xf32, #tpu.memory_space<vmem>> -> memref<128x128xf32, #tpu.memory_space<vmem>>
      %dma_wait3A_960 = arith.constant 0 : i32
      %dma_wait3A_961 = arith.constant 0 : i32
      %dma_wait3A_962 = tpu.memref_slice %arg2[%dma_wait3A_960, %dma_wait3A_961] : memref<20000x128xf32, #tpu.memory_space<hbm>> -> memref<128x128xf32, #tpu.memory_space<hbm>>
      tpu.wait_dma2 semaphore(%dma_wait3A_955 : memref<!tpu.dma_semaphore, #tpu.memory_space<semaphore_mem>>) src(%dma_wait3A_962 : memref<128x128xf32, #tpu.memory_space<hbm>>) dst(%dma_wait3A_959 : memref<128x128xf32, #tpu.memory_space<vmem>>)
      %dma_start3A_963 = arith.constant 0 : i32
      %dma_start3A_964 = arith.constant 1 : i32
      %dma_start3A_965 = arith.constant 4 : i32
      %dma_start3A_966 = arith.constant 0 : i32
      %dma_start3A_967 = arith.constant 0 : i32
      %dma_start3A_968 = arith.constant 0 : i32
      %dma_start3A_969 = tpu.memref_slice %arg10[%dma_start3A_963, %dma_start3A_967, %dma_start3A_968] : memref<2x128x128xf32, #tpu.memory_space<vmem>> -> memref<1x128x128xf32, #tpu.memory_space<vmem>>
      %dma_start3A_970 = tpu.memref_squeeze %dma_start3A_969 : memref<1x128x128xf32, #tpu.memory_space<vmem>> -> memref<128x128xf32, #tpu.memory_space<vmem>>
      %dma_start3A_971 = arith.constant 0 : i32
      %dma_start3A_972 = tpu.memref_slice %arg9[%dma_start3A_964, %dma_start3A_965, %dma_start3A_971] : memref<2x8x128xi32, #tpu.memory_space<vmem>> -> memref<1x1x128xi32, #tpu.memory_space<vmem>>
      %dma_start3A_973 = tpu.memref_squeeze %dma_start3A_972 : memref<1x1x128xi32, #tpu.memory_space<vmem>> -> memref<128xi32, #tpu.memory_space<vmem>>
      %dma_start3A_974 = arith.constant 0 : i32
      %dma_start3A_975 = arith.constant 0 : i32
      %dma_start3A_976 = tpu.memref_slice %arg7[%dma_start3A_974, %dma_start3A_975] : memref<10008x128xf32, #tpu.memory_space<vmem_shared>> -> memref<10008x128xf32, #tpu.memory_space<vmem_shared>>
      %dma_start3A_977 = tpu.memref_slice %arg12[%dma_start3A_966] : memref<2x!tpu.dma_semaphore, #tpu.memory_space<semaphore_mem>> -> memref<1x!tpu.dma_semaphore, #tpu.memory_space<semaphore_mem>>
      %dma_start3A_978 = tpu.memref_squeeze %dma_start3A_977 : memref<1x!tpu.dma_semaphore, #tpu.memory_space<semaphore_mem>> -> memref<!tpu.dma_semaphore, #tpu.memory_space<semaphore_mem>>
      tpu.enqueue_indirect_dma source(%dma_start3A_970 : memref<128x128xf32, #tpu.memory_space<vmem>>) target(%dma_start3A_976 : memref<10008x128xf32, #tpu.memory_space<vmem_shared>>) offsets(%dma_start3A_973 : memref<128xi32, #tpu.memory_space<vmem>>) semaphore(%dma_start3A_978 : memref<!tpu.dma_semaphore, #tpu.memory_space<semaphore_mem>>) {add = true}
      %dma_wait3A_979 = arith.constant 0 : i32
      %dma_wait3A_980 = arith.constant 1 : i32
      %dma_wait3A_981 = arith.constant 4 : i32
      %dma_wait3A_982 = arith.constant 0 : i32
      %dma_wait3A_983 = arith.constant 0 : i32
      %dma_wait3A_984 = arith.constant 0 : i32
      %dma_wait3A_985 = tpu.memref_slice %arg10[%dma_wait3A_979, %dma_wait3A_983, %dma_wait3A_984] : memref<2x128x128xf32, #tpu.memory_space<vmem>> -> memref<1x128x128xf32, #tpu.memory_space<vmem>>
      %dma_wait3A_986 = tpu.memref_squeeze %dma_wait3A_985 : memref<1x128x128xf32, #tpu.memory_space<vmem>> -> memref<128x128xf32, #tpu.memory_space<vmem>>
      %dma_wait3A_987 = arith.constant 0 : i32
      %dma_wait3A_988 = tpu.memref_slice %arg9[%dma_wait3A_980, %dma_wait3A_981, %dma_wait3A_987] : memref<2x8x128xi32, #tpu.memory_space<vmem>> -> memref<1x1x128xi32, #tpu.memory_space<vmem>>
      %dma_wait3A_989 = tpu.memref_squeeze %dma_wait3A_988 : memref<1x1x128xi32, #tpu.memory_space<vmem>> -> memref<128xi32, #tpu.memory_space<vmem>>
      %dma_wait3A_990 = arith.constant 0 : i32
      %dma_wait3A_991 = arith.constant 0 : i32
      %dma_wait3A_992 = tpu.memref_slice %arg7[%dma_wait3A_990, %dma_wait3A_991] : memref<10008x128xf32, #tpu.memory_space<vmem_shared>> -> memref<10008x128xf32, #tpu.memory_space<vmem_shared>>
      %dma_wait3A_993 = tpu.memref_slice %arg12[%dma_wait3A_982] : memref<2x!tpu.dma_semaphore, #tpu.memory_space<semaphore_mem>> -> memref<1x!tpu.dma_semaphore, #tpu.memory_space<semaphore_mem>>
      %dma_wait3A_994 = tpu.memref_squeeze %dma_wait3A_993 : memref<1x!tpu.dma_semaphore, #tpu.memory_space<semaphore_mem>> -> memref<!tpu.dma_semaphore, #tpu.memory_space<semaphore_mem>>
      tpu.wait_indirect_dma semaphore(%dma_wait3A_994 : memref<!tpu.dma_semaphore, #tpu.memory_space<semaphore_mem>>) src(%dma_wait3A_986 : memref<128x128xf32, #tpu.memory_space<vmem>>) dst(%dma_wait3A_992 : memref<10008x128xf32, #tpu.memory_space<vmem_shared>>)
      %dma_start3A_995 = arith.constant 1 : i32
      %dma_start3A_996 = arith.constant 6 : i32
      %dma_start3A_997 = arith.constant 0 : i32
      %dma_start3A_998 = arith.constant 0 : i32
      %dma_start3A_999 = arith.constant 0 : i32
      %dma_start3A_1000 = arith.constant 0 : i32
      %dma_start3A_1001 = tpu.memref_slice %arg10[%dma_start3A_997, %dma_start3A_999, %dma_start3A_1000] : memref<2x128x128xf32, #tpu.memory_space<vmem>> -> memref<1x128x128xf32, #tpu.memory_space<vmem>>
      %dma_start3A_1002 = tpu.memref_squeeze %dma_start3A_1001 : memref<1x128x128xf32, #tpu.memory_space<vmem>> -> memref<128x128xf32, #tpu.memory_space<vmem>>
      %dma_start3A_1003 = arith.constant 0 : i32
      %dma_start3A_1004 = tpu.memref_slice %arg8[%dma_start3A_995, %dma_start3A_996, %dma_start3A_1003] : memref<2x8x128xi32, #tpu.memory_space<vmem>> -> memref<1x1x128xi32, #tpu.memory_space<vmem>>
      %dma_start3A_1005 = tpu.memref_squeeze %dma_start3A_1004 : memref<1x1x128xi32, #tpu.memory_space<vmem>> -> memref<128xi32, #tpu.memory_space<vmem>>
      %dma_start3A_1006 = arith.constant 0 : i32
      %dma_start3A_1007 = arith.constant 0 : i32
      %dma_start3A_1008 = tpu.memref_slice %arg2[%dma_start3A_1006, %dma_start3A_1007] : memref<20000x128xf32, #tpu.memory_space<hbm>> -> memref<20000x128xf32, #tpu.memory_space<hbm>>
      %dma_start3A_1009 = tpu.memref_slice %arg11[%dma_start3A_998] : memref<2x!tpu.dma_semaphore, #tpu.memory_space<semaphore_mem>> -> memref<1x!tpu.dma_semaphore, #tpu.memory_space<semaphore_mem>>
      %dma_start3A_1010 = tpu.memref_squeeze %dma_start3A_1009 : memref<1x!tpu.dma_semaphore, #tpu.memory_space<semaphore_mem>> -> memref<!tpu.dma_semaphore, #tpu.memory_space<semaphore_mem>>
      tpu.enqueue_indirect_dma source(%dma_start3A_1008 : memref<20000x128xf32, #tpu.memory_space<hbm>>) target(%dma_start3A_1002 : memref<128x128xf32, #tpu.memory_space<vmem>>) offsets(%dma_start3A_1005 : memref<128xi32, #tpu.memory_space<vmem>>) semaphore(%dma_start3A_1010 : memref<!tpu.dma_semaphore, #tpu.memory_space<semaphore_mem>>)
      %dma_wait3A_1011 = arith.constant 1 : i32
      %dma_wait3A_1012 = arith.constant 1 : i32
      %dma_wait3A_1013 = arith.constant 0 : i32
      %dma_wait3A_1014 = arith.constant 0 : i32
      %dma_wait3A_1015 = tpu.memref_slice %arg10[%dma_wait3A_1011, %dma_wait3A_1013, %dma_wait3A_1014] : memref<2x128x128xf32, #tpu.memory_space<vmem>> -> memref<1x128x128xf32, #tpu.memory_space<vmem>>
      %dma_wait3A_1016 = tpu.memref_squeeze %dma_wait3A_1015 : memref<1x128x128xf32, #tpu.memory_space<vmem>> -> memref<128x128xf32, #tpu.memory_space<vmem>>
      %dma_wait3A_1017 = arith.constant 0 : i32
      %dma_wait3A_1018 = arith.constant 0 : i32
      %dma_wait3A_1019 = tpu.memref_slice %arg2[%dma_wait3A_1017, %dma_wait3A_1018] : memref<20000x128xf32, #tpu.memory_space<hbm>> -> memref<128x128xf32, #tpu.memory_space<hbm>>
      %dma_wait3A_1020 = tpu.memref_slice %arg11[%dma_wait3A_1012] : memref<2x!tpu.dma_semaphore, #tpu.memory_space<semaphore_mem>> -> memref<1x!tpu.dma_semaphore, #tpu.memory_space<semaphore_mem>>
      %dma_wait3A_1021 = tpu.memref_squeeze %dma_wait3A_1020 : memref<1x!tpu.dma_semaphore, #tpu.memory_space<semaphore_mem>> -> memref<!tpu.dma_semaphore, #tpu.memory_space<semaphore_mem>>
      %dma_wait3A_1022 = arith.constant 0 : i32
      %dma_wait3A_1023 = arith.constant 0 : i32
      %dma_wait3A_1024 = tpu.memref_slice %arg10[%dma_wait3A_1011, %dma_wait3A_1022, %dma_wait3A_1023] : memref<2x128x128xf32, #tpu.memory_space<vmem>> -> memref<1x128x128xf32, #tpu.memory_space<vmem>>
      %dma_wait3A_1025 = tpu.memref_squeeze %dma_wait3A_1024 : memref<1x128x128xf32, #tpu.memory_space<vmem>> -> memref<128x128xf32, #tpu.memory_space<vmem>>
      %dma_wait3A_1026 = arith.constant 0 : i32
      %dma_wait3A_1027 = arith.constant 0 : i32
      %dma_wait3A_1028 = tpu.memref_slice %arg2[%dma_wait3A_1026, %dma_wait3A_1027] : memref<20000x128xf32, #tpu.memory_space<hbm>> -> memref<128x128xf32, #tpu.memory_space<hbm>>
      tpu.wait_dma2 semaphore(%dma_wait3A_1021 : memref<!tpu.dma_semaphore, #tpu.memory_space<semaphore_mem>>) src(%dma_wait3A_1028 : memref<128x128xf32, #tpu.memory_space<hbm>>) dst(%dma_wait3A_1025 : memref<128x128xf32, #tpu.memory_space<vmem>>)
      %dma_start3A_1029 = arith.constant 1 : i32
      %dma_start3A_1030 = arith.constant 1 : i32
      %dma_start3A_1031 = arith.constant 5 : i32
      %dma_start3A_1032 = arith.constant 1 : i32
      %dma_start3A_1033 = arith.constant 0 : i32
      %dma_start3A_1034 = arith.constant 0 : i32
      %dma_start3A_1035 = tpu.memref_slice %arg10[%dma_start3A_1029, %dma_start3A_1033, %dma_start3A_1034] : memref<2x128x128xf32, #tpu.memory_space<vmem>> -> memref<1x128x128xf32, #tpu.memory_space<vmem>>
      %dma_start3A_1036 = tpu.memref_squeeze %dma_start3A_1035 : memref<1x128x128xf32, #tpu.memory_space<vmem>> -> memref<128x128xf32, #tpu.memory_space<vmem>>
      %dma_start3A_1037 = arith.constant 0 : i32
      %dma_start3A_1038 = tpu.memref_slice %arg9[%dma_start3A_1030, %dma_start3A_1031, %dma_start3A_1037] : memref<2x8x128xi32, #tpu.memory_space<vmem>> -> memref<1x1x128xi32, #tpu.memory_space<vmem>>
      %dma_start3A_1039 = tpu.memref_squeeze %dma_start3A_1038 : memref<1x1x128xi32, #tpu.memory_space<vmem>> -> memref<128xi32, #tpu.memory_space<vmem>>
      %dma_start3A_1040 = arith.constant 0 : i32
      %dma_start3A_1041 = arith.constant 0 : i32
      %dma_start3A_1042 = tpu.memref_slice %arg7[%dma_start3A_1040, %dma_start3A_1041] : memref<10008x128xf32, #tpu.memory_space<vmem_shared>> -> memref<10008x128xf32, #tpu.memory_space<vmem_shared>>
      %dma_start3A_1043 = tpu.memref_slice %arg12[%dma_start3A_1032] : memref<2x!tpu.dma_semaphore, #tpu.memory_space<semaphore_mem>> -> memref<1x!tpu.dma_semaphore, #tpu.memory_space<semaphore_mem>>
      %dma_start3A_1044 = tpu.memref_squeeze %dma_start3A_1043 : memref<1x!tpu.dma_semaphore, #tpu.memory_space<semaphore_mem>> -> memref<!tpu.dma_semaphore, #tpu.memory_space<semaphore_mem>>
      tpu.enqueue_indirect_dma source(%dma_start3A_1036 : memref<128x128xf32, #tpu.memory_space<vmem>>) target(%dma_start3A_1042 : memref<10008x128xf32, #tpu.memory_space<vmem_shared>>) offsets(%dma_start3A_1039 : memref<128xi32, #tpu.memory_space<vmem>>) semaphore(%dma_start3A_1044 : memref<!tpu.dma_semaphore, #tpu.memory_space<semaphore_mem>>) {add = true}
      %dma_wait3A_1045 = arith.constant 1 : i32
      %dma_wait3A_1046 = arith.constant 1 : i32
      %dma_wait3A_1047 = arith.constant 5 : i32
      %dma_wait3A_1048 = arith.constant 1 : i32
      %dma_wait3A_1049 = arith.constant 0 : i32
      %dma_wait3A_1050 = arith.constant 0 : i32
      %dma_wait3A_1051 = tpu.memref_slice %arg10[%dma_wait3A_1045, %dma_wait3A_1049, %dma_wait3A_1050] : memref<2x128x128xf32, #tpu.memory_space<vmem>> -> memref<1x128x128xf32, #tpu.memory_space<vmem>>
      %dma_wait3A_1052 = tpu.memref_squeeze %dma_wait3A_1051 : memref<1x128x128xf32, #tpu.memory_space<vmem>> -> memref<128x128xf32, #tpu.memory_space<vmem>>
      %dma_wait3A_1053 = arith.constant 0 : i32
      %dma_wait3A_1054 = tpu.memref_slice %arg9[%dma_wait3A_1046, %dma_wait3A_1047, %dma_wait3A_1053] : memref<2x8x128xi32, #tpu.memory_space<vmem>> -> memref<1x1x128xi32, #tpu.memory_space<vmem>>
      %dma_wait3A_1055 = tpu.memref_squeeze %dma_wait3A_1054 : memref<1x1x128xi32, #tpu.memory_space<vmem>> -> memref<128xi32, #tpu.memory_space<vmem>>
      %dma_wait3A_1056 = arith.constant 0 : i32
      %dma_wait3A_1057 = arith.constant 0 : i32
      %dma_wait3A_1058 = tpu.memref_slice %arg7[%dma_wait3A_1056, %dma_wait3A_1057] : memref<10008x128xf32, #tpu.memory_space<vmem_shared>> -> memref<10008x128xf32, #tpu.memory_space<vmem_shared>>
      %dma_wait3A_1059 = tpu.memref_slice %arg12[%dma_wait3A_1048] : memref<2x!tpu.dma_semaphore, #tpu.memory_space<semaphore_mem>> -> memref<1x!tpu.dma_semaphore, #tpu.memory_space<semaphore_mem>>
      %dma_wait3A_1060 = tpu.memref_squeeze %dma_wait3A_1059 : memref<1x!tpu.dma_semaphore, #tpu.memory_space<semaphore_mem>> -> memref<!tpu.dma_semaphore, #tpu.memory_space<semaphore_mem>>
      tpu.wait_indirect_dma semaphore(%dma_wait3A_1060 : memref<!tpu.dma_semaphore, #tpu.memory_space<semaphore_mem>>) src(%dma_wait3A_1052 : memref<128x128xf32, #tpu.memory_space<vmem>>) dst(%dma_wait3A_1058 : memref<10008x128xf32, #tpu.memory_space<vmem_shared>>)
      %dma_start3A_1061 = arith.constant 1 : i32
      %dma_start3A_1062 = arith.constant 7 : i32
      %dma_start3A_1063 = arith.constant 1 : i32
      %dma_start3A_1064 = arith.constant 1 : i32
      %dma_start3A_1065 = arith.constant 0 : i32
      %dma_start3A_1066 = arith.constant 0 : i32
      %dma_start3A_1067 = tpu.memref_slice %arg10[%dma_start3A_1063, %dma_start3A_1065, %dma_start3A_1066] : memref<2x128x128xf32, #tpu.memory_space<vmem>> -> memref<1x128x128xf32, #tpu.memory_space<vmem>>
      %dma_start3A_1068 = tpu.memref_squeeze %dma_start3A_1067 : memref<1x128x128xf32, #tpu.memory_space<vmem>> -> memref<128x128xf32, #tpu.memory_space<vmem>>
      %dma_start3A_1069 = arith.constant 0 : i32
      %dma_start3A_1070 = tpu.memref_slice %arg8[%dma_start3A_1061, %dma_start3A_1062, %dma_start3A_1069] : memref<2x8x128xi32, #tpu.memory_space<vmem>> -> memref<1x1x128xi32, #tpu.memory_space<vmem>>
      %dma_start3A_1071 = tpu.memref_squeeze %dma_start3A_1070 : memref<1x1x128xi32, #tpu.memory_space<vmem>> -> memref<128xi32, #tpu.memory_space<vmem>>
      %dma_start3A_1072 = arith.constant 0 : i32
      %dma_start3A_1073 = arith.constant 0 : i32
      %dma_start3A_1074 = tpu.memref_slice %arg2[%dma_start3A_1072, %dma_start3A_1073] : memref<20000x128xf32, #tpu.memory_space<hbm>> -> memref<20000x128xf32, #tpu.memory_space<hbm>>
      %dma_start3A_1075 = tpu.memref_slice %arg11[%dma_start3A_1064] : memref<2x!tpu.dma_semaphore, #tpu.memory_space<semaphore_mem>> -> memref<1x!tpu.dma_semaphore, #tpu.memory_space<semaphore_mem>>
      %dma_start3A_1076 = tpu.memref_squeeze %dma_start3A_1075 : memref<1x!tpu.dma_semaphore, #tpu.memory_space<semaphore_mem>> -> memref<!tpu.dma_semaphore, #tpu.memory_space<semaphore_mem>>
      tpu.enqueue_indirect_dma source(%dma_start3A_1074 : memref<20000x128xf32, #tpu.memory_space<hbm>>) target(%dma_start3A_1068 : memref<128x128xf32, #tpu.memory_space<vmem>>) offsets(%dma_start3A_1071 : memref<128xi32, #tpu.memory_space<vmem>>) semaphore(%dma_start3A_1076 : memref<!tpu.dma_semaphore, #tpu.memory_space<semaphore_mem>>)
      %dma_wait3A_1077 = arith.constant 0 : i32
      %dma_wait3A_1078 = arith.constant 0 : i32
      %dma_wait3A_1079 = arith.constant 0 : i32
      %dma_wait3A_1080 = arith.constant 0 : i32
      %dma_wait3A_1081 = tpu.memref_slice %arg10[%dma_wait3A_1077, %dma_wait3A_1079, %dma_wait3A_1080] : memref<2x128x128xf32, #tpu.memory_space<vmem>> -> memref<1x128x128xf32, #tpu.memory_space<vmem>>
      %dma_wait3A_1082 = tpu.memref_squeeze %dma_wait3A_1081 : memref<1x128x128xf32, #tpu.memory_space<vmem>> -> memref<128x128xf32, #tpu.memory_space<vmem>>
      %dma_wait3A_1083 = arith.constant 0 : i32
      %dma_wait3A_1084 = arith.constant 0 : i32
      %dma_wait3A_1085 = tpu.memref_slice %arg2[%dma_wait3A_1083, %dma_wait3A_1084] : memref<20000x128xf32, #tpu.memory_space<hbm>> -> memref<128x128xf32, #tpu.memory_space<hbm>>
      %dma_wait3A_1086 = tpu.memref_slice %arg11[%dma_wait3A_1078] : memref<2x!tpu.dma_semaphore, #tpu.memory_space<semaphore_mem>> -> memref<1x!tpu.dma_semaphore, #tpu.memory_space<semaphore_mem>>
      %dma_wait3A_1087 = tpu.memref_squeeze %dma_wait3A_1086 : memref<1x!tpu.dma_semaphore, #tpu.memory_space<semaphore_mem>> -> memref<!tpu.dma_semaphore, #tpu.memory_space<semaphore_mem>>
      %dma_wait3A_1088 = arith.constant 0 : i32
      %dma_wait3A_1089 = arith.constant 0 : i32
      %dma_wait3A_1090 = tpu.memref_slice %arg10[%dma_wait3A_1077, %dma_wait3A_1088, %dma_wait3A_1089] : memref<2x128x128xf32, #tpu.memory_space<vmem>> -> memref<1x128x128xf32, #tpu.memory_space<vmem>>
      %dma_wait3A_1091 = tpu.memref_squeeze %dma_wait3A_1090 : memref<1x128x128xf32, #tpu.memory_space<vmem>> -> memref<128x128xf32, #tpu.memory_space<vmem>>
      %dma_wait3A_1092 = arith.constant 0 : i32
      %dma_wait3A_1093 = arith.constant 0 : i32
      %dma_wait3A_1094 = tpu.memref_slice %arg2[%dma_wait3A_1092, %dma_wait3A_1093] : memref<20000x128xf32, #tpu.memory_space<hbm>> -> memref<128x128xf32, #tpu.memory_space<hbm>>
      tpu.wait_dma2 semaphore(%dma_wait3A_1087 : memref<!tpu.dma_semaphore, #tpu.memory_space<semaphore_mem>>) src(%dma_wait3A_1094 : memref<128x128xf32, #tpu.memory_space<hbm>>) dst(%dma_wait3A_1091 : memref<128x128xf32, #tpu.memory_space<vmem>>)
      %dma_start3A_1095 = arith.constant 0 : i32
      %dma_start3A_1096 = arith.constant 1 : i32
      %dma_start3A_1097 = arith.constant 6 : i32
      %dma_start3A_1098 = arith.constant 0 : i32
      %dma_start3A_1099 = arith.constant 0 : i32
      %dma_start3A_1100 = arith.constant 0 : i32
      %dma_start3A_1101 = tpu.memref_slice %arg10[%dma_start3A_1095, %dma_start3A_1099, %dma_start3A_1100] : memref<2x128x128xf32, #tpu.memory_space<vmem>> -> memref<1x128x128xf32, #tpu.memory_space<vmem>>
      %dma_start3A_1102 = tpu.memref_squeeze %dma_start3A_1101 : memref<1x128x128xf32, #tpu.memory_space<vmem>> -> memref<128x128xf32, #tpu.memory_space<vmem>>
      %dma_start3A_1103 = arith.constant 0 : i32
      %dma_start3A_1104 = tpu.memref_slice %arg9[%dma_start3A_1096, %dma_start3A_1097, %dma_start3A_1103] : memref<2x8x128xi32, #tpu.memory_space<vmem>> -> memref<1x1x128xi32, #tpu.memory_space<vmem>>
      %dma_start3A_1105 = tpu.memref_squeeze %dma_start3A_1104 : memref<1x1x128xi32, #tpu.memory_space<vmem>> -> memref<128xi32, #tpu.memory_space<vmem>>
      %dma_start3A_1106 = arith.constant 0 : i32
      %dma_start3A_1107 = arith.constant 0 : i32
      %dma_start3A_1108 = tpu.memref_slice %arg7[%dma_start3A_1106, %dma_start3A_1107] : memref<10008x128xf32, #tpu.memory_space<vmem_shared>> -> memref<10008x128xf32, #tpu.memory_space<vmem_shared>>
      %dma_start3A_1109 = tpu.memref_slice %arg12[%dma_start3A_1098] : memref<2x!tpu.dma_semaphore, #tpu.memory_space<semaphore_mem>> -> memref<1x!tpu.dma_semaphore, #tpu.memory_space<semaphore_mem>>
      %dma_start3A_1110 = tpu.memref_squeeze %dma_start3A_1109 : memref<1x!tpu.dma_semaphore, #tpu.memory_space<semaphore_mem>> -> memref<!tpu.dma_semaphore, #tpu.memory_space<semaphore_mem>>
      tpu.enqueue_indirect_dma source(%dma_start3A_1102 : memref<128x128xf32, #tpu.memory_space<vmem>>) target(%dma_start3A_1108 : memref<10008x128xf32, #tpu.memory_space<vmem_shared>>) offsets(%dma_start3A_1105 : memref<128xi32, #tpu.memory_space<vmem>>) semaphore(%dma_start3A_1110 : memref<!tpu.dma_semaphore, #tpu.memory_space<semaphore_mem>>) {add = true}
      %dma_wait3A_1111 = arith.constant 0 : i32
      %dma_wait3A_1112 = arith.constant 1 : i32
      %dma_wait3A_1113 = arith.constant 6 : i32
      %dma_wait3A_1114 = arith.constant 0 : i32
      %dma_wait3A_1115 = arith.constant 0 : i32
      %dma_wait3A_1116 = arith.constant 0 : i32
      %dma_wait3A_1117 = tpu.memref_slice %arg10[%dma_wait3A_1111, %dma_wait3A_1115, %dma_wait3A_1116] : memref<2x128x128xf32, #tpu.memory_space<vmem>> -> memref<1x128x128xf32, #tpu.memory_space<vmem>>
      %dma_wait3A_1118 = tpu.memref_squeeze %dma_wait3A_1117 : memref<1x128x128xf32, #tpu.memory_space<vmem>> -> memref<128x128xf32, #tpu.memory_space<vmem>>
      %dma_wait3A_1119 = arith.constant 0 : i32
      %dma_wait3A_1120 = tpu.memref_slice %arg9[%dma_wait3A_1112, %dma_wait3A_1113, %dma_wait3A_1119] : memref<2x8x128xi32, #tpu.memory_space<vmem>> -> memref<1x1x128xi32, #tpu.memory_space<vmem>>
      %dma_wait3A_1121 = tpu.memref_squeeze %dma_wait3A_1120 : memref<1x1x128xi32, #tpu.memory_space<vmem>> -> memref<128xi32, #tpu.memory_space<vmem>>
      %dma_wait3A_1122 = arith.constant 0 : i32
      %dma_wait3A_1123 = arith.constant 0 : i32
      %dma_wait3A_1124 = tpu.memref_slice %arg7[%dma_wait3A_1122, %dma_wait3A_1123] : memref<10008x128xf32, #tpu.memory_space<vmem_shared>> -> memref<10008x128xf32, #tpu.memory_space<vmem_shared>>
      %dma_wait3A_1125 = tpu.memref_slice %arg12[%dma_wait3A_1114] : memref<2x!tpu.dma_semaphore, #tpu.memory_space<semaphore_mem>> -> memref<1x!tpu.dma_semaphore, #tpu.memory_space<semaphore_mem>>
      %dma_wait3A_1126 = tpu.memref_squeeze %dma_wait3A_1125 : memref<1x!tpu.dma_semaphore, #tpu.memory_space<semaphore_mem>> -> memref<!tpu.dma_semaphore, #tpu.memory_space<semaphore_mem>>
      tpu.wait_indirect_dma semaphore(%dma_wait3A_1126 : memref<!tpu.dma_semaphore, #tpu.memory_space<semaphore_mem>>) src(%dma_wait3A_1118 : memref<128x128xf32, #tpu.memory_space<vmem>>) dst(%dma_wait3A_1124 : memref<10008x128xf32, #tpu.memory_space<vmem_shared>>)
      %convert_element_type3A_1127 = arith.extui %lt3A_677 : i1 to i32
      %cond3A_1128 = arith.constant 0 : i32
      %cond3A_1129 = arith.cmpi ne, %convert_element_type3A_1127, %cond3A_1128 : i32
      scf.if %cond3A_1129 {
        %dma_wait3A_1186 = arith.constant 0 : i32
        %dma_wait3A_1187 = arith.constant 0 : i32
        %dma_wait3A_1188 = arith.constant 0 : i32
        %dma_wait3A_1189 = arith.constant 0 : i32
        %dma_wait3A_1190 = tpu.memref_slice %arg8[%dma_wait3A_1186, %dma_wait3A_1188, %dma_wait3A_1189] : memref<2x8x128xi32, #tpu.memory_space<vmem>> -> memref<1x8x128xi32, #tpu.memory_space<vmem>>
        %dma_wait3A_1191 = tpu.memref_squeeze %dma_wait3A_1190 : memref<1x8x128xi32, #tpu.memory_space<vmem>> -> memref<8x128xi32, #tpu.memory_space<vmem>>
        %dma_wait3A_1192 = arith.constant 0 : i32
        %dma_wait3A_1193 = arith.constant 0 : i32
        %dma_wait3A_1194 = tpu.memref_slice %arg3[%arg0, %arg1, %dma_wait3A_1192, %dma_wait3A_1193] : memref<2x16x160x128xi32, #tpu.memory_space<hbm>> -> memref<1x1x8x128xi32, #tpu.memory_space<hbm>>
        %dma_wait3A_1195 = tpu.memref_squeeze %dma_wait3A_1194 : memref<1x1x8x128xi32, #tpu.memory_space<hbm>> -> memref<8x128xi32, #tpu.memory_space<hbm>>
        %dma_wait3A_1196 = tpu.memref_slice %arg13[%dma_wait3A_1187] : memref<2x!tpu.dma_semaphore, #tpu.memory_space<semaphore_mem>> -> memref<1x!tpu.dma_semaphore, #tpu.memory_space<semaphore_mem>>
        %dma_wait3A_1197 = tpu.memref_squeeze %dma_wait3A_1196 : memref<1x!tpu.dma_semaphore, #tpu.memory_space<semaphore_mem>> -> memref<!tpu.dma_semaphore, #tpu.memory_space<semaphore_mem>>
        %dma_wait3A_1198 = arith.constant 0 : i32
        %dma_wait3A_1199 = arith.constant 0 : i32
        %dma_wait3A_1200 = tpu.memref_slice %arg8[%dma_wait3A_1186, %dma_wait3A_1198, %dma_wait3A_1199] : memref<2x8x128xi32, #tpu.memory_space<vmem>> -> memref<1x8x128xi32, #tpu.memory_space<vmem>>
        %dma_wait3A_1201 = tpu.memref_squeeze %dma_wait3A_1200 : memref<1x8x128xi32, #tpu.memory_space<vmem>> -> memref<8x128xi32, #tpu.memory_space<vmem>>
        %dma_wait3A_1202 = arith.constant 0 : i32
        %dma_wait3A_1203 = arith.constant 0 : i32
        %dma_wait3A_1204 = tpu.memref_slice %arg3[%arg0, %arg1, %dma_wait3A_1202, %dma_wait3A_1203] : memref<2x16x160x128xi32, #tpu.memory_space<hbm>> -> memref<1x1x8x128xi32, #tpu.memory_space<hbm>>
        %dma_wait3A_1205 = tpu.memref_squeeze %dma_wait3A_1204 : memref<1x1x8x128xi32, #tpu.memory_space<hbm>> -> memref<8x128xi32, #tpu.memory_space<hbm>>
        tpu.wait_dma2 semaphore(%dma_wait3A_1197 : memref<!tpu.dma_semaphore, #tpu.memory_space<semaphore_mem>>) src(%dma_wait3A_1205 : memref<8x128xi32, #tpu.memory_space<hbm>>) dst(%dma_wait3A_1201 : memref<8x128xi32, #tpu.memory_space<vmem>>)
        %dma_wait3A_1206 = arith.constant 0 : i32
        %dma_wait3A_1207 = arith.constant 1 : i32
        %dma_wait3A_1208 = arith.constant 0 : i32
        %dma_wait3A_1209 = arith.constant 0 : i32
        %dma_wait3A_1210 = tpu.memref_slice %arg9[%dma_wait3A_1206, %dma_wait3A_1208, %dma_wait3A_1209] : memref<2x8x128xi32, #tpu.memory_space<vmem>> -> memref<1x8x128xi32, #tpu.memory_space<vmem>>
        %dma_wait3A_1211 = tpu.memref_squeeze %dma_wait3A_1210 : memref<1x8x128xi32, #tpu.memory_space<vmem>> -> memref<8x128xi32, #tpu.memory_space<vmem>>
        %dma_wait3A_1212 = arith.constant 0 : i32
        %dma_wait3A_1213 = arith.constant 0 : i32
        %dma_wait3A_1214 = tpu.memref_slice %arg4[%arg0, %arg1, %dma_wait3A_1212, %dma_wait3A_1213] : memref<2x16x160x128xi32, #tpu.memory_space<hbm>> -> memref<1x1x8x128xi32, #tpu.memory_space<hbm>>
        %dma_wait3A_1215 = tpu.memref_squeeze %dma_wait3A_1214 : memref<1x1x8x128xi32, #tpu.memory_space<hbm>> -> memref<8x128xi32, #tpu.memory_space<hbm>>
        %dma_wait3A_1216 = tpu.memref_slice %arg13[%dma_wait3A_1207] : memref<2x!tpu.dma_semaphore, #tpu.memory_space<semaphore_mem>> -> memref<1x!tpu.dma_semaphore, #tpu.memory_space<semaphore_mem>>
        %dma_wait3A_1217 = tpu.memref_squeeze %dma_wait3A_1216 : memref<1x!tpu.dma_semaphore, #tpu.memory_space<semaphore_mem>> -> memref<!tpu.dma_semaphore, #tpu.memory_space<semaphore_mem>>
        %dma_wait3A_1218 = arith.constant 0 : i32
        %dma_wait3A_1219 = arith.constant 0 : i32
        %dma_wait3A_1220 = tpu.memref_slice %arg9[%dma_wait3A_1206, %dma_wait3A_1218, %dma_wait3A_1219] : memref<2x8x128xi32, #tpu.memory_space<vmem>> -> memref<1x8x128xi32, #tpu.memory_space<vmem>>
        %dma_wait3A_1221 = tpu.memref_squeeze %dma_wait3A_1220 : memref<1x8x128xi32, #tpu.memory_space<vmem>> -> memref<8x128xi32, #tpu.memory_space<vmem>>
        %dma_wait3A_1222 = arith.constant 0 : i32
        %dma_wait3A_1223 = arith.constant 0 : i32
        %dma_wait3A_1224 = tpu.memref_slice %arg4[%arg0, %arg1, %dma_wait3A_1222, %dma_wait3A_1223] : memref<2x16x160x128xi32, #tpu.memory_space<hbm>> -> memref<1x1x8x128xi32, #tpu.memory_space<hbm>>
        %dma_wait3A_1225 = tpu.memref_squeeze %dma_wait3A_1224 : memref<1x1x8x128xi32, #tpu.memory_space<hbm>> -> memref<8x128xi32, #tpu.memory_space<hbm>>
        tpu.wait_dma2 semaphore(%dma_wait3A_1217 : memref<!tpu.dma_semaphore, #tpu.memory_space<semaphore_mem>>) src(%dma_wait3A_1225 : memref<8x128xi32, #tpu.memory_space<hbm>>) dst(%dma_wait3A_1221 : memref<8x128xi32, #tpu.memory_space<vmem>>)
      } else {
      }
      %convert_element_type3A_1130 = arith.extui %lt3A_677 : i1 to i32
      %cond3A_1131 = arith.constant 0 : i32
      %cond3A_1132 = arith.cmpi ne, %convert_element_type3A_1130, %cond3A_1131 : i32
      scf.if %cond3A_1132 {
        %dma_start3A_1186 = arith.constant 0 : i32
        %dma_start3A_1187 = arith.constant 0 : i32
        %dma_start3A_1188 = arith.constant 0 : i32
        %dma_start3A_1189 = arith.constant 0 : i32
        %dma_start3A_1190 = arith.constant 0 : i32
        %dma_start3A_1191 = arith.constant 0 : i32
        %dma_start3A_1192 = tpu.memref_slice %arg10[%dma_start3A_1188, %dma_start3A_1190, %dma_start3A_1191] : memref<2x128x128xf32, #tpu.memory_space<vmem>> -> memref<1x128x128xf32, #tpu.memory_space<vmem>>
        %dma_start3A_1193 = tpu.memref_squeeze %dma_start3A_1192 : memref<1x128x128xf32, #tpu.memory_space<vmem>> -> memref<128x128xf32, #tpu.memory_space<vmem>>
        %dma_start3A_1194 = arith.constant 0 : i32
        %dma_start3A_1195 = tpu.memref_slice %arg8[%dma_start3A_1186, %dma_start3A_1187, %dma_start3A_1194] : memref<2x8x128xi32, #tpu.memory_space<vmem>> -> memref<1x1x128xi32, #tpu.memory_space<vmem>>
        %dma_start3A_1196 = tpu.memref_squeeze %dma_start3A_1195 : memref<1x1x128xi32, #tpu.memory_space<vmem>> -> memref<128xi32, #tpu.memory_space<vmem>>
        %dma_start3A_1197 = arith.constant 0 : i32
        %dma_start3A_1198 = arith.constant 0 : i32
        %dma_start3A_1199 = tpu.memref_slice %arg2[%dma_start3A_1197, %dma_start3A_1198] : memref<20000x128xf32, #tpu.memory_space<hbm>> -> memref<20000x128xf32, #tpu.memory_space<hbm>>
        %dma_start3A_1200 = tpu.memref_slice %arg11[%dma_start3A_1189] : memref<2x!tpu.dma_semaphore, #tpu.memory_space<semaphore_mem>> -> memref<1x!tpu.dma_semaphore, #tpu.memory_space<semaphore_mem>>
        %dma_start3A_1201 = tpu.memref_squeeze %dma_start3A_1200 : memref<1x!tpu.dma_semaphore, #tpu.memory_space<semaphore_mem>> -> memref<!tpu.dma_semaphore, #tpu.memory_space<semaphore_mem>>
        tpu.enqueue_indirect_dma source(%dma_start3A_1199 : memref<20000x128xf32, #tpu.memory_space<hbm>>) target(%dma_start3A_1193 : memref<128x128xf32, #tpu.memory_space<vmem>>) offsets(%dma_start3A_1196 : memref<128xi32, #tpu.memory_space<vmem>>) semaphore(%dma_start3A_1201 : memref<!tpu.dma_semaphore, #tpu.memory_space<semaphore_mem>>)
      } else {
      }
      %dma_wait3A_1133 = arith.constant 1 : i32
      %dma_wait3A_1134 = arith.constant 1 : i32
      %dma_wait3A_1135 = arith.constant 0 : i32
      %dma_wait3A_1136 = arith.constant 0 : i32
      %dma_wait3A_1137 = tpu.memref_slice %arg10[%dma_wait3A_1133, %dma_wait3A_1135, %dma_wait3A_1136] : memref<2x128x128xf32, #tpu.memory_space<vmem>> -> memref<1x128x128xf32, #tpu.memory_space<vmem>>
      %dma_wait3A_1138 = tpu.memref_squeeze %dma_wait3A_1137 : memref<1x128x128xf32, #tpu.memory_space<vmem>> -> memref<128x128xf32, #tpu.memory_space<vmem>>
      %dma_wait3A_1139 = arith.constant 0 : i32
      %dma_wait3A_1140 = arith.constant 0 : i32
      %dma_wait3A_1141 = tpu.memref_slice %arg2[%dma_wait3A_1139, %dma_wait3A_1140] : memref<20000x128xf32, #tpu.memory_space<hbm>> -> memref<128x128xf32, #tpu.memory_space<hbm>>
      %dma_wait3A_1142 = tpu.memref_slice %arg11[%dma_wait3A_1134] : memref<2x!tpu.dma_semaphore, #tpu.memory_space<semaphore_mem>> -> memref<1x!tpu.dma_semaphore, #tpu.memory_space<semaphore_mem>>
      %dma_wait3A_1143 = tpu.memref_squeeze %dma_wait3A_1142 : memref<1x!tpu.dma_semaphore, #tpu.memory_space<semaphore_mem>> -> memref<!tpu.dma_semaphore, #tpu.memory_space<semaphore_mem>>
      %dma_wait3A_1144 = arith.constant 0 : i32
      %dma_wait3A_1145 = arith.constant 0 : i32
      %dma_wait3A_1146 = tpu.memref_slice %arg10[%dma_wait3A_1133, %dma_wait3A_1144, %dma_wait3A_1145] : memref<2x128x128xf32, #tpu.memory_space<vmem>> -> memref<1x128x128xf32, #tpu.memory_space<vmem>>
      %dma_wait3A_1147 = tpu.memref_squeeze %dma_wait3A_1146 : memref<1x128x128xf32, #tpu.memory_space<vmem>> -> memref<128x128xf32, #tpu.memory_space<vmem>>
      %dma_wait3A_1148 = arith.constant 0 : i32
      %dma_wait3A_1149 = arith.constant 0 : i32
      %dma_wait3A_1150 = tpu.memref_slice %arg2[%dma_wait3A_1148, %dma_wait3A_1149] : memref<20000x128xf32, #tpu.memory_space<hbm>> -> memref<128x128xf32, #tpu.memory_space<hbm>>
      tpu.wait_dma2 semaphore(%dma_wait3A_1143 : memref<!tpu.dma_semaphore, #tpu.memory_space<semaphore_mem>>) src(%dma_wait3A_1150 : memref<128x128xf32, #tpu.memory_space<hbm>>) dst(%dma_wait3A_1147 : memref<128x128xf32, #tpu.memory_space<vmem>>)
      %dma_start3A_1151 = arith.constant 1 : i32
      %dma_start3A_1152 = arith.constant 1 : i32
      %dma_start3A_1153 = arith.constant 7 : i32
      %dma_start3A_1154 = arith.constant 1 : i32
      %dma_start3A_1155 = arith.constant 0 : i32
      %dma_start3A_1156 = arith.constant 0 : i32
      %dma_start3A_1157 = tpu.memref_slice %arg10[%dma_start3A_1151, %dma_start3A_1155, %dma_start3A_1156] : memref<2x128x128xf32, #tpu.memory_space<vmem>> -> memref<1x128x128xf32, #tpu.memory_space<vmem>>
      %dma_start3A_1158 = tpu.memref_squeeze %dma_start3A_1157 : memref<1x128x128xf32, #tpu.memory_space<vmem>> -> memref<128x128xf32, #tpu.memory_space<vmem>>
      %dma_start3A_1159 = arith.constant 0 : i32
      %dma_start3A_1160 = tpu.memref_slice %arg9[%dma_start3A_1152, %dma_start3A_1153, %dma_start3A_1159] : memref<2x8x128xi32, #tpu.memory_space<vmem>> -> memref<1x1x128xi32, #tpu.memory_space<vmem>>
      %dma_start3A_1161 = tpu.memref_squeeze %dma_start3A_1160 : memref<1x1x128xi32, #tpu.memory_space<vmem>> -> memref<128xi32, #tpu.memory_space<vmem>>
      %dma_start3A_1162 = arith.constant 0 : i32
      %dma_start3A_1163 = arith.constant 0 : i32
      %dma_start3A_1164 = tpu.memref_slice %arg7[%dma_start3A_1162, %dma_start3A_1163] : memref<10008x128xf32, #tpu.memory_space<vmem_shared>> -> memref<10008x128xf32, #tpu.memory_space<vmem_shared>>
      %dma_start3A_1165 = tpu.memref_slice %arg12[%dma_start3A_1154] : memref<2x!tpu.dma_semaphore, #tpu.memory_space<semaphore_mem>> -> memref<1x!tpu.dma_semaphore, #tpu.memory_space<semaphore_mem>>
      %dma_start3A_1166 = tpu.memref_squeeze %dma_start3A_1165 : memref<1x!tpu.dma_semaphore, #tpu.memory_space<semaphore_mem>> -> memref<!tpu.dma_semaphore, #tpu.memory_space<semaphore_mem>>
      tpu.enqueue_indirect_dma source(%dma_start3A_1158 : memref<128x128xf32, #tpu.memory_space<vmem>>) target(%dma_start3A_1164 : memref<10008x128xf32, #tpu.memory_space<vmem_shared>>) offsets(%dma_start3A_1161 : memref<128xi32, #tpu.memory_space<vmem>>) semaphore(%dma_start3A_1166 : memref<!tpu.dma_semaphore, #tpu.memory_space<semaphore_mem>>) {add = true}
      %dma_wait3A_1167 = arith.constant 1 : i32
      %dma_wait3A_1168 = arith.constant 1 : i32
      %dma_wait3A_1169 = arith.constant 7 : i32
      %dma_wait3A_1170 = arith.constant 1 : i32
      %dma_wait3A_1171 = arith.constant 0 : i32
      %dma_wait3A_1172 = arith.constant 0 : i32
      %dma_wait3A_1173 = tpu.memref_slice %arg10[%dma_wait3A_1167, %dma_wait3A_1171, %dma_wait3A_1172] : memref<2x128x128xf32, #tpu.memory_space<vmem>> -> memref<1x128x128xf32, #tpu.memory_space<vmem>>
      %dma_wait3A_1174 = tpu.memref_squeeze %dma_wait3A_1173 : memref<1x128x128xf32, #tpu.memory_space<vmem>> -> memref<128x128xf32, #tpu.memory_space<vmem>>
      %dma_wait3A_1175 = arith.constant 0 : i32
      %dma_wait3A_1176 = tpu.memref_slice %arg9[%dma_wait3A_1168, %dma_wait3A_1169, %dma_wait3A_1175] : memref<2x8x128xi32, #tpu.memory_space<vmem>> -> memref<1x1x128xi32, #tpu.memory_space<vmem>>
      %dma_wait3A_1177 = tpu.memref_squeeze %dma_wait3A_1176 : memref<1x1x128xi32, #tpu.memory_space<vmem>> -> memref<128xi32, #tpu.memory_space<vmem>>
      %dma_wait3A_1178 = arith.constant 0 : i32
      %dma_wait3A_1179 = arith.constant 0 : i32
      %dma_wait3A_1180 = tpu.memref_slice %arg7[%dma_wait3A_1178, %dma_wait3A_1179] : memref<10008x128xf32, #tpu.memory_space<vmem_shared>> -> memref<10008x128xf32, #tpu.memory_space<vmem_shared>>
      %dma_wait3A_1181 = tpu.memref_slice %arg12[%dma_wait3A_1170] : memref<2x!tpu.dma_semaphore, #tpu.memory_space<semaphore_mem>> -> memref<1x!tpu.dma_semaphore, #tpu.memory_space<semaphore_mem>>
      %dma_wait3A_1182 = tpu.memref_squeeze %dma_wait3A_1181 : memref<1x!tpu.dma_semaphore, #tpu.memory_space<semaphore_mem>> -> memref<!tpu.dma_semaphore, #tpu.memory_space<semaphore_mem>>
      tpu.wait_indirect_dma semaphore(%dma_wait3A_1182 : memref<!tpu.dma_semaphore, #tpu.memory_space<semaphore_mem>>) src(%dma_wait3A_1174 : memref<128x128xf32, #tpu.memory_space<vmem>>) dst(%dma_wait3A_1180 : memref<10008x128xf32, #tpu.memory_space<vmem_shared>>)
      %convert_element_type3A_1183 = arith.extui %lt3A_677 : i1 to i32
      %cond3A_1184 = arith.constant 0 : i32
      %cond3A_1185 = arith.cmpi ne, %convert_element_type3A_1183, %cond3A_1184 : i32
      scf.if %cond3A_1185 {
        %dma_start3A_1186 = arith.constant 0 : i32
        %dma_start3A_1187 = arith.constant 1 : i32
        %dma_start3A_1188 = arith.constant 1 : i32
        %dma_start3A_1189 = arith.constant 1 : i32
        %dma_start3A_1190 = arith.constant 0 : i32
        %dma_start3A_1191 = arith.constant 0 : i32
        %dma_start3A_1192 = tpu.memref_slice %arg10[%dma_start3A_1188, %dma_start3A_1190, %dma_start3A_1191] : memref<2x128x128xf32, #tpu.memory_space<vmem>> -> memref<1x128x128xf32, #tpu.memory_space<vmem>>
        %dma_start3A_1193 = tpu.memref_squeeze %dma_start3A_1192 : memref<1x128x128xf32, #tpu.memory_space<vmem>> -> memref<128x128xf32, #tpu.memory_space<vmem>>
        %dma_start3A_1194 = arith.constant 0 : i32
        %dma_start3A_1195 = tpu.memref_slice %arg8[%dma_start3A_1186, %dma_start3A_1187, %dma_start3A_1194] : memref<2x8x128xi32, #tpu.memory_space<vmem>> -> memref<1x1x128xi32, #tpu.memory_space<vmem>>
        %dma_start3A_1196 = tpu.memref_squeeze %dma_start3A_1195 : memref<1x1x128xi32, #tpu.memory_space<vmem>> -> memref<128xi32, #tpu.memory_space<vmem>>
        %dma_start3A_1197 = arith.constant 0 : i32
        %dma_start3A_1198 = arith.constant 0 : i32
        %dma_start3A_1199 = tpu.memref_slice %arg2[%dma_start3A_1197, %dma_start3A_1198] : memref<20000x128xf32, #tpu.memory_space<hbm>> -> memref<20000x128xf32, #tpu.memory_space<hbm>>
        %dma_start3A_1200 = tpu.memref_slice %arg11[%dma_start3A_1189] : memref<2x!tpu.dma_semaphore, #tpu.memory_space<semaphore_mem>> -> memref<1x!tpu.dma_semaphore, #tpu.memory_space<semaphore_mem>>
        %dma_start3A_1201 = tpu.memref_squeeze %dma_start3A_1200 : memref<1x!tpu.dma_semaphore, #tpu.memory_space<semaphore_mem>> -> memref<!tpu.dma_semaphore, #tpu.memory_space<semaphore_mem>>
        tpu.enqueue_indirect_dma source(%dma_start3A_1199 : memref<20000x128xf32, #tpu.memory_space<hbm>>) target(%dma_start3A_1193 : memref<128x128xf32, #tpu.memory_space<vmem>>) offsets(%dma_start3A_1196 : memref<128xi32, #tpu.memory_space<vmem>>) semaphore(%dma_start3A_1201 : memref<!tpu.dma_semaphore, #tpu.memory_space<semaphore_mem>>)
      } else {
      }
    }
    %scan3A_43 = arith.constant 10 : i32
    %barrier3A_44 = arith.constant 0 : index
    tpu.barrier barrier_id(%barrier3A_44)
    %mul3A_45 = arith.constant 632 : i32
    %mul3A_46 = arith.muli %arg1, %mul3A_45 : i32
    %lt3A_47 = arith.constant 15 : i32
    %lt3A_48 = arith.cmpi slt, %arg1, %lt3A_47 : i32
    %convert_element_type3A_49 = arith.extui %lt3A_48 : i1 to i32
    %cond3A_50 = arith.constant 0 : i32
    %cond3A_51 = arith.cmpi ne, %convert_element_type3A_49, %cond3A_50 : i32
    scf.if %cond3A_51 {
      %mul3A_57 = arith.constant 10000 : i32
      %mul3A_58 = arith.muli %arg0, %mul3A_57 : i32
      %add3A = arith.addi %mul3A_58, %mul3A_46 : i32
      "tpu.region"() ({
        %run_scoped3A_59 = tpu.sem_alloc : memref<!tpu.dma_semaphore, #tpu.memory_space<semaphore_mem>>
        %dma_start3A_60 = arith.constant 0 : i32
        %dma_start3A_61 = tpu.memref_slice %arg6[%add3A, %dma_start3A_60] : memref<20000x128xf32, #tpu.memory_space<hbm>> -> memref<632x128xf32, #tpu.memory_space<hbm>>
        %dma_start3A_62 = arith.constant 0 : i32
        %dma_start3A_63 = tpu.memref_slice %arg7[%mul3A_46, %dma_start3A_62] : memref<10008x128xf32, #tpu.memory_space<vmem_shared>> -> memref<632x128xf32, #tpu.memory_space<vmem_shared>>
        tpu.enqueue_dma source(%dma_start3A_63 : memref<632x128xf32, #tpu.memory_space<vmem_shared>>) target(%dma_start3A_61 : memref<632x128xf32, #tpu.memory_space<hbm>>) target_semaphore(%run_scoped3A_59 : memref<!tpu.dma_semaphore, #tpu.memory_space<semaphore_mem>>)
        %dma_wait3A = arith.constant 0 : i32
        %dma_wait3A_64 = tpu.memref_slice %arg6[%add3A, %dma_wait3A] : memref<20000x128xf32, #tpu.memory_space<hbm>> -> memref<632x128xf32, #tpu.memory_space<hbm>>
        %dma_wait3A_65 = arith.constant 0 : i32
        %dma_wait3A_66 = tpu.memref_slice %arg7[%mul3A_46, %dma_wait3A_65] : memref<10008x128xf32, #tpu.memory_space<vmem_shared>> -> memref<632x128xf32, #tpu.memory_space<vmem_shared>>
        tpu.wait_dma2 semaphore(%run_scoped3A_59 : memref<!tpu.dma_semaphore, #tpu.memory_space<semaphore_mem>>) src(%dma_wait3A_66 : memref<632x128xf32, #tpu.memory_space<vmem_shared>>) dst(%dma_wait3A_64 : memref<632x128xf32, #tpu.memory_space<hbm>>)
        tpu.yield
      }) : () -> ()
    } else {
    }
    %eq3A_52 = arith.constant 15 : i32
    %eq3A_53 = arith.cmpi eq, %arg1, %eq3A_52 : i32
    %convert_element_type3A_54 = arith.extui %eq3A_53 : i1 to i32
    %cond3A_55 = arith.constant 0 : i32
    %cond3A_56 = arith.cmpi ne, %convert_element_type3A_54, %cond3A_55 : i32
    scf.if %cond3A_56 {
      %mul3A_57 = arith.constant 10000 : i32
      %mul3A_58 = arith.muli %arg0, %mul3A_57 : i32
      %add3A = arith.addi %mul3A_58, %mul3A_46 : i32
      "tpu.region"() ({
        %run_scoped3A_59 = tpu.sem_alloc : memref<!tpu.dma_semaphore, #tpu.memory_space<semaphore_mem>>
        %dma_start3A_60 = arith.constant 0 : i32
        %dma_start3A_61 = tpu.memref_slice %arg6[%add3A, %dma_start3A_60] : memref<20000x128xf32, #tpu.memory_space<hbm>> -> memref<520x128xf32, #tpu.memory_space<hbm>>
        %dma_start3A_62 = arith.constant 0 : i32
        %dma_start3A_63 = tpu.memref_slice %arg7[%mul3A_46, %dma_start3A_62] : memref<10008x128xf32, #tpu.memory_space<vmem_shared>> -> memref<520x128xf32, #tpu.memory_space<vmem_shared>>
        tpu.enqueue_dma source(%dma_start3A_63 : memref<520x128xf32, #tpu.memory_space<vmem_shared>>) target(%dma_start3A_61 : memref<520x128xf32, #tpu.memory_space<hbm>>) target_semaphore(%run_scoped3A_59 : memref<!tpu.dma_semaphore, #tpu.memory_space<semaphore_mem>>)
        %dma_wait3A = arith.constant 0 : i32
        %dma_wait3A_64 = tpu.memref_slice %arg6[%add3A, %dma_wait3A] : memref<20000x128xf32, #tpu.memory_space<hbm>> -> memref<520x128xf32, #tpu.memory_space<hbm>>
        %dma_wait3A_65 = arith.constant 0 : i32
        %dma_wait3A_66 = tpu.memref_slice %arg7[%mul3A_46, %dma_wait3A_65] : memref<10008x128xf32, #tpu.memory_space<vmem_shared>> -> memref<520x128xf32, #tpu.memory_space<vmem_shared>>
        tpu.wait_dma2 semaphore(%run_scoped3A_59 : memref<!tpu.dma_semaphore, #tpu.memory_space<semaphore_mem>>) src(%dma_wait3A_66 : memref<520x128xf32, #tpu.memory_space<vmem_shared>>) dst(%dma_wait3A_64 : memref<520x128xf32, #tpu.memory_space<hbm>>)
        tpu.yield
      }) : () -> ()
    } else {
    }
    return
  }
}

#map = affine_map<(d0, d1) -> (0, 0, 0, 0)>
#map1 = affine_map<(d0, d1) -> (0, 0)>
#map2 = affine_map<(d0, d1) -> (0, 0, 0)>
module attributes {stable_mosaic.version = 14 : i64} {
  func.func @_hist_body(%arg0: i32, %arg1: i32, %arg2: memref<2x16x160x128xi32, #tpu.memory_space<hbm>>, %arg3: memref<632x8xf32, #tpu.memory_space<hbm>>, %arg4: memref<2x10000x8xf32, #tpu.memory_space<hbm>>, %arg5: memref<10008x8xf32, #tpu.memory_space<vmem_shared>>, %arg6: memref<128x8xf32, #tpu.memory_space<vmem>>, %arg7: memref<8x128xi32, #tpu.memory_space<vmem>>) attributes {dimension_semantics = [#tpu.dimension_semantics<core_parallel>, #tpu.dimension_semantics<subcore_parallel>], iteration_bounds = array<i64: 2, 16>, scalar_prefetch = 0 : i64, scratch_operands = 3 : i64, tpu.core_type = #tpu.core_type<sc_vector_subcore>, window_params = [{transform_indices = #map}, {transform_indices = #map1}, {transform_indices = #map2}]} {
    %mul3A = arith.constant 632 : i32
    %mul3A_0 = arith.muli %arg1, %mul3A : i32
    %lt3A = arith.constant 15 : i32
    %lt3A_1 = arith.cmpi slt, %arg1, %lt3A : i32
    %convert_element_type3A = arith.extui %lt3A_1 : i1 to i32
    %cond3A = arith.constant 0 : i32
    %cond3A_2 = arith.cmpi ne, %convert_element_type3A, %cond3A : i32
    scf.if %cond3A_2 {
      "tpu.region"() ({
        %run_scoped3A = tpu.sem_alloc : memref<!tpu.dma_semaphore, #tpu.memory_space<semaphore_mem>>
        %dma_start3A = arith.constant 0 : i32
        %dma_start3A_25 = tpu.memref_slice %arg5[%mul3A_0, %dma_start3A] : memref<10008x8xf32, #tpu.memory_space<vmem_shared>> -> memref<632x8xf32, #tpu.memory_space<vmem_shared>>
        %dma_start3A_26 = arith.constant 0 : i32
        %dma_start3A_27 = arith.constant 0 : i32
        %dma_start3A_28 = tpu.memref_slice %arg3[%dma_start3A_26, %dma_start3A_27] : memref<632x8xf32, #tpu.memory_space<hbm>> -> memref<632x8xf32, #tpu.memory_space<hbm>>
        tpu.enqueue_dma source(%dma_start3A_28 : memref<632x8xf32, #tpu.memory_space<hbm>>) target(%dma_start3A_25 : memref<632x8xf32, #tpu.memory_space<vmem_shared>>) target_semaphore(%run_scoped3A : memref<!tpu.dma_semaphore, #tpu.memory_space<semaphore_mem>>)
        %dma_wait3A = arith.constant 0 : i32
        %dma_wait3A_29 = tpu.memref_slice %arg5[%mul3A_0, %dma_wait3A] : memref<10008x8xf32, #tpu.memory_space<vmem_shared>> -> memref<632x8xf32, #tpu.memory_space<vmem_shared>>
        %dma_wait3A_30 = arith.constant 0 : i32
        %dma_wait3A_31 = arith.constant 0 : i32
        %dma_wait3A_32 = tpu.memref_slice %arg3[%dma_wait3A_30, %dma_wait3A_31] : memref<632x8xf32, #tpu.memory_space<hbm>> -> memref<632x8xf32, #tpu.memory_space<hbm>>
        tpu.wait_dma2 semaphore(%run_scoped3A : memref<!tpu.dma_semaphore, #tpu.memory_space<semaphore_mem>>) src(%dma_wait3A_32 : memref<632x8xf32, #tpu.memory_space<hbm>>) dst(%dma_wait3A_29 : memref<632x8xf32, #tpu.memory_space<vmem_shared>>)
        tpu.yield
      }) : () -> ()
    } else {
    }
    %eq3A = arith.constant 15 : i32
    %eq3A_3 = arith.cmpi eq, %arg1, %eq3A : i32
    %convert_element_type3A_4 = arith.extui %eq3A_3 : i1 to i32
    %cond3A_5 = arith.constant 0 : i32
    %cond3A_6 = arith.cmpi ne, %convert_element_type3A_4, %cond3A_5 : i32
    scf.if %cond3A_6 {
      "tpu.region"() ({
        %run_scoped3A = tpu.sem_alloc : memref<!tpu.dma_semaphore, #tpu.memory_space<semaphore_mem>>
        %dma_start3A = arith.constant 0 : i32
        %dma_start3A_25 = tpu.memref_slice %arg5[%mul3A_0, %dma_start3A] : memref<10008x8xf32, #tpu.memory_space<vmem_shared>> -> memref<528x8xf32, #tpu.memory_space<vmem_shared>>
        %dma_start3A_26 = arith.constant 0 : i32
        %dma_start3A_27 = arith.constant 0 : i32
        %dma_start3A_28 = tpu.memref_slice %arg3[%dma_start3A_26, %dma_start3A_27] : memref<632x8xf32, #tpu.memory_space<hbm>> -> memref<528x8xf32, #tpu.memory_space<hbm>>
        tpu.enqueue_dma source(%dma_start3A_28 : memref<528x8xf32, #tpu.memory_space<hbm>>) target(%dma_start3A_25 : memref<528x8xf32, #tpu.memory_space<vmem_shared>>) target_semaphore(%run_scoped3A : memref<!tpu.dma_semaphore, #tpu.memory_space<semaphore_mem>>)
        %dma_wait3A = arith.constant 0 : i32
        %dma_wait3A_29 = tpu.memref_slice %arg5[%mul3A_0, %dma_wait3A] : memref<10008x8xf32, #tpu.memory_space<vmem_shared>> -> memref<528x8xf32, #tpu.memory_space<vmem_shared>>
        %dma_wait3A_30 = arith.constant 0 : i32
        %dma_wait3A_31 = arith.constant 0 : i32
        %dma_wait3A_32 = tpu.memref_slice %arg3[%dma_wait3A_30, %dma_wait3A_31] : memref<632x8xf32, #tpu.memory_space<hbm>> -> memref<528x8xf32, #tpu.memory_space<hbm>>
        tpu.wait_dma2 semaphore(%run_scoped3A : memref<!tpu.dma_semaphore, #tpu.memory_space<semaphore_mem>>) src(%dma_wait3A_32 : memref<528x8xf32, #tpu.memory_space<hbm>>) dst(%dma_wait3A_29 : memref<528x8xf32, #tpu.memory_space<vmem_shared>>)
        tpu.yield
      }) : () -> ()
    } else {
    }
    "tpu.region"() ({
      %run_scoped3A = tpu.sem_alloc : memref<!tpu.dma_semaphore, #tpu.memory_space<semaphore_mem>>
      %dma_start3A = arith.constant 0 : i32
      %dma_start3A_25 = arith.constant 0 : i32
      %dma_start3A_26 = tpu.memref_slice %arg3[%dma_start3A, %dma_start3A_25] : memref<632x8xf32, #tpu.memory_space<hbm>> -> memref<128x8xf32, #tpu.memory_space<hbm>>
      %dma_start3A_27 = arith.constant 0 : i32
      %dma_start3A_28 = arith.constant 0 : i32
      %dma_start3A_29 = tpu.memref_slice %arg3[%dma_start3A_27, %dma_start3A_28] : memref<632x8xf32, #tpu.memory_space<hbm>> -> memref<128x8xf32, #tpu.memory_space<hbm>>
      tpu.enqueue_dma source(%dma_start3A_29 : memref<128x8xf32, #tpu.memory_space<hbm>>) target(%arg6 : memref<128x8xf32, #tpu.memory_space<vmem>>) target_semaphore(%run_scoped3A : memref<!tpu.dma_semaphore, #tpu.memory_space<semaphore_mem>>)
      %dma_wait3A = arith.constant 0 : i32
      %dma_wait3A_30 = arith.constant 0 : i32
      %dma_wait3A_31 = tpu.memref_slice %arg3[%dma_wait3A, %dma_wait3A_30] : memref<632x8xf32, #tpu.memory_space<hbm>> -> memref<128x8xf32, #tpu.memory_space<hbm>>
      %dma_wait3A_32 = arith.constant 0 : i32
      %dma_wait3A_33 = arith.constant 0 : i32
      %dma_wait3A_34 = tpu.memref_slice %arg3[%dma_wait3A_32, %dma_wait3A_33] : memref<632x8xf32, #tpu.memory_space<hbm>> -> memref<128x8xf32, #tpu.memory_space<hbm>>
      tpu.wait_dma2 semaphore(%run_scoped3A : memref<!tpu.dma_semaphore, #tpu.memory_space<semaphore_mem>>) src(%dma_wait3A_34 : memref<128x8xf32, #tpu.memory_space<hbm>>) dst(%arg6 : memref<128x8xf32, #tpu.memory_space<vmem>>)
      tpu.yield
    }) : () -> ()
    %barrier3A = arith.constant 0 : index
    tpu.barrier barrier_id(%barrier3A)
    %scan3A = arith.constant 0 : i32
    %scan3A_7 = arith.constant 0 : i32
    %scan3A_8 = arith.constant 20 : i32
    %scan3A_9 = arith.addi %scan3A_7, %scan3A_8 : i32
    %scan3A_10 = arith.constant 1 : i32
    scf.for %scan3A_25 = %scan3A_7 to %scan3A_9 step %scan3A_10  : i32 {
      %mul3A_26 = arith.constant 8 : i32
      %mul3A_27 = arith.muli %scan3A_25, %mul3A_26 : i32
      "tpu.region"() ({
        %run_scoped3A = tpu.sem_alloc : memref<!tpu.dma_semaphore, #tpu.memory_space<semaphore_mem>>
        %dma_start3A = arith.constant 0 : i32
        %dma_start3A_33 = tpu.memref_slice %arg2[%arg0, %arg1, %mul3A_27, %dma_start3A] : memref<2x16x160x128xi32, #tpu.memory_space<hbm>> -> memref<1x1x8x128xi32, #tpu.memory_space<hbm>>
        %dma_start3A_34 = tpu.memref_squeeze %dma_start3A_33 : memref<1x1x8x128xi32, #tpu.memory_space<hbm>> -> memref<8x128xi32, #tpu.memory_space<hbm>>
        %dma_start3A_35 = arith.constant 0 : i32
        %dma_start3A_36 = tpu.memref_slice %arg2[%arg0, %arg1, %mul3A_27, %dma_start3A_35] : memref<2x16x160x128xi32, #tpu.memory_space<hbm>> -> memref<1x1x8x128xi32, #tpu.memory_space<hbm>>
        %dma_start3A_37 = tpu.memref_squeeze %dma_start3A_36 : memref<1x1x8x128xi32, #tpu.memory_space<hbm>> -> memref<8x128xi32, #tpu.memory_space<hbm>>
        tpu.enqueue_dma source(%dma_start3A_37 : memref<8x128xi32, #tpu.memory_space<hbm>>) target(%arg7 : memref<8x128xi32, #tpu.memory_space<vmem>>) target_semaphore(%run_scoped3A : memref<!tpu.dma_semaphore, #tpu.memory_space<semaphore_mem>>)
        %dma_wait3A = arith.constant 0 : i32
        %dma_wait3A_38 = tpu.memref_slice %arg2[%arg0, %arg1, %mul3A_27, %dma_wait3A] : memref<2x16x160x128xi32, #tpu.memory_space<hbm>> -> memref<1x1x8x128xi32, #tpu.memory_space<hbm>>
        %dma_wait3A_39 = tpu.memref_squeeze %dma_wait3A_38 : memref<1x1x8x128xi32, #tpu.memory_space<hbm>> -> memref<8x128xi32, #tpu.memory_space<hbm>>
        %dma_wait3A_40 = arith.constant 0 : i32
        %dma_wait3A_41 = tpu.memref_slice %arg2[%arg0, %arg1, %mul3A_27, %dma_wait3A_40] : memref<2x16x160x128xi32, #tpu.memory_space<hbm>> -> memref<1x1x8x128xi32, #tpu.memory_space<hbm>>
        %dma_wait3A_42 = tpu.memref_squeeze %dma_wait3A_41 : memref<1x1x8x128xi32, #tpu.memory_space<hbm>> -> memref<8x128xi32, #tpu.memory_space<hbm>>
        tpu.wait_dma2 semaphore(%run_scoped3A : memref<!tpu.dma_semaphore, #tpu.memory_space<semaphore_mem>>) src(%dma_wait3A_42 : memref<8x128xi32, #tpu.memory_space<hbm>>) dst(%arg7 : memref<8x128xi32, #tpu.memory_space<vmem>>)
        tpu.yield
      }) : () -> ()
      %scan3A_28 = arith.constant 0 : i32
      %scan3A_29 = arith.constant 8 : i32
      %scan3A_30 = arith.addi %scan3A_28, %scan3A_29 : i32
      %scan3A_31 = arith.constant 1 : i32
      scf.for %scan3A_33 = %scan3A_28 to %scan3A_30 step %scan3A_31  : i32 {
        "tpu.region"() ({
          %run_scoped3A = tpu.sem_alloc : memref<!tpu.dma_semaphore, #tpu.memory_space<semaphore_mem>>
          %dma_start3A = arith.constant 0 : i32
          %dma_start3A_34 = tpu.memref_slice %arg7[%scan3A_33, %dma_start3A] : memref<8x128xi32, #tpu.memory_space<vmem>> -> memref<1x128xi32, #tpu.memory_space<vmem>>
          %dma_start3A_35 = tpu.memref_squeeze %dma_start3A_34 : memref<1x128xi32, #tpu.memory_space<vmem>> -> memref<128xi32, #tpu.memory_space<vmem>>
          %dma_start3A_36 = arith.constant 0 : i32
          %dma_start3A_37 = arith.constant 0 : i32
          %dma_start3A_38 = tpu.memref_slice %arg5[%dma_start3A_36, %dma_start3A_37] : memref<10008x8xf32, #tpu.memory_space<vmem_shared>> -> memref<10008x8xf32, #tpu.memory_space<vmem_shared>>
          tpu.enqueue_indirect_dma source(%arg6 : memref<128x8xf32, #tpu.memory_space<vmem>>) target(%dma_start3A_38 : memref<10008x8xf32, #tpu.memory_space<vmem_shared>>) offsets(%dma_start3A_35 : memref<128xi32, #tpu.memory_space<vmem>>) semaphore(%run_scoped3A : memref<!tpu.dma_semaphore, #tpu.memory_space<semaphore_mem>>) {add = true}
          %dma_wait3A = arith.constant 0 : i32
          %dma_wait3A_39 = tpu.memref_slice %arg7[%scan3A_33, %dma_wait3A] : memref<8x128xi32, #tpu.memory_space<vmem>> -> memref<1x128xi32, #tpu.memory_space<vmem>>
          %dma_wait3A_40 = tpu.memref_squeeze %dma_wait3A_39 : memref<1x128xi32, #tpu.memory_space<vmem>> -> memref<128xi32, #tpu.memory_space<vmem>>
          %dma_wait3A_41 = arith.constant 0 : i32
          %dma_wait3A_42 = arith.constant 0 : i32
          %dma_wait3A_43 = tpu.memref_slice %arg5[%dma_wait3A_41, %dma_wait3A_42] : memref<10008x8xf32, #tpu.memory_space<vmem_shared>> -> memref<10008x8xf32, #tpu.memory_space<vmem_shared>>
          tpu.wait_indirect_dma semaphore(%run_scoped3A : memref<!tpu.dma_semaphore, #tpu.memory_space<semaphore_mem>>) src(%arg6 : memref<128x8xf32, #tpu.memory_space<vmem>>) dst(%dma_wait3A_43 : memref<10008x8xf32, #tpu.memory_space<vmem_shared>>)
          tpu.yield
        }) : () -> ()
      }
      %scan3A_32 = arith.constant 8 : i32
    }
    %scan3A_11 = arith.constant 20 : i32
    %barrier3A_12 = arith.constant 0 : index
    tpu.barrier barrier_id(%barrier3A_12)
    %mul3A_13 = arith.constant 632 : i32
    %mul3A_14 = arith.muli %arg1, %mul3A_13 : i32
    %lt3A_15 = arith.constant 15 : i32
    %lt3A_16 = arith.cmpi slt, %arg1, %lt3A_15 : i32
    %convert_element_type3A_17 = arith.extui %lt3A_16 : i1 to i32
    %cond3A_18 = arith.constant 0 : i32
    %cond3A_19 = arith.cmpi ne, %convert_element_type3A_17, %cond3A_18 : i32
    scf.if %cond3A_19 {
      "tpu.region"() ({
        %run_scoped3A = tpu.sem_alloc : memref<!tpu.dma_semaphore, #tpu.memory_space<semaphore_mem>>
        %dma_start3A = arith.constant 0 : i32
        %dma_start3A_25 = arith.constant 0 : i32
        %dma_start3A_26 = tpu.memref_slice %arg4[%arg0, %dma_start3A, %dma_start3A_25] : memref<2x10000x8xf32, #tpu.memory_space<hbm>> -> memref<1x10000x8xf32, #tpu.memory_space<hbm>>
        %dma_start3A_27 = tpu.memref_squeeze %dma_start3A_26 : memref<1x10000x8xf32, #tpu.memory_space<hbm>> -> memref<10000x8xf32, #tpu.memory_space<hbm>>
        %dma_start3A_28 = arith.constant 0 : i32
        %dma_start3A_29 = tpu.memref_slice %dma_start3A_27[%mul3A_14, %dma_start3A_28] : memref<10000x8xf32, #tpu.memory_space<hbm>> -> memref<632x8xf32, #tpu.memory_space<hbm>>
        %dma_start3A_30 = arith.constant 0 : i32
        %dma_start3A_31 = tpu.memref_slice %arg5[%mul3A_14, %dma_start3A_30] : memref<10008x8xf32, #tpu.memory_space<vmem_shared>> -> memref<632x8xf32, #tpu.memory_space<vmem_shared>>
        tpu.enqueue_dma source(%dma_start3A_31 : memref<632x8xf32, #tpu.memory_space<vmem_shared>>) target(%dma_start3A_29 : memref<632x8xf32, #tpu.memory_space<hbm>>) target_semaphore(%run_scoped3A : memref<!tpu.dma_semaphore, #tpu.memory_space<semaphore_mem>>)
        %dma_wait3A = arith.constant 0 : i32
        %dma_wait3A_32 = arith.constant 0 : i32
        %dma_wait3A_33 = tpu.memref_slice %arg4[%arg0, %dma_wait3A, %dma_wait3A_32] : memref<2x10000x8xf32, #tpu.memory_space<hbm>> -> memref<1x10000x8xf32, #tpu.memory_space<hbm>>
        %dma_wait3A_34 = tpu.memref_squeeze %dma_wait3A_33 : memref<1x10000x8xf32, #tpu.memory_space<hbm>> -> memref<10000x8xf32, #tpu.memory_space<hbm>>
        %dma_wait3A_35 = arith.constant 0 : i32
        %dma_wait3A_36 = tpu.memref_slice %dma_wait3A_34[%mul3A_14, %dma_wait3A_35] : memref<10000x8xf32, #tpu.memory_space<hbm>> -> memref<632x8xf32, #tpu.memory_space<hbm>>
        %dma_wait3A_37 = arith.constant 0 : i32
        %dma_wait3A_38 = tpu.memref_slice %arg5[%mul3A_14, %dma_wait3A_37] : memref<10008x8xf32, #tpu.memory_space<vmem_shared>> -> memref<632x8xf32, #tpu.memory_space<vmem_shared>>
        tpu.wait_dma2 semaphore(%run_scoped3A : memref<!tpu.dma_semaphore, #tpu.memory_space<semaphore_mem>>) src(%dma_wait3A_38 : memref<632x8xf32, #tpu.memory_space<vmem_shared>>) dst(%dma_wait3A_36 : memref<632x8xf32, #tpu.memory_space<hbm>>)
        tpu.yield
      }) : () -> ()
    } else {
    }
    %eq3A_20 = arith.constant 15 : i32
    %eq3A_21 = arith.cmpi eq, %arg1, %eq3A_20 : i32
    %convert_element_type3A_22 = arith.extui %eq3A_21 : i1 to i32
    %cond3A_23 = arith.constant 0 : i32
    %cond3A_24 = arith.cmpi ne, %convert_element_type3A_22, %cond3A_23 : i32
    scf.if %cond3A_24 {
      "tpu.region"() ({
        %run_scoped3A = tpu.sem_alloc : memref<!tpu.dma_semaphore, #tpu.memory_space<semaphore_mem>>
        %dma_start3A = arith.constant 0 : i32
        %dma_start3A_25 = arith.constant 0 : i32
        %dma_start3A_26 = tpu.memref_slice %arg4[%arg0, %dma_start3A, %dma_start3A_25] : memref<2x10000x8xf32, #tpu.memory_space<hbm>> -> memref<1x10000x8xf32, #tpu.memory_space<hbm>>
        %dma_start3A_27 = tpu.memref_squeeze %dma_start3A_26 : memref<1x10000x8xf32, #tpu.memory_space<hbm>> -> memref<10000x8xf32, #tpu.memory_space<hbm>>
        %dma_start3A_28 = arith.constant 0 : i32
        %dma_start3A_29 = tpu.memref_slice %dma_start3A_27[%mul3A_14, %dma_start3A_28] : memref<10000x8xf32, #tpu.memory_space<hbm>> -> memref<520x8xf32, #tpu.memory_space<hbm>>
        %dma_start3A_30 = arith.constant 0 : i32
        %dma_start3A_31 = tpu.memref_slice %arg5[%mul3A_14, %dma_start3A_30] : memref<10008x8xf32, #tpu.memory_space<vmem_shared>> -> memref<520x8xf32, #tpu.memory_space<vmem_shared>>
        tpu.enqueue_dma source(%dma_start3A_31 : memref<520x8xf32, #tpu.memory_space<vmem_shared>>) target(%dma_start3A_29 : memref<520x8xf32, #tpu.memory_space<hbm>>) target_semaphore(%run_scoped3A : memref<!tpu.dma_semaphore, #tpu.memory_space<semaphore_mem>>)
        %dma_wait3A = arith.constant 0 : i32
        %dma_wait3A_32 = arith.constant 0 : i32
        %dma_wait3A_33 = tpu.memref_slice %arg4[%arg0, %dma_wait3A, %dma_wait3A_32] : memref<2x10000x8xf32, #tpu.memory_space<hbm>> -> memref<1x10000x8xf32, #tpu.memory_space<hbm>>
        %dma_wait3A_34 = tpu.memref_squeeze %dma_wait3A_33 : memref<1x10000x8xf32, #tpu.memory_space<hbm>> -> memref<10000x8xf32, #tpu.memory_space<hbm>>
        %dma_wait3A_35 = arith.constant 0 : i32
        %dma_wait3A_36 = tpu.memref_slice %dma_wait3A_34[%mul3A_14, %dma_wait3A_35] : memref<10000x8xf32, #tpu.memory_space<hbm>> -> memref<520x8xf32, #tpu.memory_space<hbm>>
        %dma_wait3A_37 = arith.constant 0 : i32
        %dma_wait3A_38 = tpu.memref_slice %arg5[%mul3A_14, %dma_wait3A_37] : memref<10008x8xf32, #tpu.memory_space<vmem_shared>> -> memref<520x8xf32, #tpu.memory_space<vmem_shared>>
        tpu.wait_dma2 semaphore(%run_scoped3A : memref<!tpu.dma_semaphore, #tpu.memory_space<semaphore_mem>>) src(%dma_wait3A_38 : memref<520x8xf32, #tpu.memory_space<vmem_shared>>) dst(%dma_wait3A_36 : memref<520x8xf32, #tpu.memory_space<hbm>>)
        tpu.yield
      }) : () -> ()
    } else {
    }
    return
  }
}

module attributes {stable_mosaic.version = 14 : i64} {
  func.func @_mm_scale_body(%arg0: i32, %arg1: memref<1000x8xf32, #tpu.memory_space<vmem>>, %arg2: memref<1000x128xf32, #tpu.memory_space<vmem>>, %arg3: memref<128x128xf32, #tpu.memory_space<vmem>>, %arg4: memref<1000x128xf32, #tpu.memory_space<vmem>>, %arg5: memref<1000x128xf32, #tpu.memory_space<vmem>>) attributes {dimension_semantics = [#tpu.dimension_semantics<arbitrary>], iteration_bounds = array<i64: 20>, scalar_prefetch = 0 : i64, scratch_operands = 0 : i64, tpu.core_type = #tpu.core_type<tc>, window_params = [{transform_indices = @transform_0, window_bounds = array<i64: 1000, 8>}, {transform_indices = @transform_1, window_bounds = array<i64: 1000, 128>}, {pipeline_mode = #tpu.pipeline_mode<synchronous>, transform_indices = @transform_2, window_bounds = array<i64: 128, 128>}, {transform_indices = @transform_3, window_bounds = array<i64: 1000, 128>}, {transform_indices = @transform_4, window_bounds = array<i64: 1000, 128>}]} {
    %get3A = arith.constant 0 : index
    %get3A_0 = arith.constant 0 : index
    %get3A_1 = vector.load %arg1[%get3A, %get3A_0] : memref<1000x8xf32, #tpu.memory_space<vmem>>, vector<1000x1xf32>
    %rsqrt3A = math.rsqrt %get3A_1 : vector<1000x1xf32>
    %get3A_2 = arith.constant 0 : index
    %get3A_3 = arith.constant 0 : index
    %get3A_4 = vector.load %arg2[%get3A_2, %get3A_3] : memref<1000x128xf32, #tpu.memory_space<vmem>>, vector<1000x128xf32>
    %get3A_5 = arith.constant 0 : index
    %get3A_6 = arith.constant 0 : index
    %get3A_7 = vector.load %arg3[%get3A_5, %get3A_6] : memref<128x128xf32, #tpu.memory_space<vmem>>, vector<128x128xf32>
    %dot_general3A = arith.constant dense<0.000000e+00> : vector<1000x128xf32>
    %dot_general3A_8 = tpu.matmul %get3A_4, %get3A_7, %dot_general3A {dimension_numbers = #tpu.dot_dimension_numbers<[1], [0], [0], [1], [0, 0, 1, 1], [], []>, transpose_lhs_hint = false} : vector<1000x128xf32>, vector<128x128xf32>, vector<1000x128xf32> -> vector<1000x128xf32>
    %swap3A = arith.constant 0 : index
    %swap3A_9 = arith.constant 0 : index
    %swap3A_10 = vector.load %arg4[%swap3A, %swap3A_9] : memref<1000x128xf32, #tpu.memory_space<vmem>>, vector<1000x128xf32>
    tpu.vector_store %arg4[%swap3A, %swap3A_9], %dot_general3A_8 {strides = array<i32>} : memref<1000x128xf32, #tpu.memory_space<vmem>>, vector<1000x128xf32>,
    %mul3A = vector.broadcast %rsqrt3A : vector<1000x1xf32> to vector<1000x128xf32>
    %mul3A_11 = arith.mulf %dot_general3A_8, %mul3A : vector<1000x128xf32>
    %swap3A_12 = arith.constant 0 : index
    %swap3A_13 = arith.constant 0 : index
    %swap3A_14 = vector.load %arg5[%swap3A_12, %swap3A_13] : memref<1000x128xf32, #tpu.memory_space<vmem>>, vector<1000x128xf32>
    tpu.vector_store %arg5[%swap3A_12, %swap3A_13], %mul3A_11 {strides = array<i32>} : memref<1000x128xf32, #tpu.memory_space<vmem>>, vector<1000x128xf32>,
    return
  }
  func.func @transform_0(%arg0: i32) -> (i32, i32) {
    %c0_i32 = arith.constant 0 : i32
    %c0_i32_0 = arith.constant 0 : i32
    return %arg0, %c0_i32 : i32, i32
  }
  func.func @transform_1(%arg0: i32) -> (i32, i32) {
    %c0_i32 = arith.constant 0 : i32
    %c0_i32_0 = arith.constant 0 : i32
    return %arg0, %c0_i32 : i32, i32
  }
  func.func @transform_2(%arg0: i32) -> (i32, i32) {
    %c0_i32 = arith.constant 0 : i32
    %c0_i32_0 = arith.constant 0 : i32
    %c0_i32_1 = arith.constant 0 : i32
    return %c0_i32, %c0_i32_0 : i32, i32
  }
  func.func @transform_3(%arg0: i32) -> (i32, i32) {
    %c0_i32 = arith.constant 0 : i32
    %c0_i32_0 = arith.constant 0 : i32
    return %arg0, %c0_i32 : i32, i32
  }
  func.func @transform_4(%arg0: i32) -> (i32, i32) {
    %c0_i32 = arith.constant 0 : i32
    %c0_i32_0 = arith.constant 0 : i32
    return %arg0, %c0_i32 : i32, i32
  }
}

module attributes {stable_mosaic.version = 14 : i64} {
  func.func @_layer_mm_body(%arg0: i32, %arg1: memref<1000x8xf32, #tpu.memory_space<vmem>>, %arg2: memref<1000x128xf32, #tpu.memory_space<vmem>>, %arg3: memref<1000x128xf32, #tpu.memory_space<vmem>>, %arg4: memref<1x128xf32, #tpu.memory_space<vmem>>, %arg5: memref<1x1xf32, #tpu.memory_space<vmem>>, %arg6: memref<128x128xf32, #tpu.memory_space<vmem>>, %arg7: memref<1000x128xf32, #tpu.memory_space<vmem>>, %arg8: memref<1000x128xf32, #tpu.memory_space<vmem>>) attributes {dimension_semantics = [#tpu.dimension_semantics<arbitrary>], iteration_bounds = array<i64: 20>, scalar_prefetch = 0 : i64, scratch_operands = 0 : i64, tpu.core_type = #tpu.core_type<tc>, window_params = [{transform_indices = @transform_0, window_bounds = array<i64: 1000, 8>}, {transform_indices = @transform_1, window_bounds = array<i64: 1000, 128>}, {transform_indices = @transform_2, window_bounds = array<i64: 1000, 128>}, {pipeline_mode = #tpu.pipeline_mode<synchronous>, transform_indices = @transform_3, window_bounds = array<i64: 1, 128>}, {pipeline_mode = #tpu.pipeline_mode<synchronous>, transform_indices = @transform_4, window_bounds = array<i64: 1, 1>}, {pipeline_mode = #tpu.pipeline_mode<synchronous>, transform_indices = @transform_5, window_bounds = array<i64: 128, 128>}, {transform_indices = @transform_6, window_bounds = array<i64: 1000, 128>}, {transform_indices = @transform_7, window_bounds = array<i64: 1000, 128>}]} {
    %get3A = arith.constant 0 : index
    %get3A_0 = arith.constant 0 : index
    %get3A_1 = vector.load %arg1[%get3A, %get3A_0] : memref<1000x8xf32, #tpu.memory_space<vmem>>, vector<1000x1xf32>
    %rsqrt3A = math.rsqrt %get3A_1 : vector<1000x1xf32>
    %get3A_2 = arith.constant 0 : index
    %get3A_3 = arith.constant 0 : index
    %get3A_4 = vector.load %arg5[%get3A_2, %get3A_3] : memref<1x1xf32, #tpu.memory_space<vmem>>, vector<1x1xf32>
    %get3A_5 = vector.extract %get3A_4[0, 0] : f32 from vector<1x1xf32>
    %get3A_6 = arith.constant 0 : index
    %get3A_7 = arith.constant 0 : index
    %get3A_8 = vector.load %arg2[%get3A_6, %get3A_7] : memref<1000x128xf32, #tpu.memory_space<vmem>>, vector<1000x128xf32>
    %mul3A = vector.broadcast %rsqrt3A : vector<1000x1xf32> to vector<1000x128xf32>
    %mul3A_9 = arith.mulf %mul3A, %get3A_8 : vector<1000x128xf32>
    %mul3A_10 = arith.mulf %rsqrt3A, %rsqrt3A : vector<1000x1xf32>
    %get3A_11 = arith.constant 0 : index
    %get3A_12 = arith.constant 0 : index
    %get3A_13 = vector.load %arg3[%get3A_11, %get3A_12] : memref<1000x128xf32, #tpu.memory_space<vmem>>, vector<1000x128xf32>
    %mul3A_14 = vector.broadcast %mul3A_10 : vector<1000x1xf32> to vector<1000x128xf32>
    %mul3A_15 = arith.mulf %mul3A_14, %get3A_13 : vector<1000x128xf32>
    %add3A = arith.addf %mul3A_9, %mul3A_15 : vector<1000x128xf32>
    %get3A_16 = arith.constant 0 : index
    %get3A_17 = arith.constant 0 : index
    %get3A_18 = vector.load %arg4[%get3A_16, %get3A_17] : memref<1x128xf32, #tpu.memory_space<vmem>>, vector<1x128xf32>
    %add3A_19 = vector.broadcast %get3A_18 : vector<1x128xf32> to vector<1000x128xf32>
    %add3A_20 = arith.addf %add3A, %add3A_19 : vector<1000x128xf32>
    %ge3A = arith.constant 0.000000e+00 : f32
    %ge3A_21 = vector.broadcast %ge3A : f32 to vector<1000x128xf32>
    %ge3A_22 = arith.cmpf oge, %add3A_20, %ge3A_21 : vector<1000x128xf32>
    %mul3A_23 = vector.broadcast %get3A_5 : f32 to vector<1000x128xf32>
    %mul3A_24 = arith.mulf %mul3A_23, %add3A_20 : vector<1000x128xf32>
    %select_n3A = arith.select %ge3A_22, %add3A_20, %mul3A_24 : vector<1000x128xi1>, vector<1000x128xf32>
    %get3A_25 = arith.constant 0 : index
    %get3A_26 = arith.constant 0 : index
    %get3A_27 = vector.load %arg6[%get3A_25, %get3A_26] : memref<128x128xf32, #tpu.memory_space<vmem>>, vector<128x128xf32>
    %dot_general3A = arith.constant dense<0.000000e+00> : vector<1000x128xf32>
    %dot_general3A_28 = tpu.matmul %select_n3A, %get3A_27, %dot_general3A {dimension_numbers = #tpu.dot_dimension_numbers<[1], [0], [0], [1], [0, 0, 1, 1], [], []>, transpose_lhs_hint = false} : vector<1000x128xf32>, vector<128x128xf32>, vector<1000x128xf32> -> vector<1000x128xf32>
    %swap3A = arith.constant 0 : index
    %swap3A_29 = arith.constant 0 : index
    %swap3A_30 = vector.load %arg7[%swap3A, %swap3A_29] : memref<1000x128xf32, #tpu.memory_space<vmem>>, vector<1000x128xf32>
    tpu.vector_store %arg7[%swap3A, %swap3A_29], %dot_general3A_28 {strides = array<i32>} : memref<1000x128xf32, #tpu.memory_space<vmem>>, vector<1000x128xf32>,
    %mul3A_31 = vector.broadcast %rsqrt3A : vector<1000x1xf32> to vector<1000x128xf32>
    %mul3A_32 = arith.mulf %dot_general3A_28, %mul3A_31 : vector<1000x128xf32>
    %swap3A_33 = arith.constant 0 : index
    %swap3A_34 = arith.constant 0 : index
    %swap3A_35 = vector.load %arg8[%swap3A_33, %swap3A_34] : memref<1000x128xf32, #tpu.memory_space<vmem>>, vector<1000x128xf32>
    tpu.vector_store %arg8[%swap3A_33, %swap3A_34], %mul3A_32 {strides = array<i32>} : memref<1000x128xf32, #tpu.memory_space<vmem>>, vector<1000x128xf32>,
    return
  }
  func.func @transform_0(%arg0: i32) -> (i32, i32) {
    %c0_i32 = arith.constant 0 : i32
    %c0_i32_0 = arith.constant 0 : i32
    return %arg0, %c0_i32 : i32, i32
  }
  func.func @transform_1(%arg0: i32) -> (i32, i32) {
    %c0_i32 = arith.constant 0 : i32
    %c0_i32_0 = arith.constant 0 : i32
    return %arg0, %c0_i32 : i32, i32
  }
  func.func @transform_2(%arg0: i32) -> (i32, i32) {
    %c0_i32 = arith.constant 0 : i32
    %c0_i32_0 = arith.constant 0 : i32
    return %arg0, %c0_i32 : i32, i32
  }
  func.func @transform_3(%arg0: i32) -> (i32, i32) {
    %c0_i32 = arith.constant 0 : i32
    %c0_i32_0 = arith.constant 0 : i32
    %c0_i32_1 = arith.constant 0 : i32
    return %c0_i32, %c0_i32_0 : i32, i32
  }
  func.func @transform_4(%arg0: i32) -> (i32, i32) {
    %c0_i32 = arith.constant 0 : i32
    %c0_i32_0 = arith.constant 0 : i32
    %c0_i32_1 = arith.constant 0 : i32
    return %c0_i32, %c0_i32_0 : i32, i32
  }
  func.func @transform_5(%arg0: i32) -> (i32, i32) {
    %c0_i32 = arith.constant 0 : i32
    %c0_i32_0 = arith.constant 0 : i32
    %c0_i32_1 = arith.constant 0 : i32
    return %c0_i32, %c0_i32_0 : i32, i32
  }
  func.func @transform_6(%arg0: i32) -> (i32, i32) {
    %c0_i32 = arith.constant 0 : i32
    %c0_i32_0 = arith.constant 0 : i32
    return %arg0, %c0_i32 : i32, i32
  }
  func.func @transform_7(%arg0: i32) -> (i32, i32) {
    %c0_i32 = arith.constant 0 : i32
    %c0_i32_0 = arith.constant 0 : i32
    return %arg0, %c0_i32 : i32, i32
  }
}

module attributes {stable_mosaic.version = 14 : i64} {
  func.func @_final_layer_body(%arg0: i32, %arg1: memref<1000x8xf32, #tpu.memory_space<vmem>>, %arg2: memref<1000x128xf32, #tpu.memory_space<vmem>>, %arg3: memref<1000x128xf32, #tpu.memory_space<vmem>>, %arg4: memref<1x128xf32, #tpu.memory_space<vmem>>, %arg5: memref<1x1xf32, #tpu.memory_space<vmem>>, %arg6: memref<1000x128xf32, #tpu.memory_space<vmem>>, %arg7: memref<8x128xf32, #tpu.memory_space<vmem>>, %arg8: memref<8x128xf32, #tpu.memory_space<vmem>>) attributes {dimension_semantics = [#tpu.dimension_semantics<arbitrary>], iteration_bounds = array<i64: 20>, scalar_prefetch = 0 : i64, scratch_operands = 0 : i64, tpu.core_type = #tpu.core_type<tc>, window_params = [{transform_indices = @transform_0, window_bounds = array<i64: 1000, 8>}, {transform_indices = @transform_1, window_bounds = array<i64: 1000, 128>}, {transform_indices = @transform_2, window_bounds = array<i64: 1000, 128>}, {pipeline_mode = #tpu.pipeline_mode<synchronous>, transform_indices = @transform_3, window_bounds = array<i64: 1, 128>}, {pipeline_mode = #tpu.pipeline_mode<synchronous>, transform_indices = @transform_4, window_bounds = array<i64: 1, 1>}, {transform_indices = @transform_5, window_bounds = array<i64: 1000, 128>}, {transform_indices = @transform_6, window_bounds = array<i64: 8, 128>}, {transform_indices = @transform_7, window_bounds = array<i64: 8, 128>}]} {
    %get3A = arith.constant 0 : index
    %get3A_0 = arith.constant 0 : index
    %get3A_1 = vector.load %arg1[%get3A, %get3A_0] : memref<1000x8xf32, #tpu.memory_space<vmem>>, vector<1000x1xf32>
    %rsqrt3A = math.rsqrt %get3A_1 : vector<1000x1xf32>
    %get3A_2 = arith.constant 0 : index
    %get3A_3 = arith.constant 0 : index
    %get3A_4 = vector.load %arg5[%get3A_2, %get3A_3] : memref<1x1xf32, #tpu.memory_space<vmem>>, vector<1x1xf32>
    %get3A_5 = vector.extract %get3A_4[0, 0] : f32 from vector<1x1xf32>
    %get3A_6 = arith.constant 0 : index
    %get3A_7 = arith.constant 0 : index
    %get3A_8 = vector.load %arg2[%get3A_6, %get3A_7] : memref<1000x128xf32, #tpu.memory_space<vmem>>, vector<1000x128xf32>
    %mul3A = vector.broadcast %rsqrt3A : vector<1000x1xf32> to vector<1000x128xf32>
    %mul3A_9 = arith.mulf %mul3A, %get3A_8 : vector<1000x128xf32>
    %mul3A_10 = arith.mulf %rsqrt3A, %rsqrt3A : vector<1000x1xf32>
    %get3A_11 = arith.constant 0 : index
    %get3A_12 = arith.constant 0 : index
    %get3A_13 = vector.load %arg3[%get3A_11, %get3A_12] : memref<1000x128xf32, #tpu.memory_space<vmem>>, vector<1000x128xf32>
    %mul3A_14 = vector.broadcast %mul3A_10 : vector<1000x1xf32> to vector<1000x128xf32>
    %mul3A_15 = arith.mulf %mul3A_14, %get3A_13 : vector<1000x128xf32>
    %add3A = arith.addf %mul3A_9, %mul3A_15 : vector<1000x128xf32>
    %get3A_16 = arith.constant 0 : index
    %get3A_17 = arith.constant 0 : index
    %get3A_18 = vector.load %arg4[%get3A_16, %get3A_17] : memref<1x128xf32, #tpu.memory_space<vmem>>, vector<1x128xf32>
    %add3A_19 = vector.broadcast %get3A_18 : vector<1x128xf32> to vector<1000x128xf32>
    %add3A_20 = arith.addf %add3A, %add3A_19 : vector<1000x128xf32>
    %ge3A = arith.constant 0.000000e+00 : f32
    %ge3A_21 = vector.broadcast %ge3A : f32 to vector<1000x128xf32>
    %ge3A_22 = arith.cmpf oge, %add3A_20, %ge3A_21 : vector<1000x128xf32>
    %mul3A_23 = vector.broadcast %get3A_5 : f32 to vector<1000x128xf32>
    %mul3A_24 = arith.mulf %mul3A_23, %add3A_20 : vector<1000x128xf32>
    %select_n3A = arith.select %ge3A_22, %add3A_20, %mul3A_24 : vector<1000x128xi1>, vector<1000x128xf32>
    %swap3A = arith.constant 0 : index
    %swap3A_25 = arith.constant 0 : index
    %swap3A_26 = vector.load %arg6[%swap3A, %swap3A_25] : memref<1000x128xf32, #tpu.memory_space<vmem>>, vector<1000x128xf32>
    tpu.vector_store %arg6[%swap3A, %swap3A_25], %select_n3A {strides = array<i32>} : memref<1000x128xf32, #tpu.memory_space<vmem>>, vector<1000x128xf32>,
    %reduce_sum3A = arith.constant dense<0.000000e+00> : vector<128xf32>
    %reduce_sum3A_27 = vector.multi_reduction <add>, %select_n3A, %reduce_sum3A [0] : vector<1000x128xf32> to vector<128xf32>
    %broadcast_in_dim3A = vector.shape_cast %reduce_sum3A_27 : vector<128xf32> to vector<1x128xf32>
    %broadcast_in_dim3A_28 = vector.shape_cast %broadcast_in_dim3A : vector<1x128xf32> to vector<1x128xf32>
    %broadcast_in_dim3A_29 = vector.broadcast %broadcast_in_dim3A_28 : vector<1x128xf32> to vector<8x128xf32>
    %mul3A_30 = arith.mulf %select_n3A, %select_n3A : vector<1000x128xf32>
    %reduce_sum3A_31 = arith.constant dense<0.000000e+00> : vector<128xf32>
    %reduce_sum3A_32 = vector.multi_reduction <add>, %mul3A_30, %reduce_sum3A_31 [0] : vector<1000x128xf32> to vector<128xf32>
    %broadcast_in_dim3A_33 = vector.shape_cast %reduce_sum3A_32 : vector<128xf32> to vector<1x128xf32>
    %broadcast_in_dim3A_34 = vector.shape_cast %broadcast_in_dim3A_33 : vector<1x128xf32> to vector<1x128xf32>
    %broadcast_in_dim3A_35 = vector.broadcast %broadcast_in_dim3A_34 : vector<1x128xf32> to vector<8x128xf32>
    %jit3A = arith.constant 10 : i32
    %eq3A = arith.constant 0 : i32
    %eq3A_36 = arith.cmpi eq, %jit3A, %eq3A : i32
    %jit3A_37 = arith.constant 1 : i32
    %select_n3A_38 = arith.select %eq3A_36, %jit3A_37, %jit3A : i32
    %rem3A = arith.remsi %arg0, %select_n3A_38 : i32
    %ne3A = arith.constant 0 : i32
    %ne3A_39 = arith.cmpi ne, %rem3A, %ne3A : i32
    %lt3A = arith.constant 0 : i32
    %lt3A_40 = arith.cmpi slt, %rem3A, %lt3A : i32
    %lt3A_41 = arith.constant 0 : i32
    %lt3A_42 = arith.cmpi slt, %select_n3A_38, %lt3A_41 : i32
    %ne3A_43 = arith.xori %lt3A_40, %lt3A_42 : i1
    %and3A = arith.andi %ne3A_43, %ne3A_39 : i1
    %add3A_44 = arith.addi %rem3A, %select_n3A_38 : i32
    %select_n3A_45 = arith.select %and3A, %add3A_44, %rem3A : i32
    %eq3A_46 = arith.constant 0 : i32
    %eq3A_47 = arith.cmpi eq, %select_n3A_45, %eq3A_46 : i32
    %convert_element_type3A = arith.extui %eq3A_47 : i1 to i32
    %cond3A = arith.constant 0 : i32
    %cond3A_48 = arith.cmpi ne, %convert_element_type3A, %cond3A : i32
    scf.if %cond3A_48 {
      %swap3A_70 = arith.constant 0 : index
      %swap3A_71 = arith.constant 0 : index
      %swap3A_72 = vector.load %arg7[%swap3A_70, %swap3A_71] : memref<8x128xf32, #tpu.memory_space<vmem>>, vector<8x128xf32>
      tpu.vector_store %arg7[%swap3A_70, %swap3A_71], %broadcast_in_dim3A_29 {strides = array<i32>} : memref<8x128xf32, #tpu.memory_space<vmem>>, vector<8x128xf32>,
      %swap3A_73 = arith.constant 0 : index
      %swap3A_74 = arith.constant 0 : index
      %swap3A_75 = vector.load %arg8[%swap3A_73, %swap3A_74] : memref<8x128xf32, #tpu.memory_space<vmem>>, vector<8x128xf32>
      tpu.vector_store %arg8[%swap3A_73, %swap3A_74], %broadcast_in_dim3A_35 {strides = array<i32>} : memref<8x128xf32, #tpu.memory_space<vmem>>, vector<8x128xf32>,
    } else {
    }
    %jit3A_49 = arith.constant 10 : i32
    %eq3A_50 = arith.constant 0 : i32
    %eq3A_51 = arith.cmpi eq, %jit3A_49, %eq3A_50 : i32
    %jit3A_52 = arith.constant 1 : i32
    %select_n3A_53 = arith.select %eq3A_51, %jit3A_52, %jit3A_49 : i32
    %rem3A_54 = arith.remsi %arg0, %select_n3A_53 : i32
    %ne3A_55 = arith.constant 0 : i32
    %ne3A_56 = arith.cmpi ne, %rem3A_54, %ne3A_55 : i32
    %lt3A_57 = arith.constant 0 : i32
    %lt3A_58 = arith.cmpi slt, %rem3A_54, %lt3A_57 : i32
    %lt3A_59 = arith.constant 0 : i32
    %lt3A_60 = arith.cmpi slt, %select_n3A_53, %lt3A_59 : i32
    %ne3A_61 = arith.xori %lt3A_58, %lt3A_60 : i1
    %and3A_62 = arith.andi %ne3A_61, %ne3A_56 : i1
    %add3A_63 = arith.addi %rem3A_54, %select_n3A_53 : i32
    %select_n3A_64 = arith.select %and3A_62, %add3A_63, %rem3A_54 : i32
    %ne3A_65 = arith.constant 0 : i32
    %ne3A_66 = arith.cmpi ne, %select_n3A_64, %ne3A_65 : i32
    %convert_element_type3A_67 = arith.extui %ne3A_66 : i1 to i32
    %cond3A_68 = arith.constant 0 : i32
    %cond3A_69 = arith.cmpi ne, %convert_element_type3A_67, %cond3A_68 : i32
    scf.if %cond3A_69 {
      %get3A_70 = arith.constant 0 : index
      %get3A_71 = arith.constant 0 : index
      %get3A_72 = vector.load %arg7[%get3A_70, %get3A_71] : memref<8x128xf32, #tpu.memory_space<vmem>>, vector<8x128xf32>
      %add3A_73 = arith.addf %get3A_72, %broadcast_in_dim3A_29 : vector<8x128xf32>
      %swap3A_74 = arith.constant 0 : index
      %swap3A_75 = arith.constant 0 : index
      %swap3A_76 = vector.load %arg7[%swap3A_74, %swap3A_75] : memref<8x128xf32, #tpu.memory_space<vmem>>, vector<8x128xf32>
      tpu.vector_store %arg7[%swap3A_74, %swap3A_75], %add3A_73 {strides = array<i32>} : memref<8x128xf32, #tpu.memory_space<vmem>>, vector<8x128xf32>,
      %get3A_77 = arith.constant 0 : index
      %get3A_78 = arith.constant 0 : index
      %get3A_79 = vector.load %arg8[%get3A_77, %get3A_78] : memref<8x128xf32, #tpu.memory_space<vmem>>, vector<8x128xf32>
      %add3A_80 = arith.addf %get3A_79, %broadcast_in_dim3A_35 : vector<8x128xf32>
      %swap3A_81 = arith.constant 0 : index
      %swap3A_82 = arith.constant 0 : index
      %swap3A_83 = vector.load %arg8[%swap3A_81, %swap3A_82] : memref<8x128xf32, #tpu.memory_space<vmem>>, vector<8x128xf32>
      tpu.vector_store %arg8[%swap3A_81, %swap3A_82], %add3A_80 {strides = array<i32>} : memref<8x128xf32, #tpu.memory_space<vmem>>, vector<8x128xf32>,
    } else {
    }
    return
  }
  func.func @transform_0(%arg0: i32) -> (i32, i32) {
    %c0_i32 = arith.constant 0 : i32
    %c0_i32_0 = arith.constant 0 : i32
    return %arg0, %c0_i32 : i32, i32
  }
  func.func @transform_1(%arg0: i32) -> (i32, i32) {
    %c0_i32 = arith.constant 0 : i32
    %c0_i32_0 = arith.constant 0 : i32
    return %arg0, %c0_i32 : i32, i32
  }
  func.func @transform_2(%arg0: i32) -> (i32, i32) {
    %c0_i32 = arith.constant 0 : i32
    %c0_i32_0 = arith.constant 0 : i32
    return %arg0, %c0_i32 : i32, i32
  }
  func.func @transform_3(%arg0: i32) -> (i32, i32) {
    %c0_i32 = arith.constant 0 : i32
    %c0_i32_0 = arith.constant 0 : i32
    %c0_i32_1 = arith.constant 0 : i32
    return %c0_i32, %c0_i32_0 : i32, i32
  }
  func.func @transform_4(%arg0: i32) -> (i32, i32) {
    %c0_i32 = arith.constant 0 : i32
    %c0_i32_0 = arith.constant 0 : i32
    %c0_i32_1 = arith.constant 0 : i32
    return %c0_i32, %c0_i32_0 : i32, i32
  }
  func.func @transform_5(%arg0: i32) -> (i32, i32) {
    %c0_i32 = arith.constant 0 : i32
    %c0_i32_0 = arith.constant 0 : i32
    return %arg0, %c0_i32 : i32, i32
  }
  func.func @transform_6(%arg0: i32) -> (i32, i32) {
    %jit3A = arith.constant 10 : i32
    %div3A = arith.divsi %arg0, %jit3A : i32
    %sign3A = arith.constant 0 : i32
    %sign3A_0 = arith.cmpi sgt, %arg0, %sign3A : i32
    %sign3A_1 = arith.extui %sign3A_0 : i1 to i32
    %sign3A_2 = arith.constant 0 : i32
    %sign3A_3 = arith.cmpi slt, %arg0, %sign3A_2 : i32
    %sign3A_4 = arith.extui %sign3A_3 : i1 to i32
    %sign3A_5 = arith.subi %sign3A_1, %sign3A_4 : i32
    %sign3A_6 = arith.constant 0 : i32
    %sign3A_7 = arith.cmpi sgt, %jit3A, %sign3A_6 : i32
    %sign3A_8 = arith.extui %sign3A_7 : i1 to i32
    %sign3A_9 = arith.constant 0 : i32
    %sign3A_10 = arith.cmpi slt, %jit3A, %sign3A_9 : i32
    %sign3A_11 = arith.extui %sign3A_10 : i1 to i32
    %sign3A_12 = arith.subi %sign3A_8, %sign3A_11 : i32
    %ne3A = arith.cmpi ne, %sign3A_5, %sign3A_12 : i32
    %rem3A = arith.remsi %arg0, %jit3A : i32
    %ne3A_13 = arith.constant 0 : i32
    %ne3A_14 = arith.cmpi ne, %rem3A, %ne3A_13 : i32
    %and3A = arith.andi %ne3A, %ne3A_14 : i1
    %sub3A = arith.constant 1 : i32
    %sub3A_15 = arith.subi %div3A, %sub3A : i32
    %select_n3A = arith.select %and3A, %sub3A_15, %div3A : i32
    %c0_i32 = arith.constant 0 : i32
    %c0_i32_16 = arith.constant 0 : i32
    return %select_n3A, %c0_i32 : i32, i32
  }
  func.func @transform_7(%arg0: i32) -> (i32, i32) {
    %jit3A = arith.constant 10 : i32
    %div3A = arith.divsi %arg0, %jit3A : i32
    %sign3A = arith.constant 0 : i32
    %sign3A_0 = arith.cmpi sgt, %arg0, %sign3A : i32
    %sign3A_1 = arith.extui %sign3A_0 : i1 to i32
    %sign3A_2 = arith.constant 0 : i32
    %sign3A_3 = arith.cmpi slt, %arg0, %sign3A_2 : i32
    %sign3A_4 = arith.extui %sign3A_3 : i1 to i32
    %sign3A_5 = arith.subi %sign3A_1, %sign3A_4 : i32
    %sign3A_6 = arith.constant 0 : i32
    %sign3A_7 = arith.cmpi sgt, %jit3A, %sign3A_6 : i32
    %sign3A_8 = arith.extui %sign3A_7 : i1 to i32
    %sign3A_9 = arith.constant 0 : i32
    %sign3A_10 = arith.cmpi slt, %jit3A, %sign3A_9 : i32
    %sign3A_11 = arith.extui %sign3A_10 : i1 to i32
    %sign3A_12 = arith.subi %sign3A_8, %sign3A_11 : i32
    %ne3A = arith.cmpi ne, %sign3A_5, %sign3A_12 : i32
    %rem3A = arith.remsi %arg0, %jit3A : i32
    %ne3A_13 = arith.constant 0 : i32
    %ne3A_14 = arith.cmpi ne, %rem3A, %ne3A_13 : i32
    %and3A = arith.andi %ne3A, %ne3A_14 : i1
    %sub3A = arith.constant 1 : i32
    %sub3A_15 = arith.subi %div3A, %sub3A : i32
    %select_n3A = arith.select %and3A, %sub3A_15, %div3A : i32
    %c0_i32 = arith.constant 0 : i32
    %c0_i32_16 = arith.constant 0 : i32
    return %select_n3A, %c0_i32 : i32, i32
  }
}

module attributes {stable_mosaic.version = 14 : i64} {
  func.func @_pred1_body(%arg0: i32, %arg1: memref<1000x128xf32, #tpu.memory_space<vmem>>, %arg2: memref<8x128xf32, #tpu.memory_space<vmem>>, %arg3: memref<8x128xf32, #tpu.memory_space<vmem>>, %arg4: memref<1x128xf32, #tpu.memory_space<vmem>>, %arg5: memref<1x128xf32, #tpu.memory_space<vmem>>, %arg6: memref<128x512xf32, #tpu.memory_space<vmem>>, %arg7: memref<1x512xf32, #tpu.memory_space<vmem>>, %arg8: memref<1x1xf32, #tpu.memory_space<vmem>>, %arg9: memref<1000x512xf32, #tpu.memory_space<vmem>>, %arg10: memref<8x512xf32, #tpu.memory_space<vmem>>, %arg11: memref<8x512xf32, #tpu.memory_space<vmem>>) attributes {dimension_semantics = [#tpu.dimension_semantics<arbitrary>], iteration_bounds = array<i64: 20>, scalar_prefetch = 0 : i64, scratch_operands = 0 : i64, tpu.core_type = #tpu.core_type<tc>, window_params = [{transform_indices = @transform_0, window_bounds = array<i64: 1000, 128>}, {transform_indices = @transform_1, window_bounds = array<i64: 8, 128>}, {transform_indices = @transform_2, window_bounds = array<i64: 8, 128>}, {pipeline_mode = #tpu.pipeline_mode<synchronous>, transform_indices = @transform_3, window_bounds = array<i64: 1, 128>}, {pipeline_mode = #tpu.pipeline_mode<synchronous>, transform_indices = @transform_4, window_bounds = array<i64: 1, 128>}, {pipeline_mode = #tpu.pipeline_mode<synchronous>, transform_indices = @transform_5, window_bounds = array<i64: 128, 512>}, {pipeline_mode = #tpu.pipeline_mode<synchronous>, transform_indices = @transform_6, window_bounds = array<i64: 1, 512>}, {pipeline_mode = #tpu.pipeline_mode<synchronous>, transform_indices = @transform_7, window_bounds = array<i64: 1, 1>}, {transform_indices = @transform_8, window_bounds = array<i64: 1000, 512>}, {transform_indices = @transform_9, window_bounds = array<i64: 8, 512>}, {transform_indices = @transform_10, window_bounds = array<i64: 8, 512>}]} {
    %get3A = arith.constant 0 : index
    %get3A_0 = arith.constant 0 : index
    %get3A_1 = vector.load %arg2[%get3A, %get3A_0] : memref<8x128xf32, #tpu.memory_space<vmem>>, vector<1x128xf32>
    %mul3A = arith.constant 9.99999974E-5 : f32
    %mul3A_2 = vector.broadcast %mul3A : f32 to vector<1x128xf32>
    %mul3A_3 = arith.mulf %get3A_1, %mul3A_2 : vector<1x128xf32>
    %get3A_4 = arith.constant 0 : index
    %get3A_5 = arith.constant 0 : index
    %get3A_6 = vector.load %arg3[%get3A_4, %get3A_5] : memref<8x128xf32, #tpu.memory_space<vmem>>, vector<1x128xf32>
    %mul3A_7 = arith.constant 9.99999974E-5 : f32
    %mul3A_8 = vector.broadcast %mul3A_7 : f32 to vector<1x128xf32>
    %mul3A_9 = arith.mulf %get3A_6, %mul3A_8 : vector<1x128xf32>
    %mul3A_10 = arith.mulf %mul3A_3, %mul3A_3 : vector<1x128xf32>
    %sub3A = arith.subf %mul3A_9, %mul3A_10 : vector<1x128xf32>
    %get3A_11 = arith.constant 0 : index
    %get3A_12 = arith.constant 0 : index
    %get3A_13 = vector.load %arg1[%get3A_11, %get3A_12] : memref<1000x128xf32, #tpu.memory_space<vmem>>, vector<1000x128xf32>
    %sub3A_14 = vector.broadcast %mul3A_3 : vector<1x128xf32> to vector<1000x128xf32>
    %sub3A_15 = arith.subf %get3A_13, %sub3A_14 : vector<1000x128xf32>
    %add3A = arith.constant 9.99999974E-6 : f32
    %add3A_16 = vector.broadcast %add3A : f32 to vector<1x128xf32>
    %add3A_17 = arith.addf %sub3A, %add3A_16 : vector<1x128xf32>
    %rsqrt3A = math.rsqrt %add3A_17 : vector<1x128xf32>
    %mul3A_18 = vector.broadcast %rsqrt3A : vector<1x128xf32> to vector<1000x128xf32>
    %mul3A_19 = arith.mulf %sub3A_15, %mul3A_18 : vector<1000x128xf32>
    %get3A_20 = arith.constant 0 : index
    %get3A_21 = arith.constant 0 : index
    %get3A_22 = vector.load %arg4[%get3A_20, %get3A_21] : memref<1x128xf32, #tpu.memory_space<vmem>>, vector<1x128xf32>
    %mul3A_23 = vector.broadcast %get3A_22 : vector<1x128xf32> to vector<1000x128xf32>
    %mul3A_24 = arith.mulf %mul3A_19, %mul3A_23 : vector<1000x128xf32>
    %get3A_25 = arith.constant 0 : index
    %get3A_26 = arith.constant 0 : index
    %get3A_27 = vector.load %arg5[%get3A_25, %get3A_26] : memref<1x128xf32, #tpu.memory_space<vmem>>, vector<1x128xf32>
    %add3A_28 = vector.broadcast %get3A_27 : vector<1x128xf32> to vector<1000x128xf32>
    %add3A_29 = arith.addf %mul3A_24, %add3A_28 : vector<1000x128xf32>
    %get3A_30 = arith.constant 0 : index
    %get3A_31 = arith.constant 0 : index
    %get3A_32 = vector.load %arg6[%get3A_30, %get3A_31] : memref<128x512xf32, #tpu.memory_space<vmem>>, vector<128x512xf32>
    %dot_general3A = arith.constant dense<0.000000e+00> : vector<1000x512xf32>
    %dot_general3A_33 = tpu.matmul %add3A_29, %get3A_32, %dot_general3A {dimension_numbers = #tpu.dot_dimension_numbers<[1], [0], [0], [1], [0, 0, 1, 1], [], []>, transpose_lhs_hint = false} : vector<1000x128xf32>, vector<128x512xf32>, vector<1000x512xf32> -> vector<1000x512xf32>
    %get3A_34 = arith.constant 0 : index
    %get3A_35 = arith.constant 0 : index
    %get3A_36 = vector.load %arg7[%get3A_34, %get3A_35] : memref<1x512xf32, #tpu.memory_space<vmem>>, vector<1x512xf32>
    %add3A_37 = vector.broadcast %get3A_36 : vector<1x512xf32> to vector<1000x512xf32>
    %add3A_38 = arith.addf %dot_general3A_33, %add3A_37 : vector<1000x512xf32>
    %get3A_39 = arith.constant 0 : index
    %get3A_40 = arith.constant 0 : index
    %get3A_41 = vector.load %arg8[%get3A_39, %get3A_40] : memref<1x1xf32, #tpu.memory_space<vmem>>, vector<1x1xf32>
    %get3A_42 = vector.extract %get3A_41[0, 0] : f32 from vector<1x1xf32>
    %ge3A = arith.constant 0.000000e+00 : f32
    %ge3A_43 = vector.broadcast %ge3A : f32 to vector<1000x512xf32>
    %ge3A_44 = arith.cmpf oge, %add3A_38, %ge3A_43 : vector<1000x512xf32>
    %mul3A_45 = vector.broadcast %get3A_42 : f32 to vector<1000x512xf32>
    %mul3A_46 = arith.mulf %mul3A_45, %add3A_38 : vector<1000x512xf32>
    %select_n3A = arith.select %ge3A_44, %add3A_38, %mul3A_46 : vector<1000x512xi1>, vector<1000x512xf32>
    %swap3A = arith.constant 0 : index
    %swap3A_47 = arith.constant 0 : index
    %swap3A_48 = vector.load %arg9[%swap3A, %swap3A_47] : memref<1000x512xf32, #tpu.memory_space<vmem>>, vector<1000x512xf32>
    tpu.vector_store %arg9[%swap3A, %swap3A_47], %select_n3A {strides = array<i32>} : memref<1000x512xf32, #tpu.memory_space<vmem>>, vector<1000x512xf32>,
    %reduce_sum3A = arith.constant dense<0.000000e+00> : vector<512xf32>
    %reduce_sum3A_49 = vector.multi_reduction <add>, %select_n3A, %reduce_sum3A [0] : vector<1000x512xf32> to vector<512xf32>
    %broadcast_in_dim3A = vector.shape_cast %reduce_sum3A_49 : vector<512xf32> to vector<1x512xf32>
    %broadcast_in_dim3A_50 = vector.shape_cast %broadcast_in_dim3A : vector<1x512xf32> to vector<1x512xf32>
    %broadcast_in_dim3A_51 = vector.broadcast %broadcast_in_dim3A_50 : vector<1x512xf32> to vector<8x512xf32>
    %mul3A_52 = arith.mulf %select_n3A, %select_n3A : vector<1000x512xf32>
    %reduce_sum3A_53 = arith.constant dense<0.000000e+00> : vector<512xf32>
    %reduce_sum3A_54 = vector.multi_reduction <add>, %mul3A_52, %reduce_sum3A_53 [0] : vector<1000x512xf32> to vector<512xf32>
    %broadcast_in_dim3A_55 = vector.shape_cast %reduce_sum3A_54 : vector<512xf32> to vector<1x512xf32>
    %broadcast_in_dim3A_56 = vector.shape_cast %broadcast_in_dim3A_55 : vector<1x512xf32> to vector<1x512xf32>
    %broadcast_in_dim3A_57 = vector.broadcast %broadcast_in_dim3A_56 : vector<1x512xf32> to vector<8x512xf32>
    %jit3A = arith.constant 10 : i32
    %eq3A = arith.constant 0 : i32
    %eq3A_58 = arith.cmpi eq, %jit3A, %eq3A : i32
    %jit3A_59 = arith.constant 1 : i32
    %select_n3A_60 = arith.select %eq3A_58, %jit3A_59, %jit3A : i32
    %rem3A = arith.remsi %arg0, %select_n3A_60 : i32
    %ne3A = arith.constant 0 : i32
    %ne3A_61 = arith.cmpi ne, %rem3A, %ne3A : i32
    %lt3A = arith.constant 0 : i32
    %lt3A_62 = arith.cmpi slt, %rem3A, %lt3A : i32
    %lt3A_63 = arith.constant 0 : i32
    %lt3A_64 = arith.cmpi slt, %select_n3A_60, %lt3A_63 : i32
    %ne3A_65 = arith.xori %lt3A_62, %lt3A_64 : i1
    %and3A = arith.andi %ne3A_65, %ne3A_61 : i1
    %add3A_66 = arith.addi %rem3A, %select_n3A_60 : i32
    %select_n3A_67 = arith.select %and3A, %add3A_66, %rem3A : i32
    %eq3A_68 = arith.constant 0 : i32
    %eq3A_69 = arith.cmpi eq, %select_n3A_67, %eq3A_68 : i32
    %convert_element_type3A = arith.extui %eq3A_69 : i1 to i32
    %cond3A = arith.constant 0 : i32
    %cond3A_70 = arith.cmpi ne, %convert_element_type3A, %cond3A : i32
    scf.if %cond3A_70 {
      %swap3A_92 = arith.constant 0 : index
      %swap3A_93 = arith.constant 0 : index
      %swap3A_94 = vector.load %arg10[%swap3A_92, %swap3A_93] : memref<8x512xf32, #tpu.memory_space<vmem>>, vector<8x512xf32>
      tpu.vector_store %arg10[%swap3A_92, %swap3A_93], %broadcast_in_dim3A_51 {strides = array<i32>} : memref<8x512xf32, #tpu.memory_space<vmem>>, vector<8x512xf32>,
      %swap3A_95 = arith.constant 0 : index
      %swap3A_96 = arith.constant 0 : index
      %swap3A_97 = vector.load %arg11[%swap3A_95, %swap3A_96] : memref<8x512xf32, #tpu.memory_space<vmem>>, vector<8x512xf32>
      tpu.vector_store %arg11[%swap3A_95, %swap3A_96], %broadcast_in_dim3A_57 {strides = array<i32>} : memref<8x512xf32, #tpu.memory_space<vmem>>, vector<8x512xf32>,
    } else {
    }
    %jit3A_71 = arith.constant 10 : i32
    %eq3A_72 = arith.constant 0 : i32
    %eq3A_73 = arith.cmpi eq, %jit3A_71, %eq3A_72 : i32
    %jit3A_74 = arith.constant 1 : i32
    %select_n3A_75 = arith.select %eq3A_73, %jit3A_74, %jit3A_71 : i32
    %rem3A_76 = arith.remsi %arg0, %select_n3A_75 : i32
    %ne3A_77 = arith.constant 0 : i32
    %ne3A_78 = arith.cmpi ne, %rem3A_76, %ne3A_77 : i32
    %lt3A_79 = arith.constant 0 : i32
    %lt3A_80 = arith.cmpi slt, %rem3A_76, %lt3A_79 : i32
    %lt3A_81 = arith.constant 0 : i32
    %lt3A_82 = arith.cmpi slt, %select_n3A_75, %lt3A_81 : i32
    %ne3A_83 = arith.xori %lt3A_80, %lt3A_82 : i1
    %and3A_84 = arith.andi %ne3A_83, %ne3A_78 : i1
    %add3A_85 = arith.addi %rem3A_76, %select_n3A_75 : i32
    %select_n3A_86 = arith.select %and3A_84, %add3A_85, %rem3A_76 : i32
    %ne3A_87 = arith.constant 0 : i32
    %ne3A_88 = arith.cmpi ne, %select_n3A_86, %ne3A_87 : i32
    %convert_element_type3A_89 = arith.extui %ne3A_88 : i1 to i32
    %cond3A_90 = arith.constant 0 : i32
    %cond3A_91 = arith.cmpi ne, %convert_element_type3A_89, %cond3A_90 : i32
    scf.if %cond3A_91 {
      %get3A_92 = arith.constant 0 : index
      %get3A_93 = arith.constant 0 : index
      %get3A_94 = vector.load %arg10[%get3A_92, %get3A_93] : memref<8x512xf32, #tpu.memory_space<vmem>>, vector<8x512xf32>
      %add3A_95 = arith.addf %get3A_94, %broadcast_in_dim3A_51 : vector<8x512xf32>
      %swap3A_96 = arith.constant 0 : index
      %swap3A_97 = arith.constant 0 : index
      %swap3A_98 = vector.load %arg10[%swap3A_96, %swap3A_97] : memref<8x512xf32, #tpu.memory_space<vmem>>, vector<8x512xf32>
      tpu.vector_store %arg10[%swap3A_96, %swap3A_97], %add3A_95 {strides = array<i32>} : memref<8x512xf32, #tpu.memory_space<vmem>>, vector<8x512xf32>,
      %get3A_99 = arith.constant 0 : index
      %get3A_100 = arith.constant 0 : index
      %get3A_101 = vector.load %arg11[%get3A_99, %get3A_100] : memref<8x512xf32, #tpu.memory_space<vmem>>, vector<8x512xf32>
      %add3A_102 = arith.addf %get3A_101, %broadcast_in_dim3A_57 : vector<8x512xf32>
      %swap3A_103 = arith.constant 0 : index
      %swap3A_104 = arith.constant 0 : index
      %swap3A_105 = vector.load %arg11[%swap3A_103, %swap3A_104] : memref<8x512xf32, #tpu.memory_space<vmem>>, vector<8x512xf32>
      tpu.vector_store %arg11[%swap3A_103, %swap3A_104], %add3A_102 {strides = array<i32>} : memref<8x512xf32, #tpu.memory_space<vmem>>, vector<8x512xf32>,
    } else {
    }
    return
  }
  func.func @transform_0(%arg0: i32) -> (i32, i32) {
    %c0_i32 = arith.constant 0 : i32
    %c0_i32_0 = arith.constant 0 : i32
    return %arg0, %c0_i32 : i32, i32
  }
  func.func @transform_1(%arg0: i32) -> (i32, i32) {
    %jit3A = arith.constant 10 : i32
    %div3A = arith.divsi %arg0, %jit3A : i32
    %sign3A = arith.constant 0 : i32
    %sign3A_0 = arith.cmpi sgt, %arg0, %sign3A : i32
    %sign3A_1 = arith.extui %sign3A_0 : i1 to i32
    %sign3A_2 = arith.constant 0 : i32
    %sign3A_3 = arith.cmpi slt, %arg0, %sign3A_2 : i32
    %sign3A_4 = arith.extui %sign3A_3 : i1 to i32
    %sign3A_5 = arith.subi %sign3A_1, %sign3A_4 : i32
    %sign3A_6 = arith.constant 0 : i32
    %sign3A_7 = arith.cmpi sgt, %jit3A, %sign3A_6 : i32
    %sign3A_8 = arith.extui %sign3A_7 : i1 to i32
    %sign3A_9 = arith.constant 0 : i32
    %sign3A_10 = arith.cmpi slt, %jit3A, %sign3A_9 : i32
    %sign3A_11 = arith.extui %sign3A_10 : i1 to i32
    %sign3A_12 = arith.subi %sign3A_8, %sign3A_11 : i32
    %ne3A = arith.cmpi ne, %sign3A_5, %sign3A_12 : i32
    %rem3A = arith.remsi %arg0, %jit3A : i32
    %ne3A_13 = arith.constant 0 : i32
    %ne3A_14 = arith.cmpi ne, %rem3A, %ne3A_13 : i32
    %and3A = arith.andi %ne3A, %ne3A_14 : i1
    %sub3A = arith.constant 1 : i32
    %sub3A_15 = arith.subi %div3A, %sub3A : i32
    %select_n3A = arith.select %and3A, %sub3A_15, %div3A : i32
    %c0_i32 = arith.constant 0 : i32
    %c0_i32_16 = arith.constant 0 : i32
    return %select_n3A, %c0_i32 : i32, i32
  }
  func.func @transform_2(%arg0: i32) -> (i32, i32) {
    %jit3A = arith.constant 10 : i32
    %div3A = arith.divsi %arg0, %jit3A : i32
    %sign3A = arith.constant 0 : i32
    %sign3A_0 = arith.cmpi sgt, %arg0, %sign3A : i32
    %sign3A_1 = arith.extui %sign3A_0 : i1 to i32
    %sign3A_2 = arith.constant 0 : i32
    %sign3A_3 = arith.cmpi slt, %arg0, %sign3A_2 : i32
    %sign3A_4 = arith.extui %sign3A_3 : i1 to i32
    %sign3A_5 = arith.subi %sign3A_1, %sign3A_4 : i32
    %sign3A_6 = arith.constant 0 : i32
    %sign3A_7 = arith.cmpi sgt, %jit3A, %sign3A_6 : i32
    %sign3A_8 = arith.extui %sign3A_7 : i1 to i32
    %sign3A_9 = arith.constant 0 : i32
    %sign3A_10 = arith.cmpi slt, %jit3A, %sign3A_9 : i32
    %sign3A_11 = arith.extui %sign3A_10 : i1 to i32
    %sign3A_12 = arith.subi %sign3A_8, %sign3A_11 : i32
    %ne3A = arith.cmpi ne, %sign3A_5, %sign3A_12 : i32
    %rem3A = arith.remsi %arg0, %jit3A : i32
    %ne3A_13 = arith.constant 0 : i32
    %ne3A_14 = arith.cmpi ne, %rem3A, %ne3A_13 : i32
    %and3A = arith.andi %ne3A, %ne3A_14 : i1
    %sub3A = arith.constant 1 : i32
    %sub3A_15 = arith.subi %div3A, %sub3A : i32
    %select_n3A = arith.select %and3A, %sub3A_15, %div3A : i32
    %c0_i32 = arith.constant 0 : i32
    %c0_i32_16 = arith.constant 0 : i32
    return %select_n3A, %c0_i32 : i32, i32
  }
  func.func @transform_3(%arg0: i32) -> (i32, i32) {
    %c0_i32 = arith.constant 0 : i32
    %c0_i32_0 = arith.constant 0 : i32
    %c0_i32_1 = arith.constant 0 : i32
    return %c0_i32, %c0_i32_0 : i32, i32
  }
  func.func @transform_4(%arg0: i32) -> (i32, i32) {
    %c0_i32 = arith.constant 0 : i32
    %c0_i32_0 = arith.constant 0 : i32
    %c0_i32_1 = arith.constant 0 : i32
    return %c0_i32, %c0_i32_0 : i32, i32
  }
  func.func @transform_5(%arg0: i32) -> (i32, i32) {
    %c0_i32 = arith.constant 0 : i32
    %c0_i32_0 = arith.constant 0 : i32
    %c0_i32_1 = arith.constant 0 : i32
    return %c0_i32, %c0_i32_0 : i32, i32
  }
  func.func @transform_6(%arg0: i32) -> (i32, i32) {
    %c0_i32 = arith.constant 0 : i32
    %c0_i32_0 = arith.constant 0 : i32
    %c0_i32_1 = arith.constant 0 : i32
    return %c0_i32, %c0_i32_0 : i32, i32
  }
  func.func @transform_7(%arg0: i32) -> (i32, i32) {
    %c0_i32 = arith.constant 0 : i32
    %c0_i32_0 = arith.constant 0 : i32
    %c0_i32_1 = arith.constant 0 : i32
    return %c0_i32, %c0_i32_0 : i32, i32
  }
  func.func @transform_8(%arg0: i32) -> (i32, i32) {
    %c0_i32 = arith.constant 0 : i32
    %c0_i32_0 = arith.constant 0 : i32
    return %arg0, %c0_i32 : i32, i32
  }
  func.func @transform_9(%arg0: i32) -> (i32, i32) {
    %jit3A = arith.constant 10 : i32
    %div3A = arith.divsi %arg0, %jit3A : i32
    %sign3A = arith.constant 0 : i32
    %sign3A_0 = arith.cmpi sgt, %arg0, %sign3A : i32
    %sign3A_1 = arith.extui %sign3A_0 : i1 to i32
    %sign3A_2 = arith.constant 0 : i32
    %sign3A_3 = arith.cmpi slt, %arg0, %sign3A_2 : i32
    %sign3A_4 = arith.extui %sign3A_3 : i1 to i32
    %sign3A_5 = arith.subi %sign3A_1, %sign3A_4 : i32
    %sign3A_6 = arith.constant 0 : i32
    %sign3A_7 = arith.cmpi sgt, %jit3A, %sign3A_6 : i32
    %sign3A_8 = arith.extui %sign3A_7 : i1 to i32
    %sign3A_9 = arith.constant 0 : i32
    %sign3A_10 = arith.cmpi slt, %jit3A, %sign3A_9 : i32
    %sign3A_11 = arith.extui %sign3A_10 : i1 to i32
    %sign3A_12 = arith.subi %sign3A_8, %sign3A_11 : i32
    %ne3A = arith.cmpi ne, %sign3A_5, %sign3A_12 : i32
    %rem3A = arith.remsi %arg0, %jit3A : i32
    %ne3A_13 = arith.constant 0 : i32
    %ne3A_14 = arith.cmpi ne, %rem3A, %ne3A_13 : i32
    %and3A = arith.andi %ne3A, %ne3A_14 : i1
    %sub3A = arith.constant 1 : i32
    %sub3A_15 = arith.subi %div3A, %sub3A : i32
    %select_n3A = arith.select %and3A, %sub3A_15, %div3A : i32
    %c0_i32 = arith.constant 0 : i32
    %c0_i32_16 = arith.constant 0 : i32
    return %select_n3A, %c0_i32 : i32, i32
  }
  func.func @transform_10(%arg0: i32) -> (i32, i32) {
    %jit3A = arith.constant 10 : i32
    %div3A = arith.divsi %arg0, %jit3A : i32
    %sign3A = arith.constant 0 : i32
    %sign3A_0 = arith.cmpi sgt, %arg0, %sign3A : i32
    %sign3A_1 = arith.extui %sign3A_0 : i1 to i32
    %sign3A_2 = arith.constant 0 : i32
    %sign3A_3 = arith.cmpi slt, %arg0, %sign3A_2 : i32
    %sign3A_4 = arith.extui %sign3A_3 : i1 to i32
    %sign3A_5 = arith.subi %sign3A_1, %sign3A_4 : i32
    %sign3A_6 = arith.constant 0 : i32
    %sign3A_7 = arith.cmpi sgt, %jit3A, %sign3A_6 : i32
    %sign3A_8 = arith.extui %sign3A_7 : i1 to i32
    %sign3A_9 = arith.constant 0 : i32
    %sign3A_10 = arith.cmpi slt, %jit3A, %sign3A_9 : i32
    %sign3A_11 = arith.extui %sign3A_10 : i1 to i32
    %sign3A_12 = arith.subi %sign3A_8, %sign3A_11 : i32
    %ne3A = arith.cmpi ne, %sign3A_5, %sign3A_12 : i32
    %rem3A = arith.remsi %arg0, %jit3A : i32
    %ne3A_13 = arith.constant 0 : i32
    %ne3A_14 = arith.cmpi ne, %rem3A, %ne3A_13 : i32
    %and3A = arith.andi %ne3A, %ne3A_14 : i1
    %sub3A = arith.constant 1 : i32
    %sub3A_15 = arith.subi %div3A, %sub3A : i32
    %select_n3A = arith.select %and3A, %sub3A_15, %div3A : i32
    %c0_i32 = arith.constant 0 : i32
    %c0_i32_16 = arith.constant 0 : i32
    return %select_n3A, %c0_i32 : i32, i32
  }
}

module attributes {stable_mosaic.version = 14 : i64} {
  func.func @_loss_body(%arg0: i32, %arg1: memref<1000x512xf32, #tpu.memory_space<vmem>>, %arg2: memref<1000x512xf32, #tpu.memory_space<vmem>>, %arg3: memref<16x512xf32, #tpu.memory_space<vmem>>, %arg4: memref<16x512xf32, #tpu.memory_space<vmem>>, %arg5: memref<1x512xf32, #tpu.memory_space<vmem>>, %arg6: memref<1x512xf32, #tpu.memory_space<vmem>>, %arg7: memref<512x128xf32, #tpu.memory_space<vmem>>, %arg8: memref<1x128xf32, #tpu.memory_space<vmem>>, %arg9: memref<1000x128xf32, #tpu.memory_space<vmem>>, %arg10: memref<1000x128xf32, #tpu.memory_space<vmem>>, %arg11: memref<1x1xf32, #tpu.memory_space<vmem>>) attributes {dimension_semantics = [#tpu.dimension_semantics<arbitrary>], iteration_bounds = array<i64: 10>, scalar_prefetch = 0 : i64, scratch_operands = 0 : i64, tpu.core_type = #tpu.core_type<tc>, window_params = [{transform_indices = @transform_0, window_bounds = array<i64: 1000, 512>}, {transform_indices = @transform_1, window_bounds = array<i64: 1000, 512>}, {pipeline_mode = #tpu.pipeline_mode<synchronous>, transform_indices = @transform_2, window_bounds = array<i64: 16, 512>}, {pipeline_mode = #tpu.pipeline_mode<synchronous>, transform_indices = @transform_3, window_bounds = array<i64: 16, 512>}, {pipeline_mode = #tpu.pipeline_mode<synchronous>, transform_indices = @transform_4, window_bounds = array<i64: 1, 512>}, {pipeline_mode = #tpu.pipeline_mode<synchronous>, transform_indices = @transform_5, window_bounds = array<i64: 1, 512>}, {pipeline_mode = #tpu.pipeline_mode<synchronous>, transform_indices = @transform_6, window_bounds = array<i64: 512, 128>}, {pipeline_mode = #tpu.pipeline_mode<synchronous>, transform_indices = @transform_7, window_bounds = array<i64: 1, 128>}, {transform_indices = @transform_8, window_bounds = array<i64: 1000, 128>}, {transform_indices = @transform_9, window_bounds = array<i64: 1000, 128>}, {pipeline_mode = #tpu.pipeline_mode<synchronous>, transform_indices = @transform_10, window_bounds = array<i64: 1, 1>}]} {
    %get3A = arith.constant 0 : index
    %get3A_0 = arith.constant 0 : index
    %get3A_1 = vector.load %arg1[%get3A, %get3A_0] : memref<1000x512xf32, #tpu.memory_space<vmem>>, vector<1000x512xf32>
    %get3A_2 = arith.constant 0 : index
    %get3A_3 = arith.constant 0 : index
    %get3A_4 = vector.load %arg3[%get3A_2, %get3A_3] : memref<16x512xf32, #tpu.memory_space<vmem>>, vector<1x512xf32>
    %mul3A = arith.constant 9.99999974E-5 : f32
    %mul3A_5 = vector.broadcast %mul3A : f32 to vector<1x512xf32>
    %mul3A_6 = arith.mulf %get3A_4, %mul3A_5 : vector<1x512xf32>
    %get3A_7 = arith.constant 0 : index
    %get3A_8 = arith.constant 0 : index
    %get3A_9 = vector.load %arg4[%get3A_7, %get3A_8] : memref<16x512xf32, #tpu.memory_space<vmem>>, vector<1x512xf32>
    %mul3A_10 = arith.constant 9.99999974E-5 : f32
    %mul3A_11 = vector.broadcast %mul3A_10 : f32 to vector<1x512xf32>
    %mul3A_12 = arith.mulf %get3A_9, %mul3A_11 : vector<1x512xf32>
    %mul3A_13 = arith.mulf %mul3A_6, %mul3A_6 : vector<1x512xf32>
    %sub3A = arith.subf %mul3A_12, %mul3A_13 : vector<1x512xf32>
    %sub3A_14 = vector.broadcast %mul3A_6 : vector<1x512xf32> to vector<1000x512xf32>
    %sub3A_15 = arith.subf %get3A_1, %sub3A_14 : vector<1000x512xf32>
    %add3A = arith.constant 9.99999974E-6 : f32
    %add3A_16 = vector.broadcast %add3A : f32 to vector<1x512xf32>
    %add3A_17 = arith.addf %sub3A, %add3A_16 : vector<1x512xf32>
    %rsqrt3A = math.rsqrt %add3A_17 : vector<1x512xf32>
    %mul3A_18 = vector.broadcast %rsqrt3A : vector<1x512xf32> to vector<1000x512xf32>
    %mul3A_19 = arith.mulf %sub3A_15, %mul3A_18 : vector<1000x512xf32>
    %get3A_20 = arith.constant 0 : index
    %get3A_21 = arith.constant 0 : index
    %get3A_22 = vector.load %arg5[%get3A_20, %get3A_21] : memref<1x512xf32, #tpu.memory_space<vmem>>, vector<1x512xf32>
    %mul3A_23 = vector.broadcast %get3A_22 : vector<1x512xf32> to vector<1000x512xf32>
    %mul3A_24 = arith.mulf %mul3A_19, %mul3A_23 : vector<1000x512xf32>
    %get3A_25 = arith.constant 0 : index
    %get3A_26 = arith.constant 0 : index
    %get3A_27 = vector.load %arg6[%get3A_25, %get3A_26] : memref<1x512xf32, #tpu.memory_space<vmem>>, vector<1x512xf32>
    %add3A_28 = vector.broadcast %get3A_27 : vector<1x512xf32> to vector<1000x512xf32>
    %add3A_29 = arith.addf %mul3A_24, %add3A_28 : vector<1000x512xf32>
    %get3A_30 = arith.constant 0 : index
    %get3A_31 = arith.constant 0 : index
    %get3A_32 = vector.load %arg7[%get3A_30, %get3A_31] : memref<512x128xf32, #tpu.memory_space<vmem>>, vector<512x128xf32>
    %dot_general3A = arith.constant dense<0.000000e+00> : vector<1000x128xf32>
    %dot_general3A_33 = tpu.matmul %add3A_29, %get3A_32, %dot_general3A {dimension_numbers = #tpu.dot_dimension_numbers<[1], [0], [0], [1], [0, 0, 1, 1], [], []>, transpose_lhs_hint = false} : vector<1000x512xf32>, vector<512x128xf32>, vector<1000x128xf32> -> vector<1000x128xf32>
    %get3A_34 = arith.constant 0 : index
    %get3A_35 = arith.constant 0 : index
    %get3A_36 = vector.load %arg8[%get3A_34, %get3A_35] : memref<1x128xf32, #tpu.memory_space<vmem>>, vector<1x128xf32>
    %add3A_37 = vector.broadcast %get3A_36 : vector<1x128xf32> to vector<1000x128xf32>
    %add3A_38 = arith.addf %dot_general3A_33, %add3A_37 : vector<1000x128xf32>
    %get3A_39 = arith.constant 0 : index
    %get3A_40 = arith.constant 0 : index
    %get3A_41 = vector.load %arg2[%get3A_39, %get3A_40] : memref<1000x512xf32, #tpu.memory_space<vmem>>, vector<1000x512xf32>
    %get3A_42 = arith.constant 8 : index
    %get3A_43 = arith.constant 0 : index
    %get3A_44 = vector.load %arg3[%get3A_42, %get3A_43] : memref<16x512xf32, #tpu.memory_space<vmem>>, vector<1x512xf32>
    %mul3A_45 = arith.constant 9.99999974E-5 : f32
    %mul3A_46 = vector.broadcast %mul3A_45 : f32 to vector<1x512xf32>
    %mul3A_47 = arith.mulf %get3A_44, %mul3A_46 : vector<1x512xf32>
    %get3A_48 = arith.constant 8 : index
    %get3A_49 = arith.constant 0 : index
    %get3A_50 = vector.load %arg4[%get3A_48, %get3A_49] : memref<16x512xf32, #tpu.memory_space<vmem>>, vector<1x512xf32>
    %mul3A_51 = arith.constant 9.99999974E-5 : f32
    %mul3A_52 = vector.broadcast %mul3A_51 : f32 to vector<1x512xf32>
    %mul3A_53 = arith.mulf %get3A_50, %mul3A_52 : vector<1x512xf32>
    %mul3A_54 = arith.mulf %mul3A_47, %mul3A_47 : vector<1x512xf32>
    %sub3A_55 = arith.subf %mul3A_53, %mul3A_54 : vector<1x512xf32>
    %sub3A_56 = vector.broadcast %mul3A_47 : vector<1x512xf32> to vector<1000x512xf32>
    %sub3A_57 = arith.subf %get3A_41, %sub3A_56 : vector<1000x512xf32>
    %add3A_58 = arith.constant 9.99999974E-6 : f32
    %add3A_59 = vector.broadcast %add3A_58 : f32 to vector<1x512xf32>
    %add3A_60 = arith.addf %sub3A_55, %add3A_59 : vector<1x512xf32>
    %rsqrt3A_61 = math.rsqrt %add3A_60 : vector<1x512xf32>
    %mul3A_62 = vector.broadcast %rsqrt3A_61 : vector<1x512xf32> to vector<1000x512xf32>
    %mul3A_63 = arith.mulf %sub3A_57, %mul3A_62 : vector<1000x512xf32>
    %get3A_64 = arith.constant 0 : index
    %get3A_65 = arith.constant 0 : index
    %get3A_66 = vector.load %arg5[%get3A_64, %get3A_65] : memref<1x512xf32, #tpu.memory_space<vmem>>, vector<1x512xf32>
    %mul3A_67 = vector.broadcast %get3A_66 : vector<1x512xf32> to vector<1000x512xf32>
    %mul3A_68 = arith.mulf %mul3A_63, %mul3A_67 : vector<1000x512xf32>
    %get3A_69 = arith.constant 0 : index
    %get3A_70 = arith.constant 0 : index
    %get3A_71 = vector.load %arg6[%get3A_69, %get3A_70] : memref<1x512xf32, #tpu.memory_space<vmem>>, vector<1x512xf32>
    %add3A_72 = vector.broadcast %get3A_71 : vector<1x512xf32> to vector<1000x512xf32>
    %add3A_73 = arith.addf %mul3A_68, %add3A_72 : vector<1000x512xf32>
    %get3A_74 = arith.constant 0 : index
    %get3A_75 = arith.constant 0 : index
    %get3A_76 = vector.load %arg7[%get3A_74, %get3A_75] : memref<512x128xf32, #tpu.memory_space<vmem>>, vector<512x128xf32>
    %dot_general3A_77 = arith.constant dense<0.000000e+00> : vector<1000x128xf32>
    %dot_general3A_78 = tpu.matmul %add3A_73, %get3A_76, %dot_general3A_77 {dimension_numbers = #tpu.dot_dimension_numbers<[1], [0], [0], [1], [0, 0, 1, 1], [], []>, transpose_lhs_hint = false} : vector<1000x512xf32>, vector<512x128xf32>, vector<1000x128xf32> -> vector<1000x128xf32>
    %get3A_79 = arith.constant 0 : index
    %get3A_80 = arith.constant 0 : index
    %get3A_81 = vector.load %arg8[%get3A_79, %get3A_80] : memref<1x128xf32, #tpu.memory_space<vmem>>, vector<1x128xf32>
    %add3A_82 = vector.broadcast %get3A_81 : vector<1x128xf32> to vector<1000x128xf32>
    %add3A_83 = arith.addf %dot_general3A_78, %add3A_82 : vector<1000x128xf32>
    %mul3A_84 = arith.mulf %add3A_38, %add3A_38 : vector<1000x128xf32>
    %reduce_sum3A = arith.constant dense<0.000000e+00> : vector<1000xf32>
    %reduce_sum3A_85 = vector.multi_reduction <add>, %mul3A_84, %reduce_sum3A [1] : vector<1000x128xf32> to vector<1000xf32>
    %broadcast_in_dim3A = vector.shape_cast %reduce_sum3A_85 : vector<1000xf32> to vector<1000x1xf32>
    %sqrt3A = math.sqrt %broadcast_in_dim3A : vector<1000x1xf32>
    %max3A = arith.constant 9.99999996E-13 : f32
    %max3A_86 = vector.broadcast %max3A : f32 to vector<1000x1xf32>
    %max3A_87 = arith.maximumf %sqrt3A, %max3A_86 : vector<1000x1xf32>
    %div3A = vector.broadcast %max3A_87 : vector<1000x1xf32> to vector<1000x128xf32>
    %div3A_88 = arith.divf %add3A_38, %div3A : vector<1000x128xf32>
    %get3A_89 = arith.constant 0 : index
    %get3A_90 = arith.constant 0 : index
    %get3A_91 = vector.load %arg10[%get3A_89, %get3A_90] : memref<1000x128xf32, #tpu.memory_space<vmem>>, vector<1000x128xf32>
    %mul3A_92 = arith.mulf %get3A_91, %get3A_91 : vector<1000x128xf32>
    %reduce_sum3A_93 = arith.constant dense<0.000000e+00> : vector<1000xf32>
    %reduce_sum3A_94 = vector.multi_reduction <add>, %mul3A_92, %reduce_sum3A_93 [1] : vector<1000x128xf32> to vector<1000xf32>
    %broadcast_in_dim3A_95 = vector.shape_cast %reduce_sum3A_94 : vector<1000xf32> to vector<1000x1xf32>
    %sqrt3A_96 = math.sqrt %broadcast_in_dim3A_95 : vector<1000x1xf32>
    %max3A_97 = arith.constant 9.99999996E-13 : f32
    %max3A_98 = vector.broadcast %max3A_97 : f32 to vector<1000x1xf32>
    %max3A_99 = arith.maximumf %sqrt3A_96, %max3A_98 : vector<1000x1xf32>
    %div3A_100 = vector.broadcast %max3A_99 : vector<1000x1xf32> to vector<1000x128xf32>
    %div3A_101 = arith.divf %get3A_91, %div3A_100 : vector<1000x128xf32>
    %mul3A_102 = arith.mulf %div3A_88, %div3A_101 : vector<1000x128xf32>
    %reduce_sum3A_103 = arith.constant dense<0.000000e+00> : vector<1000xf32>
    %reduce_sum3A_104 = vector.multi_reduction <add>, %mul3A_102, %reduce_sum3A_103 [1] : vector<1000x128xf32> to vector<1000xf32>
    %mul3A_105 = arith.mulf %add3A_83, %add3A_83 : vector<1000x128xf32>
    %reduce_sum3A_106 = arith.constant dense<0.000000e+00> : vector<1000xf32>
    %reduce_sum3A_107 = vector.multi_reduction <add>, %mul3A_105, %reduce_sum3A_106 [1] : vector<1000x128xf32> to vector<1000xf32>
    %broadcast_in_dim3A_108 = vector.shape_cast %reduce_sum3A_107 : vector<1000xf32> to vector<1000x1xf32>
    %sqrt3A_109 = math.sqrt %broadcast_in_dim3A_108 : vector<1000x1xf32>
    %max3A_110 = arith.constant 9.99999996E-13 : f32
    %max3A_111 = vector.broadcast %max3A_110 : f32 to vector<1000x1xf32>
    %max3A_112 = arith.maximumf %sqrt3A_109, %max3A_111 : vector<1000x1xf32>
    %div3A_113 = vector.broadcast %max3A_112 : vector<1000x1xf32> to vector<1000x128xf32>
    %div3A_114 = arith.divf %add3A_83, %div3A_113 : vector<1000x128xf32>
    %get3A_115 = arith.constant 0 : index
    %get3A_116 = arith.constant 0 : index
    %get3A_117 = vector.load %arg9[%get3A_115, %get3A_116] : memref<1000x128xf32, #tpu.memory_space<vmem>>, vector<1000x128xf32>
    %mul3A_118 = arith.mulf %get3A_117, %get3A_117 : vector<1000x128xf32>
    %reduce_sum3A_119 = arith.constant dense<0.000000e+00> : vector<1000xf32>
    %reduce_sum3A_120 = vector.multi_reduction <add>, %mul3A_118, %reduce_sum3A_119 [1] : vector<1000x128xf32> to vector<1000xf32>
    %broadcast_in_dim3A_121 = vector.shape_cast %reduce_sum3A_120 : vector<1000xf32> to vector<1000x1xf32>
    %sqrt3A_122 = math.sqrt %broadcast_in_dim3A_121 : vector<1000x1xf32>
    %max3A_123 = arith.constant 9.99999996E-13 : f32
    %max3A_124 = vector.broadcast %max3A_123 : f32 to vector<1000x1xf32>
    %max3A_125 = arith.maximumf %sqrt3A_122, %max3A_124 : vector<1000x1xf32>
    %div3A_126 = vector.broadcast %max3A_125 : vector<1000x1xf32> to vector<1000x128xf32>
    %div3A_127 = arith.divf %get3A_117, %div3A_126 : vector<1000x128xf32>
    %mul3A_128 = arith.mulf %div3A_114, %div3A_127 : vector<1000x128xf32>
    %reduce_sum3A_129 = arith.constant dense<0.000000e+00> : vector<1000xf32>
    %reduce_sum3A_130 = vector.multi_reduction <add>, %mul3A_128, %reduce_sum3A_129 [1] : vector<1000x128xf32> to vector<1000xf32>
    %mul3A_131 = arith.constant 2.000000e+00 : f32
    %mul3A_132 = vector.broadcast %mul3A_131 : f32 to vector<1000xf32>
    %mul3A_133 = arith.mulf %mul3A_132, %reduce_sum3A_104 : vector<1000xf32>
    %sub3A_134 = arith.constant 4.000000e+00 : f32
    %sub3A_135 = vector.broadcast %sub3A_134 : f32 to vector<1000xf32>
    %sub3A_136 = arith.subf %sub3A_135, %mul3A_133 : vector<1000xf32>
    %mul3A_137 = arith.constant 2.000000e+00 : f32
    %mul3A_138 = vector.broadcast %mul3A_137 : f32 to vector<1000xf32>
    %mul3A_139 = arith.mulf %mul3A_138, %reduce_sum3A_130 : vector<1000xf32>
    %sub3A_140 = arith.subf %sub3A_136, %mul3A_139 : vector<1000xf32>
    %reduce_sum3A_141 = vector.shape_cast %sub3A_140 : vector<1000xf32> to vector<1x1000xf32>
    %reduce_sum3A_142 = arith.constant dense<0.000000e+00> : vector<1xf32>
    %reduce_sum3A_143 = vector.multi_reduction <add>, %reduce_sum3A_141, %reduce_sum3A_142 [1] : vector<1x1000xf32> to vector<1xf32>
    %reduce_sum3A_144 = vector.shape_cast %reduce_sum3A_143 : vector<1xf32> to vector<1x1xf32>
    %reduce_sum3A_145 = vector.extract %reduce_sum3A_144[0, 0] : f32 from vector<1x1xf32>
    %mul3A_146 = arith.constant 9.99999974E-5 : f32
    %mul3A_147 = arith.mulf %reduce_sum3A_145, %mul3A_146 : f32
    %reshape3A = vector.broadcast %mul3A_147 : f32 to vector<1x1xf32>
    %eq3A = arith.constant 0 : i32
    %eq3A_148 = arith.cmpi eq, %arg0, %eq3A : i32
    %convert_element_type3A = arith.extui %eq3A_148 : i1 to i32
    %cond3A = arith.constant 0 : i32
    %cond3A_149 = arith.cmpi ne, %convert_element_type3A, %cond3A : i32
    scf.if %cond3A_149 {
      %swap3A = arith.constant 0 : index
      %swap3A_154 = arith.constant 0 : index
      %swap3A_155 = vector.load %arg11[%swap3A, %swap3A_154] : memref<1x1xf32, #tpu.memory_space<vmem>>, vector<1x1xf32>
      tpu.vector_store %arg11[%swap3A, %swap3A_154], %reshape3A {strides = array<i32>} : memref<1x1xf32, #tpu.memory_space<vmem>>, vector<1x1xf32>,
    } else {
    }
    %ne3A = arith.constant 0 : i32
    %ne3A_150 = arith.cmpi ne, %arg0, %ne3A : i32
    %convert_element_type3A_151 = arith.extui %ne3A_150 : i1 to i32
    %cond3A_152 = arith.constant 0 : i32
    %cond3A_153 = arith.cmpi ne, %convert_element_type3A_151, %cond3A_152 : i32
    scf.if %cond3A_153 {
      %get3A_154 = arith.constant 0 : index
      %get3A_155 = arith.constant 0 : index
      %get3A_156 = vector.load %arg11[%get3A_154, %get3A_155] : memref<1x1xf32, #tpu.memory_space<vmem>>, vector<1x1xf32>
      %add3A_157 = arith.addf %get3A_156, %reshape3A : vector<1x1xf32>
      %swap3A = arith.constant 0 : index
      %swap3A_158 = arith.constant 0 : index
      %swap3A_159 = vector.load %arg11[%swap3A, %swap3A_158] : memref<1x1xf32, #tpu.memory_space<vmem>>, vector<1x1xf32>
      tpu.vector_store %arg11[%swap3A, %swap3A_158], %add3A_157 {strides = array<i32>} : memref<1x1xf32, #tpu.memory_space<vmem>>, vector<1x1xf32>,
    } else {
    }
    return
  }
  func.func @transform_0(%arg0: i32) -> (i32, i32) {
    %c0_i32 = arith.constant 0 : i32
    %c0_i32_0 = arith.constant 0 : i32
    return %arg0, %c0_i32 : i32, i32
  }
  func.func @transform_1(%arg0: i32) -> (i32, i32) {
    %add3A = arith.constant 10 : i32
    %add3A_0 = arith.addi %arg0, %add3A : i32
    %c0_i32 = arith.constant 0 : i32
    %c0_i32_1 = arith.constant 0 : i32
    return %add3A_0, %c0_i32 : i32, i32
  }
  func.func @transform_2(%arg0: i32) -> (i32, i32) {
    %c0_i32 = arith.constant 0 : i32
    %c0_i32_0 = arith.constant 0 : i32
    %c0_i32_1 = arith.constant 0 : i32
    return %c0_i32, %c0_i32_0 : i32, i32
  }
  func.func @transform_3(%arg0: i32) -> (i32, i32) {
    %c0_i32 = arith.constant 0 : i32
    %c0_i32_0 = arith.constant 0 : i32
    %c0_i32_1 = arith.constant 0 : i32
    return %c0_i32, %c0_i32_0 : i32, i32
  }
  func.func @transform_4(%arg0: i32) -> (i32, i32) {
    %c0_i32 = arith.constant 0 : i32
    %c0_i32_0 = arith.constant 0 : i32
    %c0_i32_1 = arith.constant 0 : i32
    return %c0_i32, %c0_i32_0 : i32, i32
  }
  func.func @transform_5(%arg0: i32) -> (i32, i32) {
    %c0_i32 = arith.constant 0 : i32
    %c0_i32_0 = arith.constant 0 : i32
    %c0_i32_1 = arith.constant 0 : i32
    return %c0_i32, %c0_i32_0 : i32, i32
  }
  func.func @transform_6(%arg0: i32) -> (i32, i32) {
    %c0_i32 = arith.constant 0 : i32
    %c0_i32_0 = arith.constant 0 : i32
    %c0_i32_1 = arith.constant 0 : i32
    return %c0_i32, %c0_i32_0 : i32, i32
  }
  func.func @transform_7(%arg0: i32) -> (i32, i32) {
    %c0_i32 = arith.constant 0 : i32
    %c0_i32_0 = arith.constant 0 : i32
    %c0_i32_1 = arith.constant 0 : i32
    return %c0_i32, %c0_i32_0 : i32, i32
  }
  func.func @transform_8(%arg0: i32) -> (i32, i32) {
    %c0_i32 = arith.constant 0 : i32
    %c0_i32_0 = arith.constant 0 : i32
    return %arg0, %c0_i32 : i32, i32
  }
  func.func @transform_9(%arg0: i32) -> (i32, i32) {
    %add3A = arith.constant 10 : i32
    %add3A_0 = arith.addi %arg0, %add3A : i32
    %c0_i32 = arith.constant 0 : i32
    %c0_i32_1 = arith.constant 0 : i32
    return %add3A_0, %c0_i32 : i32, i32
  }
  func.func @transform_10(%arg0: i32) -> (i32, i32) {
    %c0_i32 = arith.constant 0 : i32
    %c0_i32_0 = arith.constant 0 : i32
    %c0_i32_1 = arith.constant 0 : i32
    return %c0_i32, %c0_i32_0 : i32, i32
  }
}

</mosaic_0001>

<sc_bundles>
// kernel: kernel.10.cloned.1.call-start
scs
__scs_entry_jumppad:
0x0: {  	(pc) =	sbr.rel $0x88, $3  }
0x1: {  	(tag) =	ssettag $0x0;
	lr =	simm.s32 $0x1  }
0x2: {  	[smem:$0x3F8F] =	sst lr;
	_ =	strace $0xD0000000  }
0x3: {  	_ = 	snop  }
0x4: {  	_ = 	snop  }
0x5: {  	_ = 	snop  }
0x6: {  	_ = 	snop  }
0x7: {  	_ = 	snop  }
__scs_overlays_trampoline_lowered:
0x8: {  	[smem:$0x3F9E] =	sst s0  }
0x9: {  	[smem:$0x3F9F] =	sst s1  }
0xa: {  	[smem:$0x3FA0] =	sst s2  }
0xb: {  	[smem:$0x3FA1] =	sst s3  }
0xc: {  	[smem:$0x3FA2] =	sst s4  }
0xd: {  	[smem:$0x3FA3] =	sst s5  }
0xe: {  	[smem:$0x3FA4] =	sst s6  }
0xf: {  	[smem:$0x3FA5] =	sst s7  }
0x10: {  	[smem:$0x3FA6] =	sst s8  }
0x11: {  	[smem:$0x3FA7] =	sst s9;
	s0 =	simm.s32 @!p0 $0x0  }
0x12: {  	s1 =	sld [smem:$0x3F8D];
	s0 =	simm.s32 @p0 $0x1  }
0x13: {  	[smem:$0x3FA8] =	sst s0;
	s0 =	simm.s32 @!p1 $0x0  }
0x14: {  	s2 =	sld [smem:$0x3F8C];
	s0 =	simm.s32 @p1 $0x1  }
0x15: {  	[smem:$0x3FA9] =	sst s0;
	s0 =	simm.s32 @!p2 $0x0  }
0x16: {  	s3 =	sld [smem:$0x3FDB];
	s0 =	simm.s32 @p2 $0x1  }
0x17: {  	s4 =	simm.s32 $0x1BF5;
	[smem:$0x3FAB] =	sst s0  }
0x18: {  	s0 =	sld [smem:$0x3F8E];
	_ =	swait.ge [sflag:s4], $0x0  }
0x19: {  	s7 =	sld [smem:$0x3F8F]  }
0x1a: {  	s8 =	sadd.s32 $0xFFFFE003, lr  }
0x1b: {  	s9 =	sadd.s32 $0xFFFFFEF7, lr;
	s5 =	simm.s32 $0xFFFFFFFF;
	p2 =	slt.u32 s8, $0xFFFFF086  }
0x1c: {  	p1 =	slt.u32 s9, $0xF7A;
	s5 =	simm.s32 @!p2 $0x0  }
0x1d: {  	s5 =	simm.s32 @p1 $0x1;
	p0 =	seq.s32 s7, s2  }
0x1e: {  	s7 =	smul.u32 @!p0 $0xF7A, s2;
	p2 =	seq.s32 @!p0 s5, $0x0  }
0x1f: {  	s9 =	smul.u32 $0xF7A, s1;
	s8 =	simm.s32 @!p0 $0x1BF5;
	p2 =	por !p2, p0  }
0x20: {  	[sflag:s8] =	ssyncset.s32 @!p0 $0xFFFFF086;
	s6 =	sadd.s32 @!p0 s3, s7;
	s7 =	simm.s32 @!p0 $0x108  }
0x21: {  	s3 =	sadd.s32 s3, s9;
	s6 =	sadd.s32 @!p0 $0x88, s6;
	s7 =	simm.s32 @p2 $0x1082  }
0x22: {  	[simem:s7], [sflag:s8] =	dma.local @!p0 [hbm:s6], $0xF7A  }
0x23: {  	s9 =	sor.u32 $0xD0000000, s2;
	s6 =	simm.s32 $0x108;
	_ =	swait.ge @!p0 [sflag:s8], $0x0  }
0x24: {  	s3 =	sadd.s32 $0x88, s3;
	s6 =	simm.s32 @!p1 $0x1082;
	[sflag:s4] =	ssyncset.s32 $0xFFFFF086  }
0x25: {  	[simem:s6], [sflag:s4] =	dma.local [hbm:s3], $0xF7A  }
0x26: {  	[smem:$0x3F8F] =	sst s1;
	(tag) =	ssettag s2;
	_ =	strace s9  }
0x27: {  	s1 =	sld [smem:$0x3F9F]  }
0x28: {  	s2 =	sld [smem:$0x3FA0]  }
0x29: {  	s4 =	sld [smem:$0x3FA2]  }
0x2a: {  	p0 =	seq.s32 s5, $0x0;
	s5 =	sld [smem:$0x3FA3]  }
0x2b: {  	s6 =	sld [smem:$0x3FA4]  }
0x2c: {  	s7 =	sld [smem:$0x3FA5]  }
0x2d: {  	s3 =	simm.s32 $0x108;
	s8 =	sld [smem:$0x3FA6]  }
0x2e: {  	s3 =	simm.s32 @!p0 $0x1082;
	s9 =	sld [smem:$0x3FA7]  }
0x2f: {  	lr =	sadd.s32 s0, s3;
	s0 =	sld [smem:$0x3F9E]  }
0x30: {  	s3 =	sld [smem:$0x3FA1]  }
0x31: {  	[smem:$0x3FAA] =	sst s10  }
0x32: {  	s10 =	sld [smem:$0x3FA8];
	_ =	sdelay $0x3  }
0x33: {  	p0 =	seq.s32 s10, $0x1;
	s10 =	sld [smem:$0x3FAA];
	_ =	sdelay $0x3  }
0x34: {  	[smem:$0x3FAA] =	sst s10  }
0x35: {  	s10 =	sld [smem:$0x3FA9];
	_ =	sdelay $0x3  }
0x36: {  	p1 =	seq.s32 s10, $0x1;
	s10 =	sld [smem:$0x3FAA];
	_ =	sdelay $0x3  }
0x37: {  	[smem:$0x3FAA] =	sst s10  }
0x38: {  	s10 =	sld [smem:$0x3FAB]  }
0x39: {  	_ = 	snop;
	(pc) =	sbr.ind lr, $3  }
0x3a: {  	_ = 	snop  }
0x3b: {  	_ = 	snop  }
0x3c: {  	p2 =	seq.s32 s10, $0x1;
	s10 =	sld [smem:$0x3FAA]  }
0x3d: {  	_ =	shalt  }
0x3e: {  	_ =	shalt  }
0x3f: {  	_ =	shalt  }
0x40: {  	_ =	shalt  }
0x41: {  	_ =	shalt  }
0x42: {  	_ =	shalt  }
0x43: {  	_ =	shalt  }
0x44: {  	_ =	shalt  }
0x45: {  	_ =	shalt  }
0x46: {  	_ =	shalt  }
0x47: {  	_ =	shalt  }
0x48: {  	_ =	shalt  }
0x49: {  	_ =	shalt  }
0x4a: {  	_ =	shalt  }
0x4b: {  	_ =	shalt  }
0x4c: {  	_ =	shalt  }
0x4d: {  	_ =	shalt  }
0x4e: {  	_ =	shalt  }
0x4f: {  	_ =	shalt  }
0x50: {  	_ =	shalt  }
0x51: {  	_ =	shalt  }
0x52: {  	_ =	shalt  }
0x53: {  	_ =	shalt  }
0x54: {  	_ =	shalt  }
0x55: {  	_ =	shalt  }
0x56: {  	_ =	shalt  }
0x57: {  	_ =	shalt  }
0x58: {  	_ =	shalt  }
0x59: {  	_ =	shalt  }
0x5a: {  	_ =	shalt  }
0x5b: {  	_ =	shalt  }
0x5c: {  	_ =	shalt  }
0x5d: {  	_ =	shalt  }
0x5e: {  	_ =	shalt  }
0x5f: {  	_ =	shalt  }
0x60: {  	_ =	shalt  }
0x61: {  	_ =	shalt  }
0x62: {  	_ =	shalt  }
0x63: {  	_ =	shalt  }
0x64: {  	_ =	shalt  }
0x65: {  	_ =	shalt  }
0x66: {  	_ =	shalt  }
0x67: {  	_ =	shalt  }
0x68: {  	_ =	shalt  }
0x69: {  	_ =	shalt  }
0x6a: {  	_ =	shalt  }
0x6b: {  	_ =	shalt  }
0x6c: {  	_ =	shalt  }
0x6d: {  	_ =	shalt  }
0x6e: {  	_ =	shalt  }
0x6f: {  	_ =	shalt  }
0x70: {  	_ =	shalt  }
0x71: {  	_ =	shalt  }
0x72: {  	_ =	shalt  }
0x73: {  	_ =	shalt  }
0x74: {  	_ =	shalt  }
0x75: {  	_ =	shalt  }
0x76: {  	_ =	shalt  }
0x77: {  	_ =	shalt  }
0x78: {  	_ =	shalt  }
0x79: {  	_ =	shalt  }
0x7a: {  	_ =	shalt  }
0x7b: {  	_ =	shalt  }
0x7c: {  	_ =	shalt  }
0x7d: {  	_ =	shalt  }
0x7e: {  	_ =	shalt  }
0x7f: {  	_ =	shalt  }
0x80: {  	_ =	shalt  }
0x81: {  	_ =	shalt  }
0x82: {  	_ =	shalt  }
0x83: {  	_ =	shalt  }
0x84: {  	_ =	shalt  }
0x85: {  	_ =	shalt  }
0x86: {  	_ =	shalt  }
0x87: {  	_ =	shalt  }
.Lfunc_end0:
.L_simem_size_0:
called_computation_lowered:
.L_overlay_start_0:
0x88: {  	s2 =	sld [smem:$0x3FD9]  }
0x89: {  	s3 =	sld [smem:$0x3FFE];
	_ =	sdelay $0x1  }
0x8a: {  	s1 =	srdreg.scid  }
0x8b: {  	s0 =	sand.u32 $0x1, s1  }
0x8c: {  	s14 =	sshll.u32 s0, $0xA;
	s2 =	sadd.s32 s3, s2  }
0x8d: {  	s2 =	sadd.s32 s2, s14  }
0x8e: {  	[smem:$0x3FB6] =	sst s2  }
0x8f: {  	_ = 	snop  }
0x90: {  	s2 =	sld [smem:$0x3FD0];
	_ =	sdelay $0x2  }
0x91: {  	s15 =	simm.s32 $0xA;
	s4 =	simm.s32 $0x10  }
0x92: {  	[smem:s4], [sflag:s15] =	dma.local [hbm:s2], $0x1  }
0x93: {  	_ =	swait.eq [sflag:s15], $0x1  }
0x94: {  	[sflag:s15] =	ssyncset.done $0x0  }
0x95: {  	[sflag:s15] =	ssyncadd.s32 $0xFFFFFFFF  }
0x96: {  	s16 =	sld [smem:$0x10];
	(tm) =	ssettm $0x1  }
0x97: {  	s17 =	sld [smem:$0x3FFB];
	_ =	sdelay $0x3  }
0x98: {  	_ =	strace s17  }
0x99: {  	s3 =	sld [smem:$0x3FFC];
	_ =	sdelay $0x3  }
0x9a: {  	_ =	strace s3  }
0x9b: {  	s3 =	sld [smem:$0x3FFD];
	_ =	sdelay $0x3  }
0x9c: {  	_ =	strace s3  }
0x9d: {  	_ =	strace $0x8FFFFFFF  }
0x9e: {  	s18 =	sld [smem:$0x3FDB];
	_ =	sdelay $0x1  }
0x9f: {  	s19 =	simm.s32 $_scs_section_size  }
0xa0: {  	s5 =	simm.s32 $_size__tile_overlayer_lowered;
	s6 =	simm.s32 $_tile_overlayer_lowered  }
0xa1: {  	s22 =	simm.s32 $0x1BFF;
	s21 =	sshll.u32 s6, $0x1;
	s3 =	sadd.s32 s19, s18  }
0xa2: {  	s7 =	simm.s32 $0x0;
	s20 =	sshll.u32 s5, $0x1;
	s5 =	sadd.s32 s21, s3  }
0xa3: {  	[timem:s7], [sflag:s22] =	dma.local [hbm:s5], s20  }
0xa4: {  	_ =	swait.ge [sflag:s22], s20  }
0xa5: {  	s4 =	ssub.s32 $0x0, s20;
	[sflag:s22] =	ssyncset.done $0x0  }
0xa6: {  	[sflag:s22] =	ssyncadd.s32 s4;
	_ =	sdelay $0x1  }
0xa7: {  	s23 =	simm.s32 $0x1B8B  }
0xa8: {  	_ =	swait.ge [sflag:s23], $0x1  }
0xa9: {  	[sflag:s23] =	ssyncset.done $0x0  }
0xaa: {  	s25 =	simm.s32 $0x1B8E;
	s24 =	sld [smem:$0x3FFE];
	[sflag:s23] =	ssyncadd.s32 $0xFFFFFFFF  }
0xab: {  	s26 =	simm.s32 $execute0_lowered;
	[smem:$0x3FD2] =	sst s25  }
0xac: {  	s5 =	sshll.u32 s26, $0x1;
	_ =	strace $0x80000046;
	[dreg:$0x1] =	wrdreg $0xFFFFFFFF  }
0xad: {  	s28 =	simm.s32 $_size_execute0_lowered;
	s3 =	sadd.s32 s3, s5;
	[dreg:$0x0] =	wrdreg $0x0  }
0xae: {  	s5 =	sshll.u32 s28, $0x1;
	[dreg:$0x2] =	wrdreg s3  }
0xaf: {  	[dreg:$0x3] =	wrdreg s5  }
0xb0: {  	[dreg:$0x4] =	wrdreg $0xC0  }
0xb1: {  	_ =	task [dreg:s7], $0x5FFFF  }
0xb2: {  	[dreg:$0x1] =	wrdreg $0xFFFFFFFF  }
0xb3: {  	[dreg:$0x0] =	wrdreg $0x60  }
0xb4: {  	[dreg:$0x2] =	wrdreg s16  }
0xb5: {  	[dreg:$0x3] =	wrdreg s24  }
0xb6: {  	[dreg:$0x4] =	wrdreg $0x0  }
0xb7: {  	[dreg:$0x5] =	wrdreg $0x9  }
0xb8: {  	_ =	task.clear_ibuf [dreg:s7], $0x6FFFF;
	_ =	strace $0x90000046  }
0xb9: {  	s29 =	simm.s32 $0x9;
	_ =	strace $0x80000048  }
0xba: {  	_ =	swait.ge [sflag:s29], $0x1  }
0xbb: {  	[sflag:s29] =	ssyncadd.s32 $0xFFFFFFFF  }
0xbc: {  	_ =	strace $0x90000048  }
0xbd: {  	_ =	sfence  }
0xbe: {  	s30 =	sld [smem:$0x0];
	_ =	sdelay $0x2  }
0xbf: {  	s31 =	sshll.u32 s1, $0xD;
	s1 =	sshrl.u32 s1, $0x2  }
0xc0: {  	s3 =	sand.u32 $0x4000, s31;
	s1 =	sadd.s32 s1, s30  }
0xc1: {  	s0 =	sor.u32 s3, s0;
	s1 =	sshll.u32 s1, $0x11  }
0xc2: {  	s0 =	sor.u32 s1, s0  }
0xc3: {  	s0 =	sadd.s32 $0x8F2B, s0  }
0xc4: {  	[sflag:s0] =	ssyncadd.remote.s32 $0x1  }
0xc5: {  	_ =	sfence.sel $0xFFFF  }
0xc6: {  	[dreg:$0x0] =	wrdreg $0xFFFFFFFF;
	(pc) =	sbr.abs _section_cstart, $3  }
0xc7: {  	[dreg:$0x1] =	wrdreg $0xFFFFFFFF  }
0xc8: {  	_ =	task.clear_ibuf [dreg:s7], $0x2FFFF;
	_ =	strace $0x9FFFFFFF  }
0xc9: {  	(tm) =	ssettm $0x7FFFFFFF  }
tec
execute0_lowered:
.L_overlay_start_1:
0x0: {  	(tag) =	ssettag $0x1  }
0x1: {  	s6 =	rddreg [dreg:$0x0]  }
0x2: {  	s5 =	rddreg [dreg:$0x1]  }
0x3: {  	s1 =	rddreg [dreg:$0x2]  }
0x4: {  	s0 =	rddreg [dreg:$0x3];
	s2 =	simm.s32 $0x0  }
0x5: {  	s3 =	srdreg.scid;
	s12 =	simm.s32 $0x5390;
	s13 =	simm.s32 $0x80  }
0x6: {  	s14 =	simm.s32 $0x5410;
	s15 =	simm.s32 $0x5490;
	s16 =	simm.s32 $0x5510  }
0x7: {  	s17 =	simm.s32 $0x5590;
	s18 =	simm.s32 $0x5610;
	s7 =	sand.u32 $0x1, s3  }
0x8: {  	s19 =	simm.s32 $0x5690;
	s3 =	stileid.u32;
	s8 =	smul.u32 $0x27100, s7  }
0x9: {  	s20 =	simm.s32 $0x5710;
	[smem:$0x7FF] =	sst s2;
	s10 =	smul.u32 $0x4F000, s3  }
0xa: {  	s11 =	sadd.s32 $0x128400, s1;
	s9 =	ssub.s32 $0x2, s7;
	s7 =	smul.u32 $0x50000, s7  }
0xb: {  	s4 =	sadd.s32 $0x4800, s5;
	_ =	strace $0x80000047;
	s31 =	smul.u32 $0x5000, s3  }
0xc: {  	s23 =	smul.u32 $0x2780, s3;
	p0 =	seq.s32 s3, $0xF;
	s29 =	sshrl.u32 s9, $0x1  }
0xd: {  	s5 =	sadd.s32 s8, s5;
	s8 =	ssub.s32 s9, s29;
	s30 =	sshrl.u32 s10, $0x2  }
0xe: {  	s7 =	sadd.s32 s31, s7;
	s10 =	simm.s32 $0x1390;
	s9 =	sadd.s32 s30, s1  }
0xf: {  	s22 =	sadd.s32 $0x7000, s5;
	s5 =	smax.u32 s8, $0x1;
	s7 =	sshrl.u32 s7, $0x3  }
0x10: {  	s8 =	sshll.u32 @!p0 s3, $0x6;
	s6 =	sadd.s32 s7, s6;
	s7 =	sshrl.u32 @p0 s11, $0x3  }
0x11: {  	s8 =	sor.u32 @!p0 $0x1C01, s8;
	s9 =	sshrl.u32 @!p0 s9, $0x3;
	s11 =	simm.s32 $0x1  }
0x12: {  	s21 =	sadd.s32 @p0 $0x25080, s22;
	s22 =	sadd.s32 @!p0 s23, s22;
	s23 =	simm.s32 $0x0  }
.LBB2_1:
0x13: {  	s24 =	simm.s32 @p0 $0x1FC1  }
0x14: {  	[spmem:s7], [sflag:s24] =	dma.local @p0 [hbm:s4], $0x2100  }
0x15: {  	s24 =	simm.s32 @p0 $0x1  }
0x16: {  	_ =	swait.ge @p0 [sflag:s24], $0x2100  }
0x17: {  	[sflag:s24] =	ssyncset.done @p0 $0x0  }
0x18: {  	[sflag:s24] =	ssyncadd.s32 @p0 $0xFFFFDF00;
	s24 =	simm.s32 @!p0 $0x1  }
0x19: {  	[spmem:s9], [sflag:s8] =	dma.local @!p0 [hbm:s4], $0x2780  }
0x1a: {  	_ =	swait.ge @!p0 [sflag:s24], $0x2780  }
0x1b: {  	[sflag:s24] =	ssyncset.done @!p0 $0x0  }
0x1c: {  	[sflag:s24] =	ssyncadd.s32 @!p0 $0xFFFFD880  }
0x1d: {  	[tilespmem:s10], [sflag:$0x1] =	stream.linear.gather [hbm4b:s4+s2], $0x4000, $0x38;
	[tilespmem:$0x5790] =	vst v63  }
0x1e: {  	_ =	swait.ge [sflag:s11], $0x4000  }
0x1f: {  	[sflag:s11] =	ssyncset.done $0x0  }
0x20: {  	[sflag:s11] =	ssyncadd.s32 $0xFFFFC000  }
0x21: {  	s31 =	sadd.s32 $0x0, s6;
	[bflag:$0x0] =	sbarrier.arrive $0xFFFF  }
0x22: {  	[tilespmem:s12], [sflag:$0x1] =	stream.linear.gather [hbm4b:s31+s2], $0x400, $0x38;
	[tilespmem:$0x5790] =	vst v63  }
0x23: {  	_ =	swait.ge [sflag:s11], $0x400  }
0x24: {  	[sflag:s11] =	ssyncset.done $0x0  }
0x25: {  	[sflag:s11] =	ssyncadd.s32 $0xFFFFFC00  }
0x26: {  	[spmem:s1] =	stream.indirect.scatter.add.f32 [tilespmem:s10], [sflag:$0x1], $0x8, s12, s13, $0xb8;
	[tilespmem:$0x5790] =	vst v63  }
0x27: {  	_ =	swait.ge [sflag:s11], $0x400  }
0x28: {  	[sflag:s11] =	ssyncset.done $0x0  }
0x29: {  	[sflag:s11] =	ssyncadd.s32 $0xFFFFFC00  }
0x2a: {  	[spmem:s1] =	stream.indirect.scatter.add.f32 [tilespmem:s10], [sflag:$0x1], $0x8, s14, s13, $0xb8;
	[tilespmem:$0x5790] =	vst v63  }
0x2b: {  	_ =	swait.ge [sflag:s11], $0x400  }
0x2c: {  	[sflag:s11] =	ssyncset.done $0x0  }
0x2d: {  	[sflag:s11] =	ssyncadd.s32 $0xFFFFFC00  }
0x2e: {  	[spmem:s1] =	stream.indirect.scatter.add.f32 [tilespmem:s10], [sflag:$0x1], $0x8, s15, s13, $0xb8;
	[tilespmem:$0x5790] =	vst v63  }
0x2f: {  	_ =	swait.ge [sflag:s11], $0x400  }
0x30: {  	[sflag:s11] =	ssyncset.done $0x0  }
0x31: {  	[sflag:s11] =	ssyncadd.s32 $0xFFFFFC00  }
0x32: {  	[spmem:s1] =	stream.indirect.scatter.add.f32 [tilespmem:s10], [sflag:$0x1], $0x8, s16, s13, $0xb8;
	[tilespmem:$0x5790] =	vst v63  }
0x33: {  	_ =	swait.ge [sflag:s11], $0x400  }
0x34: {  	[sflag:s11] =	ssyncset.done $0x0  }
0x35: {  	[sflag:s11] =	ssyncadd.s32 $0xFFFFFC00  }
0x36: {  	[spmem:s1] =	stream.indirect.scatter.add.f32 [tilespmem:s10], [sflag:$0x1], $0x8, s17, s13, $0xb8;
	[tilespmem:$0x5790] =	vst v63  }
0x37: {  	_ =	swait.ge [sflag:s11], $0x400  }
0x38: {  	[sflag:s11] =	ssyncset.done $0x0  }
0x39: {  	[sflag:s11] =	ssyncadd.s32 $0xFFFFFC00  }
0x3a: {  	[spmem:s1] =	stream.indirect.scatter.add.f32 [tilespmem:s10], [sflag:$0x1], $0x8, s18, s13, $0xb8;
	[tilespmem:$0x5790] =	vst v63  }
0x3b: {  	_ =	swait.ge [sflag:s11], $0x400  }
0x3c: {  	[sflag:s11] =	ssyncset.done $0x0  }
0x3d: {  	[sflag:s11] =	ssyncadd.s32 $0xFFFFFC00  }
0x3e: {  	[spmem:s1] =	stream.indirect.scatter.add.f32 [tilespmem:s10], [sflag:$0x1], $0x8, s19, s13, $0xb8;
	[tilespmem:$0x5790] =	vst v63  }
0x3f: {  	_ =	swait.ge [sflag:s11], $0x400  }
0x40: {  	[sflag:s11] =	ssyncset.done $0x0  }
0x41: {  	[sflag:s11] =	ssyncadd.s32 $0xFFFFFC00  }
0x42: {  	[spmem:s1] =	stream.indirect.scatter.add.f32 [tilespmem:s10], [sflag:$0x1], $0x8, s20, s13, $0xb8;
	[tilespmem:$0x5790] =	vst v63  }
0x43: {  	_ =	swait.ge [sflag:s11], $0x400  }
0x44: {  	s26 =	simm.s32 $0x100;
	s24 =	simm.s32 $0x80;
	[sflag:s11] =	ssyncset.done $0x0  }
.LBB2_2:
0x45: {  	s28 =	sadd.s32 s24, s6  }
0x46: {  	[sflag:s11] =	ssyncadd.s32 $0xFFFFFC00;
	s24 =	smov.u32 s26;
	s25 =	sadd.s32 $0x80, s26  }
0x47: {  	[tilespmem:s12], [sflag:$0x1] =	stream.linear.gather [hbm4b:s28+s2], $0x400, $0x38;
	[tilespmem:$0x5790] =	vst v63  }
0x48: {  	p1 =	sne.s32 s26, $0x980;
	_ =	swait.ge [sflag:s11], $0x400  }
0x49: {  	[sflag:s11] =	ssyncset.done $0x0  }
0x4a: {  	[sflag:s11] =	ssyncadd.s32 $0xFFFFFC00  }
0x4b: {  	[spmem:s1] =	stream.indirect.scatter.add.f32 [tilespmem:s10], [sflag:$0x1], $0x8, s12, s13, $0xb8;
	[tilespmem:$0x5790] =	vst v63  }
0x4c: {  	_ =	swait.ge [sflag:s11], $0x400  }
0x4d: {  	[sflag:s11] =	ssyncset.done $0x0  }
0x4e: {  	[sflag:s11] =	ssyncadd.s32 $0xFFFFFC00  }
0x4f: {  	[spmem:s1] =	stream.indirect.scatter.add.f32 [tilespmem:s10], [sflag:$0x1], $0x8, s14, s13, $0xb8;
	[tilespmem:$0x5790] =	vst v63  }
0x50: {  	_ =	swait.ge [sflag:s11], $0x400  }
0x51: {  	[sflag:s11] =	ssyncset.done $0x0  }
0x52: {  	[sflag:s11] =	ssyncadd.s32 $0xFFFFFC00  }
0x53: {  	[spmem:s1] =	stream.indirect.scatter.add.f32 [tilespmem:s10], [sflag:$0x1], $0x8, s15, s13, $0xb8;
	[tilespmem:$0x5790] =	vst v63  }
0x54: {  	_ =	swait.ge [sflag:s11], $0x400  }
0x55: {  	[sflag:s11] =	ssyncset.done $0x0  }
0x56: {  	[sflag:s11] =	ssyncadd.s32 $0xFFFFFC00  }
0x57: {  	[spmem:s1] =	stream.indirect.scatter.add.f32 [tilespmem:s10], [sflag:$0x1], $0x8, s16, s13, $0xb8;
	[tilespmem:$0x5790] =	vst v63  }
0x58: {  	_ =	swait.ge [sflag:s11], $0x400  }
0x59: {  	[sflag:s11] =	ssyncset.done $0x0  }
0x5a: {  	[sflag:s11] =	ssyncadd.s32 $0xFFFFFC00  }
0x5b: {  	[spmem:s1] =	stream.indirect.scatter.add.f32 [tilespmem:s10], [sflag:$0x1], $0x8, s17, s13, $0xb8;
	[tilespmem:$0x5790] =	vst v63  }
0x5c: {  	_ =	swait.ge [sflag:s11], $0x400  }
0x5d: {  	[sflag:s11] =	ssyncset.done $0x0  }
0x5e: {  	[sflag:s11] =	ssyncadd.s32 $0xFFFFFC00  }
0x5f: {  	[spmem:s1] =	stream.indirect.scatter.add.f32 [tilespmem:s10], [sflag:$0x1], $0x8, s18, s13, $0xb8;
	[tilespmem:$0x5790] =	vst v63  }
0x60: {  	_ =	swait.ge [sflag:s11], $0x400  }
0x61: {  	[sflag:s11] =	ssyncset.done $0x0  }
0x62: {  	[sflag:s11] =	ssyncadd.s32 $0xFFFFFC00  }
0x63: {  	[spmem:s1] =	stream.indirect.scatter.add.f32 [tilespmem:s10], [sflag:$0x1], $0x8, s19, s13, $0xb8;
	[tilespmem:$0x5790] =	vst v63  }
0x64: {  	_ =	swait.ge [sflag:s11], $0x400  }
.Ltmp0:
0x65: {  	[sflag:s11] =	ssyncset.done $0x0;
	(pc) =	sbr.rel @p1 .LBB2_2-.Ltmp0, $4  }
0x66: {  	[sflag:s11] =	ssyncadd.s32 $0xFFFFFC00  }
0x67: {  	[spmem:s1] =	stream.indirect.scatter.add.f32 [tilespmem:s10], [sflag:$0x1], $0x8, s20, s13, $0xb8;
	[tilespmem:$0x5790] =	vst v63  }
0x68: {  	_ =	swait.ge [sflag:s11], $0x400  }
0x69: {  	s26 =	smov.u32 s25;
	[sflag:s11] =	ssyncset.done $0x0  }
0x6a: {  	s24 =	sadd.s32 s24, s6;
	[sflag:s11] =	ssyncadd.s32 $0xFFFFFC00  }
0x6b: {  	[tilespmem:s12], [sflag:$0x1] =	stream.linear.gather [hbm4b:s24+s2], $0x400, $0x38;
	[tilespmem:$0x5790] =	vst v63  }
0x6c: {  	_ =	swait.ge [sflag:s11], $0x400  }
0x6d: {  	[sflag:s11] =	ssyncset.done $0x0  }
0x6e: {  	[sflag:s11] =	ssyncadd.s32 $0xFFFFFC00  }
0x6f: {  	[spmem:s1] =	stream.indirect.scatter.add.f32 [tilespmem:s10], [sflag:$0x1], $0x8, s12, s13, $0xb8;
	[tilespmem:$0x5790] =	vst v63  }
0x70: {  	_ =	swait.ge [sflag:s11], $0x400  }
0x71: {  	[sflag:s11] =	ssyncset.done $0x0  }
0x72: {  	[sflag:s11] =	ssyncadd.s32 $0xFFFFFC00  }
0x73: {  	[spmem:s1] =	stream.indirect.scatter.add.f32 [tilespmem:s10], [sflag:$0x1], $0x8, s14, s13, $0xb8;
	[tilespmem:$0x5790] =	vst v63  }
0x74: {  	_ =	swait.ge [sflag:s11], $0x400  }
0x75: {  	[sflag:s11] =	ssyncset.done $0x0  }
0x76: {  	[sflag:s11] =	ssyncadd.s32 $0xFFFFFC00  }
0x77: {  	[spmem:s1] =	stream.indirect.scatter.add.f32 [tilespmem:s10], [sflag:$0x1], $0x8, s15, s13, $0xb8;
	[tilespmem:$0x5790] =	vst v63  }
0x78: {  	_ =	swait.ge [sflag:s11], $0x400  }
0x79: {  	[sflag:s11] =	ssyncset.done $0x0  }
0x7a: {  	[sflag:s11] =	ssyncadd.s32 $0xFFFFFC00  }
0x7b: {  	[spmem:s1] =	stream.indirect.scatter.add.f32 [tilespmem:s10], [sflag:$0x1], $0x8, s16, s13, $0xb8;
	[tilespmem:$0x5790] =	vst v63  }
0x7c: {  	_ =	swait.ge [sflag:s11], $0x400  }
0x7d: {  	[sflag:s11] =	ssyncset.done $0x0  }
0x7e: {  	[sflag:s11] =	ssyncadd.s32 $0xFFFFFC00  }
0x7f: {  	[spmem:s1] =	stream.indirect.scatter.add.f32 [tilespmem:s10], [sflag:$0x1], $0x8, s17, s13, $0xb8;
	[tilespmem:$0x5790] =	vst v63  }
0x80: {  	_ =	swait.ge [sflag:s11], $0x400  }
0x81: {  	[sflag:s11] =	ssyncset.done $0x0  }
0x82: {  	[sflag:s11] =	ssyncadd.s32 $0xFFFFFC00  }
0x83: {  	[spmem:s1] =	stream.indirect.scatter.add.f32 [tilespmem:s10], [sflag:$0x1], $0x8, s18, s13, $0xb8;
	[tilespmem:$0x5790] =	vst v63  }
0x84: {  	_ =	swait.ge [sflag:s11], $0x400  }
0x85: {  	[sflag:s11] =	ssyncset.done $0x0  }
0x86: {  	[sflag:s11] =	ssyncadd.s32 $0xFFFFFC00  }
0x87: {  	[spmem:s1] =	stream.indirect.scatter.add.f32 [tilespmem:s10], [sflag:$0x1], $0x8, s19, s13, $0xb8;
	[tilespmem:$0x5790] =	vst v63  }
0x88: {  	_ =	swait.ge [sflag:s11], $0x400  }
0x89: {  	[sflag:s11] =	ssyncset.done $0x0  }
0x8a: {  	[sflag:s11] =	ssyncadd.s32 $0xFFFFFC00  }
0x8b: {  	[spmem:s1] =	stream.indirect.scatter.add.f32 [tilespmem:s10], [sflag:$0x1], $0x8, s20, s13, $0xb8;
	[tilespmem:$0x5790] =	vst v63  }
0x8c: {  	_ =	swait.ge [sflag:s11], $0x400  }
0x8d: {  	[sflag:s11] =	ssyncset.done $0x0  }
0x8e: {  	[sflag:s11] =	ssyncadd.s32 $0xFFFFFC00  }
0x8f: {  	s24 =	simm.s32 @p0 $0x1FC1;
	[bflag:$0x0] =	sbarrier.arrive $0xFFFF  }
0x90: {  	[hbm:s21], [sflag:s24] =	dma.local @p0 [spmem:s7], $0x2080  }
0x91: {  	s24 =	simm.s32 @p0 $0x1  }
0x92: {  	s23 =	sadd.s32 $0x1, s23;
	_ =	swait.ge @p0 [sflag:s24], $0x2080  }
0x93: {  	p1 =	sne.s32 s23, s5;
	[sflag:s24] =	ssyncset.done @p0 $0x0  }
.Ltmp1:
0x94: {  	[sflag:s24] =	ssyncadd.s32 @p0 $0xFFFFDF80;
	s24 =	simm.s32 @!p0 $0x1;
	(pc) =	sbr.rel @p1 .LBB2_1-.Ltmp1, $4  }
0x95: {  	[hbm:s22], [sflag:s8] =	dma.local @!p0 [spmem:s9], $0x2780  }
0x96: {  	_ =	swait.ge @!p0 [sflag:s24], $0x2780  }
0x97: {  	[sflag:s24] =	ssyncset.done @!p0 $0x0  }
0x98: {  	[sflag:s24] =	ssyncadd.s32 @!p0 $0xFFFFD880  }
0x99: {  	_ =	sfence.sel $0x180000  }
0x9a: {  	[bflag:$0x0] =	sbarrier.arrive $0xFFFF  }
0x9b: {  	p0 =	sne.s32 s3, $0x0;
	_ =	strace $0x90000047  }
0x9c: {  	s0 =	sadd.s32 @!p0 $0x100000, s0;
	[bflag:$0x2] =	sbarrier.arrive $0xFFFF  }
0x9d: {  	[sflag:s0] =	ssyncadd.tile.s32 @!p0 $0x1;
	_ =	shalt  }
.Lfunc_end2:
_tile_overlayer_lowered:
.L_overlay_start_2:
0x9e: {  	(tag) =	ssettag $0x2  }
0x9f: {  	s0 =	rddreg [dreg:$0x0];
	s2 =	stileid.u32  }
0xa0: {  	s1 =	rddreg [dreg:$0x1];
	p0 =	sne.s32 s2, $0x0  }
0xa1: {  	s3 =	rddreg [dreg:$0x2];
	[bflag:$0x3] =	sbarrier.arrive $0xFFFF;
	s2 =	simm.s32 @!p0 $0x1C01  }
0xa2: {  	[timem:s3], [sflag:s2] =	dma.local @!p0 [hbm:s0], s1  }
0xa3: {  	s0 =	simm.s32 @!p0 $0x1  }
0xa4: {  	_ =	swait.ge @!p0 [sflag:s0], s1  }
0xa5: {  	s1 =	ssub.s32 @!p0 $0x0, s1;
	[sflag:s0] =	ssyncset.done @!p0 $0x0  }
0xa6: {  	[sflag:s0] =	ssyncadd.s32 @!p0 s1  }
0xa7: {  	[bflag:$0x3] =	sbarrier.arrive $0xFFFF  }
0xa8: {  	_ =	shalt  }

// kernel: kernel.13.cloned.1.call-start
scs
__scs_entry_jumppad:
0x0: {  	(pc) =	sbr.rel $0x88, $3  }
0x1: {  	(tag) =	ssettag $0x0;
	lr =	simm.s32 $0x1  }
0x2: {  	[smem:$0x3F8F] =	sst lr;
	_ =	strace $0xD0000000  }
0x3: {  	_ = 	snop  }
0x4: {  	_ = 	snop  }
0x5: {  	_ = 	snop  }
0x6: {  	_ = 	snop  }
0x7: {  	_ = 	snop  }
__scs_overlays_trampoline_lowered:
0x8: {  	[smem:$0x3F9E] =	sst s0  }
0x9: {  	[smem:$0x3F9F] =	sst s1  }
0xa: {  	[smem:$0x3FA0] =	sst s2  }
0xb: {  	[smem:$0x3FA1] =	sst s3  }
0xc: {  	[smem:$0x3FA2] =	sst s4  }
0xd: {  	[smem:$0x3FA3] =	sst s5  }
0xe: {  	[smem:$0x3FA4] =	sst s6  }
0xf: {  	[smem:$0x3FA5] =	sst s7  }
0x10: {  	[smem:$0x3FA6] =	sst s8  }
0x11: {  	[smem:$0x3FA7] =	sst s9;
	s0 =	simm.s32 @!p0 $0x0  }
0x12: {  	s1 =	sld [smem:$0x3F8D];
	s0 =	simm.s32 @p0 $0x1  }
0x13: {  	[smem:$0x3FA8] =	sst s0;
	s0 =	simm.s32 @!p1 $0x0  }
0x14: {  	s2 =	sld [smem:$0x3F8C];
	s0 =	simm.s32 @p1 $0x1  }
0x15: {  	[smem:$0x3FA9] =	sst s0;
	s0 =	simm.s32 @!p2 $0x0  }
0x16: {  	s3 =	sld [smem:$0x3FDB];
	s0 =	simm.s32 @p2 $0x1  }
0x17: {  	s4 =	simm.s32 $0x1BF5;
	[smem:$0x3FAB] =	sst s0  }
0x18: {  	s0 =	sld [smem:$0x3F8E];
	_ =	swait.ge [sflag:s4], $0x0  }
0x19: {  	s7 =	sld [smem:$0x3F8F]  }
0x1a: {  	s8 =	sadd.s32 $0xFFFFE003, lr  }
0x1b: {  	s9 =	sadd.s32 $0xFFFFFEF7, lr;
	s5 =	simm.s32 $0xFFFFFFFF;
	p2 =	slt.u32 s8, $0xFFFFF086  }
0x1c: {  	p1 =	slt.u32 s9, $0xF7A;
	s5 =	simm.s32 @!p2 $0x0  }
0x1d: {  	s5 =	simm.s32 @p1 $0x1;
	p0 =	seq.s32 s7, s2  }
0x1e: {  	s7 =	smul.u32 @!p0 $0xF7A, s2;
	p2 =	seq.s32 @!p0 s5, $0x0  }
0x1f: {  	s9 =	smul.u32 $0xF7A, s1;
	s8 =	simm.s32 @!p0 $0x1BF5;
	p2 =	por !p2, p0  }
0x20: {  	[sflag:s8] =	ssyncset.s32 @!p0 $0xFFFFF086;
	s6 =	sadd.s32 @!p0 s3, s7;
	s7 =	simm.s32 @!p0 $0x108  }
0x21: {  	s3 =	sadd.s32 s3, s9;
	s6 =	sadd.s32 @!p0 $0x88, s6;
	s7 =	simm.s32 @p2 $0x1082  }
0x22: {  	[simem:s7], [sflag:s8] =	dma.local @!p0 [hbm:s6], $0xF7A  }
0x23: {  	s9 =	sor.u32 $0xD0000000, s2;
	s6 =	simm.s32 $0x108;
	_ =	swait.ge @!p0 [sflag:s8], $0x0  }
0x24: {  	s3 =	sadd.s32 $0x88, s3;
	s6 =	simm.s32 @!p1 $0x1082;
	[sflag:s4] =	ssyncset.s32 $0xFFFFF086  }
0x25: {  	[simem:s6], [sflag:s4] =	dma.local [hbm:s3], $0xF7A  }
0x26: {  	[smem:$0x3F8F] =	sst s1;
	(tag) =	ssettag s2;
	_ =	strace s9  }
0x27: {  	s1 =	sld [smem:$0x3F9F]  }
0x28: {  	s2 =	sld [smem:$0x3FA0]  }
0x29: {  	s4 =	sld [smem:$0x3FA2]  }
0x2a: {  	p0 =	seq.s32 s5, $0x0;
	s5 =	sld [smem:$0x3FA3]  }
0x2b: {  	s6 =	sld [smem:$0x3FA4]  }
0x2c: {  	s7 =	sld [smem:$0x3FA5]  }
0x2d: {  	s3 =	simm.s32 $0x108;
	s8 =	sld [smem:$0x3FA6]  }
0x2e: {  	s3 =	simm.s32 @!p0 $0x1082;
	s9 =	sld [smem:$0x3FA7]  }
0x2f: {  	lr =	sadd.s32 s0, s3;
	s0 =	sld [smem:$0x3F9E]  }
0x30: {  	s3 =	sld [smem:$0x3FA1]  }
0x31: {  	[smem:$0x3FAA] =	sst s10  }
0x32: {  	s10 =	sld [smem:$0x3FA8];
	_ =	sdelay $0x3  }
0x33: {  	p0 =	seq.s32 s10, $0x1;
	s10 =	sld [smem:$0x3FAA];
	_ =	sdelay $0x3  }
0x34: {  	[smem:$0x3FAA] =	sst s10  }
0x35: {  	s10 =	sld [smem:$0x3FA9];
	_ =	sdelay $0x3  }
0x36: {  	p1 =	seq.s32 s10, $0x1;
	s10 =	sld [smem:$0x3FAA];
	_ =	sdelay $0x3  }
0x37: {  	[smem:$0x3FAA] =	sst s10  }
0x38: {  	s10 =	sld [smem:$0x3FAB]  }
0x39: {  	_ = 	snop;
	(pc) =	sbr.ind lr, $3  }
0x3a: {  	_ = 	snop  }
0x3b: {  	_ = 	snop  }
0x3c: {  	p2 =	seq.s32 s10, $0x1;
	s10 =	sld [smem:$0x3FAA]  }
0x3d: {  	_ =	shalt  }
0x3e: {  	_ =	shalt  }
0x3f: {  	_ =	shalt  }
0x40: {  	_ =	shalt  }
0x41: {  	_ =	shalt  }
0x42: {  	_ =	shalt  }
0x43: {  	_ =	shalt  }
0x44: {  	_ =	shalt  }
0x45: {  	_ =	shalt  }
0x46: {  	_ =	shalt  }
0x47: {  	_ =	shalt  }
0x48: {  	_ =	shalt  }
0x49: {  	_ =	shalt  }
0x4a: {  	_ =	shalt  }
0x4b: {  	_ =	shalt  }
0x4c: {  	_ =	shalt  }
0x4d: {  	_ =	shalt  }
0x4e: {  	_ =	shalt  }
0x4f: {  	_ =	shalt  }
0x50: {  	_ =	shalt  }
0x51: {  	_ =	shalt  }
0x52: {  	_ =	shalt  }
0x53: {  	_ =	shalt  }
0x54: {  	_ =	shalt  }
0x55: {  	_ =	shalt  }
0x56: {  	_ =	shalt  }
0x57: {  	_ =	shalt  }
0x58: {  	_ =	shalt  }
0x59: {  	_ =	shalt  }
0x5a: {  	_ =	shalt  }
0x5b: {  	_ =	shalt  }
0x5c: {  	_ =	shalt  }
0x5d: {  	_ =	shalt  }
0x5e: {  	_ =	shalt  }
0x5f: {  	_ =	shalt  }
0x60: {  	_ =	shalt  }
0x61: {  	_ =	shalt  }
0x62: {  	_ =	shalt  }
0x63: {  	_ =	shalt  }
0x64: {  	_ =	shalt  }
0x65: {  	_ =	shalt  }
0x66: {  	_ =	shalt  }
0x67: {  	_ =	shalt  }
0x68: {  	_ =	shalt  }
0x69: {  	_ =	shalt  }
0x6a: {  	_ =	shalt  }
0x6b: {  	_ =	shalt  }
0x6c: {  	_ =	shalt  }
0x6d: {  	_ =	shalt  }
0x6e: {  	_ =	shalt  }
0x6f: {  	_ =	shalt  }
0x70: {  	_ =	shalt  }
0x71: {  	_ =	shalt  }
0x72: {  	_ =	shalt  }
0x73: {  	_ =	shalt  }
0x74: {  	_ =	shalt  }
0x75: {  	_ =	shalt  }
0x76: {  	_ =	shalt  }
0x77: {  	_ =	shalt  }
0x78: {  	_ =	shalt  }
0x79: {  	_ =	shalt  }
0x7a: {  	_ =	shalt  }
0x7b: {  	_ =	shalt  }
0x7c: {  	_ =	shalt  }
0x7d: {  	_ =	shalt  }
0x7e: {  	_ =	shalt  }
0x7f: {  	_ =	shalt  }
0x80: {  	_ =	shalt  }
0x81: {  	_ =	shalt  }
0x82: {  	_ =	shalt  }
0x83: {  	_ =	shalt  }
0x84: {  	_ =	shalt  }
0x85: {  	_ =	shalt  }
0x86: {  	_ =	shalt  }
0x87: {  	_ =	shalt  }
.Lfunc_end0:
.L_simem_size_0:
called_computation.1_lowered:
.L_overlay_start_0:
0x88: {  	s2 =	sld [smem:$0x3FD9]  }
0x89: {  	s3 =	sld [smem:$0x3FFE];
	_ =	sdelay $0x1  }
0x8a: {  	s1 =	srdreg.scid  }
0x8b: {  	s0 =	sand.u32 $0x1, s1  }
0x8c: {  	s14 =	sshll.u32 s0, $0xA;
	s2 =	sadd.s32 s3, s2  }
0x8d: {  	s2 =	sadd.s32 s2, s14  }
0x8e: {  	[smem:$0x3FB6] =	sst s2  }
0x8f: {  	_ = 	snop  }
0x90: {  	s2 =	sld [smem:$0x3FD0];
	_ =	sdelay $0x2  }
0x91: {  	s15 =	simm.s32 $0xA;
	s4 =	simm.s32 $0x10  }
0x92: {  	[smem:s4], [sflag:s15] =	dma.local [hbm:s2], $0x1  }
0x93: {  	_ =	swait.eq [sflag:s15], $0x1  }
0x94: {  	[sflag:s15] =	ssyncset.done $0x0  }
0x95: {  	s16 =	sld [smem:$0x10];
	[sflag:s15] =	ssyncadd.s32 $0xFFFFFFFF  }
0x96: {  	s17 =	sld [smem:$0x11];
	(tm) =	ssettm $0x1  }
0x97: {  	s18 =	sld [smem:$0x3FFB];
	_ =	sdelay $0x3  }
0x98: {  	_ =	strace s18  }
0x99: {  	s4 =	sld [smem:$0x3FFC];
	_ =	sdelay $0x3  }
0x9a: {  	_ =	strace s4  }
0x9b: {  	s4 =	sld [smem:$0x3FFD];
	_ =	sdelay $0x3  }
0x9c: {  	_ =	strace s4  }
0x9d: {  	_ =	strace $0x8FFFFFFF  }
0x9e: {  	s19 =	sld [smem:$0x3FDB];
	_ =	sdelay $0x1  }
0x9f: {  	s5 =	simm.s32 $_scs_section_size  }
0xa0: {  	s6 =	simm.s32 $_size__tile_overlayer_lowered;
	s7 =	simm.s32 $_tile_overlayer_lowered  }
0xa1: {  	s22 =	simm.s32 $0x1BFF;
	s21 =	sshll.u32 s7, $0x1;
	s4 =	sadd.s32 s5, s19  }
0xa2: {  	s8 =	simm.s32 $0x0;
	s20 =	sshll.u32 s6, $0x1;
	s6 =	sadd.s32 s21, s4  }
0xa3: {  	[timem:s8], [sflag:s22] =	dma.local [hbm:s6], s20  }
0xa4: {  	_ =	swait.ge [sflag:s22], s20  }
0xa5: {  	s5 =	ssub.s32 $0x0, s20;
	[sflag:s22] =	ssyncset.done $0x0  }
0xa6: {  	[sflag:s22] =	ssyncadd.s32 s5;
	_ =	sdelay $0x1  }
0xa7: {  	s23 =	simm.s32 $0x1B8B  }
0xa8: {  	_ =	swait.ge [sflag:s23], $0x1  }
0xa9: {  	[sflag:s23] =	ssyncset.done $0x0  }
0xaa: {  	s25 =	simm.s32 $0x1B8E;
	s24 =	sld [smem:$0x3FFE];
	[sflag:s23] =	ssyncadd.s32 $0xFFFFFFFF  }
0xab: {  	s26 =	simm.s32 $execute0_lowered;
	[smem:$0x3FD2] =	sst s25  }
0xac: {  	s6 =	sshll.u32 s26, $0x1;
	_ =	strace $0x80000049;
	[dreg:$0x1] =	wrdreg $0xFFFFFFFF  }
0xad: {  	s28 =	simm.s32 $_size_execute0_lowered;
	s4 =	sadd.s32 s4, s6;
	[dreg:$0x0] =	wrdreg $0x0  }
0xae: {  	s6 =	sshll.u32 s28, $0x1;
	[dreg:$0x2] =	wrdreg s4  }
0xaf: {  	[dreg:$0x3] =	wrdreg s6  }
0xb0: {  	[dreg:$0x4] =	wrdreg $0xC0  }
0xb1: {  	_ =	task [dreg:s8], $0x5FFFF  }
0xb2: {  	[dreg:$0x1] =	wrdreg $0xFFFFFFFF  }
0xb3: {  	[dreg:$0x0] =	wrdreg $0x60  }
0xb4: {  	[dreg:$0x2] =	wrdreg s24  }
0xb5: {  	[dreg:$0x3] =	wrdreg s17  }
0xb6: {  	[dreg:$0x4] =	wrdreg s16  }
0xb7: {  	[dreg:$0x5] =	wrdreg $0x0  }
0xb8: {  	[dreg:$0x6] =	wrdreg $0x9  }
0xb9: {  	_ =	task.clear_ibuf [dreg:s8], $0x7FFFF;
	_ =	strace $0x90000049  }
0xba: {  	s29 =	simm.s32 $0x9;
	_ =	strace $0x8000004B  }
0xbb: {  	_ =	swait.ge [sflag:s29], $0x1  }
0xbc: {  	[sflag:s29] =	ssyncadd.s32 $0xFFFFFFFF  }
0xbd: {  	_ =	strace $0x9000004B  }
0xbe: {  	_ =	sfence  }
0xbf: {  	s30 =	sld [smem:$0x0];
	_ =	sdelay $0x2  }
0xc0: {  	s31 =	sshll.u32 s1, $0xD;
	s1 =	sshrl.u32 s1, $0x2  }
0xc1: {  	s3 =	sand.u32 $0x4000, s31;
	s1 =	sadd.s32 s1, s30  }
0xc2: {  	s0 =	sor.u32 s3, s0;
	s1 =	sshll.u32 s1, $0x11  }
0xc3: {  	s0 =	sor.u32 s1, s0  }
0xc4: {  	s0 =	sadd.s32 $0x8F2B, s0  }
0xc5: {  	[sflag:s0] =	ssyncadd.remote.s32 $0x1  }
0xc6: {  	_ =	sfence.sel $0xFFFF  }
0xc7: {  	[dreg:$0x0] =	wrdreg $0xFFFFFFFF;
	(pc) =	sbr.abs _section_cstart, $3  }
0xc8: {  	[dreg:$0x1] =	wrdreg $0xFFFFFFFF  }
0xc9: {  	_ =	task.clear_ibuf [dreg:s8], $0x2FFFF;
	_ =	strace $0x9FFFFFFF  }
0xca: {  	(tm) =	ssettm $0x7FFFFFFF  }
0xcb: {  	_ =	shalt  }
tec
execute0_lowered:
.L_overlay_start_1:
0x0: {  	(tag) =	ssettag $0x1  }
0x1: {  	s0 =	rddreg [dreg:$0x0]  }
0x2: {  	s1 =	rddreg [dreg:$0x1]  }
0x3: {  	s5 =	rddreg [dreg:$0x2]  }
0x4: {  	s2 =	rddreg [dreg:$0x3]  }
0x5: {  	s3 =	simm.s32 $0x0;
	s4 =	srdreg.scid;
	s17 =	stileid.u32  }
0x6: {  	s28 =	simm.s32 $0x1;
	s29 =	simm.s32 $0x3;
	s31 =	simm.s32 $0x2  }
0x7: {  	s30 =	simm.s32 $0x14840;
	[smem:$0x7FF] =	sst s3;
	s7 =	smul.u32 $0x2780, s17  }
0x8: {  	s6 =	sand.u32 $0x1, s4;
	s4 =	sadd.s32 $0x55200, s0;
	s10 =	smul.u32 $0x5000, s17  }
0x9: {  	s9 =	sadd.s32 $0x4800, s0;
	s0 =	sadd.s32 $0xF1600, s0;
	s12 =	smul.u32 $0x4F000, s17  }
0xa: {  	p0 =	seq.s32 s17, $0xF;
	_ =	strace $0x8000004A;
	s8 =	smul.u32 $0x50000, s6  }
0xb: {  	[dreg:$0x5] =	wrdreg s9;
	s16 =	ssub.s32 $0x2, s6;
	s18 =	smul.u32 $0x27100, s6  }
0xc: {  	s6 =	smul.u32 $0x138800, s6;
	s11 =	sshrl.u32 s16, $0x1;
	s19 =	sshrl.u32 s12, $0x2  }
0xd: {  	s9 =	ssub.s32 s16, s11;
	s8 =	sadd.s32 s10, s8;
	s15 =	sadd.s32 s19, s2  }
0xe: {  	s16 =	sadd.s32 $0x128400, s2;
	s7 =	sadd.s32 s7, s18;
	s6 =	sshrl.u32 s6, $0x3  }
0xf: {  	s18 =	simm.s32 $0x6;
	s10 =	simm.s32 $0x14640;
	s19 =	simm.s32 $0x14040  }
0x10: {  	s20 =	sshrl.u32 s8, $0x3;
	s7 =	sadd.s32 s0, s7;
	s0 =	sadd.s32 s0, s6  }
0x11: {  	s23 =	sor.u32 $0x800, s8;
	s25 =	sor.u32 $0x400, s8;
	s26 =	smax.u32 s9, $0x1  }
0x12: {  	s9 =	sshrl.u32 @!p0 s15, $0x3;
	s15 =	simm.s32 $0x146C0;
	s21 =	sadd.s32 s1, s20  }
0x13: {  	s22 =	sadd.s32 s5, s20;
	[dreg:$0x8] =	wrdreg s7;
	s0 =	sadd.s32 $0x25080, s0  }
0x14: {  	s24 =	sshrl.u32 s23, $0x3;
	[dreg:$0xa] =	wrdreg s26;
	s6 =	sshrl.u32 s25, $0x3  }
0x15: {  	s7 =	sshrl.u32 @p0 s16, $0x3;
	s25 =	simm.s32 $0x13CC0;
	[dreg:$0xd] =	wrdreg s9  }
0x16: {  	s26 =	simm.s32 $0x144C0;
	s23 =	simm.s32 $0x5;
	[dreg:$0x6] =	wrdreg s21  }
0x17: {  	s16 =	simm.s32 $0x13FC0;
	s20 =	simm.s32 $0x147C0;
	[dreg:$0x7] =	wrdreg s22  }
0x18: {  	[dreg:$0x9] =	wrdreg s0;
	s11 =	sadd.s32 s24, s5;
	s12 =	sadd.s32 s24, s1  }
.Ltmp0:
0x19: {  	s13 =	sadd.s32 s6, s5;
	s14 =	sadd.s32 s6, s1;
	(pc) =	sbr.rel .LBB2_1-.Ltmp0, $4  }
0x1a: {  	s0 =	sshll.u32 @!p0 s17, $0x6;
	s21 =	simm.s32 $0x80;
	s22 =	simm.s32 $0x148C0  }
0x1b: {  	s24 =	simm.s32 $0x188C0;
	s6 =	simm.s32 $0x0;
	[dreg:$0xb] =	wrdreg s7  }
0x1c: {  	s1 =	simm.s32 $0x4;
	s8 =	sor.u32 @!p0 $0x1C07, s0;
	[dreg:$0xe] =	wrdreg s6  }
0x1d: {  	s5 =	simm.s32 $0x13F40;
	s17 =	simm.s32 $0x14740;
	[dreg:$0xc] =	wrdreg s8  }
.LBB2_4:
0x1e: {  	_ =	swait.ge [sflag:s31], $0x4000  }
0x1f: {  	[sflag:s31] =	ssyncset.done $0x0  }
0x20: {  	[sflag:s31] =	ssyncadd.s32 $0xFFFFC000  }
0x21: {  	[spmem:s2] =	stream.indirect.scatter.add.f32 [tilespmem:s24], [sflag:$0x4], $0x80, s30, s21, $0xb8;
	[tilespmem:$0x1C8C0] =	vst v63  }
0x22: {  	_ =	swait.ge [sflag:s1], $0x4000  }
0x23: {  	[sflag:s1] =	ssyncset.done $0x0  }
0x24: {  	[sflag:s1] =	ssyncadd.s32 $0xFFFFC000  }
0x25: {  	[bflag:$0x0] =	sbarrier.arrive $0xFFFF  }
0x26: {  	s6 =	rddreg [dreg:$0x9]  }
0x27: {  	s0 =	simm.s32 @p0 $0x1FC7;
	s7 =	rddreg [dreg:$0xb]  }
0x28: {  	[hbm:s6], [sflag:s0] =	dma.local @p0 [spmem:s7], $0x2080  }
0x29: {  	s0 =	simm.s32 @p0 $0x7  }
0x2a: {  	_ =	swait.ge @p0 [sflag:s0], $0x2080  }
0x2b: {  	s8 =	rddreg [dreg:$0xc]  }
0x2c: {  	[sflag:s0] =	ssyncset.done @p0 $0x0;
	s9 =	rddreg [dreg:$0xd]  }
0x2d: {  	s6 =	simm.s32 @!p0 $0x7;
	[sflag:s0] =	ssyncadd.s32 @p0 $0xFFFFDF80;
	s0 =	rddreg [dreg:$0x8]  }
0x2e: {  	[hbm:s0], [sflag:s8] =	dma.local @!p0 [spmem:s9], $0x2780  }
0x2f: {  	_ =	swait.ge @!p0 [sflag:s6], $0x2780  }
0x30: {  	s0 =	rddreg [dreg:$0xe]  }
0x31: {  	[sflag:s6] =	ssyncset.done @!p0 $0x0;
	s6 =	rddreg [dreg:$0xa];
	s0 =	sadd.s32 $0x1, s0  }
0x32: {  	p1 =	sne.s32 s0, s6  }
.Ltmp1:
0x33: {  	_ = 	snop;
	(pc) =	sbr.rel @!p1 .LBB2_5-.Ltmp1, $3  }
0x34: {  	_ =	sdelay $0x1  }
0x35: {  	[dreg:$0xe] =	wrdreg s0;
	s0 =	simm.s32 @!p0 $0x7  }
0x36: {  	[sflag:s0] =	ssyncadd.s32 @!p0 $0xFFFFD880  }
.LBB2_1:
0x37: {  	s0 =	simm.s32 @p0 $0x1FC7;
	s6 =	rddreg [dreg:$0x5]  }
0x38: {  	[spmem:s7], [sflag:s0] =	dma.local @p0 [hbm:s6], $0x2100  }
0x39: {  	s0 =	simm.s32 @p0 $0x7  }
0x3a: {  	_ =	swait.ge @p0 [sflag:s0], $0x2100  }
0x3b: {  	[sflag:s0] =	ssyncset.done @p0 $0x0  }
0x3c: {  	[sflag:s0] =	ssyncadd.s32 @p0 $0xFFFFDF00;
	s0 =	simm.s32 @!p0 $0x7  }
0x3d: {  	[spmem:s9], [sflag:s8] =	dma.local @!p0 [hbm:s6], $0x2780  }
0x3e: {  	_ =	swait.ge @!p0 [sflag:s0], $0x2780  }
0x3f: {  	[sflag:s0] =	ssyncset.done @!p0 $0x0  }
0x40: {  	s9 =	simm.s32 $0x138C0;
	s6 =	rddreg [dreg:$0x6];
	[sflag:s0] =	ssyncadd.s32 @!p0 $0xFFFFD880  }
0x41: {  	[tilespmem:s9], [sflag:$0x7] =	stream.linear.gather [hbm4b:s6+s3], $0x400, $0x38;
	[tilespmem:$0x1C8C0] =	vst v63  }
0x42: {  	s6 =	simm.s32 $0x7  }
0x43: {  	_ =	swait.ge [sflag:s6], $0x400  }
0x44: {  	[sflag:s6] =	ssyncset.done $0x0  }
0x45: {  	s8 =	simm.s32 $0x140C0;
	s7 =	rddreg [dreg:$0x7];
	[sflag:s6] =	ssyncadd.s32 $0xFFFFFC00  }
0x46: {  	[tilespmem:s8], [sflag:$0x7] =	stream.linear.gather [hbm4b:s7+s3], $0x400, $0x38;
	[tilespmem:$0x1C8C0] =	vst v63  }
0x47: {  	_ =	swait.ge [sflag:s6], $0x400  }
0x48: {  	[sflag:s6] =	ssyncset.done $0x0  }
0x49: {  	[sflag:s6] =	ssyncadd.s32 $0xFFFFFC00  }
0x4a: {  	[bflag:$0x0] =	sbarrier.arrive $0xFFFF  }
0x4b: {  	[tilespmem:s22], [sflag:$0x1] =	stream.indirect.gather [hbm4b:s4+s21], $0x80, s9, s21, $0xb8;
	[tilespmem:$0x1C8C0] =	vst v63  }
0x4c: {  	s0 =	simm.s32 $0x0;
	s8 =	simm.s32 $0x13940  }
0x4d: {  	[tilespmem:s24], [sflag:$0x2] =	stream.indirect.gather [hbm4b:s4+s21], $0x80, s8, s21, $0xb8;
	[tilespmem:$0x1C8C0] =	vst v63  }
.LBB2_2:
0x4e: {  	s6 =	sadd.s32 s0, s14  }
0x4f: {  	[tilespmem:s25], [sflag:$0x5] =	stream.linear.gather [hbm4b:s6+s3], $0x400, $0x38;
	[tilespmem:$0x1C8C0] =	vst v63  }
0x50: {  	s8 =	sadd.s32 s0, s13  }
0x51: {  	[tilespmem:s26], [sflag:$0x6] =	stream.linear.gather [hbm4b:s8+s3], $0x400, $0x38;
	[tilespmem:$0x1C8C0] =	vst v63  }
0x52: {  	_ =	swait.ge [sflag:s28], $0x4000  }
0x53: {  	[sflag:s28] =	ssyncset.done $0x0  }
0x54: {  	s7 =	simm.s32 $0x140C0;
	[sflag:s28] =	ssyncadd.s32 $0xFFFFC000  }
0x55: {  	[spmem:s2] =	stream.indirect.scatter.add.f32 [tilespmem:s22], [sflag:$0x3], $0x80, s7, s21, $0xb8;
	[tilespmem:$0x1C8C0] =	vst v63  }
0x56: {  	_ =	swait.ge [sflag:s29], $0x4000  }
0x57: {  	[sflag:s29] =	ssyncset.done $0x0  }
0x58: {  	s8 =	simm.s32 $0x139C0;
	[sflag:s29] =	ssyncadd.s32 $0xFFFFC000  }
0x59: {  	[tilespmem:s22], [sflag:$0x1] =	stream.indirect.gather [hbm4b:s4+s21], $0x80, s8, s21, $0xb8;
	[tilespmem:$0x1C8C0] =	vst v63  }
0x5a: {  	_ =	swait.ge [sflag:s31], $0x4000  }
0x5b: {  	[sflag:s31] =	ssyncset.done $0x0  }
0x5c: {  	s7 =	simm.s32 $0x14140;
	[sflag:s31] =	ssyncadd.s32 $0xFFFFC000  }
0x5d: {  	[spmem:s2] =	stream.indirect.scatter.add.f32 [tilespmem:s24], [sflag:$0x4], $0x80, s7, s21, $0xb8;
	[tilespmem:$0x1C8C0] =	vst v63  }
0x5e: {  	_ =	swait.ge [sflag:s1], $0x4000  }
0x5f: {  	[sflag:s1] =	ssyncset.done $0x0  }
0x60: {  	s8 =	simm.s32 $0x13A40;
	[sflag:s1] =	ssyncadd.s32 $0xFFFFC000  }
0x61: {  	[tilespmem:s24], [sflag:$0x2] =	stream.indirect.gather [hbm4b:s4+s21], $0x80, s8, s21, $0xb8;
	[tilespmem:$0x1C8C0] =	vst v63  }
0x62: {  	_ =	swait.ge [sflag:s28], $0x4000  }
0x63: {  	[sflag:s28] =	ssyncset.done $0x0  }
0x64: {  	s7 =	simm.s32 $0x141C0;
	[sflag:s28] =	ssyncadd.s32 $0xFFFFC000  }
0x65: {  	[spmem:s2] =	stream.indirect.scatter.add.f32 [tilespmem:s22], [sflag:$0x3], $0x80, s7, s21, $0xb8;
	[tilespmem:$0x1C8C0] =	vst v63  }
0x66: {  	_ =	swait.ge [sflag:s29], $0x4000  }
0x67: {  	[sflag:s29] =	ssyncset.done $0x0  }
0x68: {  	s8 =	simm.s32 $0x13AC0;
	[sflag:s29] =	ssyncadd.s32 $0xFFFFC000  }
0x69: {  	[tilespmem:s22], [sflag:$0x1] =	stream.indirect.gather [hbm4b:s4+s21], $0x80, s8, s21, $0xb8;
	[tilespmem:$0x1C8C0] =	vst v63  }
0x6a: {  	_ =	swait.ge [sflag:s31], $0x4000  }
0x6b: {  	[sflag:s31] =	ssyncset.done $0x0  }
0x6c: {  	s7 =	simm.s32 $0x14240;
	[sflag:s31] =	ssyncadd.s32 $0xFFFFC000  }
0x6d: {  	[spmem:s2] =	stream.indirect.scatter.add.f32 [tilespmem:s24], [sflag:$0x4], $0x80, s7, s21, $0xb8;
	[tilespmem:$0x1C8C0] =	vst v63  }
0x6e: {  	_ =	swait.ge [sflag:s1], $0x4000  }
0x6f: {  	[sflag:s1] =	ssyncset.done $0x0  }
0x70: {  	s8 =	simm.s32 $0x13B40;
	[sflag:s1] =	ssyncadd.s32 $0xFFFFC000  }
0x71: {  	[tilespmem:s24], [sflag:$0x2] =	stream.indirect.gather [hbm4b:s4+s21], $0x80, s8, s21, $0xb8;
	[tilespmem:$0x1C8C0] =	vst v63  }
0x72: {  	_ =	swait.ge [sflag:s28], $0x4000  }
0x73: {  	[sflag:s28] =	ssyncset.done $0x0  }
0x74: {  	s7 =	simm.s32 $0x142C0;
	[sflag:s28] =	ssyncadd.s32 $0xFFFFC000  }
0x75: {  	[spmem:s2] =	stream.indirect.scatter.add.f32 [tilespmem:s22], [sflag:$0x3], $0x80, s7, s21, $0xb8;
	[tilespmem:$0x1C8C0] =	vst v63  }
0x76: {  	_ =	swait.ge [sflag:s29], $0x4000  }
0x77: {  	[sflag:s29] =	ssyncset.done $0x0  }
0x78: {  	s8 =	simm.s32 $0x13BC0;
	[sflag:s29] =	ssyncadd.s32 $0xFFFFC000  }
0x79: {  	[tilespmem:s22], [sflag:$0x1] =	stream.indirect.gather [hbm4b:s4+s21], $0x80, s8, s21, $0xb8;
	[tilespmem:$0x1C8C0] =	vst v63  }
0x7a: {  	_ =	swait.ge [sflag:s31], $0x4000  }
0x7b: {  	[sflag:s31] =	ssyncset.done $0x0  }
0x7c: {  	s7 =	simm.s32 $0x14340;
	[sflag:s31] =	ssyncadd.s32 $0xFFFFC000  }
0x7d: {  	[spmem:s2] =	stream.indirect.scatter.add.f32 [tilespmem:s24], [sflag:$0x4], $0x80, s7, s21, $0xb8;
	[tilespmem:$0x1C8C0] =	vst v63  }
0x7e: {  	_ =	swait.ge [sflag:s1], $0x4000  }
0x7f: {  	[sflag:s1] =	ssyncset.done $0x0  }
0x80: {  	s8 =	simm.s32 $0x13C40;
	[sflag:s1] =	ssyncadd.s32 $0xFFFFC000  }
0x81: {  	[tilespmem:s24], [sflag:$0x2] =	stream.indirect.gather [hbm4b:s4+s21], $0x80, s8, s21, $0xb8;
	[tilespmem:$0x1C8C0] =	vst v63  }
0x82: {  	_ =	swait.ge [sflag:s28], $0x4000  }
0x83: {  	[sflag:s28] =	ssyncset.done $0x0  }
0x84: {  	s7 =	simm.s32 $0x143C0;
	[sflag:s28] =	ssyncadd.s32 $0xFFFFC000  }
0x85: {  	[spmem:s2] =	stream.indirect.scatter.add.f32 [tilespmem:s22], [sflag:$0x3], $0x80, s7, s21, $0xb8;
	[tilespmem:$0x1C8C0] =	vst v63  }
0x86: {  	_ =	swait.ge [sflag:s29], $0x4000  }
0x87: {  	[sflag:s29] =	ssyncset.done $0x0  }
0x88: {  	[sflag:s29] =	ssyncadd.s32 $0xFFFFC000  }
0x89: {  	_ =	swait.ge [sflag:s23], $0x400  }
0x8a: {  	[sflag:s23] =	ssyncset.done $0x0  }
0x8b: {  	[sflag:s23] =	ssyncadd.s32 $0xFFFFFC00  }
0x8c: {  	_ =	swait.ge [sflag:s18], $0x400  }
0x8d: {  	[sflag:s18] =	ssyncset.done $0x0  }
0x8e: {  	[sflag:s18] =	ssyncadd.s32 $0xFFFFFC00  }
0x8f: {  	[tilespmem:s22], [sflag:$0x1] =	stream.indirect.gather [hbm4b:s4+s21], $0x80, s25, s21, $0xb8;
	[tilespmem:$0x1C8C0] =	vst v63  }
0x90: {  	_ =	swait.ge [sflag:s31], $0x4000  }
0x91: {  	[sflag:s31] =	ssyncset.done $0x0  }
0x92: {  	s8 =	simm.s32 $0x14440;
	[sflag:s31] =	ssyncadd.s32 $0xFFFFC000  }
0x93: {  	[spmem:s2] =	stream.indirect.scatter.add.f32 [tilespmem:s24], [sflag:$0x4], $0x80, s8, s21, $0xb8;
	[tilespmem:$0x1C8C0] =	vst v63  }
0x94: {  	_ =	swait.ge [sflag:s1], $0x4000  }
0x95: {  	[sflag:s1] =	ssyncset.done $0x0  }
0x96: {  	p1 =	seq.s32 s0, $0x900;
	s7 =	simm.s32 $0x13D40;
	[sflag:s1] =	ssyncadd.s32 $0xFFFFC000  }
0x97: {  	[tilespmem:s24], [sflag:$0x2] =	stream.indirect.gather [hbm4b:s4+s21], $0x80, s7, s21, $0xb8;
	[tilespmem:$0x1C8C0] =	vst v63  }
0x98: {  	s6 =	sadd.s32 @!p1 s0, s12;
	s8 =	simm.s32 @!p1 $0x138C0;
	s7 =	simm.s32 @!p1 $0x0  }
0x99: {  	[tilespmem:s8], [sflag:$0x5] =	stream.linear.gather @!p1 [hbm4b:s6+s7], $0x400, $0x38;
	[tilespmem:$0x1C8C0] =	vst v63  }
0x9a: {  	s6 =	sadd.s32 @!p1 s0, s11;
	s8 =	simm.s32 @!p1 $0x140C0  }
0x9b: {  	[tilespmem:s8], [sflag:$0x6] =	stream.linear.gather @!p1 [hbm4b:s6+s7], $0x400, $0x38;
	[tilespmem:$0x1C8C0] =	vst v63  }
0x9c: {  	_ =	swait.ge [sflag:s28], $0x4000  }
0x9d: {  	[sflag:s28] =	ssyncset.done $0x0  }
0x9e: {  	[sflag:s28] =	ssyncadd.s32 $0xFFFFC000  }
0x9f: {  	[spmem:s2] =	stream.indirect.scatter.add.f32 [tilespmem:s22], [sflag:$0x3], $0x80, s26, s21, $0xb8;
	[tilespmem:$0x1C8C0] =	vst v63  }
0xa0: {  	_ =	swait.ge [sflag:s29], $0x4000  }
0xa1: {  	[sflag:s29] =	ssyncset.done $0x0  }
0xa2: {  	s8 =	simm.s32 $0x13DC0;
	[sflag:s29] =	ssyncadd.s32 $0xFFFFC000  }
0xa3: {  	[tilespmem:s22], [sflag:$0x1] =	stream.indirect.gather [hbm4b:s4+s21], $0x80, s8, s21, $0xb8;
	[tilespmem:$0x1C8C0] =	vst v63  }
0xa4: {  	_ =	swait.ge [sflag:s31], $0x4000  }
0xa5: {  	[sflag:s31] =	ssyncset.done $0x0  }
0xa6: {  	s7 =	simm.s32 $0x14540;
	[sflag:s31] =	ssyncadd.s32 $0xFFFFC000  }
0xa7: {  	[spmem:s2] =	stream.indirect.scatter.add.f32 [tilespmem:s24], [sflag:$0x4], $0x80, s7, s21, $0xb8;
	[tilespmem:$0x1C8C0] =	vst v63  }
0xa8: {  	_ =	swait.ge [sflag:s1], $0x4000  }
0xa9: {  	[sflag:s1] =	ssyncset.done $0x0  }
0xaa: {  	s8 =	simm.s32 $0x13E40;
	[sflag:s1] =	ssyncadd.s32 $0xFFFFC000  }
0xab: {  	[tilespmem:s24], [sflag:$0x2] =	stream.indirect.gather [hbm4b:s4+s21], $0x80, s8, s21, $0xb8;
	[tilespmem:$0x1C8C0] =	vst v63  }
0xac: {  	_ =	swait.ge [sflag:s28], $0x4000  }
0xad: {  	[sflag:s28] =	ssyncset.done $0x0  }
0xae: {  	s7 =	simm.s32 $0x145C0;
	[sflag:s28] =	ssyncadd.s32 $0xFFFFC000  }
0xaf: {  	[spmem:s2] =	stream.indirect.scatter.add.f32 [tilespmem:s22], [sflag:$0x3], $0x80, s7, s21, $0xb8;
	[tilespmem:$0x1C8C0] =	vst v63  }
0xb0: {  	_ =	swait.ge [sflag:s29], $0x4000  }
0xb1: {  	[sflag:s29] =	ssyncset.done $0x0  }
0xb2: {  	s8 =	simm.s32 $0x13EC0;
	[sflag:s29] =	ssyncadd.s32 $0xFFFFC000  }
0xb3: {  	[tilespmem:s22], [sflag:$0x1] =	stream.indirect.gather [hbm4b:s4+s21], $0x80, s8, s21, $0xb8;
	[tilespmem:$0x1C8C0] =	vst v63  }
0xb4: {  	_ =	swait.ge [sflag:s31], $0x4000  }
0xb5: {  	[sflag:s31] =	ssyncset.done $0x0  }
0xb6: {  	[sflag:s31] =	ssyncadd.s32 $0xFFFFC000  }
0xb7: {  	[spmem:s2] =	stream.indirect.scatter.add.f32 [tilespmem:s24], [sflag:$0x4], $0x80, s10, s21, $0xb8;
	[tilespmem:$0x1C8C0] =	vst v63  }
0xb8: {  	_ =	swait.ge [sflag:s1], $0x4000  }
0xb9: {  	[sflag:s1] =	ssyncset.done $0x0  }
0xba: {  	[sflag:s1] =	ssyncadd.s32 $0xFFFFC000  }
0xbb: {  	[tilespmem:s24], [sflag:$0x2] =	stream.indirect.gather [hbm4b:s4+s21], $0x80, s5, s21, $0xb8;
	[tilespmem:$0x1C8C0] =	vst v63  }
0xbc: {  	_ =	swait.ge [sflag:s28], $0x4000  }
0xbd: {  	[sflag:s28] =	ssyncset.done $0x0  }
0xbe: {  	[sflag:s28] =	ssyncadd.s32 $0xFFFFC000  }
0xbf: {  	[spmem:s2] =	stream.indirect.scatter.add.f32 [tilespmem:s22], [sflag:$0x3], $0x80, s15, s21, $0xb8;
	[tilespmem:$0x1C8C0] =	vst v63  }
0xc0: {  	_ =	swait.ge [sflag:s29], $0x4000  }
0xc1: {  	[sflag:s29] =	ssyncset.done $0x0  }
0xc2: {  	[sflag:s29] =	ssyncadd.s32 $0xFFFFC000  }
0xc3: {  	[tilespmem:s22], [sflag:$0x1] =	stream.indirect.gather [hbm4b:s4+s21], $0x80, s16, s21, $0xb8;
	[tilespmem:$0x1C8C0] =	vst v63  }
0xc4: {  	_ =	swait.ge [sflag:s31], $0x4000  }
0xc5: {  	[sflag:s31] =	ssyncset.done $0x0  }
0xc6: {  	[sflag:s31] =	ssyncadd.s32 $0xFFFFC000  }
0xc7: {  	[spmem:s2] =	stream.indirect.scatter.add.f32 [tilespmem:s24], [sflag:$0x4], $0x80, s17, s21, $0xb8;
	[tilespmem:$0x1C8C0] =	vst v63  }
0xc8: {  	_ =	swait.ge [sflag:s1], $0x4000  }
0xc9: {  	[sflag:s1] =	ssyncset.done $0x0  }
0xca: {  	[sflag:s1] =	ssyncadd.s32 $0xFFFFC000  }
0xcb: {  	[tilespmem:s24], [sflag:$0x2] =	stream.indirect.gather [hbm4b:s4+s21], $0x80, s19, s21, $0xb8;
	[tilespmem:$0x1C8C0] =	vst v63  }
0xcc: {  	_ =	swait.ge [sflag:s28], $0x4000  }
0xcd: {  	[sflag:s28] =	ssyncset.done $0x0  }
.Ltmp2:
0xce: {  	[sflag:s28] =	ssyncadd.s32 $0xFFFFC000;
	(pc) =	sbr.rel @p1 .LBB2_4-.Ltmp2, $4  }
0xcf: {  	[spmem:s2] =	stream.indirect.scatter.add.f32 [tilespmem:s22], [sflag:$0x3], $0x80, s20, s21, $0xb8;
	[tilespmem:$0x1C8C0] =	vst v63  }
0xd0: {  	_ =	swait.ge [sflag:s29], $0x4000  }
0xd1: {  	[sflag:s29] =	ssyncset.done $0x0  }
0xd2: {  	[sflag:s29] =	ssyncadd.s32 $0xFFFFC000  }
0xd3: {  	_ =	swait.ge [sflag:s23], $0x400  }
0xd4: {  	[sflag:s23] =	ssyncset.done $0x0  }
0xd5: {  	[sflag:s23] =	ssyncadd.s32 $0xFFFFFC00  }
0xd6: {  	_ =	swait.ge [sflag:s18], $0x400  }
0xd7: {  	[sflag:s18] =	ssyncset.done $0x0  }
0xd8: {  	[sflag:s18] =	ssyncadd.s32 $0xFFFFFC00  }
0xd9: {  	[tilespmem:s22], [sflag:$0x1] =	stream.indirect.gather [hbm4b:s4+s21], $0x80, s9, s21, $0xb8;
	[tilespmem:$0x1C8C0] =	vst v63  }
0xda: {  	_ =	swait.ge [sflag:s31], $0x4000  }
0xdb: {  	[sflag:s31] =	ssyncset.done $0x0  }
0xdc: {  	[sflag:s31] =	ssyncadd.s32 $0xFFFFC000  }
0xdd: {  	[spmem:s2] =	stream.indirect.scatter.add.f32 [tilespmem:s24], [sflag:$0x4], $0x80, s30, s21, $0xb8;
	[tilespmem:$0x1C8C0] =	vst v63  }
.Ltmp3:
0xde: {  	_ = 	snop;
	(pc) =	sbr.rel .LBB2_2-.Ltmp3, $4  }
0xdf: {  	_ =	swait.ge [sflag:s1], $0x4000  }
0xe0: {  	[sflag:s1] =	ssyncset.done $0x0  }
0xe1: {  	s6 =	simm.s32 $0x13940;
	s0 =	sadd.s32 $0x100, s0;
	[sflag:s1] =	ssyncadd.s32 $0xFFFFC000  }
0xe2: {  	[tilespmem:s24], [sflag:$0x2] =	stream.indirect.gather [hbm4b:s4+s21], $0x80, s6, s21, $0xb8;
	[tilespmem:$0x1C8C0] =	vst v63  }
.LBB2_5:
0xe3: {  	_ =	sfence.sel $0x180000  }
0xe4: {  	[bflag:$0x0] =	sbarrier.arrive $0xFFFF  }
0xe5: {  	_ =	strace $0x9000004A  }
0xe6: {  	s0 =	stileid.u32;
	[bflag:$0x2] =	sbarrier.arrive $0xFFFF  }
0xe7: {  	p0 =	sne.s32 s0, $0x0;
	s0 =	rddreg [dreg:$0x4]  }
0xe8: {  	s0 =	sadd.s32 @!p0 $0x100000, s0  }
0xe9: {  	[sflag:s0] =	ssyncadd.tile.s32 @!p0 $0x1;
	_ =	shalt  }
.Lfunc_end2:
_tile_overlayer_lowered:
.L_overlay_start_2:
0xea: {  	(tag) =	ssettag $0x2  }
0xeb: {  	s0 =	rddreg [dreg:$0x0];
	s2 =	stileid.u32  }
0xec: {  	s1 =	rddreg [dreg:$0x1];
	p0 =	sne.s32 s2, $0x0  }
0xed: {  	s3 =	rddreg [dreg:$0x2];
	[bflag:$0x3] =	sbarrier.arrive $0xFFFF;
	s2 =	simm.s32 @!p0 $0x1C07  }
0xee: {  	[timem:s3], [sflag:s2] =	dma.local @!p0 [hbm:s0], s1  }
0xef: {  	s0 =	simm.s32 @!p0 $0x7  }
0xf0: {  	_ =	swait.ge @!p0 [sflag:s0], s1  }
0xf1: {  	s1 =	ssub.s32 @!p0 $0x0, s1;
	[sflag:s0] =	ssyncset.done @!p0 $0x0  }
0xf2: {  	[sflag:s0] =	ssyncadd.s32 @!p0 s1  }
0xf3: {  	[bflag:$0x3] =	sbarrier.arrive $0xFFFF  }
0xf4: {  	_ =	shalt  }

// kernel: kernel.16.cloned.1.call-start
scs
__scs_entry_jumppad:
0x0: {  	(pc) =	sbr.rel $0x88, $3  }
0x1: {  	(tag) =	ssettag $0x0;
	lr =	simm.s32 $0x1  }
0x2: {  	[smem:$0x3F8F] =	sst lr;
	_ =	strace $0xD0000000  }
0x3: {  	_ = 	snop  }
0x4: {  	_ = 	snop  }
0x5: {  	_ = 	snop  }
0x6: {  	_ = 	snop  }
0x7: {  	_ = 	snop  }
__scs_overlays_trampoline_lowered:
0x8: {  	[smem:$0x3F9E] =	sst s0  }
0x9: {  	[smem:$0x3F9F] =	sst s1  }
0xa: {  	[smem:$0x3FA0] =	sst s2  }
0xb: {  	[smem:$0x3FA1] =	sst s3  }
0xc: {  	[smem:$0x3FA2] =	sst s4  }
0xd: {  	[smem:$0x3FA3] =	sst s5  }
0xe: {  	[smem:$0x3FA4] =	sst s6  }
0xf: {  	[smem:$0x3FA5] =	sst s7  }
0x10: {  	[smem:$0x3FA6] =	sst s8  }
0x11: {  	[smem:$0x3FA7] =	sst s9;
	s0 =	simm.s32 @!p0 $0x0  }
0x12: {  	s1 =	sld [smem:$0x3F8D];
	s0 =	simm.s32 @p0 $0x1  }
0x13: {  	[smem:$0x3FA8] =	sst s0;
	s0 =	simm.s32 @!p1 $0x0  }
0x14: {  	s2 =	sld [smem:$0x3F8C];
	s0 =	simm.s32 @p1 $0x1  }
0x15: {  	[smem:$0x3FA9] =	sst s0;
	s0 =	simm.s32 @!p2 $0x0  }
0x16: {  	s3 =	sld [smem:$0x3FDB];
	s0 =	simm.s32 @p2 $0x1  }
0x17: {  	s4 =	simm.s32 $0x1BF5;
	[smem:$0x3FAB] =	sst s0  }
0x18: {  	s0 =	sld [smem:$0x3F8E];
	_ =	swait.ge [sflag:s4], $0x0  }
0x19: {  	s7 =	sld [smem:$0x3F8F]  }
0x1a: {  	s8 =	sadd.s32 $0xFFFFE003, lr  }
0x1b: {  	s9 =	sadd.s32 $0xFFFFFEF7, lr;
	s5 =	simm.s32 $0xFFFFFFFF;
	p2 =	slt.u32 s8, $0xFFFFF086  }
0x1c: {  	p1 =	slt.u32 s9, $0xF7A;
	s5 =	simm.s32 @!p2 $0x0  }
0x1d: {  	s5 =	simm.s32 @p1 $0x1;
	p0 =	seq.s32 s7, s2  }
0x1e: {  	s7 =	smul.u32 @!p0 $0xF7A, s2;
	p2 =	seq.s32 @!p0 s5, $0x0  }
0x1f: {  	s9 =	smul.u32 $0xF7A, s1;
	s8 =	simm.s32 @!p0 $0x1BF5;
	p2 =	por !p2, p0  }
0x20: {  	[sflag:s8] =	ssyncset.s32 @!p0 $0xFFFFF086;
	s6 =	sadd.s32 @!p0 s3, s7;
	s7 =	simm.s32 @!p0 $0x108  }
0x21: {  	s3 =	sadd.s32 s3, s9;
	s6 =	sadd.s32 @!p0 $0x88, s6;
	s7 =	simm.s32 @p2 $0x1082  }
0x22: {  	[simem:s7], [sflag:s8] =	dma.local @!p0 [hbm:s6], $0xF7A  }
0x23: {  	s9 =	sor.u32 $0xD0000000, s2;
	s6 =	simm.s32 $0x108;
	_ =	swait.ge @!p0 [sflag:s8], $0x0  }
0x24: {  	s3 =	sadd.s32 $0x88, s3;
	s6 =	simm.s32 @!p1 $0x1082;
	[sflag:s4] =	ssyncset.s32 $0xFFFFF086  }
0x25: {  	[simem:s6], [sflag:s4] =	dma.local [hbm:s3], $0xF7A  }
0x26: {  	[smem:$0x3F8F] =	sst s1;
	(tag) =	ssettag s2;
	_ =	strace s9  }
0x27: {  	s1 =	sld [smem:$0x3F9F]  }
0x28: {  	s2 =	sld [smem:$0x3FA0]  }
0x29: {  	s4 =	sld [smem:$0x3FA2]  }
0x2a: {  	p0 =	seq.s32 s5, $0x0;
	s5 =	sld [smem:$0x3FA3]  }
0x2b: {  	s6 =	sld [smem:$0x3FA4]  }
0x2c: {  	s7 =	sld [smem:$0x3FA5]  }
0x2d: {  	s3 =	simm.s32 $0x108;
	s8 =	sld [smem:$0x3FA6]  }
0x2e: {  	s3 =	simm.s32 @!p0 $0x1082;
	s9 =	sld [smem:$0x3FA7]  }
0x2f: {  	lr =	sadd.s32 s0, s3;
	s0 =	sld [smem:$0x3F9E]  }
0x30: {  	s3 =	sld [smem:$0x3FA1]  }
0x31: {  	[smem:$0x3FAA] =	sst s10  }
0x32: {  	s10 =	sld [smem:$0x3FA8];
	_ =	sdelay $0x3  }
0x33: {  	p0 =	seq.s32 s10, $0x1;
	s10 =	sld [smem:$0x3FAA];
	_ =	sdelay $0x3  }
0x34: {  	[smem:$0x3FAA] =	sst s10  }
0x35: {  	s10 =	sld [smem:$0x3FA9];
	_ =	sdelay $0x3  }
0x36: {  	p1 =	seq.s32 s10, $0x1;
	s10 =	sld [smem:$0x3FAA];
	_ =	sdelay $0x3  }
0x37: {  	[smem:$0x3FAA] =	sst s10  }
0x38: {  	s10 =	sld [smem:$0x3FAB]  }
0x39: {  	_ = 	snop;
	(pc) =	sbr.ind lr, $3  }
0x3a: {  	_ = 	snop  }
0x3b: {  	_ = 	snop  }
0x3c: {  	p2 =	seq.s32 s10, $0x1;
	s10 =	sld [smem:$0x3FAA]  }
0x3d: {  	_ =	shalt  }
0x3e: {  	_ =	shalt  }
0x3f: {  	_ =	shalt  }
0x40: {  	_ =	shalt  }
0x41: {  	_ =	shalt  }
0x42: {  	_ =	shalt  }
0x43: {  	_ =	shalt  }
0x44: {  	_ =	shalt  }
0x45: {  	_ =	shalt  }
0x46: {  	_ =	shalt  }
0x47: {  	_ =	shalt  }
0x48: {  	_ =	shalt  }
0x49: {  	_ =	shalt  }
0x4a: {  	_ =	shalt  }
0x4b: {  	_ =	shalt  }
0x4c: {  	_ =	shalt  }
0x4d: {  	_ =	shalt  }
0x4e: {  	_ =	shalt  }
0x4f: {  	_ =	shalt  }
0x50: {  	_ =	shalt  }
0x51: {  	_ =	shalt  }
0x52: {  	_ =	shalt  }
0x53: {  	_ =	shalt  }
0x54: {  	_ =	shalt  }
0x55: {  	_ =	shalt  }
0x56: {  	_ =	shalt  }
0x57: {  	_ =	shalt  }
0x58: {  	_ =	shalt  }
0x59: {  	_ =	shalt  }
0x5a: {  	_ =	shalt  }
0x5b: {  	_ =	shalt  }
0x5c: {  	_ =	shalt  }
0x5d: {  	_ =	shalt  }
0x5e: {  	_ =	shalt  }
0x5f: {  	_ =	shalt  }
0x60: {  	_ =	shalt  }
0x61: {  	_ =	shalt  }
0x62: {  	_ =	shalt  }
0x63: {  	_ =	shalt  }
0x64: {  	_ =	shalt  }
0x65: {  	_ =	shalt  }
0x66: {  	_ =	shalt  }
0x67: {  	_ =	shalt  }
0x68: {  	_ =	shalt  }
0x69: {  	_ =	shalt  }
0x6a: {  	_ =	shalt  }
0x6b: {  	_ =	shalt  }
0x6c: {  	_ =	shalt  }
0x6d: {  	_ =	shalt  }
0x6e: {  	_ =	shalt  }
0x6f: {  	_ =	shalt  }
0x70: {  	_ =	shalt  }
0x71: {  	_ =	shalt  }
0x72: {  	_ =	shalt  }
0x73: {  	_ =	shalt  }
0x74: {  	_ =	shalt  }
0x75: {  	_ =	shalt  }
0x76: {  	_ =	shalt  }
0x77: {  	_ =	shalt  }
0x78: {  	_ =	shalt  }
0x79: {  	_ =	shalt  }
0x7a: {  	_ =	shalt  }
0x7b: {  	_ =	shalt  }
0x7c: {  	_ =	shalt  }
0x7d: {  	_ =	shalt  }
0x7e: {  	_ =	shalt  }
0x7f: {  	_ =	shalt  }
0x80: {  	_ =	shalt  }
0x81: {  	_ =	shalt  }
0x82: {  	_ =	shalt  }
0x83: {  	_ =	shalt  }
0x84: {  	_ =	shalt  }
0x85: {  	_ =	shalt  }
0x86: {  	_ =	shalt  }
0x87: {  	_ =	shalt  }
.Lfunc_end0:
.L_simem_size_0:
called_computation.2_lowered:
.L_overlay_start_0:
0x88: {  	s2 =	sld [smem:$0x3FD9]  }
0x89: {  	s3 =	sld [smem:$0x3FFE];
	_ =	sdelay $0x1  }
0x8a: {  	s1 =	srdreg.scid  }
0x8b: {  	s0 =	sand.u32 $0x1, s1  }
0x8c: {  	s14 =	sshll.u32 s0, $0xA;
	s2 =	sadd.s32 s3, s2  }
0x8d: {  	s2 =	sadd.s32 s2, s14  }
0x8e: {  	[smem:$0x3FB6] =	sst s2  }
0x8f: {  	_ = 	snop  }
0x90: {  	s2 =	sld [smem:$0x3FD0];
	_ =	sdelay $0x2  }
0x91: {  	s15 =	simm.s32 $0xA;
	s4 =	simm.s32 $0x10  }
0x92: {  	[smem:s4], [sflag:s15] =	dma.local [hbm:s2], $0x1  }
0x93: {  	_ =	swait.eq [sflag:s15], $0x1  }
0x94: {  	[sflag:s15] =	ssyncset.done $0x0  }
0x95: {  	s16 =	sld [smem:$0x10];
	[sflag:s15] =	ssyncadd.s32 $0xFFFFFFFF  }
0x96: {  	s17 =	sld [smem:$0x11];
	(tm) =	ssettm $0x1  }
0x97: {  	s18 =	sld [smem:$0x3FFB];
	_ =	sdelay $0x3  }
0x98: {  	_ =	strace s18  }
0x99: {  	s4 =	sld [smem:$0x3FFC];
	_ =	sdelay $0x3  }
0x9a: {  	_ =	strace s4  }
0x9b: {  	s4 =	sld [smem:$0x3FFD];
	_ =	sdelay $0x3  }
0x9c: {  	_ =	strace s4  }
0x9d: {  	_ =	strace $0x8FFFFFFF  }
0x9e: {  	s19 =	sld [smem:$0x3FDB];
	_ =	sdelay $0x1  }
0x9f: {  	s5 =	simm.s32 $_scs_section_size  }
0xa0: {  	s6 =	simm.s32 $_size__tile_overlayer_lowered;
	s7 =	simm.s32 $_tile_overlayer_lowered  }
0xa1: {  	s22 =	simm.s32 $0x1BFF;
	s21 =	sshll.u32 s7, $0x1;
	s4 =	sadd.s32 s5, s19  }
0xa2: {  	s8 =	simm.s32 $0x0;
	s20 =	sshll.u32 s6, $0x1;
	s6 =	sadd.s32 s21, s4  }
0xa3: {  	[timem:s8], [sflag:s22] =	dma.local [hbm:s6], s20  }
0xa4: {  	_ =	swait.ge [sflag:s22], s20  }
0xa5: {  	s5 =	ssub.s32 $0x0, s20;
	[sflag:s22] =	ssyncset.done $0x0  }
0xa6: {  	[sflag:s22] =	ssyncadd.s32 s5;
	_ =	sdelay $0x1  }
0xa7: {  	s23 =	simm.s32 $0x1B8B  }
0xa8: {  	_ =	swait.ge [sflag:s23], $0x1  }
0xa9: {  	[sflag:s23] =	ssyncset.done $0x0  }
0xaa: {  	s25 =	simm.s32 $0x1B8E;
	s24 =	sld [smem:$0x3FFE];
	[sflag:s23] =	ssyncadd.s32 $0xFFFFFFFF  }
0xab: {  	s26 =	simm.s32 $execute0_lowered;
	[smem:$0x3FD2] =	sst s25  }
0xac: {  	s6 =	sshll.u32 s26, $0x1;
	_ =	strace $0x8000004C;
	[dreg:$0x1] =	wrdreg $0xFFFFFFFF  }
0xad: {  	s28 =	simm.s32 $_size_execute0_lowered;
	s4 =	sadd.s32 s4, s6;
	[dreg:$0x0] =	wrdreg $0x0  }
0xae: {  	s6 =	sshll.u32 s28, $0x1;
	[dreg:$0x2] =	wrdreg s4  }
0xaf: {  	[dreg:$0x3] =	wrdreg s6  }
0xb0: {  	[dreg:$0x4] =	wrdreg $0xC0  }
0xb1: {  	_ =	task [dreg:s8], $0x5FFFF  }
0xb2: {  	[dreg:$0x1] =	wrdreg $0xFFFFFFFF  }
0xb3: {  	[dreg:$0x0] =	wrdreg $0x60  }
0xb4: {  	[dreg:$0x2] =	wrdreg s24  }
0xb5: {  	[dreg:$0x3] =	wrdreg s17  }
0xb6: {  	[dreg:$0x4] =	wrdreg s16  }
0xb7: {  	[dreg:$0x5] =	wrdreg $0x0  }
0xb8: {  	[dreg:$0x6] =	wrdreg $0x9  }
0xb9: {  	_ =	task.clear_ibuf [dreg:s8], $0x7FFFF;
	_ =	strace $0x9000004C  }
0xba: {  	s29 =	simm.s32 $0x9;
	_ =	strace $0x8000004E  }
0xbb: {  	_ =	swait.ge [sflag:s29], $0x1  }
0xbc: {  	[sflag:s29] =	ssyncadd.s32 $0xFFFFFFFF  }
0xbd: {  	_ =	strace $0x9000004E  }
0xbe: {  	_ =	sfence  }
0xbf: {  	s30 =	sld [smem:$0x0];
	_ =	sdelay $0x2  }
0xc0: {  	s31 =	sshll.u32 s1, $0xD;
	s1 =	sshrl.u32 s1, $0x2  }
0xc1: {  	s3 =	sand.u32 $0x4000, s31;
	s1 =	sadd.s32 s1, s30  }
0xc2: {  	s0 =	sor.u32 s3, s0;
	s1 =	sshll.u32 s1, $0x11  }
0xc3: {  	s0 =	sor.u32 s1, s0  }
0xc4: {  	s0 =	sadd.s32 $0x8F2B, s0  }
0xc5: {  	[sflag:s0] =	ssyncadd.remote.s32 $0x1  }
0xc6: {  	_ =	sfence.sel $0xFFFF  }
0xc7: {  	[dreg:$0x0] =	wrdreg $0xFFFFFFFF;
	(pc) =	sbr.abs _section_cstart, $3  }
0xc8: {  	[dreg:$0x1] =	wrdreg $0xFFFFFFFF  }
0xc9: {  	_ =	task.clear_ibuf [dreg:s8], $0x2FFFF;
	_ =	strace $0x9FFFFFFF  }
0xca: {  	(tm) =	ssettm $0x7FFFFFFF  }
0xcb: {  	_ =	shalt  }
tec
execute0_lowered:
.L_overlay_start_1:
0x0: {  	(tag) =	ssettag $0x1  }
0x1: {  	s0 =	rddreg [dreg:$0x0]  }
0x2: {  	s1 =	rddreg [dreg:$0x1]  }
0x3: {  	s5 =	rddreg [dreg:$0x2]  }
0x4: {  	s2 =	rddreg [dreg:$0x3]  }
0x5: {  	s3 =	simm.s32 $0x0;
	s4 =	srdreg.scid;
	s17 =	stileid.u32  }
0x6: {  	s28 =	simm.s32 $0x1;
	s29 =	simm.s32 $0x3;
	s31 =	simm.s32 $0x2  }
0x7: {  	s30 =	simm.s32 $0x14840;
	[smem:$0x7FF] =	sst s3;
	s7 =	smul.u32 $0x2780, s17  }
0x8: {  	s6 =	sand.u32 $0x1, s4;
	s4 =	sadd.s32 $0x55200, s0;
	s10 =	smul.u32 $0x5000, s17  }
0x9: {  	s9 =	sadd.s32 $0x4800, s0;
	s0 =	sadd.s32 $0xF1600, s0;
	s12 =	smul.u32 $0x4F000, s17  }
0xa: {  	p0 =	seq.s32 s17, $0xF;
	_ =	strace $0x8000004D;
	s8 =	smul.u32 $0x50000, s6  }
0xb: {  	[dreg:$0x5] =	wrdreg s9;
	s16 =	ssub.s32 $0x2, s6;
	s18 =	smul.u32 $0x27100, s6  }
0xc: {  	s6 =	smul.u32 $0x138800, s6;
	s11 =	sshrl.u32 s16, $0x1;
	s19 =	sshrl.u32 s12, $0x2  }
0xd: {  	s9 =	ssub.s32 s16, s11;
	s8 =	sadd.s32 s10, s8;
	s15 =	sadd.s32 s19, s2  }
0xe: {  	s16 =	sadd.s32 $0x128400, s2;
	s7 =	sadd.s32 s7, s18;
	s6 =	sshrl.u32 s6, $0x3  }
0xf: {  	s18 =	simm.s32 $0x6;
	s10 =	simm.s32 $0x14640;
	s19 =	simm.s32 $0x14040  }
0x10: {  	s20 =	sshrl.u32 s8, $0x3;
	s7 =	sadd.s32 s0, s7;
	s0 =	sadd.s32 s0, s6  }
0x11: {  	s23 =	sor.u32 $0x800, s8;
	s25 =	sor.u32 $0x400, s8;
	s26 =	smax.u32 s9, $0x1  }
0x12: {  	s9 =	sshrl.u32 @!p0 s15, $0x3;
	s15 =	simm.s32 $0x146C0;
	s21 =	sadd.s32 s1, s20  }
0x13: {  	s22 =	sadd.s32 s5, s20;
	[dreg:$0x8] =	wrdreg s7;
	s0 =	sadd.s32 $0x25080, s0  }
0x14: {  	s24 =	sshrl.u32 s23, $0x3;
	[dreg:$0xa] =	wrdreg s26;
	s6 =	sshrl.u32 s25, $0x3  }
0x15: {  	s7 =	sshrl.u32 @p0 s16, $0x3;
	s25 =	simm.s32 $0x13CC0;
	[dreg:$0xd] =	wrdreg s9  }
0x16: {  	s26 =	simm.s32 $0x144C0;
	s23 =	simm.s32 $0x5;
	[dreg:$0x6] =	wrdreg s21  }
0x17: {  	s16 =	simm.s32 $0x13FC0;
	s20 =	simm.s32 $0x147C0;
	[dreg:$0x7] =	wrdreg s22  }
0x18: {  	[dreg:$0x9] =	wrdreg s0;
	s11 =	sadd.s32 s24, s5;
	s12 =	sadd.s32 s24, s1  }
.Ltmp0:
0x19: {  	s13 =	sadd.s32 s6, s5;
	s14 =	sadd.s32 s6, s1;
	(pc) =	sbr.rel .LBB2_1-.Ltmp0, $4  }
0x1a: {  	s0 =	sshll.u32 @!p0 s17, $0x6;
	s21 =	simm.s32 $0x80;
	s22 =	simm.s32 $0x148C0  }
0x1b: {  	s24 =	simm.s32 $0x188C0;
	s6 =	simm.s32 $0x0;
	[dreg:$0xb] =	wrdreg s7  }
0x1c: {  	s1 =	simm.s32 $0x4;
	s8 =	sor.u32 @!p0 $0x1C07, s0;
	[dreg:$0xe] =	wrdreg s6  }
0x1d: {  	s5 =	simm.s32 $0x13F40;
	s17 =	simm.s32 $0x14740;
	[dreg:$0xc] =	wrdreg s8  }
.LBB2_4:
0x1e: {  	_ =	swait.ge [sflag:s31], $0x4000  }
0x1f: {  	[sflag:s31] =	ssyncset.done $0x0  }
0x20: {  	[sflag:s31] =	ssyncadd.s32 $0xFFFFC000  }
0x21: {  	[spmem:s2] =	stream.indirect.scatter.add.f32 [tilespmem:s24], [sflag:$0x4], $0x80, s30, s21, $0xb8;
	[tilespmem:$0x1C8C0] =	vst v63  }
0x22: {  	_ =	swait.ge [sflag:s1], $0x4000  }
0x23: {  	[sflag:s1] =	ssyncset.done $0x0  }
0x24: {  	[sflag:s1] =	ssyncadd.s32 $0xFFFFC000  }
0x25: {  	[bflag:$0x0] =	sbarrier.arrive $0xFFFF  }
0x26: {  	s6 =	rddreg [dreg:$0x9]  }
0x27: {  	s0 =	simm.s32 @p0 $0x1FC7;
	s7 =	rddreg [dreg:$0xb]  }
0x28: {  	[hbm:s6], [sflag:s0] =	dma.local @p0 [spmem:s7], $0x2080  }
0x29: {  	s0 =	simm.s32 @p0 $0x7  }
0x2a: {  	_ =	swait.ge @p0 [sflag:s0], $0x2080  }
0x2b: {  	s8 =	rddreg [dreg:$0xc]  }
0x2c: {  	[sflag:s0] =	ssyncset.done @p0 $0x0;
	s9 =	rddreg [dreg:$0xd]  }
0x2d: {  	s6 =	simm.s32 @!p0 $0x7;
	[sflag:s0] =	ssyncadd.s32 @p0 $0xFFFFDF80;
	s0 =	rddreg [dreg:$0x8]  }
0x2e: {  	[hbm:s0], [sflag:s8] =	dma.local @!p0 [spmem:s9], $0x2780  }
0x2f: {  	_ =	swait.ge @!p0 [sflag:s6], $0x2780  }
0x30: {  	s0 =	rddreg [dreg:$0xe]  }
0x31: {  	[sflag:s6] =	ssyncset.done @!p0 $0x0;
	s6 =	rddreg [dreg:$0xa];
	s0 =	sadd.s32 $0x1, s0  }
0x32: {  	p1 =	sne.s32 s0, s6  }
.Ltmp1:
0x33: {  	_ = 	snop;
	(pc) =	sbr.rel @!p1 .LBB2_5-.Ltmp1, $3  }
0x34: {  	_ =	sdelay $0x1  }
0x35: {  	[dreg:$0xe] =	wrdreg s0;
	s0 =	simm.s32 @!p0 $0x7  }
0x36: {  	[sflag:s0] =	ssyncadd.s32 @!p0 $0xFFFFD880  }
.LBB2_1:
0x37: {  	s0 =	simm.s32 @p0 $0x1FC7;
	s6 =	rddreg [dreg:$0x5]  }
0x38: {  	[spmem:s7], [sflag:s0] =	dma.local @p0 [hbm:s6], $0x2100  }
0x39: {  	s0 =	simm.s32 @p0 $0x7  }
0x3a: {  	_ =	swait.ge @p0 [sflag:s0], $0x2100  }
0x3b: {  	[sflag:s0] =	ssyncset.done @p0 $0x0  }
0x3c: {  	[sflag:s0] =	ssyncadd.s32 @p0 $0xFFFFDF00;
	s0 =	simm.s32 @!p0 $0x7  }
0x3d: {  	[spmem:s9], [sflag:s8] =	dma.local @!p0 [hbm:s6], $0x2780  }
0x3e: {  	_ =	swait.ge @!p0 [sflag:s0], $0x2780  }
0x3f: {  	[sflag:s0] =	ssyncset.done @!p0 $0x0  }
0x40: {  	s9 =	simm.s32 $0x138C0;
	s6 =	rddreg [dreg:$0x6];
	[sflag:s0] =	ssyncadd.s32 @!p0 $0xFFFFD880  }
0x41: {  	[tilespmem:s9], [sflag:$0x7] =	stream.linear.gather [hbm4b:s6+s3], $0x400, $0x38;
	[tilespmem:$0x1C8C0] =	vst v63  }
0x42: {  	s6 =	simm.s32 $0x7  }
0x43: {  	_ =	swait.ge [sflag:s6], $0x400  }
0x44: {  	[sflag:s6] =	ssyncset.done $0x0  }
0x45: {  	s8 =	simm.s32 $0x140C0;
	s7 =	rddreg [dreg:$0x7];
	[sflag:s6] =	ssyncadd.s32 $0xFFFFFC00  }
0x46: {  	[tilespmem:s8], [sflag:$0x7] =	stream.linear.gather [hbm4b:s7+s3], $0x400, $0x38;
	[tilespmem:$0x1C8C0] =	vst v63  }
0x47: {  	_ =	swait.ge [sflag:s6], $0x400  }
0x48: {  	[sflag:s6] =	ssyncset.done $0x0  }
0x49: {  	[sflag:s6] =	ssyncadd.s32 $0xFFFFFC00  }
0x4a: {  	[bflag:$0x0] =	sbarrier.arrive $0xFFFF  }
0x4b: {  	[tilespmem:s22], [sflag:$0x1] =	stream.indirect.gather [hbm4b:s4+s21], $0x80, s9, s21, $0xb8;
	[tilespmem:$0x1C8C0] =	vst v63  }
0x4c: {  	s0 =	simm.s32 $0x0;
	s8 =	simm.s32 $0x13940  }
0x4d: {  	[tilespmem:s24], [sflag:$0x2] =	stream.indirect.gather [hbm4b:s4+s21], $0x80, s8, s21, $0xb8;
	[tilespmem:$0x1C8C0] =	vst v63  }
.LBB2_2:
0x4e: {  	s6 =	sadd.s32 s0, s14  }
0x4f: {  	[tilespmem:s25], [sflag:$0x5] =	stream.linear.gather [hbm4b:s6+s3], $0x400, $0x38;
	[tilespmem:$0x1C8C0] =	vst v63  }
0x50: {  	s8 =	sadd.s32 s0, s13  }
0x51: {  	[tilespmem:s26], [sflag:$0x6] =	stream.linear.gather [hbm4b:s8+s3], $0x400, $0x38;
	[tilespmem:$0x1C8C0] =	vst v63  }
0x52: {  	_ =	swait.ge [sflag:s28], $0x4000  }
0x53: {  	[sflag:s28] =	ssyncset.done $0x0  }
0x54: {  	s7 =	simm.s32 $0x140C0;
	[sflag:s28] =	ssyncadd.s32 $0xFFFFC000  }
0x55: {  	[spmem:s2] =	stream.indirect.scatter.add.f32 [tilespmem:s22], [sflag:$0x3], $0x80, s7, s21, $0xb8;
	[tilespmem:$0x1C8C0] =	vst v63  }
0x56: {  	_ =	swait.ge [sflag:s29], $0x4000  }
0x57: {  	[sflag:s29] =	ssyncset.done $0x0  }
0x58: {  	s8 =	simm.s32 $0x139C0;
	[sflag:s29] =	ssyncadd.s32 $0xFFFFC000  }
0x59: {  	[tilespmem:s22], [sflag:$0x1] =	stream.indirect.gather [hbm4b:s4+s21], $0x80, s8, s21, $0xb8;
	[tilespmem:$0x1C8C0] =	vst v63  }
0x5a: {  	_ =	swait.ge [sflag:s31], $0x4000  }
0x5b: {  	[sflag:s31] =	ssyncset.done $0x0  }
0x5c: {  	s7 =	simm.s32 $0x14140;
	[sflag:s31] =	ssyncadd.s32 $0xFFFFC000  }
0x5d: {  	[spmem:s2] =	stream.indirect.scatter.add.f32 [tilespmem:s24], [sflag:$0x4], $0x80, s7, s21, $0xb8;
	[tilespmem:$0x1C8C0] =	vst v63  }
0x5e: {  	_ =	swait.ge [sflag:s1], $0x4000  }
0x5f: {  	[sflag:s1] =	ssyncset.done $0x0  }
0x60: {  	s8 =	simm.s32 $0x13A40;
	[sflag:s1] =	ssyncadd.s32 $0xFFFFC000  }
0x61: {  	[tilespmem:s24], [sflag:$0x2] =	stream.indirect.gather [hbm4b:s4+s21], $0x80, s8, s21, $0xb8;
	[tilespmem:$0x1C8C0] =	vst v63  }
0x62: {  	_ =	swait.ge [sflag:s28], $0x4000  }
0x63: {  	[sflag:s28] =	ssyncset.done $0x0  }
0x64: {  	s7 =	simm.s32 $0x141C0;
	[sflag:s28] =	ssyncadd.s32 $0xFFFFC000  }
0x65: {  	[spmem:s2] =	stream.indirect.scatter.add.f32 [tilespmem:s22], [sflag:$0x3], $0x80, s7, s21, $0xb8;
	[tilespmem:$0x1C8C0] =	vst v63  }
0x66: {  	_ =	swait.ge [sflag:s29], $0x4000  }
0x67: {  	[sflag:s29] =	ssyncset.done $0x0  }
0x68: {  	s8 =	simm.s32 $0x13AC0;
	[sflag:s29] =	ssyncadd.s32 $0xFFFFC000  }
0x69: {  	[tilespmem:s22], [sflag:$0x1] =	stream.indirect.gather [hbm4b:s4+s21], $0x80, s8, s21, $0xb8;
	[tilespmem:$0x1C8C0] =	vst v63  }
0x6a: {  	_ =	swait.ge [sflag:s31], $0x4000  }
0x6b: {  	[sflag:s31] =	ssyncset.done $0x0  }
0x6c: {  	s7 =	simm.s32 $0x14240;
	[sflag:s31] =	ssyncadd.s32 $0xFFFFC000  }
0x6d: {  	[spmem:s2] =	stream.indirect.scatter.add.f32 [tilespmem:s24], [sflag:$0x4], $0x80, s7, s21, $0xb8;
	[tilespmem:$0x1C8C0] =	vst v63  }
0x6e: {  	_ =	swait.ge [sflag:s1], $0x4000  }
0x6f: {  	[sflag:s1] =	ssyncset.done $0x0  }
0x70: {  	s8 =	simm.s32 $0x13B40;
	[sflag:s1] =	ssyncadd.s32 $0xFFFFC000  }
0x71: {  	[tilespmem:s24], [sflag:$0x2] =	stream.indirect.gather [hbm4b:s4+s21], $0x80, s8, s21, $0xb8;
	[tilespmem:$0x1C8C0] =	vst v63  }
0x72: {  	_ =	swait.ge [sflag:s28], $0x4000  }
0x73: {  	[sflag:s28] =	ssyncset.done $0x0  }
0x74: {  	s7 =	simm.s32 $0x142C0;
	[sflag:s28] =	ssyncadd.s32 $0xFFFFC000  }
0x75: {  	[spmem:s2] =	stream.indirect.scatter.add.f32 [tilespmem:s22], [sflag:$0x3], $0x80, s7, s21, $0xb8;
	[tilespmem:$0x1C8C0] =	vst v63  }
0x76: {  	_ =	swait.ge [sflag:s29], $0x4000  }
0x77: {  	[sflag:s29] =	ssyncset.done $0x0  }
0x78: {  	s8 =	simm.s32 $0x13BC0;
	[sflag:s29] =	ssyncadd.s32 $0xFFFFC000  }
0x79: {  	[tilespmem:s22], [sflag:$0x1] =	stream.indirect.gather [hbm4b:s4+s21], $0x80, s8, s21, $0xb8;
	[tilespmem:$0x1C8C0] =	vst v63  }
0x7a: {  	_ =	swait.ge [sflag:s31], $0x4000  }
0x7b: {  	[sflag:s31] =	ssyncset.done $0x0  }
0x7c: {  	s7 =	simm.s32 $0x14340;
	[sflag:s31] =	ssyncadd.s32 $0xFFFFC000  }
0x7d: {  	[spmem:s2] =	stream.indirect.scatter.add.f32 [tilespmem:s24], [sflag:$0x4], $0x80, s7, s21, $0xb8;
	[tilespmem:$0x1C8C0] =	vst v63  }
0x7e: {  	_ =	swait.ge [sflag:s1], $0x4000  }
0x7f: {  	[sflag:s1] =	ssyncset.done $0x0  }
0x80: {  	s8 =	simm.s32 $0x13C40;
	[sflag:s1] =	ssyncadd.s32 $0xFFFFC000  }
0x81: {  	[tilespmem:s24], [sflag:$0x2] =	stream.indirect.gather [hbm4b:s4+s21], $0x80, s8, s21, $0xb8;
	[tilespmem:$0x1C8C0] =	vst v63  }
0x82: {  	_ =	swait.ge [sflag:s28], $0x4000  }
0x83: {  	[sflag:s28] =	ssyncset.done $0x0  }
0x84: {  	s7 =	simm.s32 $0x143C0;
	[sflag:s28] =	ssyncadd.s32 $0xFFFFC000  }
0x85: {  	[spmem:s2] =	stream.indirect.scatter.add.f32 [tilespmem:s22], [sflag:$0x3], $0x80, s7, s21, $0xb8;
	[tilespmem:$0x1C8C0] =	vst v63  }
0x86: {  	_ =	swait.ge [sflag:s29], $0x4000  }
0x87: {  	[sflag:s29] =	ssyncset.done $0x0  }
0x88: {  	[sflag:s29] =	ssyncadd.s32 $0xFFFFC000  }
0x89: {  	_ =	swait.ge [sflag:s23], $0x400  }
0x8a: {  	[sflag:s23] =	ssyncset.done $0x0  }
0x8b: {  	[sflag:s23] =	ssyncadd.s32 $0xFFFFFC00  }
0x8c: {  	_ =	swait.ge [sflag:s18], $0x400  }
0x8d: {  	[sflag:s18] =	ssyncset.done $0x0  }
0x8e: {  	[sflag:s18] =	ssyncadd.s32 $0xFFFFFC00  }
0x8f: {  	[tilespmem:s22], [sflag:$0x1] =	stream.indirect.gather [hbm4b:s4+s21], $0x80, s25, s21, $0xb8;
	[tilespmem:$0x1C8C0] =	vst v63  }
0x90: {  	_ =	swait.ge [sflag:s31], $0x4000  }
0x91: {  	[sflag:s31] =	ssyncset.done $0x0  }
0x92: {  	s8 =	simm.s32 $0x14440;
	[sflag:s31] =	ssyncadd.s32 $0xFFFFC000  }
0x93: {  	[spmem:s2] =	stream.indirect.scatter.add.f32 [tilespmem:s24], [sflag:$0x4], $0x80, s8, s21, $0xb8;
	[tilespmem:$0x1C8C0] =	vst v63  }
0x94: {  	_ =	swait.ge [sflag:s1], $0x4000  }
0x95: {  	[sflag:s1] =	ssyncset.done $0x0  }
0x96: {  	p1 =	seq.s32 s0, $0x900;
	s7 =	simm.s32 $0x13D40;
	[sflag:s1] =	ssyncadd.s32 $0xFFFFC000  }
0x97: {  	[tilespmem:s24], [sflag:$0x2] =	stream.indirect.gather [hbm4b:s4+s21], $0x80, s7, s21, $0xb8;
	[tilespmem:$0x1C8C0] =	vst v63  }
0x98: {  	s6 =	sadd.s32 @!p1 s0, s12;
	s8 =	simm.s32 @!p1 $0x138C0;
	s7 =	simm.s32 @!p1 $0x0  }
0x99: {  	[tilespmem:s8], [sflag:$0x5] =	stream.linear.gather @!p1 [hbm4b:s6+s7], $0x400, $0x38;
	[tilespmem:$0x1C8C0] =	vst v63  }
0x9a: {  	s6 =	sadd.s32 @!p1 s0, s11;
	s8 =	simm.s32 @!p1 $0x140C0  }
0x9b: {  	[tilespmem:s8], [sflag:$0x6] =	stream.linear.gather @!p1 [hbm4b:s6+s7], $0x400, $0x38;
	[tilespmem:$0x1C8C0] =	vst v63  }
0x9c: {  	_ =	swait.ge [sflag:s28], $0x4000  }
0x9d: {  	[sflag:s28] =	ssyncset.done $0x0  }
0x9e: {  	[sflag:s28] =	ssyncadd.s32 $0xFFFFC000  }
0x9f: {  	[spmem:s2] =	stream.indirect.scatter.add.f32 [tilespmem:s22], [sflag:$0x3], $0x80, s26, s21, $0xb8;
	[tilespmem:$0x1C8C0] =	vst v63  }
0xa0: {  	_ =	swait.ge [sflag:s29], $0x4000  }
0xa1: {  	[sflag:s29] =	ssyncset.done $0x0  }
0xa2: {  	s8 =	simm.s32 $0x13DC0;
	[sflag:s29] =	ssyncadd.s32 $0xFFFFC000  }
0xa3: {  	[tilespmem:s22], [sflag:$0x1] =	stream.indirect.gather [hbm4b:s4+s21], $0x80, s8, s21, $0xb8;
	[tilespmem:$0x1C8C0] =	vst v63  }
0xa4: {  	_ =	swait.ge [sflag:s31], $0x4000  }
0xa5: {  	[sflag:s31] =	ssyncset.done $0x0  }
0xa6: {  	s7 =	simm.s32 $0x14540;
	[sflag:s31] =	ssyncadd.s32 $0xFFFFC000  }
0xa7: {  	[spmem:s2] =	stream.indirect.scatter.add.f32 [tilespmem:s24], [sflag:$0x4], $0x80, s7, s21, $0xb8;
	[tilespmem:$0x1C8C0] =	vst v63  }
0xa8: {  	_ =	swait.ge [sflag:s1], $0x4000  }
0xa9: {  	[sflag:s1] =	ssyncset.done $0x0  }
0xaa: {  	s8 =	simm.s32 $0x13E40;
	[sflag:s1] =	ssyncadd.s32 $0xFFFFC000  }
0xab: {  	[tilespmem:s24], [sflag:$0x2] =	stream.indirect.gather [hbm4b:s4+s21], $0x80, s8, s21, $0xb8;
	[tilespmem:$0x1C8C0] =	vst v63  }
0xac: {  	_ =	swait.ge [sflag:s28], $0x4000  }
0xad: {  	[sflag:s28] =	ssyncset.done $0x0  }
0xae: {  	s7 =	simm.s32 $0x145C0;
	[sflag:s28] =	ssyncadd.s32 $0xFFFFC000  }
0xaf: {  	[spmem:s2] =	stream.indirect.scatter.add.f32 [tilespmem:s22], [sflag:$0x3], $0x80, s7, s21, $0xb8;
	[tilespmem:$0x1C8C0] =	vst v63  }
0xb0: {  	_ =	swait.ge [sflag:s29], $0x4000  }
0xb1: {  	[sflag:s29] =	ssyncset.done $0x0  }
0xb2: {  	s8 =	simm.s32 $0x13EC0;
	[sflag:s29] =	ssyncadd.s32 $0xFFFFC000  }
0xb3: {  	[tilespmem:s22], [sflag:$0x1] =	stream.indirect.gather [hbm4b:s4+s21], $0x80, s8, s21, $0xb8;
	[tilespmem:$0x1C8C0] =	vst v63  }
0xb4: {  	_ =	swait.ge [sflag:s31], $0x4000  }
0xb5: {  	[sflag:s31] =	ssyncset.done $0x0  }
0xb6: {  	[sflag:s31] =	ssyncadd.s32 $0xFFFFC000  }
0xb7: {  	[spmem:s2] =	stream.indirect.scatter.add.f32 [tilespmem:s24], [sflag:$0x4], $0x80, s10, s21, $0xb8;
	[tilespmem:$0x1C8C0] =	vst v63  }
0xb8: {  	_ =	swait.ge [sflag:s1], $0x4000  }
0xb9: {  	[sflag:s1] =	ssyncset.done $0x0  }
0xba: {  	[sflag:s1] =	ssyncadd.s32 $0xFFFFC000  }
0xbb: {  	[tilespmem:s24], [sflag:$0x2] =	stream.indirect.gather [hbm4b:s4+s21], $0x80, s5, s21, $0xb8;
	[tilespmem:$0x1C8C0] =	vst v63  }
0xbc: {  	_ =	swait.ge [sflag:s28], $0x4000  }
0xbd: {  	[sflag:s28] =	ssyncset.done $0x0  }
0xbe: {  	[sflag:s28] =	ssyncadd.s32 $0xFFFFC000  }
0xbf: {  	[spmem:s2] =	stream.indirect.scatter.add.f32 [tilespmem:s22], [sflag:$0x3], $0x80, s15, s21, $0xb8;
	[tilespmem:$0x1C8C0] =	vst v63  }
0xc0: {  	_ =	swait.ge [sflag:s29], $0x4000  }
0xc1: {  	[sflag:s29] =	ssyncset.done $0x0  }
0xc2: {  	[sflag:s29] =	ssyncadd.s32 $0xFFFFC000  }
0xc3: {  	[tilespmem:s22], [sflag:$0x1] =	stream.indirect.gather [hbm4b:s4+s21], $0x80, s16, s21, $0xb8;
	[tilespmem:$0x1C8C0] =	vst v63  }
0xc4: {  	_ =	swait.ge [sflag:s31], $0x4000  }
0xc5: {  	[sflag:s31] =	ssyncset.done $0x0  }
0xc6: {  	[sflag:s31] =	ssyncadd.s32 $0xFFFFC000  }
0xc7: {  	[spmem:s2] =	stream.indirect.scatter.add.f32 [tilespmem:s24], [sflag:$0x4], $0x80, s17, s21, $0xb8;
	[tilespmem:$0x1C8C0] =	vst v63  }
0xc8: {  	_ =	swait.ge [sflag:s1], $0x4000  }
0xc9: {  	[sflag:s1] =	ssyncset.done $0x0  }
0xca: {  	[sflag:s1] =	ssyncadd.s32 $0xFFFFC000  }
0xcb: {  	[tilespmem:s24], [sflag:$0x2] =	stream.indirect.gather [hbm4b:s4+s21], $0x80, s19, s21, $0xb8;
	[tilespmem:$0x1C8C0] =	vst v63  }
0xcc: {  	_ =	swait.ge [sflag:s28], $0x4000  }
0xcd: {  	[sflag:s28] =	ssyncset.done $0x0  }
.Ltmp2:
0xce: {  	[sflag:s28] =	ssyncadd.s32 $0xFFFFC000;
	(pc) =	sbr.rel @p1 .LBB2_4-.Ltmp2, $4  }
0xcf: {  	[spmem:s2] =	stream.indirect.scatter.add.f32 [tilespmem:s22], [sflag:$0x3], $0x80, s20, s21, $0xb8;
	[tilespmem:$0x1C8C0] =	vst v63  }
0xd0: {  	_ =	swait.ge [sflag:s29], $0x4000  }
0xd1: {  	[sflag:s29] =	ssyncset.done $0x0  }
0xd2: {  	[sflag:s29] =	ssyncadd.s32 $0xFFFFC000  }
0xd3: {  	_ =	swait.ge [sflag:s23], $0x400  }
0xd4: {  	[sflag:s23] =	ssyncset.done $0x0  }
0xd5: {  	[sflag:s23] =	ssyncadd.s32 $0xFFFFFC00  }
0xd6: {  	_ =	swait.ge [sflag:s18], $0x400  }
0xd7: {  	[sflag:s18] =	ssyncset.done $0x0  }
0xd8: {  	[sflag:s18] =	ssyncadd.s32 $0xFFFFFC00  }
0xd9: {  	[tilespmem:s22], [sflag:$0x1] =	stream.indirect.gather [hbm4b:s4+s21], $0x80, s9, s21, $0xb8;
	[tilespmem:$0x1C8C0] =	vst v63  }
0xda: {  	_ =	swait.ge [sflag:s31], $0x4000  }
0xdb: {  	[sflag:s31] =	ssyncset.done $0x0  }
0xdc: {  	[sflag:s31] =	ssyncadd.s32 $0xFFFFC000  }
0xdd: {  	[spmem:s2] =	stream.indirect.scatter.add.f32 [tilespmem:s24], [sflag:$0x4], $0x80, s30, s21, $0xb8;
	[tilespmem:$0x1C8C0] =	vst v63  }
.Ltmp3:
0xde: {  	_ = 	snop;
	(pc) =	sbr.rel .LBB2_2-.Ltmp3, $4  }
0xdf: {  	_ =	swait.ge [sflag:s1], $0x4000  }
0xe0: {  	[sflag:s1] =	ssyncset.done $0x0  }
0xe1: {  	s6 =	simm.s32 $0x13940;
	s0 =	sadd.s32 $0x100, s0;
	[sflag:s1] =	ssyncadd.s32 $0xFFFFC000  }
0xe2: {  	[tilespmem:s24], [sflag:$0x2] =	stream.indirect.gather [hbm4b:s4+s21], $0x80, s6, s21, $0xb8;
	[tilespmem:$0x1C8C0] =	vst v63  }
.LBB2_5:
0xe3: {  	_ =	sfence.sel $0x180000  }
0xe4: {  	[bflag:$0x0] =	sbarrier.arrive $0xFFFF  }
0xe5: {  	_ =	strace $0x9000004D  }
0xe6: {  	s0 =	stileid.u32;
	[bflag:$0x2] =	sbarrier.arrive $0xFFFF  }
0xe7: {  	p0 =	sne.s32 s0, $0x0;
	s0 =	rddreg [dreg:$0x4]  }
0xe8: {  	s0 =	sadd.s32 @!p0 $0x100000, s0  }
0xe9: {  	[sflag:s0] =	ssyncadd.tile.s32 @!p0 $0x1;
	_ =	shalt  }
.Lfunc_end2:
_tile_overlayer_lowered:
.L_overlay_start_2:
0xea: {  	(tag) =	ssettag $0x2  }
0xeb: {  	s0 =	rddreg [dreg:$0x0];
	s2 =	stileid.u32  }
0xec: {  	s1 =	rddreg [dreg:$0x1];
	p0 =	sne.s32 s2, $0x0  }
0xed: {  	s3 =	rddreg [dreg:$0x2];
	[bflag:$0x3] =	sbarrier.arrive $0xFFFF;
	s2 =	simm.s32 @!p0 $0x1C07  }
0xee: {  	[timem:s3], [sflag:s2] =	dma.local @!p0 [hbm:s0], s1  }
0xef: {  	s0 =	simm.s32 @!p0 $0x7  }
0xf0: {  	_ =	swait.ge @!p0 [sflag:s0], s1  }
0xf1: {  	s1 =	ssub.s32 @!p0 $0x0, s1;
	[sflag:s0] =	ssyncset.done @!p0 $0x0  }
0xf2: {  	[sflag:s0] =	ssyncadd.s32 @!p0 s1  }
0xf3: {  	[bflag:$0x3] =	sbarrier.arrive $0xFFFF  }
0xf4: {  	_ =	shalt  }

</sc_bundles>
